<compile_context>
chip_gen: v7x
topology: tpu7x:2x2x1
jax: 0.10.2.dev20260603
libtpu: 0.0.44.dev20260713+nightly
codegen_flags: <defaults>
</compile_context>

<pallas_src>
import functools

import jax
import jax.numpy as jnp
from jax import lax
from jax.experimental import pallas as pl
from jax.experimental.pallas import tpu as pltpu
from jax.experimental.pallas import tpu_sc as plsc

F32 = jnp.float32
_NC = 2
_NS = 16
_NW = _NC * _NS
_H = 16
_CHUNK = 2000
_BR = 1024


def _sc_segsum(np_, ep, values, ei, zrows, ones_rows):
    epw = ep // _NW
    nchunks = epw // _CHUNK
    zr = np_ // _NS
    mesh = plsc.VectorSubcoreMesh(core_axis_name="c", subcore_axis_name="s")
    with_gather = values is not None

    def body(*refs):
        if with_gather:
            (hs_h, ei_h, z_h, out_h,
             sidx, didx, rows0, rows1, obuf, agg, sem0, sem1) = refs
        else:
            (ei_h, o_h, z_h, out_h, didx, ones_v, obuf, agg) = refs
        c = lax.axis_index("c")
        s = lax.axis_index("s")
        w = s * _NC + c
        ebase = w * epw
        if with_gather:
            pltpu.sync_copy(z_h, rows0.at[pl.ds(0, zr)])
            pltpu.sync_copy(rows0.at[pl.ds(0, zr)], agg.at[pl.ds(s * zr, zr)])
            plsc.subcore_barrier()
            pltpu.sync_copy(ei_h.at[0, pl.ds(ebase, epw)], sidx)
            rows = [rows0, rows1]
            sems = [sem0, sem1]
            descs = [None, None]
            for k in range(min(2, nchunks)):
                descs[k] = pltpu.async_copy(
                    hs_h.at[sidx.at[pl.ds(k * _CHUNK, _CHUNK)]],
                    rows[k], sems[k])
            for k in range(nchunks):
                pltpu.sync_copy(
                    ei_h.at[1, pl.ds(ebase + k * _CHUNK, _CHUNK)], didx.at[k])
            for k in range(nchunks):
                b = k % 2
                descs[b].wait()
                pltpu.sync_copy(rows[b], agg.at[didx.at[k]], add=True)
                if k + 2 < nchunks:
                    descs[b] = pltpu.async_copy(
                        hs_h.at[sidx.at[pl.ds((k + 2) * _CHUNK, _CHUNK)]],
                        rows[b], sems[b])
            plsc.subcore_barrier()
            nbase = s * zr
            pltpu.sync_copy(agg.at[pl.ds(nbase, zr)], obuf)
            pltpu.sync_copy(obuf, out_h.at[pl.ds(c * np_ + nbase, zr)])
        else:
            pltpu.sync_copy(z_h, obuf)
            pltpu.sync_copy(obuf, agg.at[pl.ds(s * zr, zr)])
            plsc.subcore_barrier()
            pltpu.sync_copy(o_h, ones_v)
            for k in range(nchunks):
                pltpu.sync_copy(
                    ei_h.at[1, pl.ds(ebase + k * _CHUNK, _CHUNK)], didx.at[k])
                pltpu.sync_copy(ones_v, agg.at[didx.at[k]], add=True)
            plsc.subcore_barrier()
            nbase = s * zr
            pltpu.sync_copy(agg.at[pl.ds(nbase, zr)], obuf)
            pltpu.sync_copy(obuf, out_h.at[pl.ds(c * np_ + nbase, zr)])

    scratch = []
    if with_gather:
        scratch += [
            pltpu.VMEM((epw,), jnp.int32),
            pltpu.VMEM((nchunks, _CHUNK), jnp.int32),
            pltpu.VMEM((_CHUNK, _H), F32),
            pltpu.VMEM((_CHUNK, _H), F32),
            pltpu.VMEM((zr, _H), F32),
            pltpu.VMEM_SHARED((np_, _H), F32),
            pltpu.SemaphoreType.DMA, pltpu.SemaphoreType.DMA,
        ]
    else:
        scratch += [
            pltpu.VMEM((nchunks, _CHUNK), jnp.int32),
            pltpu.VMEM((_CHUNK, _H), F32),
            pltpu.VMEM((zr, _H), F32),
            pltpu.VMEM_SHARED((np_, _H), F32),
        ]
    fn = functools.partial(
        pl.kernel,
        out_type=jax.ShapeDtypeStruct((2 * np_, _H), F32),
        mesh=mesh,
        scratch_types=scratch,
        compiler_params=pltpu.CompilerParams(use_tc_tiling_on_sc=False),
    )(body)
    if with_gather:
        return fn(values, ei, zrows)
    return fn(ei, ones_rows, zrows)


def _tc_call(body, grid, in_arrays, in_specs, out_shapes, out_specs):
    return pl.pallas_call(
        body,
        grid=grid,
        in_specs=in_specs,
        out_specs=out_specs,
        out_shape=out_shapes,
    )(*in_arrays)


def kernel(features, edge_index, W0, b0, W1, b1):
    n, f = features.shape
    e = edge_index.shape[1]
    h = W0.shape[2]
    ncls = W1.shape[2]
    assert h == _H
    np_ = ((n + _BR - 1) // _BR) * _BR
    assert np_ % (_NW * 8) == 0 and np_ % _NS == 0
    ep = ((e + _NW * _CHUNK - 1) // (_NW * _CHUNK)) * (_NW * _CHUNK)
    if ep > e:
        assert np_ > n
    pr = np_ // 8

    ei = edge_index
    if ep > e:
        ei = jnp.concatenate(
            [jnp.pad(ei[0:1], ((0, 0), (0, ep - e)), constant_values=n),
             jnp.pad(ei[1:2], ((0, 0), (0, ep - e)),
                     constant_values=np_ - 1)], axis=0)
    x_p = jnp.pad(features, ((0, np_ - n), (0, 0))).reshape(pr, 8 * f)
    eye8 = jnp.eye(8, dtype=F32)
    t0 = jnp.stack([W0[0] - W0[2], W0[1], W0[2]])
    bd0 = jnp.einsum('ab,tkf->aktbf', eye8, t0).reshape(8 * f, 3 * 8 * h)
    t1w = jnp.stack([W1[0] - W1[2], W1[1], 2.0 * W1[2]])
    bd1 = jnp.einsum('ab,sgf->sagbf', eye8, t1w).reshape(3 * 8 * h, 8 * ncls)
    b0t = jnp.tile(b0.reshape(1, h), (1, 8))
    b1t = jnp.tile(b1.reshape(1, ncls), (1, 8))
    zrows = jnp.zeros((np_ // _NS, _H), F32)
    ones_rows = jnp.ones((_CHUNK, _H), F32)

    pb = pr // 5
    ng = 5
    pk = lambda: pl.BlockSpec((pb, 128), lambda i: (i, 0))
    pklo = pk
    pkhi = lambda: pl.BlockSpec((pb, 128), lambda i: (i + ng, 0))

    def m0a(x_r, w_r, dp_r, a_r, c_r):
        yy = jnp.dot(x_r[...], w_r[...], preferred_element_type=F32,
                     precision=lax.Precision.HIGHEST)
        dp_r[...] = yy[:, 0:128]
        a_r[...] = yy[:, 128:256]
        c_r[...] = yy[:, 256:384]

    dp, a, cc = _tc_call(
        m0a, (ng,),
        [x_p, bd0],
        [pl.BlockSpec((pb, 8 * f), lambda i: (i, 0)),
         pl.BlockSpec((8 * f, 3 * 128), lambda i: (0, 0))],
        [jax.ShapeDtypeStruct((pr, 128), F32),
         jax.ShapeDtypeStruct((pr, 128), F32),
         jax.ShapeDtypeStruct((pr, 128), F32)],
        [pk(), pk(), pk()],
    )

    degp = _sc_segsum(np_, ep, None, ei, zrows, ones_rows).reshape(2 * pr, 128)

    def m0b(d0_r, d1_r, c_r, cs_r, nt_r):
        norm = 1.0 / jnp.sqrt(jnp.maximum(d0_r[...] + d1_r[...], 1.0))
        cs_r[...] = c_r[...] * norm
        nt_r[...] = norm

    cs, normt = _tc_call(
        m0b, (ng,),
        [degp, degp, cc],
        [pklo(), pkhi(), pk()],
        [jax.ShapeDtypeStruct((pr, 128), F32),
         jax.ShapeDtypeStruct((pr, 128), F32)],
        [pk(), pk()],
    )

    agg1 = _sc_segsum(np_, ep, cs.reshape(np_, h), ei, zrows,
                      ones_rows).reshape(2 * pr, 128)

    def c1(g0_r, g1_r, a_r, nt_r, ss_r):
        norm = nt_r[...]
        g = g0_r[...] + g1_r[...]
        ss_r[...] = norm * a_r[...] - 2.0 * (norm * norm) * g

    (ss,) = _tc_call(
        c1, (ng,),
        [agg1, agg1, a, normt],
        [pklo(), pkhi(), pk(), pk()],
        [jax.ShapeDtypeStruct((pr, 128), F32)],
        [pk()],
    )

    agg2 = _sc_segsum(np_, ep, ss.reshape(np_, h), ei, zrows,
                      ones_rows).reshape(2 * pr, 128)

    def c2(g0_r, g1_r, dp_r, nt_r, b0_r, h_r, hs_r):
        norm = nt_r[...]
        q = -norm * (g0_r[...] + g1_r[...])
        hh = jnp.maximum(dp_r[...] + q + b0_r[...], 0.0)
        h_r[...] = hh
        hs_r[...] = norm * hh

    h0, hs = _tc_call(
        c2, (ng,),
        [agg2, agg2, dp, normt, b0t],
        [pklo(), pkhi(), pk(), pk(),
         pl.BlockSpec((1, 128), lambda i: (0, 0))],
        [jax.ShapeDtypeStruct((pr, 128), F32),
         jax.ShapeDtypeStruct((pr, 128), F32)],
        [pk(), pk()],
    )

    agg3 = _sc_segsum(np_, ep, hs.reshape(np_, h), ei, zrows,
                      ones_rows).reshape(2 * pr, 128)

    def c3(g0_r, g1_r, nt_r, t1_r, t1s_r):
        norm = nt_r[...]
        t1 = -norm * (g0_r[...] + g1_r[...])
        t1_r[...] = t1
        t1s_r[...] = norm * t1

    t1, t1s = _tc_call(
        c3, (ng,),
        [agg3, agg3, normt],
        [pklo(), pkhi(), pk()],
        [jax.ShapeDtypeStruct((pr, 128), F32),
         jax.ShapeDtypeStruct((pr, 128), F32)],
        [pk(), pk()],
    )

    agg4 = _sc_segsum(np_, ep, t1s.reshape(np_, h), ei, zrows,
                      ones_rows).reshape(2 * pr, 128)

    def m1a(h_r, t1_r, w_r, acc_r):
        z = jnp.concatenate([h_r[...], t1_r[...]], axis=1)
        acc_r[...] = jnp.dot(z, w_r[...], preferred_element_type=F32,
                             precision=lax.Precision.HIGHEST)

    (acc0,) = _tc_call(
        m1a, (ng,),
        [h0, t1, bd1[:2 * 128]],
        [pk(), pk(),
         pl.BlockSpec((2 * 128, 8 * ncls), lambda i: (0, 0))],
        [jax.ShapeDtypeStruct((pr, 8 * ncls), F32)],
        [pl.BlockSpec((pb, 8 * ncls), lambda i: (i, 0))],
    )

    def m1b(g0_r, g1_r, nt_r, acc_r, w_r, b1_r, o_r):
        pt1 = -nt_r[...] * (g0_r[...] + g1_r[...])
        acc = acc_r[...] + jnp.dot(pt1, w_r[...], preferred_element_type=F32,
                                   precision=lax.Precision.HIGHEST)
        o_r[...] = jnp.maximum(acc + b1_r[...], 0.0)

    (out_p,) = _tc_call(
        m1b, (ng,),
        [agg4, agg4, normt, acc0, bd1[2 * 128:], b1t],
        [pklo(), pkhi(), pk(),
         pl.BlockSpec((pb, 8 * ncls), lambda i: (i, 0)),
         pl.BlockSpec((128, 8 * ncls), lambda i: (0, 0)),
         pl.BlockSpec((1, 8 * ncls), lambda i: (0, 0))],
        [jax.ShapeDtypeStruct((pr, 8 * ncls), F32)],
        [pl.BlockSpec((pb, 8 * ncls), lambda i: (i, 0))],
    )
    return out_p.reshape(np_, ncls)[:n]

# --- scband reference (transcript-rebuilt; emitter-appended) ---
"""Pipeline reference for scband-cheb-net-node-classifier-71141838291481 (READ-ONLY COPY).

The authoritative reference and input builder live on the scoring server;
editing this copy changes nothing except your own understanding.
"""

import jax, jax.numpy as jnp
import numpy as np

N = 10000
E = 320000
IN_FEATS = 128
N_HIDDEN = 16
N_CLASSES = 40
K = 3


def setup_inputs(seed: int = 0) -> dict:
    key = jax.random.key(seed)
    k1, k2, k3, k4, k5, k6 = jax.random.split(key, 6)
    features = jax.random.normal(k1, (N, IN_FEATS), dtype=jnp.float32)
    edge_index = jax.random.randint(k2, (2, E), 0, N, dtype=jnp.int32)
    # ChebConv layer 0: in_feats -> n_hidden, K Chebyshev coefficients
    W0 = jax.random.normal(k3, (K, IN_FEATS, N_HIDDEN), dtype=jnp.float32) * (1.0 / np.sqrt(K * IN_FEATS))
    b0 = jnp.zeros((N_HIDDEN,), dtype=jnp.float32)
    # ChebConv layer 1 (final, built in fit()): n_hidden -> n_classes
    W1 = jax.random.normal(k4, (K, N_HIDDEN, N_CLASSES), dtype=jnp.float32) * (1.0 / np.sqrt(K * N_HIDDEN))
    b1 = jnp.zeros((N_CLASSES,), dtype=jnp.float32)
    return {"features": features, "edge_index": edge_index, "W0": W0, "b0": b0, "W1": W1, "b1": b1}


def _cheb_conv(x, src, dst, norm, W, b):
    # DGL ChebConv with lambda_max=[2]: L_hat = L - I = -D^{-1/2} A D^{-1/2}
    def prop(h):
        m = h[src] * norm[src][:, None]
        agg = jax.ops.segment_sum(m, dst, num_segments=N)
        return -(agg * norm[:, None])

    Tx_0 = x
    out = Tx_0 @ W[0]
    Tx_1 = prop(x)
    out = out + Tx_1 @ W[1]
    for kk in range(2, W.shape[0]):
        Tx_2 = 2.0 * prop(Tx_1) - Tx_0
        out = out + Tx_2 @ W[kk]
        Tx_0, Tx_1 = Tx_1, Tx_2
    return out + b


def reference(features, edge_index, W0, b0, W1, b1):
    src = edge_index[0]
    dst = edge_index[1]
    deg = jax.ops.segment_sum(jnp.ones((E,), dtype=jnp.float32), dst, num_segments=N)
    norm = 1.0 / jnp.sqrt(jnp.clip(deg, 1.0))
    # layer stack as built by fit(): ChebConv(in->hidden), ChebConv(hidden->classes)
    # DGL ChebConv default activation is F.relu, applied after each layer
    h = jax.nn.relu(_cheb_conv(features, src, dst, norm, W0, b0))
    h = jax.nn.relu(_cheb_conv(h, src, dst, norm, W1, b1))
    return h

if __name__ == "__main__":
    import jax
    _d = setup_inputs()
    print(jax.jit(kernel)(*tuple(_d.values())))

</pallas_src>

<mosaic_0001>
#map = affine_map<(d0, d1) -> (0, 0)>
module attributes {stable_mosaic.version = 14 : i64} {
  func.func @body(%arg0: i32, %arg1: i32, %arg2: memref<10240x16xf32, #tpu.memory_space<hbm>>, %arg3: memref<2x320000xi32, #tpu.memory_space<hbm>>, %arg4: memref<640x16xf32, #tpu.memory_space<hbm>>, %arg5: memref<20480x16xf32, #tpu.memory_space<hbm>>, %arg6: memref<10000xi32, #tpu.memory_space<vmem>>, %arg7: memref<5x2000xi32, #tpu.memory_space<vmem>>, %arg8: memref<2000x16xf32, #tpu.memory_space<vmem>>, %arg9: memref<2000x16xf32, #tpu.memory_space<vmem>>, %arg10: memref<640x16xf32, #tpu.memory_space<vmem>>, %arg11: memref<10240x16xf32, #tpu.memory_space<vmem_shared>>, %arg12: memref<!tpu.dma_semaphore, #tpu.memory_space<semaphore_mem>>, %arg13: memref<!tpu.dma_semaphore, #tpu.memory_space<semaphore_mem>>) attributes {dimension_semantics = [#tpu.dimension_semantics<core_parallel>, #tpu.dimension_semantics<subcore_parallel>], iteration_bounds = array<i64: 2, 16>, scalar_prefetch = 0 : i64, scratch_operands = 8 : i64, tpu.core_type = #tpu.core_type<sc_vector_subcore>, window_params = [{transform_indices = #map}, {transform_indices = #map}, {transform_indices = #map}, {transform_indices = #map}]} {
    %mul3A = arith.constant 2 : i32
    %mul3A_0 = arith.muli %arg1, %mul3A : i32
    %add3A = arith.addi %mul3A_0, %arg0 : i32
    %mul3A_1 = arith.constant 10000 : i32
    %mul3A_2 = arith.muli %add3A, %mul3A_1 : i32
    "tpu.region"() ({
      %run_scoped3A_84 = tpu.sem_alloc : memref<!tpu.dma_semaphore, #tpu.memory_space<semaphore_mem>>
      %dma_start3A_85 = arith.constant 0 : i32
      %dma_start3A_86 = arith.constant 0 : i32
      %dma_start3A_87 = tpu.memref_slice %arg8[%dma_start3A_85, %dma_start3A_86] : memref<2000x16xf32, #tpu.memory_space<vmem>> -> memref<640x16xf32, #tpu.memory_space<vmem>>
      %dma_start3A_88 = arith.constant 0 : i32
      %dma_start3A_89 = arith.constant 0 : i32
      %dma_start3A_90 = tpu.memref_slice %arg8[%dma_start3A_88, %dma_start3A_89] : memref<2000x16xf32, #tpu.memory_space<vmem>> -> memref<640x16xf32, #tpu.memory_space<vmem>>
      tpu.enqueue_dma source(%arg4 : memref<640x16xf32, #tpu.memory_space<hbm>>) target(%dma_start3A_90 : memref<640x16xf32, #tpu.memory_space<vmem>>) target_semaphore(%run_scoped3A_84 : memref<!tpu.dma_semaphore, #tpu.memory_space<semaphore_mem>>)
      %dma_wait3A_91 = arith.constant 0 : i32
      %dma_wait3A_92 = arith.constant 0 : i32
      %dma_wait3A_93 = tpu.memref_slice %arg8[%dma_wait3A_91, %dma_wait3A_92] : memref<2000x16xf32, #tpu.memory_space<vmem>> -> memref<640x16xf32, #tpu.memory_space<vmem>>
      %dma_wait3A_94 = arith.constant 0 : i32
      %dma_wait3A_95 = arith.constant 0 : i32
      %dma_wait3A_96 = tpu.memref_slice %arg8[%dma_wait3A_94, %dma_wait3A_95] : memref<2000x16xf32, #tpu.memory_space<vmem>> -> memref<640x16xf32, #tpu.memory_space<vmem>>
      tpu.wait_dma2 semaphore(%run_scoped3A_84 : memref<!tpu.dma_semaphore, #tpu.memory_space<semaphore_mem>>) src(%arg4 : memref<640x16xf32, #tpu.memory_space<hbm>>) dst(%dma_wait3A_96 : memref<640x16xf32, #tpu.memory_space<vmem>>)
      tpu.yield
    }) : () -> ()
    %mul3A_3 = arith.constant 640 : i32
    %mul3A_4 = arith.muli %arg1, %mul3A_3 : i32
    "tpu.region"() ({
      %run_scoped3A_84 = tpu.sem_alloc : memref<!tpu.dma_semaphore, #tpu.memory_space<semaphore_mem>>
      %dma_start3A_85 = arith.constant 0 : i32
      %dma_start3A_86 = arith.constant 0 : i32
      %dma_start3A_87 = tpu.memref_slice %arg8[%dma_start3A_85, %dma_start3A_86] : memref<2000x16xf32, #tpu.memory_space<vmem>> -> memref<640x16xf32, #tpu.memory_space<vmem>>
      %dma_start3A_88 = arith.constant 0 : i32
      %dma_start3A_89 = tpu.memref_slice %arg11[%mul3A_4, %dma_start3A_88] : memref<10240x16xf32, #tpu.memory_space<vmem_shared>> -> memref<640x16xf32, #tpu.memory_space<vmem_shared>>
      %dma_start3A_90 = arith.constant 0 : i32
      %dma_start3A_91 = tpu.memref_slice %arg11[%mul3A_4, %dma_start3A_90] : memref<10240x16xf32, #tpu.memory_space<vmem_shared>> -> memref<640x16xf32, #tpu.memory_space<vmem_shared>>
      %dma_start3A_92 = arith.constant 0 : i32
      %dma_start3A_93 = arith.constant 0 : i32
      %dma_start3A_94 = tpu.memref_slice %arg8[%dma_start3A_92, %dma_start3A_93] : memref<2000x16xf32, #tpu.memory_space<vmem>> -> memref<640x16xf32, #tpu.memory_space<vmem>>
      tpu.enqueue_dma source(%dma_start3A_94 : memref<640x16xf32, #tpu.memory_space<vmem>>) target(%dma_start3A_91 : memref<640x16xf32, #tpu.memory_space<vmem_shared>>) target_semaphore(%run_scoped3A_84 : memref<!tpu.dma_semaphore, #tpu.memory_space<semaphore_mem>>)
      %dma_wait3A_95 = arith.constant 0 : i32
      %dma_wait3A_96 = arith.constant 0 : i32
      %dma_wait3A_97 = tpu.memref_slice %arg8[%dma_wait3A_95, %dma_wait3A_96] : memref<2000x16xf32, #tpu.memory_space<vmem>> -> memref<640x16xf32, #tpu.memory_space<vmem>>
      %dma_wait3A_98 = arith.constant 0 : i32
      %dma_wait3A_99 = tpu.memref_slice %arg11[%mul3A_4, %dma_wait3A_98] : memref<10240x16xf32, #tpu.memory_space<vmem_shared>> -> memref<640x16xf32, #tpu.memory_space<vmem_shared>>
      %dma_wait3A_100 = arith.constant 0 : i32
      %dma_wait3A_101 = tpu.memref_slice %arg11[%mul3A_4, %dma_wait3A_100] : memref<10240x16xf32, #tpu.memory_space<vmem_shared>> -> memref<640x16xf32, #tpu.memory_space<vmem_shared>>
      %dma_wait3A_102 = arith.constant 0 : i32
      %dma_wait3A_103 = arith.constant 0 : i32
      %dma_wait3A_104 = tpu.memref_slice %arg8[%dma_wait3A_102, %dma_wait3A_103] : memref<2000x16xf32, #tpu.memory_space<vmem>> -> memref<640x16xf32, #tpu.memory_space<vmem>>
      tpu.wait_dma2 semaphore(%run_scoped3A_84 : memref<!tpu.dma_semaphore, #tpu.memory_space<semaphore_mem>>) src(%dma_wait3A_104 : memref<640x16xf32, #tpu.memory_space<vmem>>) dst(%dma_wait3A_101 : memref<640x16xf32, #tpu.memory_space<vmem_shared>>)
      tpu.yield
    }) : () -> ()
    %barrier3A = arith.constant 0 : index
    tpu.barrier barrier_id(%barrier3A)
    %run_scoped3A = arith.constant 0 : i32
    "tpu.region"() ({
      %run_scoped3A_84 = tpu.sem_alloc : memref<!tpu.dma_semaphore, #tpu.memory_space<semaphore_mem>>
      %dma_start3A_85 = tpu.memref_slice %arg3[%run_scoped3A, %mul3A_2] : memref<2x320000xi32, #tpu.memory_space<hbm>> -> memref<1x10000xi32, #tpu.memory_space<hbm>>
      %dma_start3A_86 = tpu.memref_squeeze %dma_start3A_85 : memref<1x10000xi32, #tpu.memory_space<hbm>> -> memref<10000xi32, #tpu.memory_space<hbm>>
      %dma_start3A_87 = tpu.memref_slice %arg3[%run_scoped3A, %mul3A_2] : memref<2x320000xi32, #tpu.memory_space<hbm>> -> memref<1x10000xi32, #tpu.memory_space<hbm>>
      %dma_start3A_88 = tpu.memref_squeeze %dma_start3A_87 : memref<1x10000xi32, #tpu.memory_space<hbm>> -> memref<10000xi32, #tpu.memory_space<hbm>>
      tpu.enqueue_dma source(%dma_start3A_88 : memref<10000xi32, #tpu.memory_space<hbm>>) target(%arg6 : memref<10000xi32, #tpu.memory_space<vmem>>) target_semaphore(%run_scoped3A_84 : memref<!tpu.dma_semaphore, #tpu.memory_space<semaphore_mem>>)
      %dma_wait3A_89 = tpu.memref_slice %arg3[%run_scoped3A, %mul3A_2] : memref<2x320000xi32, #tpu.memory_space<hbm>> -> memref<1x10000xi32, #tpu.memory_space<hbm>>
      %dma_wait3A_90 = tpu.memref_squeeze %dma_wait3A_89 : memref<1x10000xi32, #tpu.memory_space<hbm>> -> memref<10000xi32, #tpu.memory_space<hbm>>
      %dma_wait3A_91 = tpu.memref_slice %arg3[%run_scoped3A, %mul3A_2] : memref<2x320000xi32, #tpu.memory_space<hbm>> -> memref<1x10000xi32, #tpu.memory_space<hbm>>
      %dma_wait3A_92 = tpu.memref_squeeze %dma_wait3A_91 : memref<1x10000xi32, #tpu.memory_space<hbm>> -> memref<10000xi32, #tpu.memory_space<hbm>>
      tpu.wait_dma2 semaphore(%run_scoped3A_84 : memref<!tpu.dma_semaphore, #tpu.memory_space<semaphore_mem>>) src(%dma_wait3A_92 : memref<10000xi32, #tpu.memory_space<hbm>>) dst(%arg6 : memref<10000xi32, #tpu.memory_space<vmem>>)
      tpu.yield
    }) : () -> ()
    %dma_start3A = arith.constant 0 : i32
    %dma_start3A_5 = tpu.memref_slice %arg6[%dma_start3A] : memref<10000xi32, #tpu.memory_space<vmem>> -> memref<2000xi32, #tpu.memory_space<vmem>>
    %dma_start3A_6 = arith.constant 0 : i32
    %dma_start3A_7 = arith.constant 0 : i32
    %dma_start3A_8 = tpu.memref_slice %arg2[%dma_start3A_6, %dma_start3A_7] : memref<10240x16xf32, #tpu.memory_space<hbm>> -> memref<10240x16xf32, #tpu.memory_space<hbm>>
    tpu.enqueue_indirect_dma source(%dma_start3A_8 : memref<10240x16xf32, #tpu.memory_space<hbm>>) target(%arg8 : memref<2000x16xf32, #tpu.memory_space<vmem>>) offsets(%dma_start3A_5 : memref<2000xi32, #tpu.memory_space<vmem>>) semaphore(%arg12 : memref<!tpu.dma_semaphore, #tpu.memory_space<semaphore_mem>>)
    %dma_start3A_9 = arith.constant 2000 : i32
    %dma_start3A_10 = tpu.memref_slice %arg6[%dma_start3A_9] : memref<10000xi32, #tpu.memory_space<vmem>> -> memref<2000xi32, #tpu.memory_space<vmem>>
    %dma_start3A_11 = arith.constant 0 : i32
    %dma_start3A_12 = arith.constant 0 : i32
    %dma_start3A_13 = tpu.memref_slice %arg2[%dma_start3A_11, %dma_start3A_12] : memref<10240x16xf32, #tpu.memory_space<hbm>> -> memref<10240x16xf32, #tpu.memory_space<hbm>>
    tpu.enqueue_indirect_dma source(%dma_start3A_13 : memref<10240x16xf32, #tpu.memory_space<hbm>>) target(%arg9 : memref<2000x16xf32, #tpu.memory_space<vmem>>) offsets(%dma_start3A_10 : memref<2000xi32, #tpu.memory_space<vmem>>) semaphore(%arg13 : memref<!tpu.dma_semaphore, #tpu.memory_space<semaphore_mem>>)
    %add3A_14 = arith.constant 0 : i32
    %add3A_15 = arith.addi %mul3A_2, %add3A_14 : i32
    %run_scoped3A_16 = arith.constant 1 : i32
    %run_scoped3A_17 = arith.constant 0 : i32
    "tpu.region"() ({
      %run_scoped3A_84 = tpu.sem_alloc : memref<!tpu.dma_semaphore, #tpu.memory_space<semaphore_mem>>
      %dma_start3A_85 = arith.constant 0 : i32
      %dma_start3A_86 = tpu.memref_slice %arg7[%run_scoped3A_17, %dma_start3A_85] : memref<5x2000xi32, #tpu.memory_space<vmem>> -> memref<1x2000xi32, #tpu.memory_space<vmem>>
      %dma_start3A_87 = tpu.memref_squeeze %dma_start3A_86 : memref<1x2000xi32, #tpu.memory_space<vmem>> -> memref<2000xi32, #tpu.memory_space<vmem>>
      %dma_start3A_88 = tpu.memref_slice %arg3[%run_scoped3A_16, %add3A_15] : memref<2x320000xi32, #tpu.memory_space<hbm>> -> memref<1x2000xi32, #tpu.memory_space<hbm>>
      %dma_start3A_89 = tpu.memref_squeeze %dma_start3A_88 : memref<1x2000xi32, #tpu.memory_space<hbm>> -> memref<2000xi32, #tpu.memory_space<hbm>>
      %dma_start3A_90 = arith.constant 0 : i32
      %dma_start3A_91 = tpu.memref_slice %arg7[%run_scoped3A_17, %dma_start3A_90] : memref<5x2000xi32, #tpu.memory_space<vmem>> -> memref<1x2000xi32, #tpu.memory_space<vmem>>
      %dma_start3A_92 = tpu.memref_squeeze %dma_start3A_91 : memref<1x2000xi32, #tpu.memory_space<vmem>> -> memref<2000xi32, #tpu.memory_space<vmem>>
      %dma_start3A_93 = tpu.memref_slice %arg3[%run_scoped3A_16, %add3A_15] : memref<2x320000xi32, #tpu.memory_space<hbm>> -> memref<1x2000xi32, #tpu.memory_space<hbm>>
      %dma_start3A_94 = tpu.memref_squeeze %dma_start3A_93 : memref<1x2000xi32, #tpu.memory_space<hbm>> -> memref<2000xi32, #tpu.memory_space<hbm>>
      tpu.enqueue_dma source(%dma_start3A_94 : memref<2000xi32, #tpu.memory_space<hbm>>) target(%dma_start3A_92 : memref<2000xi32, #tpu.memory_space<vmem>>) target_semaphore(%run_scoped3A_84 : memref<!tpu.dma_semaphore, #tpu.memory_space<semaphore_mem>>)
      %dma_wait3A_95 = arith.constant 0 : i32
      %dma_wait3A_96 = tpu.memref_slice %arg7[%run_scoped3A_17, %dma_wait3A_95] : memref<5x2000xi32, #tpu.memory_space<vmem>> -> memref<1x2000xi32, #tpu.memory_space<vmem>>
      %dma_wait3A_97 = tpu.memref_squeeze %dma_wait3A_96 : memref<1x2000xi32, #tpu.memory_space<vmem>> -> memref<2000xi32, #tpu.memory_space<vmem>>
      %dma_wait3A_98 = tpu.memref_slice %arg3[%run_scoped3A_16, %add3A_15] : memref<2x320000xi32, #tpu.memory_space<hbm>> -> memref<1x2000xi32, #tpu.memory_space<hbm>>
      %dma_wait3A_99 = tpu.memref_squeeze %dma_wait3A_98 : memref<1x2000xi32, #tpu.memory_space<hbm>> -> memref<2000xi32, #tpu.memory_space<hbm>>
      %dma_wait3A_100 = arith.constant 0 : i32
      %dma_wait3A_101 = tpu.memref_slice %arg7[%run_scoped3A_17, %dma_wait3A_100] : memref<5x2000xi32, #tpu.memory_space<vmem>> -> memref<1x2000xi32, #tpu.memory_space<vmem>>
      %dma_wait3A_102 = tpu.memref_squeeze %dma_wait3A_101 : memref<1x2000xi32, #tpu.memory_space<vmem>> -> memref<2000xi32, #tpu.memory_space<vmem>>
      %dma_wait3A_103 = tpu.memref_slice %arg3[%run_scoped3A_16, %add3A_15] : memref<2x320000xi32, #tpu.memory_space<hbm>> -> memref<1x2000xi32, #tpu.memory_space<hbm>>
      %dma_wait3A_104 = tpu.memref_squeeze %dma_wait3A_103 : memref<1x2000xi32, #tpu.memory_space<hbm>> -> memref<2000xi32, #tpu.memory_space<hbm>>
      tpu.wait_dma2 semaphore(%run_scoped3A_84 : memref<!tpu.dma_semaphore, #tpu.memory_space<semaphore_mem>>) src(%dma_wait3A_104 : memref<2000xi32, #tpu.memory_space<hbm>>) dst(%dma_wait3A_102 : memref<2000xi32, #tpu.memory_space<vmem>>)
      tpu.yield
    }) : () -> ()
    %add3A_18 = arith.constant 2000 : i32
    %add3A_19 = arith.addi %mul3A_2, %add3A_18 : i32
    %run_scoped3A_20 = arith.constant 1 : i32
    %run_scoped3A_21 = arith.constant 1 : i32
    "tpu.region"() ({
      %run_scoped3A_84 = tpu.sem_alloc : memref<!tpu.dma_semaphore, #tpu.memory_space<semaphore_mem>>
      %dma_start3A_85 = arith.constant 0 : i32
      %dma_start3A_86 = tpu.memref_slice %arg7[%run_scoped3A_21, %dma_start3A_85] : memref<5x2000xi32, #tpu.memory_space<vmem>> -> memref<1x2000xi32, #tpu.memory_space<vmem>>
      %dma_start3A_87 = tpu.memref_squeeze %dma_start3A_86 : memref<1x2000xi32, #tpu.memory_space<vmem>> -> memref<2000xi32, #tpu.memory_space<vmem>>
      %dma_start3A_88 = tpu.memref_slice %arg3[%run_scoped3A_20, %add3A_19] : memref<2x320000xi32, #tpu.memory_space<hbm>> -> memref<1x2000xi32, #tpu.memory_space<hbm>>
      %dma_start3A_89 = tpu.memref_squeeze %dma_start3A_88 : memref<1x2000xi32, #tpu.memory_space<hbm>> -> memref<2000xi32, #tpu.memory_space<hbm>>
      %dma_start3A_90 = arith.constant 0 : i32
      %dma_start3A_91 = tpu.memref_slice %arg7[%run_scoped3A_21, %dma_start3A_90] : memref<5x2000xi32, #tpu.memory_space<vmem>> -> memref<1x2000xi32, #tpu.memory_space<vmem>>
      %dma_start3A_92 = tpu.memref_squeeze %dma_start3A_91 : memref<1x2000xi32, #tpu.memory_space<vmem>> -> memref<2000xi32, #tpu.memory_space<vmem>>
      %dma_start3A_93 = tpu.memref_slice %arg3[%run_scoped3A_20, %add3A_19] : memref<2x320000xi32, #tpu.memory_space<hbm>> -> memref<1x2000xi32, #tpu.memory_space<hbm>>
      %dma_start3A_94 = tpu.memref_squeeze %dma_start3A_93 : memref<1x2000xi32, #tpu.memory_space<hbm>> -> memref<2000xi32, #tpu.memory_space<hbm>>
      tpu.enqueue_dma source(%dma_start3A_94 : memref<2000xi32, #tpu.memory_space<hbm>>) target(%dma_start3A_92 : memref<2000xi32, #tpu.memory_space<vmem>>) target_semaphore(%run_scoped3A_84 : memref<!tpu.dma_semaphore, #tpu.memory_space<semaphore_mem>>)
      %dma_wait3A_95 = arith.constant 0 : i32
      %dma_wait3A_96 = tpu.memref_slice %arg7[%run_scoped3A_21, %dma_wait3A_95] : memref<5x2000xi32, #tpu.memory_space<vmem>> -> memref<1x2000xi32, #tpu.memory_space<vmem>>
      %dma_wait3A_97 = tpu.memref_squeeze %dma_wait3A_96 : memref<1x2000xi32, #tpu.memory_space<vmem>> -> memref<2000xi32, #tpu.memory_space<vmem>>
      %dma_wait3A_98 = tpu.memref_slice %arg3[%run_scoped3A_20, %add3A_19] : memref<2x320000xi32, #tpu.memory_space<hbm>> -> memref<1x2000xi32, #tpu.memory_space<hbm>>
      %dma_wait3A_99 = tpu.memref_squeeze %dma_wait3A_98 : memref<1x2000xi32, #tpu.memory_space<hbm>> -> memref<2000xi32, #tpu.memory_space<hbm>>
      %dma_wait3A_100 = arith.constant 0 : i32
      %dma_wait3A_101 = tpu.memref_slice %arg7[%run_scoped3A_21, %dma_wait3A_100] : memref<5x2000xi32, #tpu.memory_space<vmem>> -> memref<1x2000xi32, #tpu.memory_space<vmem>>
      %dma_wait3A_102 = tpu.memref_squeeze %dma_wait3A_101 : memref<1x2000xi32, #tpu.memory_space<vmem>> -> memref<2000xi32, #tpu.memory_space<vmem>>
      %dma_wait3A_103 = tpu.memref_slice %arg3[%run_scoped3A_20, %add3A_19] : memref<2x320000xi32, #tpu.memory_space<hbm>> -> memref<1x2000xi32, #tpu.memory_space<hbm>>
      %dma_wait3A_104 = tpu.memref_squeeze %dma_wait3A_103 : memref<1x2000xi32, #tpu.memory_space<hbm>> -> memref<2000xi32, #tpu.memory_space<hbm>>
      tpu.wait_dma2 semaphore(%run_scoped3A_84 : memref<!tpu.dma_semaphore, #tpu.memory_space<semaphore_mem>>) src(%dma_wait3A_104 : memref<2000xi32, #tpu.memory_space<hbm>>) dst(%dma_wait3A_102 : memref<2000xi32, #tpu.memory_space<vmem>>)
      tpu.yield
    }) : () -> ()
    %add3A_22 = arith.constant 4000 : i32
    %add3A_23 = arith.addi %mul3A_2, %add3A_22 : i32
    %run_scoped3A_24 = arith.constant 1 : i32
    %run_scoped3A_25 = arith.constant 2 : i32
    "tpu.region"() ({
      %run_scoped3A_84 = tpu.sem_alloc : memref<!tpu.dma_semaphore, #tpu.memory_space<semaphore_mem>>
      %dma_start3A_85 = arith.constant 0 : i32
      %dma_start3A_86 = tpu.memref_slice %arg7[%run_scoped3A_25, %dma_start3A_85] : memref<5x2000xi32, #tpu.memory_space<vmem>> -> memref<1x2000xi32, #tpu.memory_space<vmem>>
      %dma_start3A_87 = tpu.memref_squeeze %dma_start3A_86 : memref<1x2000xi32, #tpu.memory_space<vmem>> -> memref<2000xi32, #tpu.memory_space<vmem>>
      %dma_start3A_88 = tpu.memref_slice %arg3[%run_scoped3A_24, %add3A_23] : memref<2x320000xi32, #tpu.memory_space<hbm>> -> memref<1x2000xi32, #tpu.memory_space<hbm>>
      %dma_start3A_89 = tpu.memref_squeeze %dma_start3A_88 : memref<1x2000xi32, #tpu.memory_space<hbm>> -> memref<2000xi32, #tpu.memory_space<hbm>>
      %dma_start3A_90 = arith.constant 0 : i32
      %dma_start3A_91 = tpu.memref_slice %arg7[%run_scoped3A_25, %dma_start3A_90] : memref<5x2000xi32, #tpu.memory_space<vmem>> -> memref<1x2000xi32, #tpu.memory_space<vmem>>
      %dma_start3A_92 = tpu.memref_squeeze %dma_start3A_91 : memref<1x2000xi32, #tpu.memory_space<vmem>> -> memref<2000xi32, #tpu.memory_space<vmem>>
      %dma_start3A_93 = tpu.memref_slice %arg3[%run_scoped3A_24, %add3A_23] : memref<2x320000xi32, #tpu.memory_space<hbm>> -> memref<1x2000xi32, #tpu.memory_space<hbm>>
      %dma_start3A_94 = tpu.memref_squeeze %dma_start3A_93 : memref<1x2000xi32, #tpu.memory_space<hbm>> -> memref<2000xi32, #tpu.memory_space<hbm>>
      tpu.enqueue_dma source(%dma_start3A_94 : memref<2000xi32, #tpu.memory_space<hbm>>) target(%dma_start3A_92 : memref<2000xi32, #tpu.memory_space<vmem>>) target_semaphore(%run_scoped3A_84 : memref<!tpu.dma_semaphore, #tpu.memory_space<semaphore_mem>>)
      %dma_wait3A_95 = arith.constant 0 : i32
      %dma_wait3A_96 = tpu.memref_slice %arg7[%run_scoped3A_25, %dma_wait3A_95] : memref<5x2000xi32, #tpu.memory_space<vmem>> -> memref<1x2000xi32, #tpu.memory_space<vmem>>
      %dma_wait3A_97 = tpu.memref_squeeze %dma_wait3A_96 : memref<1x2000xi32, #tpu.memory_space<vmem>> -> memref<2000xi32, #tpu.memory_space<vmem>>
      %dma_wait3A_98 = tpu.memref_slice %arg3[%run_scoped3A_24, %add3A_23] : memref<2x320000xi32, #tpu.memory_space<hbm>> -> memref<1x2000xi32, #tpu.memory_space<hbm>>
      %dma_wait3A_99 = tpu.memref_squeeze %dma_wait3A_98 : memref<1x2000xi32, #tpu.memory_space<hbm>> -> memref<2000xi32, #tpu.memory_space<hbm>>
      %dma_wait3A_100 = arith.constant 0 : i32
      %dma_wait3A_101 = tpu.memref_slice %arg7[%run_scoped3A_25, %dma_wait3A_100] : memref<5x2000xi32, #tpu.memory_space<vmem>> -> memref<1x2000xi32, #tpu.memory_space<vmem>>
      %dma_wait3A_102 = tpu.memref_squeeze %dma_wait3A_101 : memref<1x2000xi32, #tpu.memory_space<vmem>> -> memref<2000xi32, #tpu.memory_space<vmem>>
      %dma_wait3A_103 = tpu.memref_slice %arg3[%run_scoped3A_24, %add3A_23] : memref<2x320000xi32, #tpu.memory_space<hbm>> -> memref<1x2000xi32, #tpu.memory_space<hbm>>
      %dma_wait3A_104 = tpu.memref_squeeze %dma_wait3A_103 : memref<1x2000xi32, #tpu.memory_space<hbm>> -> memref<2000xi32, #tpu.memory_space<hbm>>
      tpu.wait_dma2 semaphore(%run_scoped3A_84 : memref<!tpu.dma_semaphore, #tpu.memory_space<semaphore_mem>>) src(%dma_wait3A_104 : memref<2000xi32, #tpu.memory_space<hbm>>) dst(%dma_wait3A_102 : memref<2000xi32, #tpu.memory_space<vmem>>)
      tpu.yield
    }) : () -> ()
    %add3A_26 = arith.constant 6000 : i32
    %add3A_27 = arith.addi %mul3A_2, %add3A_26 : i32
    %run_scoped3A_28 = arith.constant 1 : i32
    %run_scoped3A_29 = arith.constant 3 : i32
    "tpu.region"() ({
      %run_scoped3A_84 = tpu.sem_alloc : memref<!tpu.dma_semaphore, #tpu.memory_space<semaphore_mem>>
      %dma_start3A_85 = arith.constant 0 : i32
      %dma_start3A_86 = tpu.memref_slice %arg7[%run_scoped3A_29, %dma_start3A_85] : memref<5x2000xi32, #tpu.memory_space<vmem>> -> memref<1x2000xi32, #tpu.memory_space<vmem>>
      %dma_start3A_87 = tpu.memref_squeeze %dma_start3A_86 : memref<1x2000xi32, #tpu.memory_space<vmem>> -> memref<2000xi32, #tpu.memory_space<vmem>>
      %dma_start3A_88 = tpu.memref_slice %arg3[%run_scoped3A_28, %add3A_27] : memref<2x320000xi32, #tpu.memory_space<hbm>> -> memref<1x2000xi32, #tpu.memory_space<hbm>>
      %dma_start3A_89 = tpu.memref_squeeze %dma_start3A_88 : memref<1x2000xi32, #tpu.memory_space<hbm>> -> memref<2000xi32, #tpu.memory_space<hbm>>
      %dma_start3A_90 = arith.constant 0 : i32
      %dma_start3A_91 = tpu.memref_slice %arg7[%run_scoped3A_29, %dma_start3A_90] : memref<5x2000xi32, #tpu.memory_space<vmem>> -> memref<1x2000xi32, #tpu.memory_space<vmem>>
      %dma_start3A_92 = tpu.memref_squeeze %dma_start3A_91 : memref<1x2000xi32, #tpu.memory_space<vmem>> -> memref<2000xi32, #tpu.memory_space<vmem>>
      %dma_start3A_93 = tpu.memref_slice %arg3[%run_scoped3A_28, %add3A_27] : memref<2x320000xi32, #tpu.memory_space<hbm>> -> memref<1x2000xi32, #tpu.memory_space<hbm>>
      %dma_start3A_94 = tpu.memref_squeeze %dma_start3A_93 : memref<1x2000xi32, #tpu.memory_space<hbm>> -> memref<2000xi32, #tpu.memory_space<hbm>>
      tpu.enqueue_dma source(%dma_start3A_94 : memref<2000xi32, #tpu.memory_space<hbm>>) target(%dma_start3A_92 : memref<2000xi32, #tpu.memory_space<vmem>>) target_semaphore(%run_scoped3A_84 : memref<!tpu.dma_semaphore, #tpu.memory_space<semaphore_mem>>)
      %dma_wait3A_95 = arith.constant 0 : i32
      %dma_wait3A_96 = tpu.memref_slice %arg7[%run_scoped3A_29, %dma_wait3A_95] : memref<5x2000xi32, #tpu.memory_space<vmem>> -> memref<1x2000xi32, #tpu.memory_space<vmem>>
      %dma_wait3A_97 = tpu.memref_squeeze %dma_wait3A_96 : memref<1x2000xi32, #tpu.memory_space<vmem>> -> memref<2000xi32, #tpu.memory_space<vmem>>
      %dma_wait3A_98 = tpu.memref_slice %arg3[%run_scoped3A_28, %add3A_27] : memref<2x320000xi32, #tpu.memory_space<hbm>> -> memref<1x2000xi32, #tpu.memory_space<hbm>>
      %dma_wait3A_99 = tpu.memref_squeeze %dma_wait3A_98 : memref<1x2000xi32, #tpu.memory_space<hbm>> -> memref<2000xi32, #tpu.memory_space<hbm>>
      %dma_wait3A_100 = arith.constant 0 : i32
      %dma_wait3A_101 = tpu.memref_slice %arg7[%run_scoped3A_29, %dma_wait3A_100] : memref<5x2000xi32, #tpu.memory_space<vmem>> -> memref<1x2000xi32, #tpu.memory_space<vmem>>
      %dma_wait3A_102 = tpu.memref_squeeze %dma_wait3A_101 : memref<1x2000xi32, #tpu.memory_space<vmem>> -> memref<2000xi32, #tpu.memory_space<vmem>>
      %dma_wait3A_103 = tpu.memref_slice %arg3[%run_scoped3A_28, %add3A_27] : memref<2x320000xi32, #tpu.memory_space<hbm>> -> memref<1x2000xi32, #tpu.memory_space<hbm>>
      %dma_wait3A_104 = tpu.memref_squeeze %dma_wait3A_103 : memref<1x2000xi32, #tpu.memory_space<hbm>> -> memref<2000xi32, #tpu.memory_space<hbm>>
      tpu.wait_dma2 semaphore(%run_scoped3A_84 : memref<!tpu.dma_semaphore, #tpu.memory_space<semaphore_mem>>) src(%dma_wait3A_104 : memref<2000xi32, #tpu.memory_space<hbm>>) dst(%dma_wait3A_102 : memref<2000xi32, #tpu.memory_space<vmem>>)
      tpu.yield
    }) : () -> ()
    %add3A_30 = arith.constant 8000 : i32
    %add3A_31 = arith.addi %mul3A_2, %add3A_30 : i32
    %run_scoped3A_32 = arith.constant 1 : i32
    %run_scoped3A_33 = arith.constant 4 : i32
    "tpu.region"() ({
      %run_scoped3A_84 = tpu.sem_alloc : memref<!tpu.dma_semaphore, #tpu.memory_space<semaphore_mem>>
      %dma_start3A_85 = arith.constant 0 : i32
      %dma_start3A_86 = tpu.memref_slice %arg7[%run_scoped3A_33, %dma_start3A_85] : memref<5x2000xi32, #tpu.memory_space<vmem>> -> memref<1x2000xi32, #tpu.memory_space<vmem>>
      %dma_start3A_87 = tpu.memref_squeeze %dma_start3A_86 : memref<1x2000xi32, #tpu.memory_space<vmem>> -> memref<2000xi32, #tpu.memory_space<vmem>>
      %dma_start3A_88 = tpu.memref_slice %arg3[%run_scoped3A_32, %add3A_31] : memref<2x320000xi32, #tpu.memory_space<hbm>> -> memref<1x2000xi32, #tpu.memory_space<hbm>>
      %dma_start3A_89 = tpu.memref_squeeze %dma_start3A_88 : memref<1x2000xi32, #tpu.memory_space<hbm>> -> memref<2000xi32, #tpu.memory_space<hbm>>
      %dma_start3A_90 = arith.constant 0 : i32
      %dma_start3A_91 = tpu.memref_slice %arg7[%run_scoped3A_33, %dma_start3A_90] : memref<5x2000xi32, #tpu.memory_space<vmem>> -> memref<1x2000xi32, #tpu.memory_space<vmem>>
      %dma_start3A_92 = tpu.memref_squeeze %dma_start3A_91 : memref<1x2000xi32, #tpu.memory_space<vmem>> -> memref<2000xi32, #tpu.memory_space<vmem>>
      %dma_start3A_93 = tpu.memref_slice %arg3[%run_scoped3A_32, %add3A_31] : memref<2x320000xi32, #tpu.memory_space<hbm>> -> memref<1x2000xi32, #tpu.memory_space<hbm>>
      %dma_start3A_94 = tpu.memref_squeeze %dma_start3A_93 : memref<1x2000xi32, #tpu.memory_space<hbm>> -> memref<2000xi32, #tpu.memory_space<hbm>>
      tpu.enqueue_dma source(%dma_start3A_94 : memref<2000xi32, #tpu.memory_space<hbm>>) target(%dma_start3A_92 : memref<2000xi32, #tpu.memory_space<vmem>>) target_semaphore(%run_scoped3A_84 : memref<!tpu.dma_semaphore, #tpu.memory_space<semaphore_mem>>)
      %dma_wait3A_95 = arith.constant 0 : i32
      %dma_wait3A_96 = tpu.memref_slice %arg7[%run_scoped3A_33, %dma_wait3A_95] : memref<5x2000xi32, #tpu.memory_space<vmem>> -> memref<1x2000xi32, #tpu.memory_space<vmem>>
      %dma_wait3A_97 = tpu.memref_squeeze %dma_wait3A_96 : memref<1x2000xi32, #tpu.memory_space<vmem>> -> memref<2000xi32, #tpu.memory_space<vmem>>
      %dma_wait3A_98 = tpu.memref_slice %arg3[%run_scoped3A_32, %add3A_31] : memref<2x320000xi32, #tpu.memory_space<hbm>> -> memref<1x2000xi32, #tpu.memory_space<hbm>>
      %dma_wait3A_99 = tpu.memref_squeeze %dma_wait3A_98 : memref<1x2000xi32, #tpu.memory_space<hbm>> -> memref<2000xi32, #tpu.memory_space<hbm>>
      %dma_wait3A_100 = arith.constant 0 : i32
      %dma_wait3A_101 = tpu.memref_slice %arg7[%run_scoped3A_33, %dma_wait3A_100] : memref<5x2000xi32, #tpu.memory_space<vmem>> -> memref<1x2000xi32, #tpu.memory_space<vmem>>
      %dma_wait3A_102 = tpu.memref_squeeze %dma_wait3A_101 : memref<1x2000xi32, #tpu.memory_space<vmem>> -> memref<2000xi32, #tpu.memory_space<vmem>>
      %dma_wait3A_103 = tpu.memref_slice %arg3[%run_scoped3A_32, %add3A_31] : memref<2x320000xi32, #tpu.memory_space<hbm>> -> memref<1x2000xi32, #tpu.memory_space<hbm>>
      %dma_wait3A_104 = tpu.memref_squeeze %dma_wait3A_103 : memref<1x2000xi32, #tpu.memory_space<hbm>> -> memref<2000xi32, #tpu.memory_space<hbm>>
      tpu.wait_dma2 semaphore(%run_scoped3A_84 : memref<!tpu.dma_semaphore, #tpu.memory_space<semaphore_mem>>) src(%dma_wait3A_104 : memref<2000xi32, #tpu.memory_space<hbm>>) dst(%dma_wait3A_102 : memref<2000xi32, #tpu.memory_space<vmem>>)
      tpu.yield
    }) : () -> ()
    %dma_wait3A = arith.constant 0 : i32
    %dma_wait3A_34 = tpu.memref_slice %arg6[%dma_wait3A] : memref<10000xi32, #tpu.memory_space<vmem>> -> memref<2000xi32, #tpu.memory_space<vmem>>
    %dma_wait3A_35 = arith.constant 0 : i32
    %dma_wait3A_36 = arith.constant 0 : i32
    %dma_wait3A_37 = tpu.memref_slice %arg2[%dma_wait3A_35, %dma_wait3A_36] : memref<10240x16xf32, #tpu.memory_space<hbm>> -> memref<10240x16xf32, #tpu.memory_space<hbm>>
    tpu.wait_indirect_dma semaphore(%arg12 : memref<!tpu.dma_semaphore, #tpu.memory_space<semaphore_mem>>) src(%dma_wait3A_37 : memref<10240x16xf32, #tpu.memory_space<hbm>>) dst(%arg8 : memref<2000x16xf32, #tpu.memory_space<vmem>>)
    %run_scoped3A_38 = arith.constant 0 : i32
    "tpu.region"() ({
      %run_scoped3A_84 = tpu.sem_alloc : memref<!tpu.dma_semaphore, #tpu.memory_space<semaphore_mem>>
      %dma_start3A_85 = arith.constant 0 : i32
      %dma_start3A_86 = tpu.memref_slice %arg7[%run_scoped3A_38, %dma_start3A_85] : memref<5x2000xi32, #tpu.memory_space<vmem>> -> memref<1x2000xi32, #tpu.memory_space<vmem>>
      %dma_start3A_87 = tpu.memref_squeeze %dma_start3A_86 : memref<1x2000xi32, #tpu.memory_space<vmem>> -> memref<2000xi32, #tpu.memory_space<vmem>>
      %dma_start3A_88 = arith.constant 0 : i32
      %dma_start3A_89 = arith.constant 0 : i32
      %dma_start3A_90 = tpu.memref_slice %arg11[%dma_start3A_88, %dma_start3A_89] : memref<10240x16xf32, #tpu.memory_space<vmem_shared>> -> memref<10240x16xf32, #tpu.memory_space<vmem_shared>>
      tpu.enqueue_indirect_dma source(%arg8 : memref<2000x16xf32, #tpu.memory_space<vmem>>) target(%dma_start3A_90 : memref<10240x16xf32, #tpu.memory_space<vmem_shared>>) offsets(%dma_start3A_87 : memref<2000xi32, #tpu.memory_space<vmem>>) semaphore(%run_scoped3A_84 : memref<!tpu.dma_semaphore, #tpu.memory_space<semaphore_mem>>) {add = true}
      %dma_wait3A_91 = arith.constant 0 : i32
      %dma_wait3A_92 = tpu.memref_slice %arg7[%run_scoped3A_38, %dma_wait3A_91] : memref<5x2000xi32, #tpu.memory_space<vmem>> -> memref<1x2000xi32, #tpu.memory_space<vmem>>
      %dma_wait3A_93 = tpu.memref_squeeze %dma_wait3A_92 : memref<1x2000xi32, #tpu.memory_space<vmem>> -> memref<2000xi32, #tpu.memory_space<vmem>>
      %dma_wait3A_94 = arith.constant 0 : i32
      %dma_wait3A_95 = arith.constant 0 : i32
      %dma_wait3A_96 = tpu.memref_slice %arg11[%dma_wait3A_94, %dma_wait3A_95] : memref<10240x16xf32, #tpu.memory_space<vmem_shared>> -> memref<10240x16xf32, #tpu.memory_space<vmem_shared>>
      tpu.wait_indirect_dma semaphore(%run_scoped3A_84 : memref<!tpu.dma_semaphore, #tpu.memory_space<semaphore_mem>>) src(%arg8 : memref<2000x16xf32, #tpu.memory_space<vmem>>) dst(%dma_wait3A_96 : memref<10240x16xf32, #tpu.memory_space<vmem_shared>>)
      tpu.yield
    }) : () -> ()
    %dma_start3A_39 = arith.constant 4000 : i32
    %dma_start3A_40 = tpu.memref_slice %arg6[%dma_start3A_39] : memref<10000xi32, #tpu.memory_space<vmem>> -> memref<2000xi32, #tpu.memory_space<vmem>>
    %dma_start3A_41 = arith.constant 0 : i32
    %dma_start3A_42 = arith.constant 0 : i32
    %dma_start3A_43 = tpu.memref_slice %arg2[%dma_start3A_41, %dma_start3A_42] : memref<10240x16xf32, #tpu.memory_space<hbm>> -> memref<10240x16xf32, #tpu.memory_space<hbm>>
    tpu.enqueue_indirect_dma source(%dma_start3A_43 : memref<10240x16xf32, #tpu.memory_space<hbm>>) target(%arg8 : memref<2000x16xf32, #tpu.memory_space<vmem>>) offsets(%dma_start3A_40 : memref<2000xi32, #tpu.memory_space<vmem>>) semaphore(%arg12 : memref<!tpu.dma_semaphore, #tpu.memory_space<semaphore_mem>>)
    %dma_wait3A_44 = arith.constant 2000 : i32
    %dma_wait3A_45 = tpu.memref_slice %arg6[%dma_wait3A_44] : memref<10000xi32, #tpu.memory_space<vmem>> -> memref<2000xi32, #tpu.memory_space<vmem>>
    %dma_wait3A_46 = arith.constant 0 : i32
    %dma_wait3A_47 = arith.constant 0 : i32
    %dma_wait3A_48 = tpu.memref_slice %arg2[%dma_wait3A_46, %dma_wait3A_47] : memref<10240x16xf32, #tpu.memory_space<hbm>> -> memref<10240x16xf32, #tpu.memory_space<hbm>>
    tpu.wait_indirect_dma semaphore(%arg13 : memref<!tpu.dma_semaphore, #tpu.memory_space<semaphore_mem>>) src(%dma_wait3A_48 : memref<10240x16xf32, #tpu.memory_space<hbm>>) dst(%arg9 : memref<2000x16xf32, #tpu.memory_space<vmem>>)
    %run_scoped3A_49 = arith.constant 1 : i32
    "tpu.region"() ({
      %run_scoped3A_84 = tpu.sem_alloc : memref<!tpu.dma_semaphore, #tpu.memory_space<semaphore_mem>>
      %dma_start3A_85 = arith.constant 0 : i32
      %dma_start3A_86 = tpu.memref_slice %arg7[%run_scoped3A_49, %dma_start3A_85] : memref<5x2000xi32, #tpu.memory_space<vmem>> -> memref<1x2000xi32, #tpu.memory_space<vmem>>
      %dma_start3A_87 = tpu.memref_squeeze %dma_start3A_86 : memref<1x2000xi32, #tpu.memory_space<vmem>> -> memref<2000xi32, #tpu.memory_space<vmem>>
      %dma_start3A_88 = arith.constant 0 : i32
      %dma_start3A_89 = arith.constant 0 : i32
      %dma_start3A_90 = tpu.memref_slice %arg11[%dma_start3A_88, %dma_start3A_89] : memref<10240x16xf32, #tpu.memory_space<vmem_shared>> -> memref<10240x16xf32, #tpu.memory_space<vmem_shared>>
      tpu.enqueue_indirect_dma source(%arg9 : memref<2000x16xf32, #tpu.memory_space<vmem>>) target(%dma_start3A_90 : memref<10240x16xf32, #tpu.memory_space<vmem_shared>>) offsets(%dma_start3A_87 : memref<2000xi32, #tpu.memory_space<vmem>>) semaphore(%run_scoped3A_84 : memref<!tpu.dma_semaphore, #tpu.memory_space<semaphore_mem>>) {add = true}
      %dma_wait3A_91 = arith.constant 0 : i32
      %dma_wait3A_92 = tpu.memref_slice %arg7[%run_scoped3A_49, %dma_wait3A_91] : memref<5x2000xi32, #tpu.memory_space<vmem>> -> memref<1x2000xi32, #tpu.memory_space<vmem>>
      %dma_wait3A_93 = tpu.memref_squeeze %dma_wait3A_92 : memref<1x2000xi32, #tpu.memory_space<vmem>> -> memref<2000xi32, #tpu.memory_space<vmem>>
      %dma_wait3A_94 = arith.constant 0 : i32
      %dma_wait3A_95 = arith.constant 0 : i32
      %dma_wait3A_96 = tpu.memref_slice %arg11[%dma_wait3A_94, %dma_wait3A_95] : memref<10240x16xf32, #tpu.memory_space<vmem_shared>> -> memref<10240x16xf32, #tpu.memory_space<vmem_shared>>
      tpu.wait_indirect_dma semaphore(%run_scoped3A_84 : memref<!tpu.dma_semaphore, #tpu.memory_space<semaphore_mem>>) src(%arg9 : memref<2000x16xf32, #tpu.memory_space<vmem>>) dst(%dma_wait3A_96 : memref<10240x16xf32, #tpu.memory_space<vmem_shared>>)
      tpu.yield
    }) : () -> ()
    %dma_start3A_50 = arith.constant 6000 : i32
    %dma_start3A_51 = tpu.memref_slice %arg6[%dma_start3A_50] : memref<10000xi32, #tpu.memory_space<vmem>> -> memref<2000xi32, #tpu.memory_space<vmem>>
    %dma_start3A_52 = arith.constant 0 : i32
    %dma_start3A_53 = arith.constant 0 : i32
    %dma_start3A_54 = tpu.memref_slice %arg2[%dma_start3A_52, %dma_start3A_53] : memref<10240x16xf32, #tpu.memory_space<hbm>> -> memref<10240x16xf32, #tpu.memory_space<hbm>>
    tpu.enqueue_indirect_dma source(%dma_start3A_54 : memref<10240x16xf32, #tpu.memory_space<hbm>>) target(%arg9 : memref<2000x16xf32, #tpu.memory_space<vmem>>) offsets(%dma_start3A_51 : memref<2000xi32, #tpu.memory_space<vmem>>) semaphore(%arg13 : memref<!tpu.dma_semaphore, #tpu.memory_space<semaphore_mem>>)
    %dma_wait3A_55 = arith.constant 4000 : i32
    %dma_wait3A_56 = tpu.memref_slice %arg6[%dma_wait3A_55] : memref<10000xi32, #tpu.memory_space<vmem>> -> memref<2000xi32, #tpu.memory_space<vmem>>
    %dma_wait3A_57 = arith.constant 0 : i32
    %dma_wait3A_58 = arith.constant 0 : i32
    %dma_wait3A_59 = tpu.memref_slice %arg2[%dma_wait3A_57, %dma_wait3A_58] : memref<10240x16xf32, #tpu.memory_space<hbm>> -> memref<10240x16xf32, #tpu.memory_space<hbm>>
    tpu.wait_indirect_dma semaphore(%arg12 : memref<!tpu.dma_semaphore, #tpu.memory_space<semaphore_mem>>) src(%dma_wait3A_59 : memref<10240x16xf32, #tpu.memory_space<hbm>>) dst(%arg8 : memref<2000x16xf32, #tpu.memory_space<vmem>>)
    %run_scoped3A_60 = arith.constant 2 : i32
    "tpu.region"() ({
      %run_scoped3A_84 = tpu.sem_alloc : memref<!tpu.dma_semaphore, #tpu.memory_space<semaphore_mem>>
      %dma_start3A_85 = arith.constant 0 : i32
      %dma_start3A_86 = tpu.memref_slice %arg7[%run_scoped3A_60, %dma_start3A_85] : memref<5x2000xi32, #tpu.memory_space<vmem>> -> memref<1x2000xi32, #tpu.memory_space<vmem>>
      %dma_start3A_87 = tpu.memref_squeeze %dma_start3A_86 : memref<1x2000xi32, #tpu.memory_space<vmem>> -> memref<2000xi32, #tpu.memory_space<vmem>>
      %dma_start3A_88 = arith.constant 0 : i32
      %dma_start3A_89 = arith.constant 0 : i32
      %dma_start3A_90 = tpu.memref_slice %arg11[%dma_start3A_88, %dma_start3A_89] : memref<10240x16xf32, #tpu.memory_space<vmem_shared>> -> memref<10240x16xf32, #tpu.memory_space<vmem_shared>>
      tpu.enqueue_indirect_dma source(%arg8 : memref<2000x16xf32, #tpu.memory_space<vmem>>) target(%dma_start3A_90 : memref<10240x16xf32, #tpu.memory_space<vmem_shared>>) offsets(%dma_start3A_87 : memref<2000xi32, #tpu.memory_space<vmem>>) semaphore(%run_scoped3A_84 : memref<!tpu.dma_semaphore, #tpu.memory_space<semaphore_mem>>) {add = true}
      %dma_wait3A_91 = arith.constant 0 : i32
      %dma_wait3A_92 = tpu.memref_slice %arg7[%run_scoped3A_60, %dma_wait3A_91] : memref<5x2000xi32, #tpu.memory_space<vmem>> -> memref<1x2000xi32, #tpu.memory_space<vmem>>
      %dma_wait3A_93 = tpu.memref_squeeze %dma_wait3A_92 : memref<1x2000xi32, #tpu.memory_space<vmem>> -> memref<2000xi32, #tpu.memory_space<vmem>>
      %dma_wait3A_94 = arith.constant 0 : i32
      %dma_wait3A_95 = arith.constant 0 : i32
      %dma_wait3A_96 = tpu.memref_slice %arg11[%dma_wait3A_94, %dma_wait3A_95] : memref<10240x16xf32, #tpu.memory_space<vmem_shared>> -> memref<10240x16xf32, #tpu.memory_space<vmem_shared>>
      tpu.wait_indirect_dma semaphore(%run_scoped3A_84 : memref<!tpu.dma_semaphore, #tpu.memory_space<semaphore_mem>>) src(%arg8 : memref<2000x16xf32, #tpu.memory_space<vmem>>) dst(%dma_wait3A_96 : memref<10240x16xf32, #tpu.memory_space<vmem_shared>>)
      tpu.yield
    }) : () -> ()
    %dma_start3A_61 = arith.constant 8000 : i32
    %dma_start3A_62 = tpu.memref_slice %arg6[%dma_start3A_61] : memref<10000xi32, #tpu.memory_space<vmem>> -> memref<2000xi32, #tpu.memory_space<vmem>>
    %dma_start3A_63 = arith.constant 0 : i32
    %dma_start3A_64 = arith.constant 0 : i32
    %dma_start3A_65 = tpu.memref_slice %arg2[%dma_start3A_63, %dma_start3A_64] : memref<10240x16xf32, #tpu.memory_space<hbm>> -> memref<10240x16xf32, #tpu.memory_space<hbm>>
    tpu.enqueue_indirect_dma source(%dma_start3A_65 : memref<10240x16xf32, #tpu.memory_space<hbm>>) target(%arg8 : memref<2000x16xf32, #tpu.memory_space<vmem>>) offsets(%dma_start3A_62 : memref<2000xi32, #tpu.memory_space<vmem>>) semaphore(%arg12 : memref<!tpu.dma_semaphore, #tpu.memory_space<semaphore_mem>>)
    %dma_wait3A_66 = arith.constant 6000 : i32
    %dma_wait3A_67 = tpu.memref_slice %arg6[%dma_wait3A_66] : memref<10000xi32, #tpu.memory_space<vmem>> -> memref<2000xi32, #tpu.memory_space<vmem>>
    %dma_wait3A_68 = arith.constant 0 : i32
    %dma_wait3A_69 = arith.constant 0 : i32
    %dma_wait3A_70 = tpu.memref_slice %arg2[%dma_wait3A_68, %dma_wait3A_69] : memref<10240x16xf32, #tpu.memory_space<hbm>> -> memref<10240x16xf32, #tpu.memory_space<hbm>>
    tpu.wait_indirect_dma semaphore(%arg13 : memref<!tpu.dma_semaphore, #tpu.memory_space<semaphore_mem>>) src(%dma_wait3A_70 : memref<10240x16xf32, #tpu.memory_space<hbm>>) dst(%arg9 : memref<2000x16xf32, #tpu.memory_space<vmem>>)
    %run_scoped3A_71 = arith.constant 3 : i32
    "tpu.region"() ({
      %run_scoped3A_84 = tpu.sem_alloc : memref<!tpu.dma_semaphore, #tpu.memory_space<semaphore_mem>>
      %dma_start3A_85 = arith.constant 0 : i32
      %dma_start3A_86 = tpu.memref_slice %arg7[%run_scoped3A_71, %dma_start3A_85] : memref<5x2000xi32, #tpu.memory_space<vmem>> -> memref<1x2000xi32, #tpu.memory_space<vmem>>
      %dma_start3A_87 = tpu.memref_squeeze %dma_start3A_86 : memref<1x2000xi32, #tpu.memory_space<vmem>> -> memref<2000xi32, #tpu.memory_space<vmem>>
      %dma_start3A_88 = arith.constant 0 : i32
      %dma_start3A_89 = arith.constant 0 : i32
      %dma_start3A_90 = tpu.memref_slice %arg11[%dma_start3A_88, %dma_start3A_89] : memref<10240x16xf32, #tpu.memory_space<vmem_shared>> -> memref<10240x16xf32, #tpu.memory_space<vmem_shared>>
      tpu.enqueue_indirect_dma source(%arg9 : memref<2000x16xf32, #tpu.memory_space<vmem>>) target(%dma_start3A_90 : memref<10240x16xf32, #tpu.memory_space<vmem_shared>>) offsets(%dma_start3A_87 : memref<2000xi32, #tpu.memory_space<vmem>>) semaphore(%run_scoped3A_84 : memref<!tpu.dma_semaphore, #tpu.memory_space<semaphore_mem>>) {add = true}
      %dma_wait3A_91 = arith.constant 0 : i32
      %dma_wait3A_92 = tpu.memref_slice %arg7[%run_scoped3A_71, %dma_wait3A_91] : memref<5x2000xi32, #tpu.memory_space<vmem>> -> memref<1x2000xi32, #tpu.memory_space<vmem>>
      %dma_wait3A_93 = tpu.memref_squeeze %dma_wait3A_92 : memref<1x2000xi32, #tpu.memory_space<vmem>> -> memref<2000xi32, #tpu.memory_space<vmem>>
      %dma_wait3A_94 = arith.constant 0 : i32
      %dma_wait3A_95 = arith.constant 0 : i32
      %dma_wait3A_96 = tpu.memref_slice %arg11[%dma_wait3A_94, %dma_wait3A_95] : memref<10240x16xf32, #tpu.memory_space<vmem_shared>> -> memref<10240x16xf32, #tpu.memory_space<vmem_shared>>
      tpu.wait_indirect_dma semaphore(%run_scoped3A_84 : memref<!tpu.dma_semaphore, #tpu.memory_space<semaphore_mem>>) src(%arg9 : memref<2000x16xf32, #tpu.memory_space<vmem>>) dst(%dma_wait3A_96 : memref<10240x16xf32, #tpu.memory_space<vmem_shared>>)
      tpu.yield
    }) : () -> ()
    %dma_wait3A_72 = arith.constant 8000 : i32
    %dma_wait3A_73 = tpu.memref_slice %arg6[%dma_wait3A_72] : memref<10000xi32, #tpu.memory_space<vmem>> -> memref<2000xi32, #tpu.memory_space<vmem>>
    %dma_wait3A_74 = arith.constant 0 : i32
    %dma_wait3A_75 = arith.constant 0 : i32
    %dma_wait3A_76 = tpu.memref_slice %arg2[%dma_wait3A_74, %dma_wait3A_75] : memref<10240x16xf32, #tpu.memory_space<hbm>> -> memref<10240x16xf32, #tpu.memory_space<hbm>>
    tpu.wait_indirect_dma semaphore(%arg12 : memref<!tpu.dma_semaphore, #tpu.memory_space<semaphore_mem>>) src(%dma_wait3A_76 : memref<10240x16xf32, #tpu.memory_space<hbm>>) dst(%arg8 : memref<2000x16xf32, #tpu.memory_space<vmem>>)
    %run_scoped3A_77 = arith.constant 4 : i32
    "tpu.region"() ({
      %run_scoped3A_84 = tpu.sem_alloc : memref<!tpu.dma_semaphore, #tpu.memory_space<semaphore_mem>>
      %dma_start3A_85 = arith.constant 0 : i32
      %dma_start3A_86 = tpu.memref_slice %arg7[%run_scoped3A_77, %dma_start3A_85] : memref<5x2000xi32, #tpu.memory_space<vmem>> -> memref<1x2000xi32, #tpu.memory_space<vmem>>
      %dma_start3A_87 = tpu.memref_squeeze %dma_start3A_86 : memref<1x2000xi32, #tpu.memory_space<vmem>> -> memref<2000xi32, #tpu.memory_space<vmem>>
      %dma_start3A_88 = arith.constant 0 : i32
      %dma_start3A_89 = arith.constant 0 : i32
      %dma_start3A_90 = tpu.memref_slice %arg11[%dma_start3A_88, %dma_start3A_89] : memref<10240x16xf32, #tpu.memory_space<vmem_shared>> -> memref<10240x16xf32, #tpu.memory_space<vmem_shared>>
      tpu.enqueue_indirect_dma source(%arg8 : memref<2000x16xf32, #tpu.memory_space<vmem>>) target(%dma_start3A_90 : memref<10240x16xf32, #tpu.memory_space<vmem_shared>>) offsets(%dma_start3A_87 : memref<2000xi32, #tpu.memory_space<vmem>>) semaphore(%run_scoped3A_84 : memref<!tpu.dma_semaphore, #tpu.memory_space<semaphore_mem>>) {add = true}
      %dma_wait3A_91 = arith.constant 0 : i32
      %dma_wait3A_92 = tpu.memref_slice %arg7[%run_scoped3A_77, %dma_wait3A_91] : memref<5x2000xi32, #tpu.memory_space<vmem>> -> memref<1x2000xi32, #tpu.memory_space<vmem>>
      %dma_wait3A_93 = tpu.memref_squeeze %dma_wait3A_92 : memref<1x2000xi32, #tpu.memory_space<vmem>> -> memref<2000xi32, #tpu.memory_space<vmem>>
      %dma_wait3A_94 = arith.constant 0 : i32
      %dma_wait3A_95 = arith.constant 0 : i32
      %dma_wait3A_96 = tpu.memref_slice %arg11[%dma_wait3A_94, %dma_wait3A_95] : memref<10240x16xf32, #tpu.memory_space<vmem_shared>> -> memref<10240x16xf32, #tpu.memory_space<vmem_shared>>
      tpu.wait_indirect_dma semaphore(%run_scoped3A_84 : memref<!tpu.dma_semaphore, #tpu.memory_space<semaphore_mem>>) src(%arg8 : memref<2000x16xf32, #tpu.memory_space<vmem>>) dst(%dma_wait3A_96 : memref<10240x16xf32, #tpu.memory_space<vmem_shared>>)
      tpu.yield
    }) : () -> ()
    %barrier3A_78 = arith.constant 0 : index
    tpu.barrier barrier_id(%barrier3A_78)
    %mul3A_79 = arith.constant 640 : i32
    %mul3A_80 = arith.muli %arg1, %mul3A_79 : i32
    "tpu.region"() ({
      %run_scoped3A_84 = tpu.sem_alloc : memref<!tpu.dma_semaphore, #tpu.memory_space<semaphore_mem>>
      %dma_start3A_85 = arith.constant 0 : i32
      %dma_start3A_86 = tpu.memref_slice %arg11[%mul3A_80, %dma_start3A_85] : memref<10240x16xf32, #tpu.memory_space<vmem_shared>> -> memref<640x16xf32, #tpu.memory_space<vmem_shared>>
      %dma_start3A_87 = arith.constant 0 : i32
      %dma_start3A_88 = tpu.memref_slice %arg11[%mul3A_80, %dma_start3A_87] : memref<10240x16xf32, #tpu.memory_space<vmem_shared>> -> memref<640x16xf32, #tpu.memory_space<vmem_shared>>
      tpu.enqueue_dma source(%dma_start3A_88 : memref<640x16xf32, #tpu.memory_space<vmem_shared>>) target(%arg10 : memref<640x16xf32, #tpu.memory_space<vmem>>) target_semaphore(%run_scoped3A_84 : memref<!tpu.dma_semaphore, #tpu.memory_space<semaphore_mem>>)
      %dma_wait3A_89 = arith.constant 0 : i32
      %dma_wait3A_90 = tpu.memref_slice %arg11[%mul3A_80, %dma_wait3A_89] : memref<10240x16xf32, #tpu.memory_space<vmem_shared>> -> memref<640x16xf32, #tpu.memory_space<vmem_shared>>
      %dma_wait3A_91 = arith.constant 0 : i32
      %dma_wait3A_92 = tpu.memref_slice %arg11[%mul3A_80, %dma_wait3A_91] : memref<10240x16xf32, #tpu.memory_space<vmem_shared>> -> memref<640x16xf32, #tpu.memory_space<vmem_shared>>
      tpu.wait_dma2 semaphore(%run_scoped3A_84 : memref<!tpu.dma_semaphore, #tpu.memory_space<semaphore_mem>>) src(%dma_wait3A_92 : memref<640x16xf32, #tpu.memory_space<vmem_shared>>) dst(%arg10 : memref<640x16xf32, #tpu.memory_space<vmem>>)
      tpu.yield
    }) : () -> ()
    %mul3A_81 = arith.constant 10240 : i32
    %mul3A_82 = arith.muli %arg0, %mul3A_81 : i32
    %add3A_83 = arith.addi %mul3A_82, %mul3A_80 : i32
    "tpu.region"() ({
      %run_scoped3A_84 = tpu.sem_alloc : memref<!tpu.dma_semaphore, #tpu.memory_space<semaphore_mem>>
      %dma_start3A_85 = arith.constant 0 : i32
      %dma_start3A_86 = tpu.memref_slice %arg5[%add3A_83, %dma_start3A_85] : memref<20480x16xf32, #tpu.memory_space<hbm>> -> memref<640x16xf32, #tpu.memory_space<hbm>>
      %dma_start3A_87 = arith.constant 0 : i32
      %dma_start3A_88 = tpu.memref_slice %arg5[%add3A_83, %dma_start3A_87] : memref<20480x16xf32, #tpu.memory_space<hbm>> -> memref<640x16xf32, #tpu.memory_space<hbm>>
      tpu.enqueue_dma source(%arg10 : memref<640x16xf32, #tpu.memory_space<vmem>>) target(%dma_start3A_88 : memref<640x16xf32, #tpu.memory_space<hbm>>) target_semaphore(%run_scoped3A_84 : memref<!tpu.dma_semaphore, #tpu.memory_space<semaphore_mem>>)
      %dma_wait3A_89 = arith.constant 0 : i32
      %dma_wait3A_90 = tpu.memref_slice %arg5[%add3A_83, %dma_wait3A_89] : memref<20480x16xf32, #tpu.memory_space<hbm>> -> memref<640x16xf32, #tpu.memory_space<hbm>>
      %dma_wait3A_91 = arith.constant 0 : i32
      %dma_wait3A_92 = tpu.memref_slice %arg5[%add3A_83, %dma_wait3A_91] : memref<20480x16xf32, #tpu.memory_space<hbm>> -> memref<640x16xf32, #tpu.memory_space<hbm>>
      tpu.wait_dma2 semaphore(%run_scoped3A_84 : memref<!tpu.dma_semaphore, #tpu.memory_space<semaphore_mem>>) src(%arg10 : memref<640x16xf32, #tpu.memory_space<vmem>>) dst(%dma_wait3A_92 : memref<640x16xf32, #tpu.memory_space<hbm>>)
      tpu.yield
    }) : () -> ()
    return
  }
}

#map = affine_map<(d0, d1) -> (0, 0)>
module attributes {stable_mosaic.version = 14 : i64} {
  func.func @body(%arg0: i32, %arg1: i32, %arg2: memref<2x320000xi32, #tpu.memory_space<hbm>>, %arg3: memref<2000x16xf32, #tpu.memory_space<hbm>>, %arg4: memref<640x16xf32, #tpu.memory_space<hbm>>, %arg5: memref<20480x16xf32, #tpu.memory_space<hbm>>, %arg6: memref<5x2000xi32, #tpu.memory_space<vmem>>, %arg7: memref<2000x16xf32, #tpu.memory_space<vmem>>, %arg8: memref<640x16xf32, #tpu.memory_space<vmem>>, %arg9: memref<10240x16xf32, #tpu.memory_space<vmem_shared>>) attributes {dimension_semantics = [#tpu.dimension_semantics<core_parallel>, #tpu.dimension_semantics<subcore_parallel>], iteration_bounds = array<i64: 2, 16>, scalar_prefetch = 0 : i64, scratch_operands = 4 : i64, tpu.core_type = #tpu.core_type<sc_vector_subcore>, window_params = [{transform_indices = #map}, {transform_indices = #map}, {transform_indices = #map}, {transform_indices = #map}]} {
    %mul3A = arith.constant 2 : i32
    %mul3A_0 = arith.muli %arg1, %mul3A : i32
    %add3A = arith.addi %mul3A_0, %arg0 : i32
    %mul3A_1 = arith.constant 10000 : i32
    %mul3A_2 = arith.muli %add3A, %mul3A_1 : i32
    "tpu.region"() ({
      %run_scoped3A_35 = tpu.sem_alloc : memref<!tpu.dma_semaphore, #tpu.memory_space<semaphore_mem>>
      tpu.enqueue_dma source(%arg4 : memref<640x16xf32, #tpu.memory_space<hbm>>) target(%arg8 : memref<640x16xf32, #tpu.memory_space<vmem>>) target_semaphore(%run_scoped3A_35 : memref<!tpu.dma_semaphore, #tpu.memory_space<semaphore_mem>>)
      tpu.wait_dma2 semaphore(%run_scoped3A_35 : memref<!tpu.dma_semaphore, #tpu.memory_space<semaphore_mem>>) src(%arg4 : memref<640x16xf32, #tpu.memory_space<hbm>>) dst(%arg8 : memref<640x16xf32, #tpu.memory_space<vmem>>)
      tpu.yield
    }) : () -> ()
    %mul3A_3 = arith.constant 640 : i32
    %mul3A_4 = arith.muli %arg1, %mul3A_3 : i32
    "tpu.region"() ({
      %run_scoped3A_35 = tpu.sem_alloc : memref<!tpu.dma_semaphore, #tpu.memory_space<semaphore_mem>>
      %dma_start3A = arith.constant 0 : i32
      %dma_start3A_36 = tpu.memref_slice %arg9[%mul3A_4, %dma_start3A] : memref<10240x16xf32, #tpu.memory_space<vmem_shared>> -> memref<640x16xf32, #tpu.memory_space<vmem_shared>>
      %dma_start3A_37 = arith.constant 0 : i32
      %dma_start3A_38 = tpu.memref_slice %arg9[%mul3A_4, %dma_start3A_37] : memref<10240x16xf32, #tpu.memory_space<vmem_shared>> -> memref<640x16xf32, #tpu.memory_space<vmem_shared>>
      tpu.enqueue_dma source(%arg8 : memref<640x16xf32, #tpu.memory_space<vmem>>) target(%dma_start3A_38 : memref<640x16xf32, #tpu.memory_space<vmem_shared>>) target_semaphore(%run_scoped3A_35 : memref<!tpu.dma_semaphore, #tpu.memory_space<semaphore_mem>>)
      %dma_wait3A = arith.constant 0 : i32
      %dma_wait3A_39 = tpu.memref_slice %arg9[%mul3A_4, %dma_wait3A] : memref<10240x16xf32, #tpu.memory_space<vmem_shared>> -> memref<640x16xf32, #tpu.memory_space<vmem_shared>>
      %dma_wait3A_40 = arith.constant 0 : i32
      %dma_wait3A_41 = tpu.memref_slice %arg9[%mul3A_4, %dma_wait3A_40] : memref<10240x16xf32, #tpu.memory_space<vmem_shared>> -> memref<640x16xf32, #tpu.memory_space<vmem_shared>>
      tpu.wait_dma2 semaphore(%run_scoped3A_35 : memref<!tpu.dma_semaphore, #tpu.memory_space<semaphore_mem>>) src(%arg8 : memref<640x16xf32, #tpu.memory_space<vmem>>) dst(%dma_wait3A_41 : memref<640x16xf32, #tpu.memory_space<vmem_shared>>)
      tpu.yield
    }) : () -> ()
    %barrier3A = arith.constant 0 : index
    tpu.barrier barrier_id(%barrier3A)
    "tpu.region"() ({
      %run_scoped3A_35 = tpu.sem_alloc : memref<!tpu.dma_semaphore, #tpu.memory_space<semaphore_mem>>
      tpu.enqueue_dma source(%arg3 : memref<2000x16xf32, #tpu.memory_space<hbm>>) target(%arg7 : memref<2000x16xf32, #tpu.memory_space<vmem>>) target_semaphore(%run_scoped3A_35 : memref<!tpu.dma_semaphore, #tpu.memory_space<semaphore_mem>>)
      tpu.wait_dma2 semaphore(%run_scoped3A_35 : memref<!tpu.dma_semaphore, #tpu.memory_space<semaphore_mem>>) src(%arg3 : memref<2000x16xf32, #tpu.memory_space<hbm>>) dst(%arg7 : memref<2000x16xf32, #tpu.memory_space<vmem>>)
      tpu.yield
    }) : () -> ()
    %add3A_5 = arith.constant 0 : i32
    %add3A_6 = arith.addi %mul3A_2, %add3A_5 : i32
    %run_scoped3A = arith.constant 1 : i32
    %run_scoped3A_7 = arith.constant 0 : i32
    "tpu.region"() ({
      %run_scoped3A_35 = tpu.sem_alloc : memref<!tpu.dma_semaphore, #tpu.memory_space<semaphore_mem>>
      %dma_start3A = arith.constant 0 : i32
      %dma_start3A_36 = tpu.memref_slice %arg6[%run_scoped3A_7, %dma_start3A] : memref<5x2000xi32, #tpu.memory_space<vmem>> -> memref<1x2000xi32, #tpu.memory_space<vmem>>
      %dma_start3A_37 = tpu.memref_squeeze %dma_start3A_36 : memref<1x2000xi32, #tpu.memory_space<vmem>> -> memref<2000xi32, #tpu.memory_space<vmem>>
      %dma_start3A_38 = tpu.memref_slice %arg2[%run_scoped3A, %add3A_6] : memref<2x320000xi32, #tpu.memory_space<hbm>> -> memref<1x2000xi32, #tpu.memory_space<hbm>>
      %dma_start3A_39 = tpu.memref_squeeze %dma_start3A_38 : memref<1x2000xi32, #tpu.memory_space<hbm>> -> memref<2000xi32, #tpu.memory_space<hbm>>
      %dma_start3A_40 = arith.constant 0 : i32
      %dma_start3A_41 = tpu.memref_slice %arg6[%run_scoped3A_7, %dma_start3A_40] : memref<5x2000xi32, #tpu.memory_space<vmem>> -> memref<1x2000xi32, #tpu.memory_space<vmem>>
      %dma_start3A_42 = tpu.memref_squeeze %dma_start3A_41 : memref<1x2000xi32, #tpu.memory_space<vmem>> -> memref<2000xi32, #tpu.memory_space<vmem>>
      %dma_start3A_43 = tpu.memref_slice %arg2[%run_scoped3A, %add3A_6] : memref<2x320000xi32, #tpu.memory_space<hbm>> -> memref<1x2000xi32, #tpu.memory_space<hbm>>
      %dma_start3A_44 = tpu.memref_squeeze %dma_start3A_43 : memref<1x2000xi32, #tpu.memory_space<hbm>> -> memref<2000xi32, #tpu.memory_space<hbm>>
      tpu.enqueue_dma source(%dma_start3A_44 : memref<2000xi32, #tpu.memory_space<hbm>>) target(%dma_start3A_42 : memref<2000xi32, #tpu.memory_space<vmem>>) target_semaphore(%run_scoped3A_35 : memref<!tpu.dma_semaphore, #tpu.memory_space<semaphore_mem>>)
      %dma_wait3A = arith.constant 0 : i32
      %dma_wait3A_45 = tpu.memref_slice %arg6[%run_scoped3A_7, %dma_wait3A] : memref<5x2000xi32, #tpu.memory_space<vmem>> -> memref<1x2000xi32, #tpu.memory_space<vmem>>
      %dma_wait3A_46 = tpu.memref_squeeze %dma_wait3A_45 : memref<1x2000xi32, #tpu.memory_space<vmem>> -> memref<2000xi32, #tpu.memory_space<vmem>>
      %dma_wait3A_47 = tpu.memref_slice %arg2[%run_scoped3A, %add3A_6] : memref<2x320000xi32, #tpu.memory_space<hbm>> -> memref<1x2000xi32, #tpu.memory_space<hbm>>
      %dma_wait3A_48 = tpu.memref_squeeze %dma_wait3A_47 : memref<1x2000xi32, #tpu.memory_space<hbm>> -> memref<2000xi32, #tpu.memory_space<hbm>>
      %dma_wait3A_49 = arith.constant 0 : i32
      %dma_wait3A_50 = tpu.memref_slice %arg6[%run_scoped3A_7, %dma_wait3A_49] : memref<5x2000xi32, #tpu.memory_space<vmem>> -> memref<1x2000xi32, #tpu.memory_space<vmem>>
      %dma_wait3A_51 = tpu.memref_squeeze %dma_wait3A_50 : memref<1x2000xi32, #tpu.memory_space<vmem>> -> memref<2000xi32, #tpu.memory_space<vmem>>
      %dma_wait3A_52 = tpu.memref_slice %arg2[%run_scoped3A, %add3A_6] : memref<2x320000xi32, #tpu.memory_space<hbm>> -> memref<1x2000xi32, #tpu.memory_space<hbm>>
      %dma_wait3A_53 = tpu.memref_squeeze %dma_wait3A_52 : memref<1x2000xi32, #tpu.memory_space<hbm>> -> memref<2000xi32, #tpu.memory_space<hbm>>
      tpu.wait_dma2 semaphore(%run_scoped3A_35 : memref<!tpu.dma_semaphore, #tpu.memory_space<semaphore_mem>>) src(%dma_wait3A_53 : memref<2000xi32, #tpu.memory_space<hbm>>) dst(%dma_wait3A_51 : memref<2000xi32, #tpu.memory_space<vmem>>)
      tpu.yield
    }) : () -> ()
    %run_scoped3A_8 = arith.constant 0 : i32
    "tpu.region"() ({
      %run_scoped3A_35 = tpu.sem_alloc : memref<!tpu.dma_semaphore, #tpu.memory_space<semaphore_mem>>
      %dma_start3A = arith.constant 0 : i32
      %dma_start3A_36 = tpu.memref_slice %arg6[%run_scoped3A_8, %dma_start3A] : memref<5x2000xi32, #tpu.memory_space<vmem>> -> memref<1x2000xi32, #tpu.memory_space<vmem>>
      %dma_start3A_37 = tpu.memref_squeeze %dma_start3A_36 : memref<1x2000xi32, #tpu.memory_space<vmem>> -> memref<2000xi32, #tpu.memory_space<vmem>>
      %dma_start3A_38 = arith.constant 0 : i32
      %dma_start3A_39 = arith.constant 0 : i32
      %dma_start3A_40 = tpu.memref_slice %arg9[%dma_start3A_38, %dma_start3A_39] : memref<10240x16xf32, #tpu.memory_space<vmem_shared>> -> memref<10240x16xf32, #tpu.memory_space<vmem_shared>>
      tpu.enqueue_indirect_dma source(%arg7 : memref<2000x16xf32, #tpu.memory_space<vmem>>) target(%dma_start3A_40 : memref<10240x16xf32, #tpu.memory_space<vmem_shared>>) offsets(%dma_start3A_37 : memref<2000xi32, #tpu.memory_space<vmem>>) semaphore(%run_scoped3A_35 : memref<!tpu.dma_semaphore, #tpu.memory_space<semaphore_mem>>) {add = true}
      %dma_wait3A = arith.constant 0 : i32
      %dma_wait3A_41 = tpu.memref_slice %arg6[%run_scoped3A_8, %dma_wait3A] : memref<5x2000xi32, #tpu.memory_space<vmem>> -> memref<1x2000xi32, #tpu.memory_space<vmem>>
      %dma_wait3A_42 = tpu.memref_squeeze %dma_wait3A_41 : memref<1x2000xi32, #tpu.memory_space<vmem>> -> memref<2000xi32, #tpu.memory_space<vmem>>
      %dma_wait3A_43 = arith.constant 0 : i32
      %dma_wait3A_44 = arith.constant 0 : i32
      %dma_wait3A_45 = tpu.memref_slice %arg9[%dma_wait3A_43, %dma_wait3A_44] : memref<10240x16xf32, #tpu.memory_space<vmem_shared>> -> memref<10240x16xf32, #tpu.memory_space<vmem_shared>>
      tpu.wait_indirect_dma semaphore(%run_scoped3A_35 : memref<!tpu.dma_semaphore, #tpu.memory_space<semaphore_mem>>) src(%arg7 : memref<2000x16xf32, #tpu.memory_space<vmem>>) dst(%dma_wait3A_45 : memref<10240x16xf32, #tpu.memory_space<vmem_shared>>)
      tpu.yield
    }) : () -> ()
    %add3A_9 = arith.constant 2000 : i32
    %add3A_10 = arith.addi %mul3A_2, %add3A_9 : i32
    %run_scoped3A_11 = arith.constant 1 : i32
    %run_scoped3A_12 = arith.constant 1 : i32
    "tpu.region"() ({
      %run_scoped3A_35 = tpu.sem_alloc : memref<!tpu.dma_semaphore, #tpu.memory_space<semaphore_mem>>
      %dma_start3A = arith.constant 0 : i32
      %dma_start3A_36 = tpu.memref_slice %arg6[%run_scoped3A_12, %dma_start3A] : memref<5x2000xi32, #tpu.memory_space<vmem>> -> memref<1x2000xi32, #tpu.memory_space<vmem>>
      %dma_start3A_37 = tpu.memref_squeeze %dma_start3A_36 : memref<1x2000xi32, #tpu.memory_space<vmem>> -> memref<2000xi32, #tpu.memory_space<vmem>>
      %dma_start3A_38 = tpu.memref_slice %arg2[%run_scoped3A_11, %add3A_10] : memref<2x320000xi32, #tpu.memory_space<hbm>> -> memref<1x2000xi32, #tpu.memory_space<hbm>>
      %dma_start3A_39 = tpu.memref_squeeze %dma_start3A_38 : memref<1x2000xi32, #tpu.memory_space<hbm>> -> memref<2000xi32, #tpu.memory_space<hbm>>
      %dma_start3A_40 = arith.constant 0 : i32
      %dma_start3A_41 = tpu.memref_slice %arg6[%run_scoped3A_12, %dma_start3A_40] : memref<5x2000xi32, #tpu.memory_space<vmem>> -> memref<1x2000xi32, #tpu.memory_space<vmem>>
      %dma_start3A_42 = tpu.memref_squeeze %dma_start3A_41 : memref<1x2000xi32, #tpu.memory_space<vmem>> -> memref<2000xi32, #tpu.memory_space<vmem>>
      %dma_start3A_43 = tpu.memref_slice %arg2[%run_scoped3A_11, %add3A_10] : memref<2x320000xi32, #tpu.memory_space<hbm>> -> memref<1x2000xi32, #tpu.memory_space<hbm>>
      %dma_start3A_44 = tpu.memref_squeeze %dma_start3A_43 : memref<1x2000xi32, #tpu.memory_space<hbm>> -> memref<2000xi32, #tpu.memory_space<hbm>>
      tpu.enqueue_dma source(%dma_start3A_44 : memref<2000xi32, #tpu.memory_space<hbm>>) target(%dma_start3A_42 : memref<2000xi32, #tpu.memory_space<vmem>>) target_semaphore(%run_scoped3A_35 : memref<!tpu.dma_semaphore, #tpu.memory_space<semaphore_mem>>)
      %dma_wait3A = arith.constant 0 : i32
      %dma_wait3A_45 = tpu.memref_slice %arg6[%run_scoped3A_12, %dma_wait3A] : memref<5x2000xi32, #tpu.memory_space<vmem>> -> memref<1x2000xi32, #tpu.memory_space<vmem>>
      %dma_wait3A_46 = tpu.memref_squeeze %dma_wait3A_45 : memref<1x2000xi32, #tpu.memory_space<vmem>> -> memref<2000xi32, #tpu.memory_space<vmem>>
      %dma_wait3A_47 = tpu.memref_slice %arg2[%run_scoped3A_11, %add3A_10] : memref<2x320000xi32, #tpu.memory_space<hbm>> -> memref<1x2000xi32, #tpu.memory_space<hbm>>
      %dma_wait3A_48 = tpu.memref_squeeze %dma_wait3A_47 : memref<1x2000xi32, #tpu.memory_space<hbm>> -> memref<2000xi32, #tpu.memory_space<hbm>>
      %dma_wait3A_49 = arith.constant 0 : i32
      %dma_wait3A_50 = tpu.memref_slice %arg6[%run_scoped3A_12, %dma_wait3A_49] : memref<5x2000xi32, #tpu.memory_space<vmem>> -> memref<1x2000xi32, #tpu.memory_space<vmem>>
      %dma_wait3A_51 = tpu.memref_squeeze %dma_wait3A_50 : memref<1x2000xi32, #tpu.memory_space<vmem>> -> memref<2000xi32, #tpu.memory_space<vmem>>
      %dma_wait3A_52 = tpu.memref_slice %arg2[%run_scoped3A_11, %add3A_10] : memref<2x320000xi32, #tpu.memory_space<hbm>> -> memref<1x2000xi32, #tpu.memory_space<hbm>>
      %dma_wait3A_53 = tpu.memref_squeeze %dma_wait3A_52 : memref<1x2000xi32, #tpu.memory_space<hbm>> -> memref<2000xi32, #tpu.memory_space<hbm>>
      tpu.wait_dma2 semaphore(%run_scoped3A_35 : memref<!tpu.dma_semaphore, #tpu.memory_space<semaphore_mem>>) src(%dma_wait3A_53 : memref<2000xi32, #tpu.memory_space<hbm>>) dst(%dma_wait3A_51 : memref<2000xi32, #tpu.memory_space<vmem>>)
      tpu.yield
    }) : () -> ()
    %run_scoped3A_13 = arith.constant 1 : i32
    "tpu.region"() ({
      %run_scoped3A_35 = tpu.sem_alloc : memref<!tpu.dma_semaphore, #tpu.memory_space<semaphore_mem>>
      %dma_start3A = arith.constant 0 : i32
      %dma_start3A_36 = tpu.memref_slice %arg6[%run_scoped3A_13, %dma_start3A] : memref<5x2000xi32, #tpu.memory_space<vmem>> -> memref<1x2000xi32, #tpu.memory_space<vmem>>
      %dma_start3A_37 = tpu.memref_squeeze %dma_start3A_36 : memref<1x2000xi32, #tpu.memory_space<vmem>> -> memref<2000xi32, #tpu.memory_space<vmem>>
      %dma_start3A_38 = arith.constant 0 : i32
      %dma_start3A_39 = arith.constant 0 : i32
      %dma_start3A_40 = tpu.memref_slice %arg9[%dma_start3A_38, %dma_start3A_39] : memref<10240x16xf32, #tpu.memory_space<vmem_shared>> -> memref<10240x16xf32, #tpu.memory_space<vmem_shared>>
      tpu.enqueue_indirect_dma source(%arg7 : memref<2000x16xf32, #tpu.memory_space<vmem>>) target(%dma_start3A_40 : memref<10240x16xf32, #tpu.memory_space<vmem_shared>>) offsets(%dma_start3A_37 : memref<2000xi32, #tpu.memory_space<vmem>>) semaphore(%run_scoped3A_35 : memref<!tpu.dma_semaphore, #tpu.memory_space<semaphore_mem>>) {add = true}
      %dma_wait3A = arith.constant 0 : i32
      %dma_wait3A_41 = tpu.memref_slice %arg6[%run_scoped3A_13, %dma_wait3A] : memref<5x2000xi32, #tpu.memory_space<vmem>> -> memref<1x2000xi32, #tpu.memory_space<vmem>>
      %dma_wait3A_42 = tpu.memref_squeeze %dma_wait3A_41 : memref<1x2000xi32, #tpu.memory_space<vmem>> -> memref<2000xi32, #tpu.memory_space<vmem>>
      %dma_wait3A_43 = arith.constant 0 : i32
      %dma_wait3A_44 = arith.constant 0 : i32
      %dma_wait3A_45 = tpu.memref_slice %arg9[%dma_wait3A_43, %dma_wait3A_44] : memref<10240x16xf32, #tpu.memory_space<vmem_shared>> -> memref<10240x16xf32, #tpu.memory_space<vmem_shared>>
      tpu.wait_indirect_dma semaphore(%run_scoped3A_35 : memref<!tpu.dma_semaphore, #tpu.memory_space<semaphore_mem>>) src(%arg7 : memref<2000x16xf32, #tpu.memory_space<vmem>>) dst(%dma_wait3A_45 : memref<10240x16xf32, #tpu.memory_space<vmem_shared>>)
      tpu.yield
    }) : () -> ()
    %add3A_14 = arith.constant 4000 : i32
    %add3A_15 = arith.addi %mul3A_2, %add3A_14 : i32
    %run_scoped3A_16 = arith.constant 1 : i32
    %run_scoped3A_17 = arith.constant 2 : i32
    "tpu.region"() ({
      %run_scoped3A_35 = tpu.sem_alloc : memref<!tpu.dma_semaphore, #tpu.memory_space<semaphore_mem>>
      %dma_start3A = arith.constant 0 : i32
      %dma_start3A_36 = tpu.memref_slice %arg6[%run_scoped3A_17, %dma_start3A] : memref<5x2000xi32, #tpu.memory_space<vmem>> -> memref<1x2000xi32, #tpu.memory_space<vmem>>
      %dma_start3A_37 = tpu.memref_squeeze %dma_start3A_36 : memref<1x2000xi32, #tpu.memory_space<vmem>> -> memref<2000xi32, #tpu.memory_space<vmem>>
      %dma_start3A_38 = tpu.memref_slice %arg2[%run_scoped3A_16, %add3A_15] : memref<2x320000xi32, #tpu.memory_space<hbm>> -> memref<1x2000xi32, #tpu.memory_space<hbm>>
      %dma_start3A_39 = tpu.memref_squeeze %dma_start3A_38 : memref<1x2000xi32, #tpu.memory_space<hbm>> -> memref<2000xi32, #tpu.memory_space<hbm>>
      %dma_start3A_40 = arith.constant 0 : i32
      %dma_start3A_41 = tpu.memref_slice %arg6[%run_scoped3A_17, %dma_start3A_40] : memref<5x2000xi32, #tpu.memory_space<vmem>> -> memref<1x2000xi32, #tpu.memory_space<vmem>>
      %dma_start3A_42 = tpu.memref_squeeze %dma_start3A_41 : memref<1x2000xi32, #tpu.memory_space<vmem>> -> memref<2000xi32, #tpu.memory_space<vmem>>
      %dma_start3A_43 = tpu.memref_slice %arg2[%run_scoped3A_16, %add3A_15] : memref<2x320000xi32, #tpu.memory_space<hbm>> -> memref<1x2000xi32, #tpu.memory_space<hbm>>
      %dma_start3A_44 = tpu.memref_squeeze %dma_start3A_43 : memref<1x2000xi32, #tpu.memory_space<hbm>> -> memref<2000xi32, #tpu.memory_space<hbm>>
      tpu.enqueue_dma source(%dma_start3A_44 : memref<2000xi32, #tpu.memory_space<hbm>>) target(%dma_start3A_42 : memref<2000xi32, #tpu.memory_space<vmem>>) target_semaphore(%run_scoped3A_35 : memref<!tpu.dma_semaphore, #tpu.memory_space<semaphore_mem>>)
      %dma_wait3A = arith.constant 0 : i32
      %dma_wait3A_45 = tpu.memref_slice %arg6[%run_scoped3A_17, %dma_wait3A] : memref<5x2000xi32, #tpu.memory_space<vmem>> -> memref<1x2000xi32, #tpu.memory_space<vmem>>
      %dma_wait3A_46 = tpu.memref_squeeze %dma_wait3A_45 : memref<1x2000xi32, #tpu.memory_space<vmem>> -> memref<2000xi32, #tpu.memory_space<vmem>>
      %dma_wait3A_47 = tpu.memref_slice %arg2[%run_scoped3A_16, %add3A_15] : memref<2x320000xi32, #tpu.memory_space<hbm>> -> memref<1x2000xi32, #tpu.memory_space<hbm>>
      %dma_wait3A_48 = tpu.memref_squeeze %dma_wait3A_47 : memref<1x2000xi32, #tpu.memory_space<hbm>> -> memref<2000xi32, #tpu.memory_space<hbm>>
      %dma_wait3A_49 = arith.constant 0 : i32
      %dma_wait3A_50 = tpu.memref_slice %arg6[%run_scoped3A_17, %dma_wait3A_49] : memref<5x2000xi32, #tpu.memory_space<vmem>> -> memref<1x2000xi32, #tpu.memory_space<vmem>>
      %dma_wait3A_51 = tpu.memref_squeeze %dma_wait3A_50 : memref<1x2000xi32, #tpu.memory_space<vmem>> -> memref<2000xi32, #tpu.memory_space<vmem>>
      %dma_wait3A_52 = tpu.memref_slice %arg2[%run_scoped3A_16, %add3A_15] : memref<2x320000xi32, #tpu.memory_space<hbm>> -> memref<1x2000xi32, #tpu.memory_space<hbm>>
      %dma_wait3A_53 = tpu.memref_squeeze %dma_wait3A_52 : memref<1x2000xi32, #tpu.memory_space<hbm>> -> memref<2000xi32, #tpu.memory_space<hbm>>
      tpu.wait_dma2 semaphore(%run_scoped3A_35 : memref<!tpu.dma_semaphore, #tpu.memory_space<semaphore_mem>>) src(%dma_wait3A_53 : memref<2000xi32, #tpu.memory_space<hbm>>) dst(%dma_wait3A_51 : memref<2000xi32, #tpu.memory_space<vmem>>)
      tpu.yield
    }) : () -> ()
    %run_scoped3A_18 = arith.constant 2 : i32
    "tpu.region"() ({
      %run_scoped3A_35 = tpu.sem_alloc : memref<!tpu.dma_semaphore, #tpu.memory_space<semaphore_mem>>
      %dma_start3A = arith.constant 0 : i32
      %dma_start3A_36 = tpu.memref_slice %arg6[%run_scoped3A_18, %dma_start3A] : memref<5x2000xi32, #tpu.memory_space<vmem>> -> memref<1x2000xi32, #tpu.memory_space<vmem>>
      %dma_start3A_37 = tpu.memref_squeeze %dma_start3A_36 : memref<1x2000xi32, #tpu.memory_space<vmem>> -> memref<2000xi32, #tpu.memory_space<vmem>>
      %dma_start3A_38 = arith.constant 0 : i32
      %dma_start3A_39 = arith.constant 0 : i32
      %dma_start3A_40 = tpu.memref_slice %arg9[%dma_start3A_38, %dma_start3A_39] : memref<10240x16xf32, #tpu.memory_space<vmem_shared>> -> memref<10240x16xf32, #tpu.memory_space<vmem_shared>>
      tpu.enqueue_indirect_dma source(%arg7 : memref<2000x16xf32, #tpu.memory_space<vmem>>) target(%dma_start3A_40 : memref<10240x16xf32, #tpu.memory_space<vmem_shared>>) offsets(%dma_start3A_37 : memref<2000xi32, #tpu.memory_space<vmem>>) semaphore(%run_scoped3A_35 : memref<!tpu.dma_semaphore, #tpu.memory_space<semaphore_mem>>) {add = true}
      %dma_wait3A = arith.constant 0 : i32
      %dma_wait3A_41 = tpu.memref_slice %arg6[%run_scoped3A_18, %dma_wait3A] : memref<5x2000xi32, #tpu.memory_space<vmem>> -> memref<1x2000xi32, #tpu.memory_space<vmem>>
      %dma_wait3A_42 = tpu.memref_squeeze %dma_wait3A_41 : memref<1x2000xi32, #tpu.memory_space<vmem>> -> memref<2000xi32, #tpu.memory_space<vmem>>
      %dma_wait3A_43 = arith.constant 0 : i32
      %dma_wait3A_44 = arith.constant 0 : i32
      %dma_wait3A_45 = tpu.memref_slice %arg9[%dma_wait3A_43, %dma_wait3A_44] : memref<10240x16xf32, #tpu.memory_space<vmem_shared>> -> memref<10240x16xf32, #tpu.memory_space<vmem_shared>>
      tpu.wait_indirect_dma semaphore(%run_scoped3A_35 : memref<!tpu.dma_semaphore, #tpu.memory_space<semaphore_mem>>) src(%arg7 : memref<2000x16xf32, #tpu.memory_space<vmem>>) dst(%dma_wait3A_45 : memref<10240x16xf32, #tpu.memory_space<vmem_shared>>)
      tpu.yield
    }) : () -> ()
    %add3A_19 = arith.constant 6000 : i32
    %add3A_20 = arith.addi %mul3A_2, %add3A_19 : i32
    %run_scoped3A_21 = arith.constant 1 : i32
    %run_scoped3A_22 = arith.constant 3 : i32
    "tpu.region"() ({
      %run_scoped3A_35 = tpu.sem_alloc : memref<!tpu.dma_semaphore, #tpu.memory_space<semaphore_mem>>
      %dma_start3A = arith.constant 0 : i32
      %dma_start3A_36 = tpu.memref_slice %arg6[%run_scoped3A_22, %dma_start3A] : memref<5x2000xi32, #tpu.memory_space<vmem>> -> memref<1x2000xi32, #tpu.memory_space<vmem>>
      %dma_start3A_37 = tpu.memref_squeeze %dma_start3A_36 : memref<1x2000xi32, #tpu.memory_space<vmem>> -> memref<2000xi32, #tpu.memory_space<vmem>>
      %dma_start3A_38 = tpu.memref_slice %arg2[%run_scoped3A_21, %add3A_20] : memref<2x320000xi32, #tpu.memory_space<hbm>> -> memref<1x2000xi32, #tpu.memory_space<hbm>>
      %dma_start3A_39 = tpu.memref_squeeze %dma_start3A_38 : memref<1x2000xi32, #tpu.memory_space<hbm>> -> memref<2000xi32, #tpu.memory_space<hbm>>
      %dma_start3A_40 = arith.constant 0 : i32
      %dma_start3A_41 = tpu.memref_slice %arg6[%run_scoped3A_22, %dma_start3A_40] : memref<5x2000xi32, #tpu.memory_space<vmem>> -> memref<1x2000xi32, #tpu.memory_space<vmem>>
      %dma_start3A_42 = tpu.memref_squeeze %dma_start3A_41 : memref<1x2000xi32, #tpu.memory_space<vmem>> -> memref<2000xi32, #tpu.memory_space<vmem>>
      %dma_start3A_43 = tpu.memref_slice %arg2[%run_scoped3A_21, %add3A_20] : memref<2x320000xi32, #tpu.memory_space<hbm>> -> memref<1x2000xi32, #tpu.memory_space<hbm>>
      %dma_start3A_44 = tpu.memref_squeeze %dma_start3A_43 : memref<1x2000xi32, #tpu.memory_space<hbm>> -> memref<2000xi32, #tpu.memory_space<hbm>>
      tpu.enqueue_dma source(%dma_start3A_44 : memref<2000xi32, #tpu.memory_space<hbm>>) target(%dma_start3A_42 : memref<2000xi32, #tpu.memory_space<vmem>>) target_semaphore(%run_scoped3A_35 : memref<!tpu.dma_semaphore, #tpu.memory_space<semaphore_mem>>)
      %dma_wait3A = arith.constant 0 : i32
      %dma_wait3A_45 = tpu.memref_slice %arg6[%run_scoped3A_22, %dma_wait3A] : memref<5x2000xi32, #tpu.memory_space<vmem>> -> memref<1x2000xi32, #tpu.memory_space<vmem>>
      %dma_wait3A_46 = tpu.memref_squeeze %dma_wait3A_45 : memref<1x2000xi32, #tpu.memory_space<vmem>> -> memref<2000xi32, #tpu.memory_space<vmem>>
      %dma_wait3A_47 = tpu.memref_slice %arg2[%run_scoped3A_21, %add3A_20] : memref<2x320000xi32, #tpu.memory_space<hbm>> -> memref<1x2000xi32, #tpu.memory_space<hbm>>
      %dma_wait3A_48 = tpu.memref_squeeze %dma_wait3A_47 : memref<1x2000xi32, #tpu.memory_space<hbm>> -> memref<2000xi32, #tpu.memory_space<hbm>>
      %dma_wait3A_49 = arith.constant 0 : i32
      %dma_wait3A_50 = tpu.memref_slice %arg6[%run_scoped3A_22, %dma_wait3A_49] : memref<5x2000xi32, #tpu.memory_space<vmem>> -> memref<1x2000xi32, #tpu.memory_space<vmem>>
      %dma_wait3A_51 = tpu.memref_squeeze %dma_wait3A_50 : memref<1x2000xi32, #tpu.memory_space<vmem>> -> memref<2000xi32, #tpu.memory_space<vmem>>
      %dma_wait3A_52 = tpu.memref_slice %arg2[%run_scoped3A_21, %add3A_20] : memref<2x320000xi32, #tpu.memory_space<hbm>> -> memref<1x2000xi32, #tpu.memory_space<hbm>>
      %dma_wait3A_53 = tpu.memref_squeeze %dma_wait3A_52 : memref<1x2000xi32, #tpu.memory_space<hbm>> -> memref<2000xi32, #tpu.memory_space<hbm>>
      tpu.wait_dma2 semaphore(%run_scoped3A_35 : memref<!tpu.dma_semaphore, #tpu.memory_space<semaphore_mem>>) src(%dma_wait3A_53 : memref<2000xi32, #tpu.memory_space<hbm>>) dst(%dma_wait3A_51 : memref<2000xi32, #tpu.memory_space<vmem>>)
      tpu.yield
    }) : () -> ()
    %run_scoped3A_23 = arith.constant 3 : i32
    "tpu.region"() ({
      %run_scoped3A_35 = tpu.sem_alloc : memref<!tpu.dma_semaphore, #tpu.memory_space<semaphore_mem>>
      %dma_start3A = arith.constant 0 : i32
      %dma_start3A_36 = tpu.memref_slice %arg6[%run_scoped3A_23, %dma_start3A] : memref<5x2000xi32, #tpu.memory_space<vmem>> -> memref<1x2000xi32, #tpu.memory_space<vmem>>
      %dma_start3A_37 = tpu.memref_squeeze %dma_start3A_36 : memref<1x2000xi32, #tpu.memory_space<vmem>> -> memref<2000xi32, #tpu.memory_space<vmem>>
      %dma_start3A_38 = arith.constant 0 : i32
      %dma_start3A_39 = arith.constant 0 : i32
      %dma_start3A_40 = tpu.memref_slice %arg9[%dma_start3A_38, %dma_start3A_39] : memref<10240x16xf32, #tpu.memory_space<vmem_shared>> -> memref<10240x16xf32, #tpu.memory_space<vmem_shared>>
      tpu.enqueue_indirect_dma source(%arg7 : memref<2000x16xf32, #tpu.memory_space<vmem>>) target(%dma_start3A_40 : memref<10240x16xf32, #tpu.memory_space<vmem_shared>>) offsets(%dma_start3A_37 : memref<2000xi32, #tpu.memory_space<vmem>>) semaphore(%run_scoped3A_35 : memref<!tpu.dma_semaphore, #tpu.memory_space<semaphore_mem>>) {add = true}
      %dma_wait3A = arith.constant 0 : i32
      %dma_wait3A_41 = tpu.memref_slice %arg6[%run_scoped3A_23, %dma_wait3A] : memref<5x2000xi32, #tpu.memory_space<vmem>> -> memref<1x2000xi32, #tpu.memory_space<vmem>>
      %dma_wait3A_42 = tpu.memref_squeeze %dma_wait3A_41 : memref<1x2000xi32, #tpu.memory_space<vmem>> -> memref<2000xi32, #tpu.memory_space<vmem>>
      %dma_wait3A_43 = arith.constant 0 : i32
      %dma_wait3A_44 = arith.constant 0 : i32
      %dma_wait3A_45 = tpu.memref_slice %arg9[%dma_wait3A_43, %dma_wait3A_44] : memref<10240x16xf32, #tpu.memory_space<vmem_shared>> -> memref<10240x16xf32, #tpu.memory_space<vmem_shared>>
      tpu.wait_indirect_dma semaphore(%run_scoped3A_35 : memref<!tpu.dma_semaphore, #tpu.memory_space<semaphore_mem>>) src(%arg7 : memref<2000x16xf32, #tpu.memory_space<vmem>>) dst(%dma_wait3A_45 : memref<10240x16xf32, #tpu.memory_space<vmem_shared>>)
      tpu.yield
    }) : () -> ()
    %add3A_24 = arith.constant 8000 : i32
    %add3A_25 = arith.addi %mul3A_2, %add3A_24 : i32
    %run_scoped3A_26 = arith.constant 1 : i32
    %run_scoped3A_27 = arith.constant 4 : i32
    "tpu.region"() ({
      %run_scoped3A_35 = tpu.sem_alloc : memref<!tpu.dma_semaphore, #tpu.memory_space<semaphore_mem>>
      %dma_start3A = arith.constant 0 : i32
      %dma_start3A_36 = tpu.memref_slice %arg6[%run_scoped3A_27, %dma_start3A] : memref<5x2000xi32, #tpu.memory_space<vmem>> -> memref<1x2000xi32, #tpu.memory_space<vmem>>
      %dma_start3A_37 = tpu.memref_squeeze %dma_start3A_36 : memref<1x2000xi32, #tpu.memory_space<vmem>> -> memref<2000xi32, #tpu.memory_space<vmem>>
      %dma_start3A_38 = tpu.memref_slice %arg2[%run_scoped3A_26, %add3A_25] : memref<2x320000xi32, #tpu.memory_space<hbm>> -> memref<1x2000xi32, #tpu.memory_space<hbm>>
      %dma_start3A_39 = tpu.memref_squeeze %dma_start3A_38 : memref<1x2000xi32, #tpu.memory_space<hbm>> -> memref<2000xi32, #tpu.memory_space<hbm>>
      %dma_start3A_40 = arith.constant 0 : i32
      %dma_start3A_41 = tpu.memref_slice %arg6[%run_scoped3A_27, %dma_start3A_40] : memref<5x2000xi32, #tpu.memory_space<vmem>> -> memref<1x2000xi32, #tpu.memory_space<vmem>>
      %dma_start3A_42 = tpu.memref_squeeze %dma_start3A_41 : memref<1x2000xi32, #tpu.memory_space<vmem>> -> memref<2000xi32, #tpu.memory_space<vmem>>
      %dma_start3A_43 = tpu.memref_slice %arg2[%run_scoped3A_26, %add3A_25] : memref<2x320000xi32, #tpu.memory_space<hbm>> -> memref<1x2000xi32, #tpu.memory_space<hbm>>
      %dma_start3A_44 = tpu.memref_squeeze %dma_start3A_43 : memref<1x2000xi32, #tpu.memory_space<hbm>> -> memref<2000xi32, #tpu.memory_space<hbm>>
      tpu.enqueue_dma source(%dma_start3A_44 : memref<2000xi32, #tpu.memory_space<hbm>>) target(%dma_start3A_42 : memref<2000xi32, #tpu.memory_space<vmem>>) target_semaphore(%run_scoped3A_35 : memref<!tpu.dma_semaphore, #tpu.memory_space<semaphore_mem>>)
      %dma_wait3A = arith.constant 0 : i32
      %dma_wait3A_45 = tpu.memref_slice %arg6[%run_scoped3A_27, %dma_wait3A] : memref<5x2000xi32, #tpu.memory_space<vmem>> -> memref<1x2000xi32, #tpu.memory_space<vmem>>
      %dma_wait3A_46 = tpu.memref_squeeze %dma_wait3A_45 : memref<1x2000xi32, #tpu.memory_space<vmem>> -> memref<2000xi32, #tpu.memory_space<vmem>>
      %dma_wait3A_47 = tpu.memref_slice %arg2[%run_scoped3A_26, %add3A_25] : memref<2x320000xi32, #tpu.memory_space<hbm>> -> memref<1x2000xi32, #tpu.memory_space<hbm>>
      %dma_wait3A_48 = tpu.memref_squeeze %dma_wait3A_47 : memref<1x2000xi32, #tpu.memory_space<hbm>> -> memref<2000xi32, #tpu.memory_space<hbm>>
      %dma_wait3A_49 = arith.constant 0 : i32
      %dma_wait3A_50 = tpu.memref_slice %arg6[%run_scoped3A_27, %dma_wait3A_49] : memref<5x2000xi32, #tpu.memory_space<vmem>> -> memref<1x2000xi32, #tpu.memory_space<vmem>>
      %dma_wait3A_51 = tpu.memref_squeeze %dma_wait3A_50 : memref<1x2000xi32, #tpu.memory_space<vmem>> -> memref<2000xi32, #tpu.memory_space<vmem>>
      %dma_wait3A_52 = tpu.memref_slice %arg2[%run_scoped3A_26, %add3A_25] : memref<2x320000xi32, #tpu.memory_space<hbm>> -> memref<1x2000xi32, #tpu.memory_space<hbm>>
      %dma_wait3A_53 = tpu.memref_squeeze %dma_wait3A_52 : memref<1x2000xi32, #tpu.memory_space<hbm>> -> memref<2000xi32, #tpu.memory_space<hbm>>
      tpu.wait_dma2 semaphore(%run_scoped3A_35 : memref<!tpu.dma_semaphore, #tpu.memory_space<semaphore_mem>>) src(%dma_wait3A_53 : memref<2000xi32, #tpu.memory_space<hbm>>) dst(%dma_wait3A_51 : memref<2000xi32, #tpu.memory_space<vmem>>)
      tpu.yield
    }) : () -> ()
    %run_scoped3A_28 = arith.constant 4 : i32
    "tpu.region"() ({
      %run_scoped3A_35 = tpu.sem_alloc : memref<!tpu.dma_semaphore, #tpu.memory_space<semaphore_mem>>
      %dma_start3A = arith.constant 0 : i32
      %dma_start3A_36 = tpu.memref_slice %arg6[%run_scoped3A_28, %dma_start3A] : memref<5x2000xi32, #tpu.memory_space<vmem>> -> memref<1x2000xi32, #tpu.memory_space<vmem>>
      %dma_start3A_37 = tpu.memref_squeeze %dma_start3A_36 : memref<1x2000xi32, #tpu.memory_space<vmem>> -> memref<2000xi32, #tpu.memory_space<vmem>>
      %dma_start3A_38 = arith.constant 0 : i32
      %dma_start3A_39 = arith.constant 0 : i32
      %dma_start3A_40 = tpu.memref_slice %arg9[%dma_start3A_38, %dma_start3A_39] : memref<10240x16xf32, #tpu.memory_space<vmem_shared>> -> memref<10240x16xf32, #tpu.memory_space<vmem_shared>>
      tpu.enqueue_indirect_dma source(%arg7 : memref<2000x16xf32, #tpu.memory_space<vmem>>) target(%dma_start3A_40 : memref<10240x16xf32, #tpu.memory_space<vmem_shared>>) offsets(%dma_start3A_37 : memref<2000xi32, #tpu.memory_space<vmem>>) semaphore(%run_scoped3A_35 : memref<!tpu.dma_semaphore, #tpu.memory_space<semaphore_mem>>) {add = true}
      %dma_wait3A = arith.constant 0 : i32
      %dma_wait3A_41 = tpu.memref_slice %arg6[%run_scoped3A_28, %dma_wait3A] : memref<5x2000xi32, #tpu.memory_space<vmem>> -> memref<1x2000xi32, #tpu.memory_space<vmem>>
      %dma_wait3A_42 = tpu.memref_squeeze %dma_wait3A_41 : memref<1x2000xi32, #tpu.memory_space<vmem>> -> memref<2000xi32, #tpu.memory_space<vmem>>
      %dma_wait3A_43 = arith.constant 0 : i32
      %dma_wait3A_44 = arith.constant 0 : i32
      %dma_wait3A_45 = tpu.memref_slice %arg9[%dma_wait3A_43, %dma_wait3A_44] : memref<10240x16xf32, #tpu.memory_space<vmem_shared>> -> memref<10240x16xf32, #tpu.memory_space<vmem_shared>>
      tpu.wait_indirect_dma semaphore(%run_scoped3A_35 : memref<!tpu.dma_semaphore, #tpu.memory_space<semaphore_mem>>) src(%arg7 : memref<2000x16xf32, #tpu.memory_space<vmem>>) dst(%dma_wait3A_45 : memref<10240x16xf32, #tpu.memory_space<vmem_shared>>)
      tpu.yield
    }) : () -> ()
    %barrier3A_29 = arith.constant 0 : index
    tpu.barrier barrier_id(%barrier3A_29)
    %mul3A_30 = arith.constant 640 : i32
    %mul3A_31 = arith.muli %arg1, %mul3A_30 : i32
    "tpu.region"() ({
      %run_scoped3A_35 = tpu.sem_alloc : memref<!tpu.dma_semaphore, #tpu.memory_space<semaphore_mem>>
      %dma_start3A = arith.constant 0 : i32
      %dma_start3A_36 = tpu.memref_slice %arg9[%mul3A_31, %dma_start3A] : memref<10240x16xf32, #tpu.memory_space<vmem_shared>> -> memref<640x16xf32, #tpu.memory_space<vmem_shared>>
      %dma_start3A_37 = arith.constant 0 : i32
      %dma_start3A_38 = tpu.memref_slice %arg9[%mul3A_31, %dma_start3A_37] : memref<10240x16xf32, #tpu.memory_space<vmem_shared>> -> memref<640x16xf32, #tpu.memory_space<vmem_shared>>
      tpu.enqueue_dma source(%dma_start3A_38 : memref<640x16xf32, #tpu.memory_space<vmem_shared>>) target(%arg8 : memref<640x16xf32, #tpu.memory_space<vmem>>) target_semaphore(%run_scoped3A_35 : memref<!tpu.dma_semaphore, #tpu.memory_space<semaphore_mem>>)
      %dma_wait3A = arith.constant 0 : i32
      %dma_wait3A_39 = tpu.memref_slice %arg9[%mul3A_31, %dma_wait3A] : memref<10240x16xf32, #tpu.memory_space<vmem_shared>> -> memref<640x16xf32, #tpu.memory_space<vmem_shared>>
      %dma_wait3A_40 = arith.constant 0 : i32
      %dma_wait3A_41 = tpu.memref_slice %arg9[%mul3A_31, %dma_wait3A_40] : memref<10240x16xf32, #tpu.memory_space<vmem_shared>> -> memref<640x16xf32, #tpu.memory_space<vmem_shared>>
      tpu.wait_dma2 semaphore(%run_scoped3A_35 : memref<!tpu.dma_semaphore, #tpu.memory_space<semaphore_mem>>) src(%dma_wait3A_41 : memref<640x16xf32, #tpu.memory_space<vmem_shared>>) dst(%arg8 : memref<640x16xf32, #tpu.memory_space<vmem>>)
      tpu.yield
    }) : () -> ()
    %mul3A_32 = arith.constant 10240 : i32
    %mul3A_33 = arith.muli %arg0, %mul3A_32 : i32
    %add3A_34 = arith.addi %mul3A_33, %mul3A_31 : i32
    "tpu.region"() ({
      %run_scoped3A_35 = tpu.sem_alloc : memref<!tpu.dma_semaphore, #tpu.memory_space<semaphore_mem>>
      %dma_start3A = arith.constant 0 : i32
      %dma_start3A_36 = tpu.memref_slice %arg5[%add3A_34, %dma_start3A] : memref<20480x16xf32, #tpu.memory_space<hbm>> -> memref<640x16xf32, #tpu.memory_space<hbm>>
      %dma_start3A_37 = arith.constant 0 : i32
      %dma_start3A_38 = tpu.memref_slice %arg5[%add3A_34, %dma_start3A_37] : memref<20480x16xf32, #tpu.memory_space<hbm>> -> memref<640x16xf32, #tpu.memory_space<hbm>>
      tpu.enqueue_dma source(%arg8 : memref<640x16xf32, #tpu.memory_space<vmem>>) target(%dma_start3A_38 : memref<640x16xf32, #tpu.memory_space<hbm>>) target_semaphore(%run_scoped3A_35 : memref<!tpu.dma_semaphore, #tpu.memory_space<semaphore_mem>>)
      %dma_wait3A = arith.constant 0 : i32
      %dma_wait3A_39 = tpu.memref_slice %arg5[%add3A_34, %dma_wait3A] : memref<20480x16xf32, #tpu.memory_space<hbm>> -> memref<640x16xf32, #tpu.memory_space<hbm>>
      %dma_wait3A_40 = arith.constant 0 : i32
      %dma_wait3A_41 = tpu.memref_slice %arg5[%add3A_34, %dma_wait3A_40] : memref<20480x16xf32, #tpu.memory_space<hbm>> -> memref<640x16xf32, #tpu.memory_space<hbm>>
      tpu.wait_dma2 semaphore(%run_scoped3A_35 : memref<!tpu.dma_semaphore, #tpu.memory_space<semaphore_mem>>) src(%arg8 : memref<640x16xf32, #tpu.memory_space<vmem>>) dst(%dma_wait3A_41 : memref<640x16xf32, #tpu.memory_space<hbm>>)
      tpu.yield
    }) : () -> ()
    return
  }
}

#map = affine_map<(d0, d1) -> (0, 0)>
module attributes {stable_mosaic.version = 14 : i64} {
  func.func @body(%arg0: i32, %arg1: i32, %arg2: memref<10240x16xf32, #tpu.memory_space<hbm>>, %arg3: memref<2x320000xi32, #tpu.memory_space<hbm>>, %arg4: memref<640x16xf32, #tpu.memory_space<hbm>>, %arg5: memref<20480x16xf32, #tpu.memory_space<hbm>>, %arg6: memref<10000xi32, #tpu.memory_space<vmem>>, %arg7: memref<5x2000xi32, #tpu.memory_space<vmem>>, %arg8: memref<2000x16xf32, #tpu.memory_space<vmem>>, %arg9: memref<2000x16xf32, #tpu.memory_space<vmem>>, %arg10: memref<640x16xf32, #tpu.memory_space<vmem>>, %arg11: memref<10240x16xf32, #tpu.memory_space<vmem_shared>>, %arg12: memref<!tpu.dma_semaphore, #tpu.memory_space<semaphore_mem>>, %arg13: memref<!tpu.dma_semaphore, #tpu.memory_space<semaphore_mem>>) attributes {dimension_semantics = [#tpu.dimension_semantics<core_parallel>, #tpu.dimension_semantics<subcore_parallel>], iteration_bounds = array<i64: 2, 16>, scalar_prefetch = 0 : i64, scratch_operands = 8 : i64, tpu.core_type = #tpu.core_type<sc_vector_subcore>, window_params = [{transform_indices = #map}, {transform_indices = #map}, {transform_indices = #map}, {transform_indices = #map}]} {
    %mul3A = arith.constant 2 : i32
    %mul3A_0 = arith.muli %arg1, %mul3A : i32
    %add3A = arith.addi %mul3A_0, %arg0 : i32
    %mul3A_1 = arith.constant 10000 : i32
    %mul3A_2 = arith.muli %add3A, %mul3A_1 : i32
    "tpu.region"() ({
      %run_scoped3A_84 = tpu.sem_alloc : memref<!tpu.dma_semaphore, #tpu.memory_space<semaphore_mem>>
      %dma_start3A_85 = arith.constant 0 : i32
      %dma_start3A_86 = arith.constant 0 : i32
      %dma_start3A_87 = tpu.memref_slice %arg8[%dma_start3A_85, %dma_start3A_86] : memref<2000x16xf32, #tpu.memory_space<vmem>> -> memref<640x16xf32, #tpu.memory_space<vmem>>
      %dma_start3A_88 = arith.constant 0 : i32
      %dma_start3A_89 = arith.constant 0 : i32
      %dma_start3A_90 = tpu.memref_slice %arg8[%dma_start3A_88, %dma_start3A_89] : memref<2000x16xf32, #tpu.memory_space<vmem>> -> memref<640x16xf32, #tpu.memory_space<vmem>>
      tpu.enqueue_dma source(%arg4 : memref<640x16xf32, #tpu.memory_space<hbm>>) target(%dma_start3A_90 : memref<640x16xf32, #tpu.memory_space<vmem>>) target_semaphore(%run_scoped3A_84 : memref<!tpu.dma_semaphore, #tpu.memory_space<semaphore_mem>>)
      %dma_wait3A_91 = arith.constant 0 : i32
      %dma_wait3A_92 = arith.constant 0 : i32
      %dma_wait3A_93 = tpu.memref_slice %arg8[%dma_wait3A_91, %dma_wait3A_92] : memref<2000x16xf32, #tpu.memory_space<vmem>> -> memref<640x16xf32, #tpu.memory_space<vmem>>
      %dma_wait3A_94 = arith.constant 0 : i32
      %dma_wait3A_95 = arith.constant 0 : i32
      %dma_wait3A_96 = tpu.memref_slice %arg8[%dma_wait3A_94, %dma_wait3A_95] : memref<2000x16xf32, #tpu.memory_space<vmem>> -> memref<640x16xf32, #tpu.memory_space<vmem>>
      tpu.wait_dma2 semaphore(%run_scoped3A_84 : memref<!tpu.dma_semaphore, #tpu.memory_space<semaphore_mem>>) src(%arg4 : memref<640x16xf32, #tpu.memory_space<hbm>>) dst(%dma_wait3A_96 : memref<640x16xf32, #tpu.memory_space<vmem>>)
      tpu.yield
    }) : () -> ()
    %mul3A_3 = arith.constant 640 : i32
    %mul3A_4 = arith.muli %arg1, %mul3A_3 : i32
    "tpu.region"() ({
      %run_scoped3A_84 = tpu.sem_alloc : memref<!tpu.dma_semaphore, #tpu.memory_space<semaphore_mem>>
      %dma_start3A_85 = arith.constant 0 : i32
      %dma_start3A_86 = arith.constant 0 : i32
      %dma_start3A_87 = tpu.memref_slice %arg8[%dma_start3A_85, %dma_start3A_86] : memref<2000x16xf32, #tpu.memory_space<vmem>> -> memref<640x16xf32, #tpu.memory_space<vmem>>
      %dma_start3A_88 = arith.constant 0 : i32
      %dma_start3A_89 = tpu.memref_slice %arg11[%mul3A_4, %dma_start3A_88] : memref<10240x16xf32, #tpu.memory_space<vmem_shared>> -> memref<640x16xf32, #tpu.memory_space<vmem_shared>>
      %dma_start3A_90 = arith.constant 0 : i32
      %dma_start3A_91 = tpu.memref_slice %arg11[%mul3A_4, %dma_start3A_90] : memref<10240x16xf32, #tpu.memory_space<vmem_shared>> -> memref<640x16xf32, #tpu.memory_space<vmem_shared>>
      %dma_start3A_92 = arith.constant 0 : i32
      %dma_start3A_93 = arith.constant 0 : i32
      %dma_start3A_94 = tpu.memref_slice %arg8[%dma_start3A_92, %dma_start3A_93] : memref<2000x16xf32, #tpu.memory_space<vmem>> -> memref<640x16xf32, #tpu.memory_space<vmem>>
      tpu.enqueue_dma source(%dma_start3A_94 : memref<640x16xf32, #tpu.memory_space<vmem>>) target(%dma_start3A_91 : memref<640x16xf32, #tpu.memory_space<vmem_shared>>) target_semaphore(%run_scoped3A_84 : memref<!tpu.dma_semaphore, #tpu.memory_space<semaphore_mem>>)
      %dma_wait3A_95 = arith.constant 0 : i32
      %dma_wait3A_96 = arith.constant 0 : i32
      %dma_wait3A_97 = tpu.memref_slice %arg8[%dma_wait3A_95, %dma_wait3A_96] : memref<2000x16xf32, #tpu.memory_space<vmem>> -> memref<640x16xf32, #tpu.memory_space<vmem>>
      %dma_wait3A_98 = arith.constant 0 : i32
      %dma_wait3A_99 = tpu.memref_slice %arg11[%mul3A_4, %dma_wait3A_98] : memref<10240x16xf32, #tpu.memory_space<vmem_shared>> -> memref<640x16xf32, #tpu.memory_space<vmem_shared>>
      %dma_wait3A_100 = arith.constant 0 : i32
      %dma_wait3A_101 = tpu.memref_slice %arg11[%mul3A_4, %dma_wait3A_100] : memref<10240x16xf32, #tpu.memory_space<vmem_shared>> -> memref<640x16xf32, #tpu.memory_space<vmem_shared>>
      %dma_wait3A_102 = arith.constant 0 : i32
      %dma_wait3A_103 = arith.constant 0 : i32
      %dma_wait3A_104 = tpu.memref_slice %arg8[%dma_wait3A_102, %dma_wait3A_103] : memref<2000x16xf32, #tpu.memory_space<vmem>> -> memref<640x16xf32, #tpu.memory_space<vmem>>
      tpu.wait_dma2 semaphore(%run_scoped3A_84 : memref<!tpu.dma_semaphore, #tpu.memory_space<semaphore_mem>>) src(%dma_wait3A_104 : memref<640x16xf32, #tpu.memory_space<vmem>>) dst(%dma_wait3A_101 : memref<640x16xf32, #tpu.memory_space<vmem_shared>>)
      tpu.yield
    }) : () -> ()
    %barrier3A = arith.constant 0 : index
    tpu.barrier barrier_id(%barrier3A)
    %run_scoped3A = arith.constant 0 : i32
    "tpu.region"() ({
      %run_scoped3A_84 = tpu.sem_alloc : memref<!tpu.dma_semaphore, #tpu.memory_space<semaphore_mem>>
      %dma_start3A_85 = tpu.memref_slice %arg3[%run_scoped3A, %mul3A_2] : memref<2x320000xi32, #tpu.memory_space<hbm>> -> memref<1x10000xi32, #tpu.memory_space<hbm>>
      %dma_start3A_86 = tpu.memref_squeeze %dma_start3A_85 : memref<1x10000xi32, #tpu.memory_space<hbm>> -> memref<10000xi32, #tpu.memory_space<hbm>>
      %dma_start3A_87 = tpu.memref_slice %arg3[%run_scoped3A, %mul3A_2] : memref<2x320000xi32, #tpu.memory_space<hbm>> -> memref<1x10000xi32, #tpu.memory_space<hbm>>
      %dma_start3A_88 = tpu.memref_squeeze %dma_start3A_87 : memref<1x10000xi32, #tpu.memory_space<hbm>> -> memref<10000xi32, #tpu.memory_space<hbm>>
      tpu.enqueue_dma source(%dma_start3A_88 : memref<10000xi32, #tpu.memory_space<hbm>>) target(%arg6 : memref<10000xi32, #tpu.memory_space<vmem>>) target_semaphore(%run_scoped3A_84 : memref<!tpu.dma_semaphore, #tpu.memory_space<semaphore_mem>>)
      %dma_wait3A_89 = tpu.memref_slice %arg3[%run_scoped3A, %mul3A_2] : memref<2x320000xi32, #tpu.memory_space<hbm>> -> memref<1x10000xi32, #tpu.memory_space<hbm>>
      %dma_wait3A_90 = tpu.memref_squeeze %dma_wait3A_89 : memref<1x10000xi32, #tpu.memory_space<hbm>> -> memref<10000xi32, #tpu.memory_space<hbm>>
      %dma_wait3A_91 = tpu.memref_slice %arg3[%run_scoped3A, %mul3A_2] : memref<2x320000xi32, #tpu.memory_space<hbm>> -> memref<1x10000xi32, #tpu.memory_space<hbm>>
      %dma_wait3A_92 = tpu.memref_squeeze %dma_wait3A_91 : memref<1x10000xi32, #tpu.memory_space<hbm>> -> memref<10000xi32, #tpu.memory_space<hbm>>
      tpu.wait_dma2 semaphore(%run_scoped3A_84 : memref<!tpu.dma_semaphore, #tpu.memory_space<semaphore_mem>>) src(%dma_wait3A_92 : memref<10000xi32, #tpu.memory_space<hbm>>) dst(%arg6 : memref<10000xi32, #tpu.memory_space<vmem>>)
      tpu.yield
    }) : () -> ()
    %dma_start3A = arith.constant 0 : i32
    %dma_start3A_5 = tpu.memref_slice %arg6[%dma_start3A] : memref<10000xi32, #tpu.memory_space<vmem>> -> memref<2000xi32, #tpu.memory_space<vmem>>
    %dma_start3A_6 = arith.constant 0 : i32
    %dma_start3A_7 = arith.constant 0 : i32
    %dma_start3A_8 = tpu.memref_slice %arg2[%dma_start3A_6, %dma_start3A_7] : memref<10240x16xf32, #tpu.memory_space<hbm>> -> memref<10240x16xf32, #tpu.memory_space<hbm>>
    tpu.enqueue_indirect_dma source(%dma_start3A_8 : memref<10240x16xf32, #tpu.memory_space<hbm>>) target(%arg8 : memref<2000x16xf32, #tpu.memory_space<vmem>>) offsets(%dma_start3A_5 : memref<2000xi32, #tpu.memory_space<vmem>>) semaphore(%arg12 : memref<!tpu.dma_semaphore, #tpu.memory_space<semaphore_mem>>)
    %dma_start3A_9 = arith.constant 2000 : i32
    %dma_start3A_10 = tpu.memref_slice %arg6[%dma_start3A_9] : memref<10000xi32, #tpu.memory_space<vmem>> -> memref<2000xi32, #tpu.memory_space<vmem>>
    %dma_start3A_11 = arith.constant 0 : i32
    %dma_start3A_12 = arith.constant 0 : i32
    %dma_start3A_13 = tpu.memref_slice %arg2[%dma_start3A_11, %dma_start3A_12] : memref<10240x16xf32, #tpu.memory_space<hbm>> -> memref<10240x16xf32, #tpu.memory_space<hbm>>
    tpu.enqueue_indirect_dma source(%dma_start3A_13 : memref<10240x16xf32, #tpu.memory_space<hbm>>) target(%arg9 : memref<2000x16xf32, #tpu.memory_space<vmem>>) offsets(%dma_start3A_10 : memref<2000xi32, #tpu.memory_space<vmem>>) semaphore(%arg13 : memref<!tpu.dma_semaphore, #tpu.memory_space<semaphore_mem>>)
    %add3A_14 = arith.constant 0 : i32
    %add3A_15 = arith.addi %mul3A_2, %add3A_14 : i32
    %run_scoped3A_16 = arith.constant 1 : i32
    %run_scoped3A_17 = arith.constant 0 : i32
    "tpu.region"() ({
      %run_scoped3A_84 = tpu.sem_alloc : memref<!tpu.dma_semaphore, #tpu.memory_space<semaphore_mem>>
      %dma_start3A_85 = arith.constant 0 : i32
      %dma_start3A_86 = tpu.memref_slice %arg7[%run_scoped3A_17, %dma_start3A_85] : memref<5x2000xi32, #tpu.memory_space<vmem>> -> memref<1x2000xi32, #tpu.memory_space<vmem>>
      %dma_start3A_87 = tpu.memref_squeeze %dma_start3A_86 : memref<1x2000xi32, #tpu.memory_space<vmem>> -> memref<2000xi32, #tpu.memory_space<vmem>>
      %dma_start3A_88 = tpu.memref_slice %arg3[%run_scoped3A_16, %add3A_15] : memref<2x320000xi32, #tpu.memory_space<hbm>> -> memref<1x2000xi32, #tpu.memory_space<hbm>>
      %dma_start3A_89 = tpu.memref_squeeze %dma_start3A_88 : memref<1x2000xi32, #tpu.memory_space<hbm>> -> memref<2000xi32, #tpu.memory_space<hbm>>
      %dma_start3A_90 = arith.constant 0 : i32
      %dma_start3A_91 = tpu.memref_slice %arg7[%run_scoped3A_17, %dma_start3A_90] : memref<5x2000xi32, #tpu.memory_space<vmem>> -> memref<1x2000xi32, #tpu.memory_space<vmem>>
      %dma_start3A_92 = tpu.memref_squeeze %dma_start3A_91 : memref<1x2000xi32, #tpu.memory_space<vmem>> -> memref<2000xi32, #tpu.memory_space<vmem>>
      %dma_start3A_93 = tpu.memref_slice %arg3[%run_scoped3A_16, %add3A_15] : memref<2x320000xi32, #tpu.memory_space<hbm>> -> memref<1x2000xi32, #tpu.memory_space<hbm>>
      %dma_start3A_94 = tpu.memref_squeeze %dma_start3A_93 : memref<1x2000xi32, #tpu.memory_space<hbm>> -> memref<2000xi32, #tpu.memory_space<hbm>>
      tpu.enqueue_dma source(%dma_start3A_94 : memref<2000xi32, #tpu.memory_space<hbm>>) target(%dma_start3A_92 : memref<2000xi32, #tpu.memory_space<vmem>>) target_semaphore(%run_scoped3A_84 : memref<!tpu.dma_semaphore, #tpu.memory_space<semaphore_mem>>)
      %dma_wait3A_95 = arith.constant 0 : i32
      %dma_wait3A_96 = tpu.memref_slice %arg7[%run_scoped3A_17, %dma_wait3A_95] : memref<5x2000xi32, #tpu.memory_space<vmem>> -> memref<1x2000xi32, #tpu.memory_space<vmem>>
      %dma_wait3A_97 = tpu.memref_squeeze %dma_wait3A_96 : memref<1x2000xi32, #tpu.memory_space<vmem>> -> memref<2000xi32, #tpu.memory_space<vmem>>
      %dma_wait3A_98 = tpu.memref_slice %arg3[%run_scoped3A_16, %add3A_15] : memref<2x320000xi32, #tpu.memory_space<hbm>> -> memref<1x2000xi32, #tpu.memory_space<hbm>>
      %dma_wait3A_99 = tpu.memref_squeeze %dma_wait3A_98 : memref<1x2000xi32, #tpu.memory_space<hbm>> -> memref<2000xi32, #tpu.memory_space<hbm>>
      %dma_wait3A_100 = arith.constant 0 : i32
      %dma_wait3A_101 = tpu.memref_slice %arg7[%run_scoped3A_17, %dma_wait3A_100] : memref<5x2000xi32, #tpu.memory_space<vmem>> -> memref<1x2000xi32, #tpu.memory_space<vmem>>
      %dma_wait3A_102 = tpu.memref_squeeze %dma_wait3A_101 : memref<1x2000xi32, #tpu.memory_space<vmem>> -> memref<2000xi32, #tpu.memory_space<vmem>>
      %dma_wait3A_103 = tpu.memref_slice %arg3[%run_scoped3A_16, %add3A_15] : memref<2x320000xi32, #tpu.memory_space<hbm>> -> memref<1x2000xi32, #tpu.memory_space<hbm>>
      %dma_wait3A_104 = tpu.memref_squeeze %dma_wait3A_103 : memref<1x2000xi32, #tpu.memory_space<hbm>> -> memref<2000xi32, #tpu.memory_space<hbm>>
      tpu.wait_dma2 semaphore(%run_scoped3A_84 : memref<!tpu.dma_semaphore, #tpu.memory_space<semaphore_mem>>) src(%dma_wait3A_104 : memref<2000xi32, #tpu.memory_space<hbm>>) dst(%dma_wait3A_102 : memref<2000xi32, #tpu.memory_space<vmem>>)
      tpu.yield
    }) : () -> ()
    %add3A_18 = arith.constant 2000 : i32
    %add3A_19 = arith.addi %mul3A_2, %add3A_18 : i32
    %run_scoped3A_20 = arith.constant 1 : i32
    %run_scoped3A_21 = arith.constant 1 : i32
    "tpu.region"() ({
      %run_scoped3A_84 = tpu.sem_alloc : memref<!tpu.dma_semaphore, #tpu.memory_space<semaphore_mem>>
      %dma_start3A_85 = arith.constant 0 : i32
      %dma_start3A_86 = tpu.memref_slice %arg7[%run_scoped3A_21, %dma_start3A_85] : memref<5x2000xi32, #tpu.memory_space<vmem>> -> memref<1x2000xi32, #tpu.memory_space<vmem>>
      %dma_start3A_87 = tpu.memref_squeeze %dma_start3A_86 : memref<1x2000xi32, #tpu.memory_space<vmem>> -> memref<2000xi32, #tpu.memory_space<vmem>>
      %dma_start3A_88 = tpu.memref_slice %arg3[%run_scoped3A_20, %add3A_19] : memref<2x320000xi32, #tpu.memory_space<hbm>> -> memref<1x2000xi32, #tpu.memory_space<hbm>>
      %dma_start3A_89 = tpu.memref_squeeze %dma_start3A_88 : memref<1x2000xi32, #tpu.memory_space<hbm>> -> memref<2000xi32, #tpu.memory_space<hbm>>
      %dma_start3A_90 = arith.constant 0 : i32
      %dma_start3A_91 = tpu.memref_slice %arg7[%run_scoped3A_21, %dma_start3A_90] : memref<5x2000xi32, #tpu.memory_space<vmem>> -> memref<1x2000xi32, #tpu.memory_space<vmem>>
      %dma_start3A_92 = tpu.memref_squeeze %dma_start3A_91 : memref<1x2000xi32, #tpu.memory_space<vmem>> -> memref<2000xi32, #tpu.memory_space<vmem>>
      %dma_start3A_93 = tpu.memref_slice %arg3[%run_scoped3A_20, %add3A_19] : memref<2x320000xi32, #tpu.memory_space<hbm>> -> memref<1x2000xi32, #tpu.memory_space<hbm>>
      %dma_start3A_94 = tpu.memref_squeeze %dma_start3A_93 : memref<1x2000xi32, #tpu.memory_space<hbm>> -> memref<2000xi32, #tpu.memory_space<hbm>>
      tpu.enqueue_dma source(%dma_start3A_94 : memref<2000xi32, #tpu.memory_space<hbm>>) target(%dma_start3A_92 : memref<2000xi32, #tpu.memory_space<vmem>>) target_semaphore(%run_scoped3A_84 : memref<!tpu.dma_semaphore, #tpu.memory_space<semaphore_mem>>)
      %dma_wait3A_95 = arith.constant 0 : i32
      %dma_wait3A_96 = tpu.memref_slice %arg7[%run_scoped3A_21, %dma_wait3A_95] : memref<5x2000xi32, #tpu.memory_space<vmem>> -> memref<1x2000xi32, #tpu.memory_space<vmem>>
      %dma_wait3A_97 = tpu.memref_squeeze %dma_wait3A_96 : memref<1x2000xi32, #tpu.memory_space<vmem>> -> memref<2000xi32, #tpu.memory_space<vmem>>
      %dma_wait3A_98 = tpu.memref_slice %arg3[%run_scoped3A_20, %add3A_19] : memref<2x320000xi32, #tpu.memory_space<hbm>> -> memref<1x2000xi32, #tpu.memory_space<hbm>>
      %dma_wait3A_99 = tpu.memref_squeeze %dma_wait3A_98 : memref<1x2000xi32, #tpu.memory_space<hbm>> -> memref<2000xi32, #tpu.memory_space<hbm>>
      %dma_wait3A_100 = arith.constant 0 : i32
      %dma_wait3A_101 = tpu.memref_slice %arg7[%run_scoped3A_21, %dma_wait3A_100] : memref<5x2000xi32, #tpu.memory_space<vmem>> -> memref<1x2000xi32, #tpu.memory_space<vmem>>
      %dma_wait3A_102 = tpu.memref_squeeze %dma_wait3A_101 : memref<1x2000xi32, #tpu.memory_space<vmem>> -> memref<2000xi32, #tpu.memory_space<vmem>>
      %dma_wait3A_103 = tpu.memref_slice %arg3[%run_scoped3A_20, %add3A_19] : memref<2x320000xi32, #tpu.memory_space<hbm>> -> memref<1x2000xi32, #tpu.memory_space<hbm>>
      %dma_wait3A_104 = tpu.memref_squeeze %dma_wait3A_103 : memref<1x2000xi32, #tpu.memory_space<hbm>> -> memref<2000xi32, #tpu.memory_space<hbm>>
      tpu.wait_dma2 semaphore(%run_scoped3A_84 : memref<!tpu.dma_semaphore, #tpu.memory_space<semaphore_mem>>) src(%dma_wait3A_104 : memref<2000xi32, #tpu.memory_space<hbm>>) dst(%dma_wait3A_102 : memref<2000xi32, #tpu.memory_space<vmem>>)
      tpu.yield
    }) : () -> ()
    %add3A_22 = arith.constant 4000 : i32
    %add3A_23 = arith.addi %mul3A_2, %add3A_22 : i32
    %run_scoped3A_24 = arith.constant 1 : i32
    %run_scoped3A_25 = arith.constant 2 : i32
    "tpu.region"() ({
      %run_scoped3A_84 = tpu.sem_alloc : memref<!tpu.dma_semaphore, #tpu.memory_space<semaphore_mem>>
      %dma_start3A_85 = arith.constant 0 : i32
      %dma_start3A_86 = tpu.memref_slice %arg7[%run_scoped3A_25, %dma_start3A_85] : memref<5x2000xi32, #tpu.memory_space<vmem>> -> memref<1x2000xi32, #tpu.memory_space<vmem>>
      %dma_start3A_87 = tpu.memref_squeeze %dma_start3A_86 : memref<1x2000xi32, #tpu.memory_space<vmem>> -> memref<2000xi32, #tpu.memory_space<vmem>>
      %dma_start3A_88 = tpu.memref_slice %arg3[%run_scoped3A_24, %add3A_23] : memref<2x320000xi32, #tpu.memory_space<hbm>> -> memref<1x2000xi32, #tpu.memory_space<hbm>>
      %dma_start3A_89 = tpu.memref_squeeze %dma_start3A_88 : memref<1x2000xi32, #tpu.memory_space<hbm>> -> memref<2000xi32, #tpu.memory_space<hbm>>
      %dma_start3A_90 = arith.constant 0 : i32
      %dma_start3A_91 = tpu.memref_slice %arg7[%run_scoped3A_25, %dma_start3A_90] : memref<5x2000xi32, #tpu.memory_space<vmem>> -> memref<1x2000xi32, #tpu.memory_space<vmem>>
      %dma_start3A_92 = tpu.memref_squeeze %dma_start3A_91 : memref<1x2000xi32, #tpu.memory_space<vmem>> -> memref<2000xi32, #tpu.memory_space<vmem>>
      %dma_start3A_93 = tpu.memref_slice %arg3[%run_scoped3A_24, %add3A_23] : memref<2x320000xi32, #tpu.memory_space<hbm>> -> memref<1x2000xi32, #tpu.memory_space<hbm>>
      %dma_start3A_94 = tpu.memref_squeeze %dma_start3A_93 : memref<1x2000xi32, #tpu.memory_space<hbm>> -> memref<2000xi32, #tpu.memory_space<hbm>>
      tpu.enqueue_dma source(%dma_start3A_94 : memref<2000xi32, #tpu.memory_space<hbm>>) target(%dma_start3A_92 : memref<2000xi32, #tpu.memory_space<vmem>>) target_semaphore(%run_scoped3A_84 : memref<!tpu.dma_semaphore, #tpu.memory_space<semaphore_mem>>)
      %dma_wait3A_95 = arith.constant 0 : i32
      %dma_wait3A_96 = tpu.memref_slice %arg7[%run_scoped3A_25, %dma_wait3A_95] : memref<5x2000xi32, #tpu.memory_space<vmem>> -> memref<1x2000xi32, #tpu.memory_space<vmem>>
      %dma_wait3A_97 = tpu.memref_squeeze %dma_wait3A_96 : memref<1x2000xi32, #tpu.memory_space<vmem>> -> memref<2000xi32, #tpu.memory_space<vmem>>
      %dma_wait3A_98 = tpu.memref_slice %arg3[%run_scoped3A_24, %add3A_23] : memref<2x320000xi32, #tpu.memory_space<hbm>> -> memref<1x2000xi32, #tpu.memory_space<hbm>>
      %dma_wait3A_99 = tpu.memref_squeeze %dma_wait3A_98 : memref<1x2000xi32, #tpu.memory_space<hbm>> -> memref<2000xi32, #tpu.memory_space<hbm>>
      %dma_wait3A_100 = arith.constant 0 : i32
      %dma_wait3A_101 = tpu.memref_slice %arg7[%run_scoped3A_25, %dma_wait3A_100] : memref<5x2000xi32, #tpu.memory_space<vmem>> -> memref<1x2000xi32, #tpu.memory_space<vmem>>
      %dma_wait3A_102 = tpu.memref_squeeze %dma_wait3A_101 : memref<1x2000xi32, #tpu.memory_space<vmem>> -> memref<2000xi32, #tpu.memory_space<vmem>>
      %dma_wait3A_103 = tpu.memref_slice %arg3[%run_scoped3A_24, %add3A_23] : memref<2x320000xi32, #tpu.memory_space<hbm>> -> memref<1x2000xi32, #tpu.memory_space<hbm>>
      %dma_wait3A_104 = tpu.memref_squeeze %dma_wait3A_103 : memref<1x2000xi32, #tpu.memory_space<hbm>> -> memref<2000xi32, #tpu.memory_space<hbm>>
      tpu.wait_dma2 semaphore(%run_scoped3A_84 : memref<!tpu.dma_semaphore, #tpu.memory_space<semaphore_mem>>) src(%dma_wait3A_104 : memref<2000xi32, #tpu.memory_space<hbm>>) dst(%dma_wait3A_102 : memref<2000xi32, #tpu.memory_space<vmem>>)
      tpu.yield
    }) : () -> ()
    %add3A_26 = arith.constant 6000 : i32
    %add3A_27 = arith.addi %mul3A_2, %add3A_26 : i32
    %run_scoped3A_28 = arith.constant 1 : i32
    %run_scoped3A_29 = arith.constant 3 : i32
    "tpu.region"() ({
      %run_scoped3A_84 = tpu.sem_alloc : memref<!tpu.dma_semaphore, #tpu.memory_space<semaphore_mem>>
      %dma_start3A_85 = arith.constant 0 : i32
      %dma_start3A_86 = tpu.memref_slice %arg7[%run_scoped3A_29, %dma_start3A_85] : memref<5x2000xi32, #tpu.memory_space<vmem>> -> memref<1x2000xi32, #tpu.memory_space<vmem>>
      %dma_start3A_87 = tpu.memref_squeeze %dma_start3A_86 : memref<1x2000xi32, #tpu.memory_space<vmem>> -> memref<2000xi32, #tpu.memory_space<vmem>>
      %dma_start3A_88 = tpu.memref_slice %arg3[%run_scoped3A_28, %add3A_27] : memref<2x320000xi32, #tpu.memory_space<hbm>> -> memref<1x2000xi32, #tpu.memory_space<hbm>>
      %dma_start3A_89 = tpu.memref_squeeze %dma_start3A_88 : memref<1x2000xi32, #tpu.memory_space<hbm>> -> memref<2000xi32, #tpu.memory_space<hbm>>
      %dma_start3A_90 = arith.constant 0 : i32
      %dma_start3A_91 = tpu.memref_slice %arg7[%run_scoped3A_29, %dma_start3A_90] : memref<5x2000xi32, #tpu.memory_space<vmem>> -> memref<1x2000xi32, #tpu.memory_space<vmem>>
      %dma_start3A_92 = tpu.memref_squeeze %dma_start3A_91 : memref<1x2000xi32, #tpu.memory_space<vmem>> -> memref<2000xi32, #tpu.memory_space<vmem>>
      %dma_start3A_93 = tpu.memref_slice %arg3[%run_scoped3A_28, %add3A_27] : memref<2x320000xi32, #tpu.memory_space<hbm>> -> memref<1x2000xi32, #tpu.memory_space<hbm>>
      %dma_start3A_94 = tpu.memref_squeeze %dma_start3A_93 : memref<1x2000xi32, #tpu.memory_space<hbm>> -> memref<2000xi32, #tpu.memory_space<hbm>>
      tpu.enqueue_dma source(%dma_start3A_94 : memref<2000xi32, #tpu.memory_space<hbm>>) target(%dma_start3A_92 : memref<2000xi32, #tpu.memory_space<vmem>>) target_semaphore(%run_scoped3A_84 : memref<!tpu.dma_semaphore, #tpu.memory_space<semaphore_mem>>)
      %dma_wait3A_95 = arith.constant 0 : i32
      %dma_wait3A_96 = tpu.memref_slice %arg7[%run_scoped3A_29, %dma_wait3A_95] : memref<5x2000xi32, #tpu.memory_space<vmem>> -> memref<1x2000xi32, #tpu.memory_space<vmem>>
      %dma_wait3A_97 = tpu.memref_squeeze %dma_wait3A_96 : memref<1x2000xi32, #tpu.memory_space<vmem>> -> memref<2000xi32, #tpu.memory_space<vmem>>
      %dma_wait3A_98 = tpu.memref_slice %arg3[%run_scoped3A_28, %add3A_27] : memref<2x320000xi32, #tpu.memory_space<hbm>> -> memref<1x2000xi32, #tpu.memory_space<hbm>>
      %dma_wait3A_99 = tpu.memref_squeeze %dma_wait3A_98 : memref<1x2000xi32, #tpu.memory_space<hbm>> -> memref<2000xi32, #tpu.memory_space<hbm>>
      %dma_wait3A_100 = arith.constant 0 : i32
      %dma_wait3A_101 = tpu.memref_slice %arg7[%run_scoped3A_29, %dma_wait3A_100] : memref<5x2000xi32, #tpu.memory_space<vmem>> -> memref<1x2000xi32, #tpu.memory_space<vmem>>
      %dma_wait3A_102 = tpu.memref_squeeze %dma_wait3A_101 : memref<1x2000xi32, #tpu.memory_space<vmem>> -> memref<2000xi32, #tpu.memory_space<vmem>>
      %dma_wait3A_103 = tpu.memref_slice %arg3[%run_scoped3A_28, %add3A_27] : memref<2x320000xi32, #tpu.memory_space<hbm>> -> memref<1x2000xi32, #tpu.memory_space<hbm>>
      %dma_wait3A_104 = tpu.memref_squeeze %dma_wait3A_103 : memref<1x2000xi32, #tpu.memory_space<hbm>> -> memref<2000xi32, #tpu.memory_space<hbm>>
      tpu.wait_dma2 semaphore(%run_scoped3A_84 : memref<!tpu.dma_semaphore, #tpu.memory_space<semaphore_mem>>) src(%dma_wait3A_104 : memref<2000xi32, #tpu.memory_space<hbm>>) dst(%dma_wait3A_102 : memref<2000xi32, #tpu.memory_space<vmem>>)
      tpu.yield
    }) : () -> ()
    %add3A_30 = arith.constant 8000 : i32
    %add3A_31 = arith.addi %mul3A_2, %add3A_30 : i32
    %run_scoped3A_32 = arith.constant 1 : i32
    %run_scoped3A_33 = arith.constant 4 : i32
    "tpu.region"() ({
      %run_scoped3A_84 = tpu.sem_alloc : memref<!tpu.dma_semaphore, #tpu.memory_space<semaphore_mem>>
      %dma_start3A_85 = arith.constant 0 : i32
      %dma_start3A_86 = tpu.memref_slice %arg7[%run_scoped3A_33, %dma_start3A_85] : memref<5x2000xi32, #tpu.memory_space<vmem>> -> memref<1x2000xi32, #tpu.memory_space<vmem>>
      %dma_start3A_87 = tpu.memref_squeeze %dma_start3A_86 : memref<1x2000xi32, #tpu.memory_space<vmem>> -> memref<2000xi32, #tpu.memory_space<vmem>>
      %dma_start3A_88 = tpu.memref_slice %arg3[%run_scoped3A_32, %add3A_31] : memref<2x320000xi32, #tpu.memory_space<hbm>> -> memref<1x2000xi32, #tpu.memory_space<hbm>>
      %dma_start3A_89 = tpu.memref_squeeze %dma_start3A_88 : memref<1x2000xi32, #tpu.memory_space<hbm>> -> memref<2000xi32, #tpu.memory_space<hbm>>
      %dma_start3A_90 = arith.constant 0 : i32
      %dma_start3A_91 = tpu.memref_slice %arg7[%run_scoped3A_33, %dma_start3A_90] : memref<5x2000xi32, #tpu.memory_space<vmem>> -> memref<1x2000xi32, #tpu.memory_space<vmem>>
      %dma_start3A_92 = tpu.memref_squeeze %dma_start3A_91 : memref<1x2000xi32, #tpu.memory_space<vmem>> -> memref<2000xi32, #tpu.memory_space<vmem>>
      %dma_start3A_93 = tpu.memref_slice %arg3[%run_scoped3A_32, %add3A_31] : memref<2x320000xi32, #tpu.memory_space<hbm>> -> memref<1x2000xi32, #tpu.memory_space<hbm>>
      %dma_start3A_94 = tpu.memref_squeeze %dma_start3A_93 : memref<1x2000xi32, #tpu.memory_space<hbm>> -> memref<2000xi32, #tpu.memory_space<hbm>>
      tpu.enqueue_dma source(%dma_start3A_94 : memref<2000xi32, #tpu.memory_space<hbm>>) target(%dma_start3A_92 : memref<2000xi32, #tpu.memory_space<vmem>>) target_semaphore(%run_scoped3A_84 : memref<!tpu.dma_semaphore, #tpu.memory_space<semaphore_mem>>)
      %dma_wait3A_95 = arith.constant 0 : i32
      %dma_wait3A_96 = tpu.memref_slice %arg7[%run_scoped3A_33, %dma_wait3A_95] : memref<5x2000xi32, #tpu.memory_space<vmem>> -> memref<1x2000xi32, #tpu.memory_space<vmem>>
      %dma_wait3A_97 = tpu.memref_squeeze %dma_wait3A_96 : memref<1x2000xi32, #tpu.memory_space<vmem>> -> memref<2000xi32, #tpu.memory_space<vmem>>
      %dma_wait3A_98 = tpu.memref_slice %arg3[%run_scoped3A_32, %add3A_31] : memref<2x320000xi32, #tpu.memory_space<hbm>> -> memref<1x2000xi32, #tpu.memory_space<hbm>>
      %dma_wait3A_99 = tpu.memref_squeeze %dma_wait3A_98 : memref<1x2000xi32, #tpu.memory_space<hbm>> -> memref<2000xi32, #tpu.memory_space<hbm>>
      %dma_wait3A_100 = arith.constant 0 : i32
      %dma_wait3A_101 = tpu.memref_slice %arg7[%run_scoped3A_33, %dma_wait3A_100] : memref<5x2000xi32, #tpu.memory_space<vmem>> -> memref<1x2000xi32, #tpu.memory_space<vmem>>
      %dma_wait3A_102 = tpu.memref_squeeze %dma_wait3A_101 : memref<1x2000xi32, #tpu.memory_space<vmem>> -> memref<2000xi32, #tpu.memory_space<vmem>>
      %dma_wait3A_103 = tpu.memref_slice %arg3[%run_scoped3A_32, %add3A_31] : memref<2x320000xi32, #tpu.memory_space<hbm>> -> memref<1x2000xi32, #tpu.memory_space<hbm>>
      %dma_wait3A_104 = tpu.memref_squeeze %dma_wait3A_103 : memref<1x2000xi32, #tpu.memory_space<hbm>> -> memref<2000xi32, #tpu.memory_space<hbm>>
      tpu.wait_dma2 semaphore(%run_scoped3A_84 : memref<!tpu.dma_semaphore, #tpu.memory_space<semaphore_mem>>) src(%dma_wait3A_104 : memref<2000xi32, #tpu.memory_space<hbm>>) dst(%dma_wait3A_102 : memref<2000xi32, #tpu.memory_space<vmem>>)
      tpu.yield
    }) : () -> ()
    %dma_wait3A = arith.constant 0 : i32
    %dma_wait3A_34 = tpu.memref_slice %arg6[%dma_wait3A] : memref<10000xi32, #tpu.memory_space<vmem>> -> memref<2000xi32, #tpu.memory_space<vmem>>
    %dma_wait3A_35 = arith.constant 0 : i32
    %dma_wait3A_36 = arith.constant 0 : i32
    %dma_wait3A_37 = tpu.memref_slice %arg2[%dma_wait3A_35, %dma_wait3A_36] : memref<10240x16xf32, #tpu.memory_space<hbm>> -> memref<10240x16xf32, #tpu.memory_space<hbm>>
    tpu.wait_indirect_dma semaphore(%arg12 : memref<!tpu.dma_semaphore, #tpu.memory_space<semaphore_mem>>) src(%dma_wait3A_37 : memref<10240x16xf32, #tpu.memory_space<hbm>>) dst(%arg8 : memref<2000x16xf32, #tpu.memory_space<vmem>>)
    %run_scoped3A_38 = arith.constant 0 : i32
    "tpu.region"() ({
      %run_scoped3A_84 = tpu.sem_alloc : memref<!tpu.dma_semaphore, #tpu.memory_space<semaphore_mem>>
      %dma_start3A_85 = arith.constant 0 : i32
      %dma_start3A_86 = tpu.memref_slice %arg7[%run_scoped3A_38, %dma_start3A_85] : memref<5x2000xi32, #tpu.memory_space<vmem>> -> memref<1x2000xi32, #tpu.memory_space<vmem>>
      %dma_start3A_87 = tpu.memref_squeeze %dma_start3A_86 : memref<1x2000xi32, #tpu.memory_space<vmem>> -> memref<2000xi32, #tpu.memory_space<vmem>>
      %dma_start3A_88 = arith.constant 0 : i32
      %dma_start3A_89 = arith.constant 0 : i32
      %dma_start3A_90 = tpu.memref_slice %arg11[%dma_start3A_88, %dma_start3A_89] : memref<10240x16xf32, #tpu.memory_space<vmem_shared>> -> memref<10240x16xf32, #tpu.memory_space<vmem_shared>>
      tpu.enqueue_indirect_dma source(%arg8 : memref<2000x16xf32, #tpu.memory_space<vmem>>) target(%dma_start3A_90 : memref<10240x16xf32, #tpu.memory_space<vmem_shared>>) offsets(%dma_start3A_87 : memref<2000xi32, #tpu.memory_space<vmem>>) semaphore(%run_scoped3A_84 : memref<!tpu.dma_semaphore, #tpu.memory_space<semaphore_mem>>) {add = true}
      %dma_wait3A_91 = arith.constant 0 : i32
      %dma_wait3A_92 = tpu.memref_slice %arg7[%run_scoped3A_38, %dma_wait3A_91] : memref<5x2000xi32, #tpu.memory_space<vmem>> -> memref<1x2000xi32, #tpu.memory_space<vmem>>
      %dma_wait3A_93 = tpu.memref_squeeze %dma_wait3A_92 : memref<1x2000xi32, #tpu.memory_space<vmem>> -> memref<2000xi32, #tpu.memory_space<vmem>>
      %dma_wait3A_94 = arith.constant 0 : i32
      %dma_wait3A_95 = arith.constant 0 : i32
      %dma_wait3A_96 = tpu.memref_slice %arg11[%dma_wait3A_94, %dma_wait3A_95] : memref<10240x16xf32, #tpu.memory_space<vmem_shared>> -> memref<10240x16xf32, #tpu.memory_space<vmem_shared>>
      tpu.wait_indirect_dma semaphore(%run_scoped3A_84 : memref<!tpu.dma_semaphore, #tpu.memory_space<semaphore_mem>>) src(%arg8 : memref<2000x16xf32, #tpu.memory_space<vmem>>) dst(%dma_wait3A_96 : memref<10240x16xf32, #tpu.memory_space<vmem_shared>>)
      tpu.yield
    }) : () -> ()
    %dma_start3A_39 = arith.constant 4000 : i32
    %dma_start3A_40 = tpu.memref_slice %arg6[%dma_start3A_39] : memref<10000xi32, #tpu.memory_space<vmem>> -> memref<2000xi32, #tpu.memory_space<vmem>>
    %dma_start3A_41 = arith.constant 0 : i32
    %dma_start3A_42 = arith.constant 0 : i32
    %dma_start3A_43 = tpu.memref_slice %arg2[%dma_start3A_41, %dma_start3A_42] : memref<10240x16xf32, #tpu.memory_space<hbm>> -> memref<10240x16xf32, #tpu.memory_space<hbm>>
    tpu.enqueue_indirect_dma source(%dma_start3A_43 : memref<10240x16xf32, #tpu.memory_space<hbm>>) target(%arg8 : memref<2000x16xf32, #tpu.memory_space<vmem>>) offsets(%dma_start3A_40 : memref<2000xi32, #tpu.memory_space<vmem>>) semaphore(%arg12 : memref<!tpu.dma_semaphore, #tpu.memory_space<semaphore_mem>>)
    %dma_wait3A_44 = arith.constant 2000 : i32
    %dma_wait3A_45 = tpu.memref_slice %arg6[%dma_wait3A_44] : memref<10000xi32, #tpu.memory_space<vmem>> -> memref<2000xi32, #tpu.memory_space<vmem>>
    %dma_wait3A_46 = arith.constant 0 : i32
    %dma_wait3A_47 = arith.constant 0 : i32
    %dma_wait3A_48 = tpu.memref_slice %arg2[%dma_wait3A_46, %dma_wait3A_47] : memref<10240x16xf32, #tpu.memory_space<hbm>> -> memref<10240x16xf32, #tpu.memory_space<hbm>>
    tpu.wait_indirect_dma semaphore(%arg13 : memref<!tpu.dma_semaphore, #tpu.memory_space<semaphore_mem>>) src(%dma_wait3A_48 : memref<10240x16xf32, #tpu.memory_space<hbm>>) dst(%arg9 : memref<2000x16xf32, #tpu.memory_space<vmem>>)
    %run_scoped3A_49 = arith.constant 1 : i32
    "tpu.region"() ({
      %run_scoped3A_84 = tpu.sem_alloc : memref<!tpu.dma_semaphore, #tpu.memory_space<semaphore_mem>>
      %dma_start3A_85 = arith.constant 0 : i32
      %dma_start3A_86 = tpu.memref_slice %arg7[%run_scoped3A_49, %dma_start3A_85] : memref<5x2000xi32, #tpu.memory_space<vmem>> -> memref<1x2000xi32, #tpu.memory_space<vmem>>
      %dma_start3A_87 = tpu.memref_squeeze %dma_start3A_86 : memref<1x2000xi32, #tpu.memory_space<vmem>> -> memref<2000xi32, #tpu.memory_space<vmem>>
      %dma_start3A_88 = arith.constant 0 : i32
      %dma_start3A_89 = arith.constant 0 : i32
      %dma_start3A_90 = tpu.memref_slice %arg11[%dma_start3A_88, %dma_start3A_89] : memref<10240x16xf32, #tpu.memory_space<vmem_shared>> -> memref<10240x16xf32, #tpu.memory_space<vmem_shared>>
      tpu.enqueue_indirect_dma source(%arg9 : memref<2000x16xf32, #tpu.memory_space<vmem>>) target(%dma_start3A_90 : memref<10240x16xf32, #tpu.memory_space<vmem_shared>>) offsets(%dma_start3A_87 : memref<2000xi32, #tpu.memory_space<vmem>>) semaphore(%run_scoped3A_84 : memref<!tpu.dma_semaphore, #tpu.memory_space<semaphore_mem>>) {add = true}
      %dma_wait3A_91 = arith.constant 0 : i32
      %dma_wait3A_92 = tpu.memref_slice %arg7[%run_scoped3A_49, %dma_wait3A_91] : memref<5x2000xi32, #tpu.memory_space<vmem>> -> memref<1x2000xi32, #tpu.memory_space<vmem>>
      %dma_wait3A_93 = tpu.memref_squeeze %dma_wait3A_92 : memref<1x2000xi32, #tpu.memory_space<vmem>> -> memref<2000xi32, #tpu.memory_space<vmem>>
      %dma_wait3A_94 = arith.constant 0 : i32
      %dma_wait3A_95 = arith.constant 0 : i32
      %dma_wait3A_96 = tpu.memref_slice %arg11[%dma_wait3A_94, %dma_wait3A_95] : memref<10240x16xf32, #tpu.memory_space<vmem_shared>> -> memref<10240x16xf32, #tpu.memory_space<vmem_shared>>
      tpu.wait_indirect_dma semaphore(%run_scoped3A_84 : memref<!tpu.dma_semaphore, #tpu.memory_space<semaphore_mem>>) src(%arg9 : memref<2000x16xf32, #tpu.memory_space<vmem>>) dst(%dma_wait3A_96 : memref<10240x16xf32, #tpu.memory_space<vmem_shared>>)
      tpu.yield
    }) : () -> ()
    %dma_start3A_50 = arith.constant 6000 : i32
    %dma_start3A_51 = tpu.memref_slice %arg6[%dma_start3A_50] : memref<10000xi32, #tpu.memory_space<vmem>> -> memref<2000xi32, #tpu.memory_space<vmem>>
    %dma_start3A_52 = arith.constant 0 : i32
    %dma_start3A_53 = arith.constant 0 : i32
    %dma_start3A_54 = tpu.memref_slice %arg2[%dma_start3A_52, %dma_start3A_53] : memref<10240x16xf32, #tpu.memory_space<hbm>> -> memref<10240x16xf32, #tpu.memory_space<hbm>>
    tpu.enqueue_indirect_dma source(%dma_start3A_54 : memref<10240x16xf32, #tpu.memory_space<hbm>>) target(%arg9 : memref<2000x16xf32, #tpu.memory_space<vmem>>) offsets(%dma_start3A_51 : memref<2000xi32, #tpu.memory_space<vmem>>) semaphore(%arg13 : memref<!tpu.dma_semaphore, #tpu.memory_space<semaphore_mem>>)
    %dma_wait3A_55 = arith.constant 4000 : i32
    %dma_wait3A_56 = tpu.memref_slice %arg6[%dma_wait3A_55] : memref<10000xi32, #tpu.memory_space<vmem>> -> memref<2000xi32, #tpu.memory_space<vmem>>
    %dma_wait3A_57 = arith.constant 0 : i32
    %dma_wait3A_58 = arith.constant 0 : i32
    %dma_wait3A_59 = tpu.memref_slice %arg2[%dma_wait3A_57, %dma_wait3A_58] : memref<10240x16xf32, #tpu.memory_space<hbm>> -> memref<10240x16xf32, #tpu.memory_space<hbm>>
    tpu.wait_indirect_dma semaphore(%arg12 : memref<!tpu.dma_semaphore, #tpu.memory_space<semaphore_mem>>) src(%dma_wait3A_59 : memref<10240x16xf32, #tpu.memory_space<hbm>>) dst(%arg8 : memref<2000x16xf32, #tpu.memory_space<vmem>>)
    %run_scoped3A_60 = arith.constant 2 : i32
    "tpu.region"() ({
      %run_scoped3A_84 = tpu.sem_alloc : memref<!tpu.dma_semaphore, #tpu.memory_space<semaphore_mem>>
      %dma_start3A_85 = arith.constant 0 : i32
      %dma_start3A_86 = tpu.memref_slice %arg7[%run_scoped3A_60, %dma_start3A_85] : memref<5x2000xi32, #tpu.memory_space<vmem>> -> memref<1x2000xi32, #tpu.memory_space<vmem>>
      %dma_start3A_87 = tpu.memref_squeeze %dma_start3A_86 : memref<1x2000xi32, #tpu.memory_space<vmem>> -> memref<2000xi32, #tpu.memory_space<vmem>>
      %dma_start3A_88 = arith.constant 0 : i32
      %dma_start3A_89 = arith.constant 0 : i32
      %dma_start3A_90 = tpu.memref_slice %arg11[%dma_start3A_88, %dma_start3A_89] : memref<10240x16xf32, #tpu.memory_space<vmem_shared>> -> memref<10240x16xf32, #tpu.memory_space<vmem_shared>>
      tpu.enqueue_indirect_dma source(%arg8 : memref<2000x16xf32, #tpu.memory_space<vmem>>) target(%dma_start3A_90 : memref<10240x16xf32, #tpu.memory_space<vmem_shared>>) offsets(%dma_start3A_87 : memref<2000xi32, #tpu.memory_space<vmem>>) semaphore(%run_scoped3A_84 : memref<!tpu.dma_semaphore, #tpu.memory_space<semaphore_mem>>) {add = true}
      %dma_wait3A_91 = arith.constant 0 : i32
      %dma_wait3A_92 = tpu.memref_slice %arg7[%run_scoped3A_60, %dma_wait3A_91] : memref<5x2000xi32, #tpu.memory_space<vmem>> -> memref<1x2000xi32, #tpu.memory_space<vmem>>
      %dma_wait3A_93 = tpu.memref_squeeze %dma_wait3A_92 : memref<1x2000xi32, #tpu.memory_space<vmem>> -> memref<2000xi32, #tpu.memory_space<vmem>>
      %dma_wait3A_94 = arith.constant 0 : i32
      %dma_wait3A_95 = arith.constant 0 : i32
      %dma_wait3A_96 = tpu.memref_slice %arg11[%dma_wait3A_94, %dma_wait3A_95] : memref<10240x16xf32, #tpu.memory_space<vmem_shared>> -> memref<10240x16xf32, #tpu.memory_space<vmem_shared>>
      tpu.wait_indirect_dma semaphore(%run_scoped3A_84 : memref<!tpu.dma_semaphore, #tpu.memory_space<semaphore_mem>>) src(%arg8 : memref<2000x16xf32, #tpu.memory_space<vmem>>) dst(%dma_wait3A_96 : memref<10240x16xf32, #tpu.memory_space<vmem_shared>>)
      tpu.yield
    }) : () -> ()
    %dma_start3A_61 = arith.constant 8000 : i32
    %dma_start3A_62 = tpu.memref_slice %arg6[%dma_start3A_61] : memref<10000xi32, #tpu.memory_space<vmem>> -> memref<2000xi32, #tpu.memory_space<vmem>>
    %dma_start3A_63 = arith.constant 0 : i32
    %dma_start3A_64 = arith.constant 0 : i32
    %dma_start3A_65 = tpu.memref_slice %arg2[%dma_start3A_63, %dma_start3A_64] : memref<10240x16xf32, #tpu.memory_space<hbm>> -> memref<10240x16xf32, #tpu.memory_space<hbm>>
    tpu.enqueue_indirect_dma source(%dma_start3A_65 : memref<10240x16xf32, #tpu.memory_space<hbm>>) target(%arg8 : memref<2000x16xf32, #tpu.memory_space<vmem>>) offsets(%dma_start3A_62 : memref<2000xi32, #tpu.memory_space<vmem>>) semaphore(%arg12 : memref<!tpu.dma_semaphore, #tpu.memory_space<semaphore_mem>>)
    %dma_wait3A_66 = arith.constant 6000 : i32
    %dma_wait3A_67 = tpu.memref_slice %arg6[%dma_wait3A_66] : memref<10000xi32, #tpu.memory_space<vmem>> -> memref<2000xi32, #tpu.memory_space<vmem>>
    %dma_wait3A_68 = arith.constant 0 : i32
    %dma_wait3A_69 = arith.constant 0 : i32
    %dma_wait3A_70 = tpu.memref_slice %arg2[%dma_wait3A_68, %dma_wait3A_69] : memref<10240x16xf32, #tpu.memory_space<hbm>> -> memref<10240x16xf32, #tpu.memory_space<hbm>>
    tpu.wait_indirect_dma semaphore(%arg13 : memref<!tpu.dma_semaphore, #tpu.memory_space<semaphore_mem>>) src(%dma_wait3A_70 : memref<10240x16xf32, #tpu.memory_space<hbm>>) dst(%arg9 : memref<2000x16xf32, #tpu.memory_space<vmem>>)
    %run_scoped3A_71 = arith.constant 3 : i32
    "tpu.region"() ({
      %run_scoped3A_84 = tpu.sem_alloc : memref<!tpu.dma_semaphore, #tpu.memory_space<semaphore_mem>>
      %dma_start3A_85 = arith.constant 0 : i32
      %dma_start3A_86 = tpu.memref_slice %arg7[%run_scoped3A_71, %dma_start3A_85] : memref<5x2000xi32, #tpu.memory_space<vmem>> -> memref<1x2000xi32, #tpu.memory_space<vmem>>
      %dma_start3A_87 = tpu.memref_squeeze %dma_start3A_86 : memref<1x2000xi32, #tpu.memory_space<vmem>> -> memref<2000xi32, #tpu.memory_space<vmem>>
      %dma_start3A_88 = arith.constant 0 : i32
      %dma_start3A_89 = arith.constant 0 : i32
      %dma_start3A_90 = tpu.memref_slice %arg11[%dma_start3A_88, %dma_start3A_89] : memref<10240x16xf32, #tpu.memory_space<vmem_shared>> -> memref<10240x16xf32, #tpu.memory_space<vmem_shared>>
      tpu.enqueue_indirect_dma source(%arg9 : memref<2000x16xf32, #tpu.memory_space<vmem>>) target(%dma_start3A_90 : memref<10240x16xf32, #tpu.memory_space<vmem_shared>>) offsets(%dma_start3A_87 : memref<2000xi32, #tpu.memory_space<vmem>>) semaphore(%run_scoped3A_84 : memref<!tpu.dma_semaphore, #tpu.memory_space<semaphore_mem>>) {add = true}
      %dma_wait3A_91 = arith.constant 0 : i32
      %dma_wait3A_92 = tpu.memref_slice %arg7[%run_scoped3A_71, %dma_wait3A_91] : memref<5x2000xi32, #tpu.memory_space<vmem>> -> memref<1x2000xi32, #tpu.memory_space<vmem>>
      %dma_wait3A_93 = tpu.memref_squeeze %dma_wait3A_92 : memref<1x2000xi32, #tpu.memory_space<vmem>> -> memref<2000xi32, #tpu.memory_space<vmem>>
      %dma_wait3A_94 = arith.constant 0 : i32
      %dma_wait3A_95 = arith.constant 0 : i32
      %dma_wait3A_96 = tpu.memref_slice %arg11[%dma_wait3A_94, %dma_wait3A_95] : memref<10240x16xf32, #tpu.memory_space<vmem_shared>> -> memref<10240x16xf32, #tpu.memory_space<vmem_shared>>
      tpu.wait_indirect_dma semaphore(%run_scoped3A_84 : memref<!tpu.dma_semaphore, #tpu.memory_space<semaphore_mem>>) src(%arg9 : memref<2000x16xf32, #tpu.memory_space<vmem>>) dst(%dma_wait3A_96 : memref<10240x16xf32, #tpu.memory_space<vmem_shared>>)
      tpu.yield
    }) : () -> ()
    %dma_wait3A_72 = arith.constant 8000 : i32
    %dma_wait3A_73 = tpu.memref_slice %arg6[%dma_wait3A_72] : memref<10000xi32, #tpu.memory_space<vmem>> -> memref<2000xi32, #tpu.memory_space<vmem>>
    %dma_wait3A_74 = arith.constant 0 : i32
    %dma_wait3A_75 = arith.constant 0 : i32
    %dma_wait3A_76 = tpu.memref_slice %arg2[%dma_wait3A_74, %dma_wait3A_75] : memref<10240x16xf32, #tpu.memory_space<hbm>> -> memref<10240x16xf32, #tpu.memory_space<hbm>>
    tpu.wait_indirect_dma semaphore(%arg12 : memref<!tpu.dma_semaphore, #tpu.memory_space<semaphore_mem>>) src(%dma_wait3A_76 : memref<10240x16xf32, #tpu.memory_space<hbm>>) dst(%arg8 : memref<2000x16xf32, #tpu.memory_space<vmem>>)
    %run_scoped3A_77 = arith.constant 4 : i32
    "tpu.region"() ({
      %run_scoped3A_84 = tpu.sem_alloc : memref<!tpu.dma_semaphore, #tpu.memory_space<semaphore_mem>>
      %dma_start3A_85 = arith.constant 0 : i32
      %dma_start3A_86 = tpu.memref_slice %arg7[%run_scoped3A_77, %dma_start3A_85] : memref<5x2000xi32, #tpu.memory_space<vmem>> -> memref<1x2000xi32, #tpu.memory_space<vmem>>
      %dma_start3A_87 = tpu.memref_squeeze %dma_start3A_86 : memref<1x2000xi32, #tpu.memory_space<vmem>> -> memref<2000xi32, #tpu.memory_space<vmem>>
      %dma_start3A_88 = arith.constant 0 : i32
      %dma_start3A_89 = arith.constant 0 : i32
      %dma_start3A_90 = tpu.memref_slice %arg11[%dma_start3A_88, %dma_start3A_89] : memref<10240x16xf32, #tpu.memory_space<vmem_shared>> -> memref<10240x16xf32, #tpu.memory_space<vmem_shared>>
      tpu.enqueue_indirect_dma source(%arg8 : memref<2000x16xf32, #tpu.memory_space<vmem>>) target(%dma_start3A_90 : memref<10240x16xf32, #tpu.memory_space<vmem_shared>>) offsets(%dma_start3A_87 : memref<2000xi32, #tpu.memory_space<vmem>>) semaphore(%run_scoped3A_84 : memref<!tpu.dma_semaphore, #tpu.memory_space<semaphore_mem>>) {add = true}
      %dma_wait3A_91 = arith.constant 0 : i32
      %dma_wait3A_92 = tpu.memref_slice %arg7[%run_scoped3A_77, %dma_wait3A_91] : memref<5x2000xi32, #tpu.memory_space<vmem>> -> memref<1x2000xi32, #tpu.memory_space<vmem>>
      %dma_wait3A_93 = tpu.memref_squeeze %dma_wait3A_92 : memref<1x2000xi32, #tpu.memory_space<vmem>> -> memref<2000xi32, #tpu.memory_space<vmem>>
      %dma_wait3A_94 = arith.constant 0 : i32
      %dma_wait3A_95 = arith.constant 0 : i32
      %dma_wait3A_96 = tpu.memref_slice %arg11[%dma_wait3A_94, %dma_wait3A_95] : memref<10240x16xf32, #tpu.memory_space<vmem_shared>> -> memref<10240x16xf32, #tpu.memory_space<vmem_shared>>
      tpu.wait_indirect_dma semaphore(%run_scoped3A_84 : memref<!tpu.dma_semaphore, #tpu.memory_space<semaphore_mem>>) src(%arg8 : memref<2000x16xf32, #tpu.memory_space<vmem>>) dst(%dma_wait3A_96 : memref<10240x16xf32, #tpu.memory_space<vmem_shared>>)
      tpu.yield
    }) : () -> ()
    %barrier3A_78 = arith.constant 0 : index
    tpu.barrier barrier_id(%barrier3A_78)
    %mul3A_79 = arith.constant 640 : i32
    %mul3A_80 = arith.muli %arg1, %mul3A_79 : i32
    "tpu.region"() ({
      %run_scoped3A_84 = tpu.sem_alloc : memref<!tpu.dma_semaphore, #tpu.memory_space<semaphore_mem>>
      %dma_start3A_85 = arith.constant 0 : i32
      %dma_start3A_86 = tpu.memref_slice %arg11[%mul3A_80, %dma_start3A_85] : memref<10240x16xf32, #tpu.memory_space<vmem_shared>> -> memref<640x16xf32, #tpu.memory_space<vmem_shared>>
      %dma_start3A_87 = arith.constant 0 : i32
      %dma_start3A_88 = tpu.memref_slice %arg11[%mul3A_80, %dma_start3A_87] : memref<10240x16xf32, #tpu.memory_space<vmem_shared>> -> memref<640x16xf32, #tpu.memory_space<vmem_shared>>
      tpu.enqueue_dma source(%dma_start3A_88 : memref<640x16xf32, #tpu.memory_space<vmem_shared>>) target(%arg10 : memref<640x16xf32, #tpu.memory_space<vmem>>) target_semaphore(%run_scoped3A_84 : memref<!tpu.dma_semaphore, #tpu.memory_space<semaphore_mem>>)
      %dma_wait3A_89 = arith.constant 0 : i32
      %dma_wait3A_90 = tpu.memref_slice %arg11[%mul3A_80, %dma_wait3A_89] : memref<10240x16xf32, #tpu.memory_space<vmem_shared>> -> memref<640x16xf32, #tpu.memory_space<vmem_shared>>
      %dma_wait3A_91 = arith.constant 0 : i32
      %dma_wait3A_92 = tpu.memref_slice %arg11[%mul3A_80, %dma_wait3A_91] : memref<10240x16xf32, #tpu.memory_space<vmem_shared>> -> memref<640x16xf32, #tpu.memory_space<vmem_shared>>
      tpu.wait_dma2 semaphore(%run_scoped3A_84 : memref<!tpu.dma_semaphore, #tpu.memory_space<semaphore_mem>>) src(%dma_wait3A_92 : memref<640x16xf32, #tpu.memory_space<vmem_shared>>) dst(%arg10 : memref<640x16xf32, #tpu.memory_space<vmem>>)
      tpu.yield
    }) : () -> ()
    %mul3A_81 = arith.constant 10240 : i32
    %mul3A_82 = arith.muli %arg0, %mul3A_81 : i32
    %add3A_83 = arith.addi %mul3A_82, %mul3A_80 : i32
    "tpu.region"() ({
      %run_scoped3A_84 = tpu.sem_alloc : memref<!tpu.dma_semaphore, #tpu.memory_space<semaphore_mem>>
      %dma_start3A_85 = arith.constant 0 : i32
      %dma_start3A_86 = tpu.memref_slice %arg5[%add3A_83, %dma_start3A_85] : memref<20480x16xf32, #tpu.memory_space<hbm>> -> memref<640x16xf32, #tpu.memory_space<hbm>>
      %dma_start3A_87 = arith.constant 0 : i32
      %dma_start3A_88 = tpu.memref_slice %arg5[%add3A_83, %dma_start3A_87] : memref<20480x16xf32, #tpu.memory_space<hbm>> -> memref<640x16xf32, #tpu.memory_space<hbm>>
      tpu.enqueue_dma source(%arg10 : memref<640x16xf32, #tpu.memory_space<vmem>>) target(%dma_start3A_88 : memref<640x16xf32, #tpu.memory_space<hbm>>) target_semaphore(%run_scoped3A_84 : memref<!tpu.dma_semaphore, #tpu.memory_space<semaphore_mem>>)
      %dma_wait3A_89 = arith.constant 0 : i32
      %dma_wait3A_90 = tpu.memref_slice %arg5[%add3A_83, %dma_wait3A_89] : memref<20480x16xf32, #tpu.memory_space<hbm>> -> memref<640x16xf32, #tpu.memory_space<hbm>>
      %dma_wait3A_91 = arith.constant 0 : i32
      %dma_wait3A_92 = tpu.memref_slice %arg5[%add3A_83, %dma_wait3A_91] : memref<20480x16xf32, #tpu.memory_space<hbm>> -> memref<640x16xf32, #tpu.memory_space<hbm>>
      tpu.wait_dma2 semaphore(%run_scoped3A_84 : memref<!tpu.dma_semaphore, #tpu.memory_space<semaphore_mem>>) src(%arg10 : memref<640x16xf32, #tpu.memory_space<vmem>>) dst(%dma_wait3A_92 : memref<640x16xf32, #tpu.memory_space<hbm>>)
      tpu.yield
    }) : () -> ()
    return
  }
}

#map = affine_map<(d0, d1) -> (0, 0)>
module attributes {stable_mosaic.version = 14 : i64} {
  func.func @body(%arg0: i32, %arg1: i32, %arg2: memref<10240x16xf32, #tpu.memory_space<hbm>>, %arg3: memref<2x320000xi32, #tpu.memory_space<hbm>>, %arg4: memref<640x16xf32, #tpu.memory_space<hbm>>, %arg5: memref<20480x16xf32, #tpu.memory_space<hbm>>, %arg6: memref<10000xi32, #tpu.memory_space<vmem>>, %arg7: memref<5x2000xi32, #tpu.memory_space<vmem>>, %arg8: memref<2000x16xf32, #tpu.memory_space<vmem>>, %arg9: memref<2000x16xf32, #tpu.memory_space<vmem>>, %arg10: memref<640x16xf32, #tpu.memory_space<vmem>>, %arg11: memref<10240x16xf32, #tpu.memory_space<vmem_shared>>, %arg12: memref<!tpu.dma_semaphore, #tpu.memory_space<semaphore_mem>>, %arg13: memref<!tpu.dma_semaphore, #tpu.memory_space<semaphore_mem>>) attributes {dimension_semantics = [#tpu.dimension_semantics<core_parallel>, #tpu.dimension_semantics<subcore_parallel>], iteration_bounds = array<i64: 2, 16>, scalar_prefetch = 0 : i64, scratch_operands = 8 : i64, tpu.core_type = #tpu.core_type<sc_vector_subcore>, window_params = [{transform_indices = #map}, {transform_indices = #map}, {transform_indices = #map}, {transform_indices = #map}]} {
    %mul3A = arith.constant 2 : i32
    %mul3A_0 = arith.muli %arg1, %mul3A : i32
    %add3A = arith.addi %mul3A_0, %arg0 : i32
    %mul3A_1 = arith.constant 10000 : i32
    %mul3A_2 = arith.muli %add3A, %mul3A_1 : i32
    "tpu.region"() ({
      %run_scoped3A_84 = tpu.sem_alloc : memref<!tpu.dma_semaphore, #tpu.memory_space<semaphore_mem>>
      %dma_start3A_85 = arith.constant 0 : i32
      %dma_start3A_86 = arith.constant 0 : i32
      %dma_start3A_87 = tpu.memref_slice %arg8[%dma_start3A_85, %dma_start3A_86] : memref<2000x16xf32, #tpu.memory_space<vmem>> -> memref<640x16xf32, #tpu.memory_space<vmem>>
      %dma_start3A_88 = arith.constant 0 : i32
      %dma_start3A_89 = arith.constant 0 : i32
      %dma_start3A_90 = tpu.memref_slice %arg8[%dma_start3A_88, %dma_start3A_89] : memref<2000x16xf32, #tpu.memory_space<vmem>> -> memref<640x16xf32, #tpu.memory_space<vmem>>
      tpu.enqueue_dma source(%arg4 : memref<640x16xf32, #tpu.memory_space<hbm>>) target(%dma_start3A_90 : memref<640x16xf32, #tpu.memory_space<vmem>>) target_semaphore(%run_scoped3A_84 : memref<!tpu.dma_semaphore, #tpu.memory_space<semaphore_mem>>)
      %dma_wait3A_91 = arith.constant 0 : i32
      %dma_wait3A_92 = arith.constant 0 : i32
      %dma_wait3A_93 = tpu.memref_slice %arg8[%dma_wait3A_91, %dma_wait3A_92] : memref<2000x16xf32, #tpu.memory_space<vmem>> -> memref<640x16xf32, #tpu.memory_space<vmem>>
      %dma_wait3A_94 = arith.constant 0 : i32
      %dma_wait3A_95 = arith.constant 0 : i32
      %dma_wait3A_96 = tpu.memref_slice %arg8[%dma_wait3A_94, %dma_wait3A_95] : memref<2000x16xf32, #tpu.memory_space<vmem>> -> memref<640x16xf32, #tpu.memory_space<vmem>>
      tpu.wait_dma2 semaphore(%run_scoped3A_84 : memref<!tpu.dma_semaphore, #tpu.memory_space<semaphore_mem>>) src(%arg4 : memref<640x16xf32, #tpu.memory_space<hbm>>) dst(%dma_wait3A_96 : memref<640x16xf32, #tpu.memory_space<vmem>>)
      tpu.yield
    }) : () -> ()
    %mul3A_3 = arith.constant 640 : i32
    %mul3A_4 = arith.muli %arg1, %mul3A_3 : i32
    "tpu.region"() ({
      %run_scoped3A_84 = tpu.sem_alloc : memref<!tpu.dma_semaphore, #tpu.memory_space<semaphore_mem>>
      %dma_start3A_85 = arith.constant 0 : i32
      %dma_start3A_86 = arith.constant 0 : i32
      %dma_start3A_87 = tpu.memref_slice %arg8[%dma_start3A_85, %dma_start3A_86] : memref<2000x16xf32, #tpu.memory_space<vmem>> -> memref<640x16xf32, #tpu.memory_space<vmem>>
      %dma_start3A_88 = arith.constant 0 : i32
      %dma_start3A_89 = tpu.memref_slice %arg11[%mul3A_4, %dma_start3A_88] : memref<10240x16xf32, #tpu.memory_space<vmem_shared>> -> memref<640x16xf32, #tpu.memory_space<vmem_shared>>
      %dma_start3A_90 = arith.constant 0 : i32
      %dma_start3A_91 = tpu.memref_slice %arg11[%mul3A_4, %dma_start3A_90] : memref<10240x16xf32, #tpu.memory_space<vmem_shared>> -> memref<640x16xf32, #tpu.memory_space<vmem_shared>>
      %dma_start3A_92 = arith.constant 0 : i32
      %dma_start3A_93 = arith.constant 0 : i32
      %dma_start3A_94 = tpu.memref_slice %arg8[%dma_start3A_92, %dma_start3A_93] : memref<2000x16xf32, #tpu.memory_space<vmem>> -> memref<640x16xf32, #tpu.memory_space<vmem>>
      tpu.enqueue_dma source(%dma_start3A_94 : memref<640x16xf32, #tpu.memory_space<vmem>>) target(%dma_start3A_91 : memref<640x16xf32, #tpu.memory_space<vmem_shared>>) target_semaphore(%run_scoped3A_84 : memref<!tpu.dma_semaphore, #tpu.memory_space<semaphore_mem>>)
      %dma_wait3A_95 = arith.constant 0 : i32
      %dma_wait3A_96 = arith.constant 0 : i32
      %dma_wait3A_97 = tpu.memref_slice %arg8[%dma_wait3A_95, %dma_wait3A_96] : memref<2000x16xf32, #tpu.memory_space<vmem>> -> memref<640x16xf32, #tpu.memory_space<vmem>>
      %dma_wait3A_98 = arith.constant 0 : i32
      %dma_wait3A_99 = tpu.memref_slice %arg11[%mul3A_4, %dma_wait3A_98] : memref<10240x16xf32, #tpu.memory_space<vmem_shared>> -> memref<640x16xf32, #tpu.memory_space<vmem_shared>>
      %dma_wait3A_100 = arith.constant 0 : i32
      %dma_wait3A_101 = tpu.memref_slice %arg11[%mul3A_4, %dma_wait3A_100] : memref<10240x16xf32, #tpu.memory_space<vmem_shared>> -> memref<640x16xf32, #tpu.memory_space<vmem_shared>>
      %dma_wait3A_102 = arith.constant 0 : i32
      %dma_wait3A_103 = arith.constant 0 : i32
      %dma_wait3A_104 = tpu.memref_slice %arg8[%dma_wait3A_102, %dma_wait3A_103] : memref<2000x16xf32, #tpu.memory_space<vmem>> -> memref<640x16xf32, #tpu.memory_space<vmem>>
      tpu.wait_dma2 semaphore(%run_scoped3A_84 : memref<!tpu.dma_semaphore, #tpu.memory_space<semaphore_mem>>) src(%dma_wait3A_104 : memref<640x16xf32, #tpu.memory_space<vmem>>) dst(%dma_wait3A_101 : memref<640x16xf32, #tpu.memory_space<vmem_shared>>)
      tpu.yield
    }) : () -> ()
    %barrier3A = arith.constant 0 : index
    tpu.barrier barrier_id(%barrier3A)
    %run_scoped3A = arith.constant 0 : i32
    "tpu.region"() ({
      %run_scoped3A_84 = tpu.sem_alloc : memref<!tpu.dma_semaphore, #tpu.memory_space<semaphore_mem>>
      %dma_start3A_85 = tpu.memref_slice %arg3[%run_scoped3A, %mul3A_2] : memref<2x320000xi32, #tpu.memory_space<hbm>> -> memref<1x10000xi32, #tpu.memory_space<hbm>>
      %dma_start3A_86 = tpu.memref_squeeze %dma_start3A_85 : memref<1x10000xi32, #tpu.memory_space<hbm>> -> memref<10000xi32, #tpu.memory_space<hbm>>
      %dma_start3A_87 = tpu.memref_slice %arg3[%run_scoped3A, %mul3A_2] : memref<2x320000xi32, #tpu.memory_space<hbm>> -> memref<1x10000xi32, #tpu.memory_space<hbm>>
      %dma_start3A_88 = tpu.memref_squeeze %dma_start3A_87 : memref<1x10000xi32, #tpu.memory_space<hbm>> -> memref<10000xi32, #tpu.memory_space<hbm>>
      tpu.enqueue_dma source(%dma_start3A_88 : memref<10000xi32, #tpu.memory_space<hbm>>) target(%arg6 : memref<10000xi32, #tpu.memory_space<vmem>>) target_semaphore(%run_scoped3A_84 : memref<!tpu.dma_semaphore, #tpu.memory_space<semaphore_mem>>)
      %dma_wait3A_89 = tpu.memref_slice %arg3[%run_scoped3A, %mul3A_2] : memref<2x320000xi32, #tpu.memory_space<hbm>> -> memref<1x10000xi32, #tpu.memory_space<hbm>>
      %dma_wait3A_90 = tpu.memref_squeeze %dma_wait3A_89 : memref<1x10000xi32, #tpu.memory_space<hbm>> -> memref<10000xi32, #tpu.memory_space<hbm>>
      %dma_wait3A_91 = tpu.memref_slice %arg3[%run_scoped3A, %mul3A_2] : memref<2x320000xi32, #tpu.memory_space<hbm>> -> memref<1x10000xi32, #tpu.memory_space<hbm>>
      %dma_wait3A_92 = tpu.memref_squeeze %dma_wait3A_91 : memref<1x10000xi32, #tpu.memory_space<hbm>> -> memref<10000xi32, #tpu.memory_space<hbm>>
      tpu.wait_dma2 semaphore(%run_scoped3A_84 : memref<!tpu.dma_semaphore, #tpu.memory_space<semaphore_mem>>) src(%dma_wait3A_92 : memref<10000xi32, #tpu.memory_space<hbm>>) dst(%arg6 : memref<10000xi32, #tpu.memory_space<vmem>>)
      tpu.yield
    }) : () -> ()
    %dma_start3A = arith.constant 0 : i32
    %dma_start3A_5 = tpu.memref_slice %arg6[%dma_start3A] : memref<10000xi32, #tpu.memory_space<vmem>> -> memref<2000xi32, #tpu.memory_space<vmem>>
    %dma_start3A_6 = arith.constant 0 : i32
    %dma_start3A_7 = arith.constant 0 : i32
    %dma_start3A_8 = tpu.memref_slice %arg2[%dma_start3A_6, %dma_start3A_7] : memref<10240x16xf32, #tpu.memory_space<hbm>> -> memref<10240x16xf32, #tpu.memory_space<hbm>>
    tpu.enqueue_indirect_dma source(%dma_start3A_8 : memref<10240x16xf32, #tpu.memory_space<hbm>>) target(%arg8 : memref<2000x16xf32, #tpu.memory_space<vmem>>) offsets(%dma_start3A_5 : memref<2000xi32, #tpu.memory_space<vmem>>) semaphore(%arg12 : memref<!tpu.dma_semaphore, #tpu.memory_space<semaphore_mem>>)
    %dma_start3A_9 = arith.constant 2000 : i32
    %dma_start3A_10 = tpu.memref_slice %arg6[%dma_start3A_9] : memref<10000xi32, #tpu.memory_space<vmem>> -> memref<2000xi32, #tpu.memory_space<vmem>>
    %dma_start3A_11 = arith.constant 0 : i32
    %dma_start3A_12 = arith.constant 0 : i32
    %dma_start3A_13 = tpu.memref_slice %arg2[%dma_start3A_11, %dma_start3A_12] : memref<10240x16xf32, #tpu.memory_space<hbm>> -> memref<10240x16xf32, #tpu.memory_space<hbm>>
    tpu.enqueue_indirect_dma source(%dma_start3A_13 : memref<10240x16xf32, #tpu.memory_space<hbm>>) target(%arg9 : memref<2000x16xf32, #tpu.memory_space<vmem>>) offsets(%dma_start3A_10 : memref<2000xi32, #tpu.memory_space<vmem>>) semaphore(%arg13 : memref<!tpu.dma_semaphore, #tpu.memory_space<semaphore_mem>>)
    %add3A_14 = arith.constant 0 : i32
    %add3A_15 = arith.addi %mul3A_2, %add3A_14 : i32
    %run_scoped3A_16 = arith.constant 1 : i32
    %run_scoped3A_17 = arith.constant 0 : i32
    "tpu.region"() ({
      %run_scoped3A_84 = tpu.sem_alloc : memref<!tpu.dma_semaphore, #tpu.memory_space<semaphore_mem>>
      %dma_start3A_85 = arith.constant 0 : i32
      %dma_start3A_86 = tpu.memref_slice %arg7[%run_scoped3A_17, %dma_start3A_85] : memref<5x2000xi32, #tpu.memory_space<vmem>> -> memref<1x2000xi32, #tpu.memory_space<vmem>>
      %dma_start3A_87 = tpu.memref_squeeze %dma_start3A_86 : memref<1x2000xi32, #tpu.memory_space<vmem>> -> memref<2000xi32, #tpu.memory_space<vmem>>
      %dma_start3A_88 = tpu.memref_slice %arg3[%run_scoped3A_16, %add3A_15] : memref<2x320000xi32, #tpu.memory_space<hbm>> -> memref<1x2000xi32, #tpu.memory_space<hbm>>
      %dma_start3A_89 = tpu.memref_squeeze %dma_start3A_88 : memref<1x2000xi32, #tpu.memory_space<hbm>> -> memref<2000xi32, #tpu.memory_space<hbm>>
      %dma_start3A_90 = arith.constant 0 : i32
      %dma_start3A_91 = tpu.memref_slice %arg7[%run_scoped3A_17, %dma_start3A_90] : memref<5x2000xi32, #tpu.memory_space<vmem>> -> memref<1x2000xi32, #tpu.memory_space<vmem>>
      %dma_start3A_92 = tpu.memref_squeeze %dma_start3A_91 : memref<1x2000xi32, #tpu.memory_space<vmem>> -> memref<2000xi32, #tpu.memory_space<vmem>>
      %dma_start3A_93 = tpu.memref_slice %arg3[%run_scoped3A_16, %add3A_15] : memref<2x320000xi32, #tpu.memory_space<hbm>> -> memref<1x2000xi32, #tpu.memory_space<hbm>>
      %dma_start3A_94 = tpu.memref_squeeze %dma_start3A_93 : memref<1x2000xi32, #tpu.memory_space<hbm>> -> memref<2000xi32, #tpu.memory_space<hbm>>
      tpu.enqueue_dma source(%dma_start3A_94 : memref<2000xi32, #tpu.memory_space<hbm>>) target(%dma_start3A_92 : memref<2000xi32, #tpu.memory_space<vmem>>) target_semaphore(%run_scoped3A_84 : memref<!tpu.dma_semaphore, #tpu.memory_space<semaphore_mem>>)
      %dma_wait3A_95 = arith.constant 0 : i32
      %dma_wait3A_96 = tpu.memref_slice %arg7[%run_scoped3A_17, %dma_wait3A_95] : memref<5x2000xi32, #tpu.memory_space<vmem>> -> memref<1x2000xi32, #tpu.memory_space<vmem>>
      %dma_wait3A_97 = tpu.memref_squeeze %dma_wait3A_96 : memref<1x2000xi32, #tpu.memory_space<vmem>> -> memref<2000xi32, #tpu.memory_space<vmem>>
      %dma_wait3A_98 = tpu.memref_slice %arg3[%run_scoped3A_16, %add3A_15] : memref<2x320000xi32, #tpu.memory_space<hbm>> -> memref<1x2000xi32, #tpu.memory_space<hbm>>
      %dma_wait3A_99 = tpu.memref_squeeze %dma_wait3A_98 : memref<1x2000xi32, #tpu.memory_space<hbm>> -> memref<2000xi32, #tpu.memory_space<hbm>>
      %dma_wait3A_100 = arith.constant 0 : i32
      %dma_wait3A_101 = tpu.memref_slice %arg7[%run_scoped3A_17, %dma_wait3A_100] : memref<5x2000xi32, #tpu.memory_space<vmem>> -> memref<1x2000xi32, #tpu.memory_space<vmem>>
      %dma_wait3A_102 = tpu.memref_squeeze %dma_wait3A_101 : memref<1x2000xi32, #tpu.memory_space<vmem>> -> memref<2000xi32, #tpu.memory_space<vmem>>
      %dma_wait3A_103 = tpu.memref_slice %arg3[%run_scoped3A_16, %add3A_15] : memref<2x320000xi32, #tpu.memory_space<hbm>> -> memref<1x2000xi32, #tpu.memory_space<hbm>>
      %dma_wait3A_104 = tpu.memref_squeeze %dma_wait3A_103 : memref<1x2000xi32, #tpu.memory_space<hbm>> -> memref<2000xi32, #tpu.memory_space<hbm>>
      tpu.wait_dma2 semaphore(%run_scoped3A_84 : memref<!tpu.dma_semaphore, #tpu.memory_space<semaphore_mem>>) src(%dma_wait3A_104 : memref<2000xi32, #tpu.memory_space<hbm>>) dst(%dma_wait3A_102 : memref<2000xi32, #tpu.memory_space<vmem>>)
      tpu.yield
    }) : () -> ()
    %add3A_18 = arith.constant 2000 : i32
    %add3A_19 = arith.addi %mul3A_2, %add3A_18 : i32
    %run_scoped3A_20 = arith.constant 1 : i32
    %run_scoped3A_21 = arith.constant 1 : i32
    "tpu.region"() ({
      %run_scoped3A_84 = tpu.sem_alloc : memref<!tpu.dma_semaphore, #tpu.memory_space<semaphore_mem>>
      %dma_start3A_85 = arith.constant 0 : i32
      %dma_start3A_86 = tpu.memref_slice %arg7[%run_scoped3A_21, %dma_start3A_85] : memref<5x2000xi32, #tpu.memory_space<vmem>> -> memref<1x2000xi32, #tpu.memory_space<vmem>>
      %dma_start3A_87 = tpu.memref_squeeze %dma_start3A_86 : memref<1x2000xi32, #tpu.memory_space<vmem>> -> memref<2000xi32, #tpu.memory_space<vmem>>
      %dma_start3A_88 = tpu.memref_slice %arg3[%run_scoped3A_20, %add3A_19] : memref<2x320000xi32, #tpu.memory_space<hbm>> -> memref<1x2000xi32, #tpu.memory_space<hbm>>
      %dma_start3A_89 = tpu.memref_squeeze %dma_start3A_88 : memref<1x2000xi32, #tpu.memory_space<hbm>> -> memref<2000xi32, #tpu.memory_space<hbm>>
      %dma_start3A_90 = arith.constant 0 : i32
      %dma_start3A_91 = tpu.memref_slice %arg7[%run_scoped3A_21, %dma_start3A_90] : memref<5x2000xi32, #tpu.memory_space<vmem>> -> memref<1x2000xi32, #tpu.memory_space<vmem>>
      %dma_start3A_92 = tpu.memref_squeeze %dma_start3A_91 : memref<1x2000xi32, #tpu.memory_space<vmem>> -> memref<2000xi32, #tpu.memory_space<vmem>>
      %dma_start3A_93 = tpu.memref_slice %arg3[%run_scoped3A_20, %add3A_19] : memref<2x320000xi32, #tpu.memory_space<hbm>> -> memref<1x2000xi32, #tpu.memory_space<hbm>>
      %dma_start3A_94 = tpu.memref_squeeze %dma_start3A_93 : memref<1x2000xi32, #tpu.memory_space<hbm>> -> memref<2000xi32, #tpu.memory_space<hbm>>
      tpu.enqueue_dma source(%dma_start3A_94 : memref<2000xi32, #tpu.memory_space<hbm>>) target(%dma_start3A_92 : memref<2000xi32, #tpu.memory_space<vmem>>) target_semaphore(%run_scoped3A_84 : memref<!tpu.dma_semaphore, #tpu.memory_space<semaphore_mem>>)
      %dma_wait3A_95 = arith.constant 0 : i32
      %dma_wait3A_96 = tpu.memref_slice %arg7[%run_scoped3A_21, %dma_wait3A_95] : memref<5x2000xi32, #tpu.memory_space<vmem>> -> memref<1x2000xi32, #tpu.memory_space<vmem>>
      %dma_wait3A_97 = tpu.memref_squeeze %dma_wait3A_96 : memref<1x2000xi32, #tpu.memory_space<vmem>> -> memref<2000xi32, #tpu.memory_space<vmem>>
      %dma_wait3A_98 = tpu.memref_slice %arg3[%run_scoped3A_20, %add3A_19] : memref<2x320000xi32, #tpu.memory_space<hbm>> -> memref<1x2000xi32, #tpu.memory_space<hbm>>
      %dma_wait3A_99 = tpu.memref_squeeze %dma_wait3A_98 : memref<1x2000xi32, #tpu.memory_space<hbm>> -> memref<2000xi32, #tpu.memory_space<hbm>>
      %dma_wait3A_100 = arith.constant 0 : i32
      %dma_wait3A_101 = tpu.memref_slice %arg7[%run_scoped3A_21, %dma_wait3A_100] : memref<5x2000xi32, #tpu.memory_space<vmem>> -> memref<1x2000xi32, #tpu.memory_space<vmem>>
      %dma_wait3A_102 = tpu.memref_squeeze %dma_wait3A_101 : memref<1x2000xi32, #tpu.memory_space<vmem>> -> memref<2000xi32, #tpu.memory_space<vmem>>
      %dma_wait3A_103 = tpu.memref_slice %arg3[%run_scoped3A_20, %add3A_19] : memref<2x320000xi32, #tpu.memory_space<hbm>> -> memref<1x2000xi32, #tpu.memory_space<hbm>>
      %dma_wait3A_104 = tpu.memref_squeeze %dma_wait3A_103 : memref<1x2000xi32, #tpu.memory_space<hbm>> -> memref<2000xi32, #tpu.memory_space<hbm>>
      tpu.wait_dma2 semaphore(%run_scoped3A_84 : memref<!tpu.dma_semaphore, #tpu.memory_space<semaphore_mem>>) src(%dma_wait3A_104 : memref<2000xi32, #tpu.memory_space<hbm>>) dst(%dma_wait3A_102 : memref<2000xi32, #tpu.memory_space<vmem>>)
      tpu.yield
    }) : () -> ()
    %add3A_22 = arith.constant 4000 : i32
    %add3A_23 = arith.addi %mul3A_2, %add3A_22 : i32
    %run_scoped3A_24 = arith.constant 1 : i32
    %run_scoped3A_25 = arith.constant 2 : i32
    "tpu.region"() ({
      %run_scoped3A_84 = tpu.sem_alloc : memref<!tpu.dma_semaphore, #tpu.memory_space<semaphore_mem>>
      %dma_start3A_85 = arith.constant 0 : i32
      %dma_start3A_86 = tpu.memref_slice %arg7[%run_scoped3A_25, %dma_start3A_85] : memref<5x2000xi32, #tpu.memory_space<vmem>> -> memref<1x2000xi32, #tpu.memory_space<vmem>>
      %dma_start3A_87 = tpu.memref_squeeze %dma_start3A_86 : memref<1x2000xi32, #tpu.memory_space<vmem>> -> memref<2000xi32, #tpu.memory_space<vmem>>
      %dma_start3A_88 = tpu.memref_slice %arg3[%run_scoped3A_24, %add3A_23] : memref<2x320000xi32, #tpu.memory_space<hbm>> -> memref<1x2000xi32, #tpu.memory_space<hbm>>
      %dma_start3A_89 = tpu.memref_squeeze %dma_start3A_88 : memref<1x2000xi32, #tpu.memory_space<hbm>> -> memref<2000xi32, #tpu.memory_space<hbm>>
      %dma_start3A_90 = arith.constant 0 : i32
      %dma_start3A_91 = tpu.memref_slice %arg7[%run_scoped3A_25, %dma_start3A_90] : memref<5x2000xi32, #tpu.memory_space<vmem>> -> memref<1x2000xi32, #tpu.memory_space<vmem>>
      %dma_start3A_92 = tpu.memref_squeeze %dma_start3A_91 : memref<1x2000xi32, #tpu.memory_space<vmem>> -> memref<2000xi32, #tpu.memory_space<vmem>>
      %dma_start3A_93 = tpu.memref_slice %arg3[%run_scoped3A_24, %add3A_23] : memref<2x320000xi32, #tpu.memory_space<hbm>> -> memref<1x2000xi32, #tpu.memory_space<hbm>>
      %dma_start3A_94 = tpu.memref_squeeze %dma_start3A_93 : memref<1x2000xi32, #tpu.memory_space<hbm>> -> memref<2000xi32, #tpu.memory_space<hbm>>
      tpu.enqueue_dma source(%dma_start3A_94 : memref<2000xi32, #tpu.memory_space<hbm>>) target(%dma_start3A_92 : memref<2000xi32, #tpu.memory_space<vmem>>) target_semaphore(%run_scoped3A_84 : memref<!tpu.dma_semaphore, #tpu.memory_space<semaphore_mem>>)
      %dma_wait3A_95 = arith.constant 0 : i32
      %dma_wait3A_96 = tpu.memref_slice %arg7[%run_scoped3A_25, %dma_wait3A_95] : memref<5x2000xi32, #tpu.memory_space<vmem>> -> memref<1x2000xi32, #tpu.memory_space<vmem>>
      %dma_wait3A_97 = tpu.memref_squeeze %dma_wait3A_96 : memref<1x2000xi32, #tpu.memory_space<vmem>> -> memref<2000xi32, #tpu.memory_space<vmem>>
      %dma_wait3A_98 = tpu.memref_slice %arg3[%run_scoped3A_24, %add3A_23] : memref<2x320000xi32, #tpu.memory_space<hbm>> -> memref<1x2000xi32, #tpu.memory_space<hbm>>
      %dma_wait3A_99 = tpu.memref_squeeze %dma_wait3A_98 : memref<1x2000xi32, #tpu.memory_space<hbm>> -> memref<2000xi32, #tpu.memory_space<hbm>>
      %dma_wait3A_100 = arith.constant 0 : i32
      %dma_wait3A_101 = tpu.memref_slice %arg7[%run_scoped3A_25, %dma_wait3A_100] : memref<5x2000xi32, #tpu.memory_space<vmem>> -> memref<1x2000xi32, #tpu.memory_space<vmem>>
      %dma_wait3A_102 = tpu.memref_squeeze %dma_wait3A_101 : memref<1x2000xi32, #tpu.memory_space<vmem>> -> memref<2000xi32, #tpu.memory_space<vmem>>
      %dma_wait3A_103 = tpu.memref_slice %arg3[%run_scoped3A_24, %add3A_23] : memref<2x320000xi32, #tpu.memory_space<hbm>> -> memref<1x2000xi32, #tpu.memory_space<hbm>>
      %dma_wait3A_104 = tpu.memref_squeeze %dma_wait3A_103 : memref<1x2000xi32, #tpu.memory_space<hbm>> -> memref<2000xi32, #tpu.memory_space<hbm>>
      tpu.wait_dma2 semaphore(%run_scoped3A_84 : memref<!tpu.dma_semaphore, #tpu.memory_space<semaphore_mem>>) src(%dma_wait3A_104 : memref<2000xi32, #tpu.memory_space<hbm>>) dst(%dma_wait3A_102 : memref<2000xi32, #tpu.memory_space<vmem>>)
      tpu.yield
    }) : () -> ()
    %add3A_26 = arith.constant 6000 : i32
    %add3A_27 = arith.addi %mul3A_2, %add3A_26 : i32
    %run_scoped3A_28 = arith.constant 1 : i32
    %run_scoped3A_29 = arith.constant 3 : i32
    "tpu.region"() ({
      %run_scoped3A_84 = tpu.sem_alloc : memref<!tpu.dma_semaphore, #tpu.memory_space<semaphore_mem>>
      %dma_start3A_85 = arith.constant 0 : i32
      %dma_start3A_86 = tpu.memref_slice %arg7[%run_scoped3A_29, %dma_start3A_85] : memref<5x2000xi32, #tpu.memory_space<vmem>> -> memref<1x2000xi32, #tpu.memory_space<vmem>>
      %dma_start3A_87 = tpu.memref_squeeze %dma_start3A_86 : memref<1x2000xi32, #tpu.memory_space<vmem>> -> memref<2000xi32, #tpu.memory_space<vmem>>
      %dma_start3A_88 = tpu.memref_slice %arg3[%run_scoped3A_28, %add3A_27] : memref<2x320000xi32, #tpu.memory_space<hbm>> -> memref<1x2000xi32, #tpu.memory_space<hbm>>
      %dma_start3A_89 = tpu.memref_squeeze %dma_start3A_88 : memref<1x2000xi32, #tpu.memory_space<hbm>> -> memref<2000xi32, #tpu.memory_space<hbm>>
      %dma_start3A_90 = arith.constant 0 : i32
      %dma_start3A_91 = tpu.memref_slice %arg7[%run_scoped3A_29, %dma_start3A_90] : memref<5x2000xi32, #tpu.memory_space<vmem>> -> memref<1x2000xi32, #tpu.memory_space<vmem>>
      %dma_start3A_92 = tpu.memref_squeeze %dma_start3A_91 : memref<1x2000xi32, #tpu.memory_space<vmem>> -> memref<2000xi32, #tpu.memory_space<vmem>>
      %dma_start3A_93 = tpu.memref_slice %arg3[%run_scoped3A_28, %add3A_27] : memref<2x320000xi32, #tpu.memory_space<hbm>> -> memref<1x2000xi32, #tpu.memory_space<hbm>>
      %dma_start3A_94 = tpu.memref_squeeze %dma_start3A_93 : memref<1x2000xi32, #tpu.memory_space<hbm>> -> memref<2000xi32, #tpu.memory_space<hbm>>
      tpu.enqueue_dma source(%dma_start3A_94 : memref<2000xi32, #tpu.memory_space<hbm>>) target(%dma_start3A_92 : memref<2000xi32, #tpu.memory_space<vmem>>) target_semaphore(%run_scoped3A_84 : memref<!tpu.dma_semaphore, #tpu.memory_space<semaphore_mem>>)
      %dma_wait3A_95 = arith.constant 0 : i32
      %dma_wait3A_96 = tpu.memref_slice %arg7[%run_scoped3A_29, %dma_wait3A_95] : memref<5x2000xi32, #tpu.memory_space<vmem>> -> memref<1x2000xi32, #tpu.memory_space<vmem>>
      %dma_wait3A_97 = tpu.memref_squeeze %dma_wait3A_96 : memref<1x2000xi32, #tpu.memory_space<vmem>> -> memref<2000xi32, #tpu.memory_space<vmem>>
      %dma_wait3A_98 = tpu.memref_slice %arg3[%run_scoped3A_28, %add3A_27] : memref<2x320000xi32, #tpu.memory_space<hbm>> -> memref<1x2000xi32, #tpu.memory_space<hbm>>
      %dma_wait3A_99 = tpu.memref_squeeze %dma_wait3A_98 : memref<1x2000xi32, #tpu.memory_space<hbm>> -> memref<2000xi32, #tpu.memory_space<hbm>>
      %dma_wait3A_100 = arith.constant 0 : i32
      %dma_wait3A_101 = tpu.memref_slice %arg7[%run_scoped3A_29, %dma_wait3A_100] : memref<5x2000xi32, #tpu.memory_space<vmem>> -> memref<1x2000xi32, #tpu.memory_space<vmem>>
      %dma_wait3A_102 = tpu.memref_squeeze %dma_wait3A_101 : memref<1x2000xi32, #tpu.memory_space<vmem>> -> memref<2000xi32, #tpu.memory_space<vmem>>
      %dma_wait3A_103 = tpu.memref_slice %arg3[%run_scoped3A_28, %add3A_27] : memref<2x320000xi32, #tpu.memory_space<hbm>> -> memref<1x2000xi32, #tpu.memory_space<hbm>>
      %dma_wait3A_104 = tpu.memref_squeeze %dma_wait3A_103 : memref<1x2000xi32, #tpu.memory_space<hbm>> -> memref<2000xi32, #tpu.memory_space<hbm>>
      tpu.wait_dma2 semaphore(%run_scoped3A_84 : memref<!tpu.dma_semaphore, #tpu.memory_space<semaphore_mem>>) src(%dma_wait3A_104 : memref<2000xi32, #tpu.memory_space<hbm>>) dst(%dma_wait3A_102 : memref<2000xi32, #tpu.memory_space<vmem>>)
      tpu.yield
    }) : () -> ()
    %add3A_30 = arith.constant 8000 : i32
    %add3A_31 = arith.addi %mul3A_2, %add3A_30 : i32
    %run_scoped3A_32 = arith.constant 1 : i32
    %run_scoped3A_33 = arith.constant 4 : i32
    "tpu.region"() ({
      %run_scoped3A_84 = tpu.sem_alloc : memref<!tpu.dma_semaphore, #tpu.memory_space<semaphore_mem>>
      %dma_start3A_85 = arith.constant 0 : i32
      %dma_start3A_86 = tpu.memref_slice %arg7[%run_scoped3A_33, %dma_start3A_85] : memref<5x2000xi32, #tpu.memory_space<vmem>> -> memref<1x2000xi32, #tpu.memory_space<vmem>>
      %dma_start3A_87 = tpu.memref_squeeze %dma_start3A_86 : memref<1x2000xi32, #tpu.memory_space<vmem>> -> memref<2000xi32, #tpu.memory_space<vmem>>
      %dma_start3A_88 = tpu.memref_slice %arg3[%run_scoped3A_32, %add3A_31] : memref<2x320000xi32, #tpu.memory_space<hbm>> -> memref<1x2000xi32, #tpu.memory_space<hbm>>
      %dma_start3A_89 = tpu.memref_squeeze %dma_start3A_88 : memref<1x2000xi32, #tpu.memory_space<hbm>> -> memref<2000xi32, #tpu.memory_space<hbm>>
      %dma_start3A_90 = arith.constant 0 : i32
      %dma_start3A_91 = tpu.memref_slice %arg7[%run_scoped3A_33, %dma_start3A_90] : memref<5x2000xi32, #tpu.memory_space<vmem>> -> memref<1x2000xi32, #tpu.memory_space<vmem>>
      %dma_start3A_92 = tpu.memref_squeeze %dma_start3A_91 : memref<1x2000xi32, #tpu.memory_space<vmem>> -> memref<2000xi32, #tpu.memory_space<vmem>>
      %dma_start3A_93 = tpu.memref_slice %arg3[%run_scoped3A_32, %add3A_31] : memref<2x320000xi32, #tpu.memory_space<hbm>> -> memref<1x2000xi32, #tpu.memory_space<hbm>>
      %dma_start3A_94 = tpu.memref_squeeze %dma_start3A_93 : memref<1x2000xi32, #tpu.memory_space<hbm>> -> memref<2000xi32, #tpu.memory_space<hbm>>
      tpu.enqueue_dma source(%dma_start3A_94 : memref<2000xi32, #tpu.memory_space<hbm>>) target(%dma_start3A_92 : memref<2000xi32, #tpu.memory_space<vmem>>) target_semaphore(%run_scoped3A_84 : memref<!tpu.dma_semaphore, #tpu.memory_space<semaphore_mem>>)
      %dma_wait3A_95 = arith.constant 0 : i32
      %dma_wait3A_96 = tpu.memref_slice %arg7[%run_scoped3A_33, %dma_wait3A_95] : memref<5x2000xi32, #tpu.memory_space<vmem>> -> memref<1x2000xi32, #tpu.memory_space<vmem>>
      %dma_wait3A_97 = tpu.memref_squeeze %dma_wait3A_96 : memref<1x2000xi32, #tpu.memory_space<vmem>> -> memref<2000xi32, #tpu.memory_space<vmem>>
      %dma_wait3A_98 = tpu.memref_slice %arg3[%run_scoped3A_32, %add3A_31] : memref<2x320000xi32, #tpu.memory_space<hbm>> -> memref<1x2000xi32, #tpu.memory_space<hbm>>
      %dma_wait3A_99 = tpu.memref_squeeze %dma_wait3A_98 : memref<1x2000xi32, #tpu.memory_space<hbm>> -> memref<2000xi32, #tpu.memory_space<hbm>>
      %dma_wait3A_100 = arith.constant 0 : i32
      %dma_wait3A_101 = tpu.memref_slice %arg7[%run_scoped3A_33, %dma_wait3A_100] : memref<5x2000xi32, #tpu.memory_space<vmem>> -> memref<1x2000xi32, #tpu.memory_space<vmem>>
      %dma_wait3A_102 = tpu.memref_squeeze %dma_wait3A_101 : memref<1x2000xi32, #tpu.memory_space<vmem>> -> memref<2000xi32, #tpu.memory_space<vmem>>
      %dma_wait3A_103 = tpu.memref_slice %arg3[%run_scoped3A_32, %add3A_31] : memref<2x320000xi32, #tpu.memory_space<hbm>> -> memref<1x2000xi32, #tpu.memory_space<hbm>>
      %dma_wait3A_104 = tpu.memref_squeeze %dma_wait3A_103 : memref<1x2000xi32, #tpu.memory_space<hbm>> -> memref<2000xi32, #tpu.memory_space<hbm>>
      tpu.wait_dma2 semaphore(%run_scoped3A_84 : memref<!tpu.dma_semaphore, #tpu.memory_space<semaphore_mem>>) src(%dma_wait3A_104 : memref<2000xi32, #tpu.memory_space<hbm>>) dst(%dma_wait3A_102 : memref<2000xi32, #tpu.memory_space<vmem>>)
      tpu.yield
    }) : () -> ()
    %dma_wait3A = arith.constant 0 : i32
    %dma_wait3A_34 = tpu.memref_slice %arg6[%dma_wait3A] : memref<10000xi32, #tpu.memory_space<vmem>> -> memref<2000xi32, #tpu.memory_space<vmem>>
    %dma_wait3A_35 = arith.constant 0 : i32
    %dma_wait3A_36 = arith.constant 0 : i32
    %dma_wait3A_37 = tpu.memref_slice %arg2[%dma_wait3A_35, %dma_wait3A_36] : memref<10240x16xf32, #tpu.memory_space<hbm>> -> memref<10240x16xf32, #tpu.memory_space<hbm>>
    tpu.wait_indirect_dma semaphore(%arg12 : memref<!tpu.dma_semaphore, #tpu.memory_space<semaphore_mem>>) src(%dma_wait3A_37 : memref<10240x16xf32, #tpu.memory_space<hbm>>) dst(%arg8 : memref<2000x16xf32, #tpu.memory_space<vmem>>)
    %run_scoped3A_38 = arith.constant 0 : i32
    "tpu.region"() ({
      %run_scoped3A_84 = tpu.sem_alloc : memref<!tpu.dma_semaphore, #tpu.memory_space<semaphore_mem>>
      %dma_start3A_85 = arith.constant 0 : i32
      %dma_start3A_86 = tpu.memref_slice %arg7[%run_scoped3A_38, %dma_start3A_85] : memref<5x2000xi32, #tpu.memory_space<vmem>> -> memref<1x2000xi32, #tpu.memory_space<vmem>>
      %dma_start3A_87 = tpu.memref_squeeze %dma_start3A_86 : memref<1x2000xi32, #tpu.memory_space<vmem>> -> memref<2000xi32, #tpu.memory_space<vmem>>
      %dma_start3A_88 = arith.constant 0 : i32
      %dma_start3A_89 = arith.constant 0 : i32
      %dma_start3A_90 = tpu.memref_slice %arg11[%dma_start3A_88, %dma_start3A_89] : memref<10240x16xf32, #tpu.memory_space<vmem_shared>> -> memref<10240x16xf32, #tpu.memory_space<vmem_shared>>
      tpu.enqueue_indirect_dma source(%arg8 : memref<2000x16xf32, #tpu.memory_space<vmem>>) target(%dma_start3A_90 : memref<10240x16xf32, #tpu.memory_space<vmem_shared>>) offsets(%dma_start3A_87 : memref<2000xi32, #tpu.memory_space<vmem>>) semaphore(%run_scoped3A_84 : memref<!tpu.dma_semaphore, #tpu.memory_space<semaphore_mem>>) {add = true}
      %dma_wait3A_91 = arith.constant 0 : i32
      %dma_wait3A_92 = tpu.memref_slice %arg7[%run_scoped3A_38, %dma_wait3A_91] : memref<5x2000xi32, #tpu.memory_space<vmem>> -> memref<1x2000xi32, #tpu.memory_space<vmem>>
      %dma_wait3A_93 = tpu.memref_squeeze %dma_wait3A_92 : memref<1x2000xi32, #tpu.memory_space<vmem>> -> memref<2000xi32, #tpu.memory_space<vmem>>
      %dma_wait3A_94 = arith.constant 0 : i32
      %dma_wait3A_95 = arith.constant 0 : i32
      %dma_wait3A_96 = tpu.memref_slice %arg11[%dma_wait3A_94, %dma_wait3A_95] : memref<10240x16xf32, #tpu.memory_space<vmem_shared>> -> memref<10240x16xf32, #tpu.memory_space<vmem_shared>>
      tpu.wait_indirect_dma semaphore(%run_scoped3A_84 : memref<!tpu.dma_semaphore, #tpu.memory_space<semaphore_mem>>) src(%arg8 : memref<2000x16xf32, #tpu.memory_space<vmem>>) dst(%dma_wait3A_96 : memref<10240x16xf32, #tpu.memory_space<vmem_shared>>)
      tpu.yield
    }) : () -> ()
    %dma_start3A_39 = arith.constant 4000 : i32
    %dma_start3A_40 = tpu.memref_slice %arg6[%dma_start3A_39] : memref<10000xi32, #tpu.memory_space<vmem>> -> memref<2000xi32, #tpu.memory_space<vmem>>
    %dma_start3A_41 = arith.constant 0 : i32
    %dma_start3A_42 = arith.constant 0 : i32
    %dma_start3A_43 = tpu.memref_slice %arg2[%dma_start3A_41, %dma_start3A_42] : memref<10240x16xf32, #tpu.memory_space<hbm>> -> memref<10240x16xf32, #tpu.memory_space<hbm>>
    tpu.enqueue_indirect_dma source(%dma_start3A_43 : memref<10240x16xf32, #tpu.memory_space<hbm>>) target(%arg8 : memref<2000x16xf32, #tpu.memory_space<vmem>>) offsets(%dma_start3A_40 : memref<2000xi32, #tpu.memory_space<vmem>>) semaphore(%arg12 : memref<!tpu.dma_semaphore, #tpu.memory_space<semaphore_mem>>)
    %dma_wait3A_44 = arith.constant 2000 : i32
    %dma_wait3A_45 = tpu.memref_slice %arg6[%dma_wait3A_44] : memref<10000xi32, #tpu.memory_space<vmem>> -> memref<2000xi32, #tpu.memory_space<vmem>>
    %dma_wait3A_46 = arith.constant 0 : i32
    %dma_wait3A_47 = arith.constant 0 : i32
    %dma_wait3A_48 = tpu.memref_slice %arg2[%dma_wait3A_46, %dma_wait3A_47] : memref<10240x16xf32, #tpu.memory_space<hbm>> -> memref<10240x16xf32, #tpu.memory_space<hbm>>
    tpu.wait_indirect_dma semaphore(%arg13 : memref<!tpu.dma_semaphore, #tpu.memory_space<semaphore_mem>>) src(%dma_wait3A_48 : memref<10240x16xf32, #tpu.memory_space<hbm>>) dst(%arg9 : memref<2000x16xf32, #tpu.memory_space<vmem>>)
    %run_scoped3A_49 = arith.constant 1 : i32
    "tpu.region"() ({
      %run_scoped3A_84 = tpu.sem_alloc : memref<!tpu.dma_semaphore, #tpu.memory_space<semaphore_mem>>
      %dma_start3A_85 = arith.constant 0 : i32
      %dma_start3A_86 = tpu.memref_slice %arg7[%run_scoped3A_49, %dma_start3A_85] : memref<5x2000xi32, #tpu.memory_space<vmem>> -> memref<1x2000xi32, #tpu.memory_space<vmem>>
      %dma_start3A_87 = tpu.memref_squeeze %dma_start3A_86 : memref<1x2000xi32, #tpu.memory_space<vmem>> -> memref<2000xi32, #tpu.memory_space<vmem>>
      %dma_start3A_88 = arith.constant 0 : i32
      %dma_start3A_89 = arith.constant 0 : i32
      %dma_start3A_90 = tpu.memref_slice %arg11[%dma_start3A_88, %dma_start3A_89] : memref<10240x16xf32, #tpu.memory_space<vmem_shared>> -> memref<10240x16xf32, #tpu.memory_space<vmem_shared>>
      tpu.enqueue_indirect_dma source(%arg9 : memref<2000x16xf32, #tpu.memory_space<vmem>>) target(%dma_start3A_90 : memref<10240x16xf32, #tpu.memory_space<vmem_shared>>) offsets(%dma_start3A_87 : memref<2000xi32, #tpu.memory_space<vmem>>) semaphore(%run_scoped3A_84 : memref<!tpu.dma_semaphore, #tpu.memory_space<semaphore_mem>>) {add = true}
      %dma_wait3A_91 = arith.constant 0 : i32
      %dma_wait3A_92 = tpu.memref_slice %arg7[%run_scoped3A_49, %dma_wait3A_91] : memref<5x2000xi32, #tpu.memory_space<vmem>> -> memref<1x2000xi32, #tpu.memory_space<vmem>>
      %dma_wait3A_93 = tpu.memref_squeeze %dma_wait3A_92 : memref<1x2000xi32, #tpu.memory_space<vmem>> -> memref<2000xi32, #tpu.memory_space<vmem>>
      %dma_wait3A_94 = arith.constant 0 : i32
      %dma_wait3A_95 = arith.constant 0 : i32
      %dma_wait3A_96 = tpu.memref_slice %arg11[%dma_wait3A_94, %dma_wait3A_95] : memref<10240x16xf32, #tpu.memory_space<vmem_shared>> -> memref<10240x16xf32, #tpu.memory_space<vmem_shared>>
      tpu.wait_indirect_dma semaphore(%run_scoped3A_84 : memref<!tpu.dma_semaphore, #tpu.memory_space<semaphore_mem>>) src(%arg9 : memref<2000x16xf32, #tpu.memory_space<vmem>>) dst(%dma_wait3A_96 : memref<10240x16xf32, #tpu.memory_space<vmem_shared>>)
      tpu.yield
    }) : () -> ()
    %dma_start3A_50 = arith.constant 6000 : i32
    %dma_start3A_51 = tpu.memref_slice %arg6[%dma_start3A_50] : memref<10000xi32, #tpu.memory_space<vmem>> -> memref<2000xi32, #tpu.memory_space<vmem>>
    %dma_start3A_52 = arith.constant 0 : i32
    %dma_start3A_53 = arith.constant 0 : i32
    %dma_start3A_54 = tpu.memref_slice %arg2[%dma_start3A_52, %dma_start3A_53] : memref<10240x16xf32, #tpu.memory_space<hbm>> -> memref<10240x16xf32, #tpu.memory_space<hbm>>
    tpu.enqueue_indirect_dma source(%dma_start3A_54 : memref<10240x16xf32, #tpu.memory_space<hbm>>) target(%arg9 : memref<2000x16xf32, #tpu.memory_space<vmem>>) offsets(%dma_start3A_51 : memref<2000xi32, #tpu.memory_space<vmem>>) semaphore(%arg13 : memref<!tpu.dma_semaphore, #tpu.memory_space<semaphore_mem>>)
    %dma_wait3A_55 = arith.constant 4000 : i32
    %dma_wait3A_56 = tpu.memref_slice %arg6[%dma_wait3A_55] : memref<10000xi32, #tpu.memory_space<vmem>> -> memref<2000xi32, #tpu.memory_space<vmem>>
    %dma_wait3A_57 = arith.constant 0 : i32
    %dma_wait3A_58 = arith.constant 0 : i32
    %dma_wait3A_59 = tpu.memref_slice %arg2[%dma_wait3A_57, %dma_wait3A_58] : memref<10240x16xf32, #tpu.memory_space<hbm>> -> memref<10240x16xf32, #tpu.memory_space<hbm>>
    tpu.wait_indirect_dma semaphore(%arg12 : memref<!tpu.dma_semaphore, #tpu.memory_space<semaphore_mem>>) src(%dma_wait3A_59 : memref<10240x16xf32, #tpu.memory_space<hbm>>) dst(%arg8 : memref<2000x16xf32, #tpu.memory_space<vmem>>)
    %run_scoped3A_60 = arith.constant 2 : i32
    "tpu.region"() ({
      %run_scoped3A_84 = tpu.sem_alloc : memref<!tpu.dma_semaphore, #tpu.memory_space<semaphore_mem>>
      %dma_start3A_85 = arith.constant 0 : i32
      %dma_start3A_86 = tpu.memref_slice %arg7[%run_scoped3A_60, %dma_start3A_85] : memref<5x2000xi32, #tpu.memory_space<vmem>> -> memref<1x2000xi32, #tpu.memory_space<vmem>>
      %dma_start3A_87 = tpu.memref_squeeze %dma_start3A_86 : memref<1x2000xi32, #tpu.memory_space<vmem>> -> memref<2000xi32, #tpu.memory_space<vmem>>
      %dma_start3A_88 = arith.constant 0 : i32
      %dma_start3A_89 = arith.constant 0 : i32
      %dma_start3A_90 = tpu.memref_slice %arg11[%dma_start3A_88, %dma_start3A_89] : memref<10240x16xf32, #tpu.memory_space<vmem_shared>> -> memref<10240x16xf32, #tpu.memory_space<vmem_shared>>
      tpu.enqueue_indirect_dma source(%arg8 : memref<2000x16xf32, #tpu.memory_space<vmem>>) target(%dma_start3A_90 : memref<10240x16xf32, #tpu.memory_space<vmem_shared>>) offsets(%dma_start3A_87 : memref<2000xi32, #tpu.memory_space<vmem>>) semaphore(%run_scoped3A_84 : memref<!tpu.dma_semaphore, #tpu.memory_space<semaphore_mem>>) {add = true}
      %dma_wait3A_91 = arith.constant 0 : i32
      %dma_wait3A_92 = tpu.memref_slice %arg7[%run_scoped3A_60, %dma_wait3A_91] : memref<5x2000xi32, #tpu.memory_space<vmem>> -> memref<1x2000xi32, #tpu.memory_space<vmem>>
      %dma_wait3A_93 = tpu.memref_squeeze %dma_wait3A_92 : memref<1x2000xi32, #tpu.memory_space<vmem>> -> memref<2000xi32, #tpu.memory_space<vmem>>
      %dma_wait3A_94 = arith.constant 0 : i32
      %dma_wait3A_95 = arith.constant 0 : i32
      %dma_wait3A_96 = tpu.memref_slice %arg11[%dma_wait3A_94, %dma_wait3A_95] : memref<10240x16xf32, #tpu.memory_space<vmem_shared>> -> memref<10240x16xf32, #tpu.memory_space<vmem_shared>>
      tpu.wait_indirect_dma semaphore(%run_scoped3A_84 : memref<!tpu.dma_semaphore, #tpu.memory_space<semaphore_mem>>) src(%arg8 : memref<2000x16xf32, #tpu.memory_space<vmem>>) dst(%dma_wait3A_96 : memref<10240x16xf32, #tpu.memory_space<vmem_shared>>)
      tpu.yield
    }) : () -> ()
    %dma_start3A_61 = arith.constant 8000 : i32
    %dma_start3A_62 = tpu.memref_slice %arg6[%dma_start3A_61] : memref<10000xi32, #tpu.memory_space<vmem>> -> memref<2000xi32, #tpu.memory_space<vmem>>
    %dma_start3A_63 = arith.constant 0 : i32
    %dma_start3A_64 = arith.constant 0 : i32
    %dma_start3A_65 = tpu.memref_slice %arg2[%dma_start3A_63, %dma_start3A_64] : memref<10240x16xf32, #tpu.memory_space<hbm>> -> memref<10240x16xf32, #tpu.memory_space<hbm>>
    tpu.enqueue_indirect_dma source(%dma_start3A_65 : memref<10240x16xf32, #tpu.memory_space<hbm>>) target(%arg8 : memref<2000x16xf32, #tpu.memory_space<vmem>>) offsets(%dma_start3A_62 : memref<2000xi32, #tpu.memory_space<vmem>>) semaphore(%arg12 : memref<!tpu.dma_semaphore, #tpu.memory_space<semaphore_mem>>)
    %dma_wait3A_66 = arith.constant 6000 : i32
    %dma_wait3A_67 = tpu.memref_slice %arg6[%dma_wait3A_66] : memref<10000xi32, #tpu.memory_space<vmem>> -> memref<2000xi32, #tpu.memory_space<vmem>>
    %dma_wait3A_68 = arith.constant 0 : i32
    %dma_wait3A_69 = arith.constant 0 : i32
    %dma_wait3A_70 = tpu.memref_slice %arg2[%dma_wait3A_68, %dma_wait3A_69] : memref<10240x16xf32, #tpu.memory_space<hbm>> -> memref<10240x16xf32, #tpu.memory_space<hbm>>
    tpu.wait_indirect_dma semaphore(%arg13 : memref<!tpu.dma_semaphore, #tpu.memory_space<semaphore_mem>>) src(%dma_wait3A_70 : memref<10240x16xf32, #tpu.memory_space<hbm>>) dst(%arg9 : memref<2000x16xf32, #tpu.memory_space<vmem>>)
    %run_scoped3A_71 = arith.constant 3 : i32
    "tpu.region"() ({
      %run_scoped3A_84 = tpu.sem_alloc : memref<!tpu.dma_semaphore, #tpu.memory_space<semaphore_mem>>
      %dma_start3A_85 = arith.constant 0 : i32
      %dma_start3A_86 = tpu.memref_slice %arg7[%run_scoped3A_71, %dma_start3A_85] : memref<5x2000xi32, #tpu.memory_space<vmem>> -> memref<1x2000xi32, #tpu.memory_space<vmem>>
      %dma_start3A_87 = tpu.memref_squeeze %dma_start3A_86 : memref<1x2000xi32, #tpu.memory_space<vmem>> -> memref<2000xi32, #tpu.memory_space<vmem>>
      %dma_start3A_88 = arith.constant 0 : i32
      %dma_start3A_89 = arith.constant 0 : i32
      %dma_start3A_90 = tpu.memref_slice %arg11[%dma_start3A_88, %dma_start3A_89] : memref<10240x16xf32, #tpu.memory_space<vmem_shared>> -> memref<10240x16xf32, #tpu.memory_space<vmem_shared>>
      tpu.enqueue_indirect_dma source(%arg9 : memref<2000x16xf32, #tpu.memory_space<vmem>>) target(%dma_start3A_90 : memref<10240x16xf32, #tpu.memory_space<vmem_shared>>) offsets(%dma_start3A_87 : memref<2000xi32, #tpu.memory_space<vmem>>) semaphore(%run_scoped3A_84 : memref<!tpu.dma_semaphore, #tpu.memory_space<semaphore_mem>>) {add = true}
      %dma_wait3A_91 = arith.constant 0 : i32
      %dma_wait3A_92 = tpu.memref_slice %arg7[%run_scoped3A_71, %dma_wait3A_91] : memref<5x2000xi32, #tpu.memory_space<vmem>> -> memref<1x2000xi32, #tpu.memory_space<vmem>>
      %dma_wait3A_93 = tpu.memref_squeeze %dma_wait3A_92 : memref<1x2000xi32, #tpu.memory_space<vmem>> -> memref<2000xi32, #tpu.memory_space<vmem>>
      %dma_wait3A_94 = arith.constant 0 : i32
      %dma_wait3A_95 = arith.constant 0 : i32
      %dma_wait3A_96 = tpu.memref_slice %arg11[%dma_wait3A_94, %dma_wait3A_95] : memref<10240x16xf32, #tpu.memory_space<vmem_shared>> -> memref<10240x16xf32, #tpu.memory_space<vmem_shared>>
      tpu.wait_indirect_dma semaphore(%run_scoped3A_84 : memref<!tpu.dma_semaphore, #tpu.memory_space<semaphore_mem>>) src(%arg9 : memref<2000x16xf32, #tpu.memory_space<vmem>>) dst(%dma_wait3A_96 : memref<10240x16xf32, #tpu.memory_space<vmem_shared>>)
      tpu.yield
    }) : () -> ()
    %dma_wait3A_72 = arith.constant 8000 : i32
    %dma_wait3A_73 = tpu.memref_slice %arg6[%dma_wait3A_72] : memref<10000xi32, #tpu.memory_space<vmem>> -> memref<2000xi32, #tpu.memory_space<vmem>>
    %dma_wait3A_74 = arith.constant 0 : i32
    %dma_wait3A_75 = arith.constant 0 : i32
    %dma_wait3A_76 = tpu.memref_slice %arg2[%dma_wait3A_74, %dma_wait3A_75] : memref<10240x16xf32, #tpu.memory_space<hbm>> -> memref<10240x16xf32, #tpu.memory_space<hbm>>
    tpu.wait_indirect_dma semaphore(%arg12 : memref<!tpu.dma_semaphore, #tpu.memory_space<semaphore_mem>>) src(%dma_wait3A_76 : memref<10240x16xf32, #tpu.memory_space<hbm>>) dst(%arg8 : memref<2000x16xf32, #tpu.memory_space<vmem>>)
    %run_scoped3A_77 = arith.constant 4 : i32
    "tpu.region"() ({
      %run_scoped3A_84 = tpu.sem_alloc : memref<!tpu.dma_semaphore, #tpu.memory_space<semaphore_mem>>
      %dma_start3A_85 = arith.constant 0 : i32
      %dma_start3A_86 = tpu.memref_slice %arg7[%run_scoped3A_77, %dma_start3A_85] : memref<5x2000xi32, #tpu.memory_space<vmem>> -> memref<1x2000xi32, #tpu.memory_space<vmem>>
      %dma_start3A_87 = tpu.memref_squeeze %dma_start3A_86 : memref<1x2000xi32, #tpu.memory_space<vmem>> -> memref<2000xi32, #tpu.memory_space<vmem>>
      %dma_start3A_88 = arith.constant 0 : i32
      %dma_start3A_89 = arith.constant 0 : i32
      %dma_start3A_90 = tpu.memref_slice %arg11[%dma_start3A_88, %dma_start3A_89] : memref<10240x16xf32, #tpu.memory_space<vmem_shared>> -> memref<10240x16xf32, #tpu.memory_space<vmem_shared>>
      tpu.enqueue_indirect_dma source(%arg8 : memref<2000x16xf32, #tpu.memory_space<vmem>>) target(%dma_start3A_90 : memref<10240x16xf32, #tpu.memory_space<vmem_shared>>) offsets(%dma_start3A_87 : memref<2000xi32, #tpu.memory_space<vmem>>) semaphore(%run_scoped3A_84 : memref<!tpu.dma_semaphore, #tpu.memory_space<semaphore_mem>>) {add = true}
      %dma_wait3A_91 = arith.constant 0 : i32
      %dma_wait3A_92 = tpu.memref_slice %arg7[%run_scoped3A_77, %dma_wait3A_91] : memref<5x2000xi32, #tpu.memory_space<vmem>> -> memref<1x2000xi32, #tpu.memory_space<vmem>>
      %dma_wait3A_93 = tpu.memref_squeeze %dma_wait3A_92 : memref<1x2000xi32, #tpu.memory_space<vmem>> -> memref<2000xi32, #tpu.memory_space<vmem>>
      %dma_wait3A_94 = arith.constant 0 : i32
      %dma_wait3A_95 = arith.constant 0 : i32
      %dma_wait3A_96 = tpu.memref_slice %arg11[%dma_wait3A_94, %dma_wait3A_95] : memref<10240x16xf32, #tpu.memory_space<vmem_shared>> -> memref<10240x16xf32, #tpu.memory_space<vmem_shared>>
      tpu.wait_indirect_dma semaphore(%run_scoped3A_84 : memref<!tpu.dma_semaphore, #tpu.memory_space<semaphore_mem>>) src(%arg8 : memref<2000x16xf32, #tpu.memory_space<vmem>>) dst(%dma_wait3A_96 : memref<10240x16xf32, #tpu.memory_space<vmem_shared>>)
      tpu.yield
    }) : () -> ()
    %barrier3A_78 = arith.constant 0 : index
    tpu.barrier barrier_id(%barrier3A_78)
    %mul3A_79 = arith.constant 640 : i32
    %mul3A_80 = arith.muli %arg1, %mul3A_79 : i32
    "tpu.region"() ({
      %run_scoped3A_84 = tpu.sem_alloc : memref<!tpu.dma_semaphore, #tpu.memory_space<semaphore_mem>>
      %dma_start3A_85 = arith.constant 0 : i32
      %dma_start3A_86 = tpu.memref_slice %arg11[%mul3A_80, %dma_start3A_85] : memref<10240x16xf32, #tpu.memory_space<vmem_shared>> -> memref<640x16xf32, #tpu.memory_space<vmem_shared>>
      %dma_start3A_87 = arith.constant 0 : i32
      %dma_start3A_88 = tpu.memref_slice %arg11[%mul3A_80, %dma_start3A_87] : memref<10240x16xf32, #tpu.memory_space<vmem_shared>> -> memref<640x16xf32, #tpu.memory_space<vmem_shared>>
      tpu.enqueue_dma source(%dma_start3A_88 : memref<640x16xf32, #tpu.memory_space<vmem_shared>>) target(%arg10 : memref<640x16xf32, #tpu.memory_space<vmem>>) target_semaphore(%run_scoped3A_84 : memref<!tpu.dma_semaphore, #tpu.memory_space<semaphore_mem>>)
      %dma_wait3A_89 = arith.constant 0 : i32
      %dma_wait3A_90 = tpu.memref_slice %arg11[%mul3A_80, %dma_wait3A_89] : memref<10240x16xf32, #tpu.memory_space<vmem_shared>> -> memref<640x16xf32, #tpu.memory_space<vmem_shared>>
      %dma_wait3A_91 = arith.constant 0 : i32
      %dma_wait3A_92 = tpu.memref_slice %arg11[%mul3A_80, %dma_wait3A_91] : memref<10240x16xf32, #tpu.memory_space<vmem_shared>> -> memref<640x16xf32, #tpu.memory_space<vmem_shared>>
      tpu.wait_dma2 semaphore(%run_scoped3A_84 : memref<!tpu.dma_semaphore, #tpu.memory_space<semaphore_mem>>) src(%dma_wait3A_92 : memref<640x16xf32, #tpu.memory_space<vmem_shared>>) dst(%arg10 : memref<640x16xf32, #tpu.memory_space<vmem>>)
      tpu.yield
    }) : () -> ()
    %mul3A_81 = arith.constant 10240 : i32
    %mul3A_82 = arith.muli %arg0, %mul3A_81 : i32
    %add3A_83 = arith.addi %mul3A_82, %mul3A_80 : i32
    "tpu.region"() ({
      %run_scoped3A_84 = tpu.sem_alloc : memref<!tpu.dma_semaphore, #tpu.memory_space<semaphore_mem>>
      %dma_start3A_85 = arith.constant 0 : i32
      %dma_start3A_86 = tpu.memref_slice %arg5[%add3A_83, %dma_start3A_85] : memref<20480x16xf32, #tpu.memory_space<hbm>> -> memref<640x16xf32, #tpu.memory_space<hbm>>
      %dma_start3A_87 = arith.constant 0 : i32
      %dma_start3A_88 = tpu.memref_slice %arg5[%add3A_83, %dma_start3A_87] : memref<20480x16xf32, #tpu.memory_space<hbm>> -> memref<640x16xf32, #tpu.memory_space<hbm>>
      tpu.enqueue_dma source(%arg10 : memref<640x16xf32, #tpu.memory_space<vmem>>) target(%dma_start3A_88 : memref<640x16xf32, #tpu.memory_space<hbm>>) target_semaphore(%run_scoped3A_84 : memref<!tpu.dma_semaphore, #tpu.memory_space<semaphore_mem>>)
      %dma_wait3A_89 = arith.constant 0 : i32
      %dma_wait3A_90 = tpu.memref_slice %arg5[%add3A_83, %dma_wait3A_89] : memref<20480x16xf32, #tpu.memory_space<hbm>> -> memref<640x16xf32, #tpu.memory_space<hbm>>
      %dma_wait3A_91 = arith.constant 0 : i32
      %dma_wait3A_92 = tpu.memref_slice %arg5[%add3A_83, %dma_wait3A_91] : memref<20480x16xf32, #tpu.memory_space<hbm>> -> memref<640x16xf32, #tpu.memory_space<hbm>>
      tpu.wait_dma2 semaphore(%run_scoped3A_84 : memref<!tpu.dma_semaphore, #tpu.memory_space<semaphore_mem>>) src(%arg10 : memref<640x16xf32, #tpu.memory_space<vmem>>) dst(%dma_wait3A_92 : memref<640x16xf32, #tpu.memory_space<hbm>>)
      tpu.yield
    }) : () -> ()
    return
  }
}

#map = affine_map<(d0, d1) -> (0, 0)>
module attributes {stable_mosaic.version = 14 : i64} {
  func.func @body(%arg0: i32, %arg1: i32, %arg2: memref<10240x16xf32, #tpu.memory_space<hbm>>, %arg3: memref<2x320000xi32, #tpu.memory_space<hbm>>, %arg4: memref<640x16xf32, #tpu.memory_space<hbm>>, %arg5: memref<20480x16xf32, #tpu.memory_space<hbm>>, %arg6: memref<10000xi32, #tpu.memory_space<vmem>>, %arg7: memref<5x2000xi32, #tpu.memory_space<vmem>>, %arg8: memref<2000x16xf32, #tpu.memory_space<vmem>>, %arg9: memref<2000x16xf32, #tpu.memory_space<vmem>>, %arg10: memref<640x16xf32, #tpu.memory_space<vmem>>, %arg11: memref<10240x16xf32, #tpu.memory_space<vmem_shared>>, %arg12: memref<!tpu.dma_semaphore, #tpu.memory_space<semaphore_mem>>, %arg13: memref<!tpu.dma_semaphore, #tpu.memory_space<semaphore_mem>>) attributes {dimension_semantics = [#tpu.dimension_semantics<core_parallel>, #tpu.dimension_semantics<subcore_parallel>], iteration_bounds = array<i64: 2, 16>, scalar_prefetch = 0 : i64, scratch_operands = 8 : i64, tpu.core_type = #tpu.core_type<sc_vector_subcore>, window_params = [{transform_indices = #map}, {transform_indices = #map}, {transform_indices = #map}, {transform_indices = #map}]} {
    %mul3A = arith.constant 2 : i32
    %mul3A_0 = arith.muli %arg1, %mul3A : i32
    %add3A = arith.addi %mul3A_0, %arg0 : i32
    %mul3A_1 = arith.constant 10000 : i32
    %mul3A_2 = arith.muli %add3A, %mul3A_1 : i32
    "tpu.region"() ({
      %run_scoped3A_84 = tpu.sem_alloc : memref<!tpu.dma_semaphore, #tpu.memory_space<semaphore_mem>>
      %dma_start3A_85 = arith.constant 0 : i32
      %dma_start3A_86 = arith.constant 0 : i32
      %dma_start3A_87 = tpu.memref_slice %arg8[%dma_start3A_85, %dma_start3A_86] : memref<2000x16xf32, #tpu.memory_space<vmem>> -> memref<640x16xf32, #tpu.memory_space<vmem>>
      %dma_start3A_88 = arith.constant 0 : i32
      %dma_start3A_89 = arith.constant 0 : i32
      %dma_start3A_90 = tpu.memref_slice %arg8[%dma_start3A_88, %dma_start3A_89] : memref<2000x16xf32, #tpu.memory_space<vmem>> -> memref<640x16xf32, #tpu.memory_space<vmem>>
      tpu.enqueue_dma source(%arg4 : memref<640x16xf32, #tpu.memory_space<hbm>>) target(%dma_start3A_90 : memref<640x16xf32, #tpu.memory_space<vmem>>) target_semaphore(%run_scoped3A_84 : memref<!tpu.dma_semaphore, #tpu.memory_space<semaphore_mem>>)
      %dma_wait3A_91 = arith.constant 0 : i32
      %dma_wait3A_92 = arith.constant 0 : i32
      %dma_wait3A_93 = tpu.memref_slice %arg8[%dma_wait3A_91, %dma_wait3A_92] : memref<2000x16xf32, #tpu.memory_space<vmem>> -> memref<640x16xf32, #tpu.memory_space<vmem>>
      %dma_wait3A_94 = arith.constant 0 : i32
      %dma_wait3A_95 = arith.constant 0 : i32
      %dma_wait3A_96 = tpu.memref_slice %arg8[%dma_wait3A_94, %dma_wait3A_95] : memref<2000x16xf32, #tpu.memory_space<vmem>> -> memref<640x16xf32, #tpu.memory_space<vmem>>
      tpu.wait_dma2 semaphore(%run_scoped3A_84 : memref<!tpu.dma_semaphore, #tpu.memory_space<semaphore_mem>>) src(%arg4 : memref<640x16xf32, #tpu.memory_space<hbm>>) dst(%dma_wait3A_96 : memref<640x16xf32, #tpu.memory_space<vmem>>)
      tpu.yield
    }) : () -> ()
    %mul3A_3 = arith.constant 640 : i32
    %mul3A_4 = arith.muli %arg1, %mul3A_3 : i32
    "tpu.region"() ({
      %run_scoped3A_84 = tpu.sem_alloc : memref<!tpu.dma_semaphore, #tpu.memory_space<semaphore_mem>>
      %dma_start3A_85 = arith.constant 0 : i32
      %dma_start3A_86 = arith.constant 0 : i32
      %dma_start3A_87 = tpu.memref_slice %arg8[%dma_start3A_85, %dma_start3A_86] : memref<2000x16xf32, #tpu.memory_space<vmem>> -> memref<640x16xf32, #tpu.memory_space<vmem>>
      %dma_start3A_88 = arith.constant 0 : i32
      %dma_start3A_89 = tpu.memref_slice %arg11[%mul3A_4, %dma_start3A_88] : memref<10240x16xf32, #tpu.memory_space<vmem_shared>> -> memref<640x16xf32, #tpu.memory_space<vmem_shared>>
      %dma_start3A_90 = arith.constant 0 : i32
      %dma_start3A_91 = tpu.memref_slice %arg11[%mul3A_4, %dma_start3A_90] : memref<10240x16xf32, #tpu.memory_space<vmem_shared>> -> memref<640x16xf32, #tpu.memory_space<vmem_shared>>
      %dma_start3A_92 = arith.constant 0 : i32
      %dma_start3A_93 = arith.constant 0 : i32
      %dma_start3A_94 = tpu.memref_slice %arg8[%dma_start3A_92, %dma_start3A_93] : memref<2000x16xf32, #tpu.memory_space<vmem>> -> memref<640x16xf32, #tpu.memory_space<vmem>>
      tpu.enqueue_dma source(%dma_start3A_94 : memref<640x16xf32, #tpu.memory_space<vmem>>) target(%dma_start3A_91 : memref<640x16xf32, #tpu.memory_space<vmem_shared>>) target_semaphore(%run_scoped3A_84 : memref<!tpu.dma_semaphore, #tpu.memory_space<semaphore_mem>>)
      %dma_wait3A_95 = arith.constant 0 : i32
      %dma_wait3A_96 = arith.constant 0 : i32
      %dma_wait3A_97 = tpu.memref_slice %arg8[%dma_wait3A_95, %dma_wait3A_96] : memref<2000x16xf32, #tpu.memory_space<vmem>> -> memref<640x16xf32, #tpu.memory_space<vmem>>
      %dma_wait3A_98 = arith.constant 0 : i32
      %dma_wait3A_99 = tpu.memref_slice %arg11[%mul3A_4, %dma_wait3A_98] : memref<10240x16xf32, #tpu.memory_space<vmem_shared>> -> memref<640x16xf32, #tpu.memory_space<vmem_shared>>
      %dma_wait3A_100 = arith.constant 0 : i32
      %dma_wait3A_101 = tpu.memref_slice %arg11[%mul3A_4, %dma_wait3A_100] : memref<10240x16xf32, #tpu.memory_space<vmem_shared>> -> memref<640x16xf32, #tpu.memory_space<vmem_shared>>
      %dma_wait3A_102 = arith.constant 0 : i32
      %dma_wait3A_103 = arith.constant 0 : i32
      %dma_wait3A_104 = tpu.memref_slice %arg8[%dma_wait3A_102, %dma_wait3A_103] : memref<2000x16xf32, #tpu.memory_space<vmem>> -> memref<640x16xf32, #tpu.memory_space<vmem>>
      tpu.wait_dma2 semaphore(%run_scoped3A_84 : memref<!tpu.dma_semaphore, #tpu.memory_space<semaphore_mem>>) src(%dma_wait3A_104 : memref<640x16xf32, #tpu.memory_space<vmem>>) dst(%dma_wait3A_101 : memref<640x16xf32, #tpu.memory_space<vmem_shared>>)
      tpu.yield
    }) : () -> ()
    %barrier3A = arith.constant 0 : index
    tpu.barrier barrier_id(%barrier3A)
    %run_scoped3A = arith.constant 0 : i32
    "tpu.region"() ({
      %run_scoped3A_84 = tpu.sem_alloc : memref<!tpu.dma_semaphore, #tpu.memory_space<semaphore_mem>>
      %dma_start3A_85 = tpu.memref_slice %arg3[%run_scoped3A, %mul3A_2] : memref<2x320000xi32, #tpu.memory_space<hbm>> -> memref<1x10000xi32, #tpu.memory_space<hbm>>
      %dma_start3A_86 = tpu.memref_squeeze %dma_start3A_85 : memref<1x10000xi32, #tpu.memory_space<hbm>> -> memref<10000xi32, #tpu.memory_space<hbm>>
      %dma_start3A_87 = tpu.memref_slice %arg3[%run_scoped3A, %mul3A_2] : memref<2x320000xi32, #tpu.memory_space<hbm>> -> memref<1x10000xi32, #tpu.memory_space<hbm>>
      %dma_start3A_88 = tpu.memref_squeeze %dma_start3A_87 : memref<1x10000xi32, #tpu.memory_space<hbm>> -> memref<10000xi32, #tpu.memory_space<hbm>>
      tpu.enqueue_dma source(%dma_start3A_88 : memref<10000xi32, #tpu.memory_space<hbm>>) target(%arg6 : memref<10000xi32, #tpu.memory_space<vmem>>) target_semaphore(%run_scoped3A_84 : memref<!tpu.dma_semaphore, #tpu.memory_space<semaphore_mem>>)
      %dma_wait3A_89 = tpu.memref_slice %arg3[%run_scoped3A, %mul3A_2] : memref<2x320000xi32, #tpu.memory_space<hbm>> -> memref<1x10000xi32, #tpu.memory_space<hbm>>
      %dma_wait3A_90 = tpu.memref_squeeze %dma_wait3A_89 : memref<1x10000xi32, #tpu.memory_space<hbm>> -> memref<10000xi32, #tpu.memory_space<hbm>>
      %dma_wait3A_91 = tpu.memref_slice %arg3[%run_scoped3A, %mul3A_2] : memref<2x320000xi32, #tpu.memory_space<hbm>> -> memref<1x10000xi32, #tpu.memory_space<hbm>>
      %dma_wait3A_92 = tpu.memref_squeeze %dma_wait3A_91 : memref<1x10000xi32, #tpu.memory_space<hbm>> -> memref<10000xi32, #tpu.memory_space<hbm>>
      tpu.wait_dma2 semaphore(%run_scoped3A_84 : memref<!tpu.dma_semaphore, #tpu.memory_space<semaphore_mem>>) src(%dma_wait3A_92 : memref<10000xi32, #tpu.memory_space<hbm>>) dst(%arg6 : memref<10000xi32, #tpu.memory_space<vmem>>)
      tpu.yield
    }) : () -> ()
    %dma_start3A = arith.constant 0 : i32
    %dma_start3A_5 = tpu.memref_slice %arg6[%dma_start3A] : memref<10000xi32, #tpu.memory_space<vmem>> -> memref<2000xi32, #tpu.memory_space<vmem>>
    %dma_start3A_6 = arith.constant 0 : i32
    %dma_start3A_7 = arith.constant 0 : i32
    %dma_start3A_8 = tpu.memref_slice %arg2[%dma_start3A_6, %dma_start3A_7] : memref<10240x16xf32, #tpu.memory_space<hbm>> -> memref<10240x16xf32, #tpu.memory_space<hbm>>
    tpu.enqueue_indirect_dma source(%dma_start3A_8 : memref<10240x16xf32, #tpu.memory_space<hbm>>) target(%arg8 : memref<2000x16xf32, #tpu.memory_space<vmem>>) offsets(%dma_start3A_5 : memref<2000xi32, #tpu.memory_space<vmem>>) semaphore(%arg12 : memref<!tpu.dma_semaphore, #tpu.memory_space<semaphore_mem>>)
    %dma_start3A_9 = arith.constant 2000 : i32
    %dma_start3A_10 = tpu.memref_slice %arg6[%dma_start3A_9] : memref<10000xi32, #tpu.memory_space<vmem>> -> memref<2000xi32, #tpu.memory_space<vmem>>
    %dma_start3A_11 = arith.constant 0 : i32
    %dma_start3A_12 = arith.constant 0 : i32
    %dma_start3A_13 = tpu.memref_slice %arg2[%dma_start3A_11, %dma_start3A_12] : memref<10240x16xf32, #tpu.memory_space<hbm>> -> memref<10240x16xf32, #tpu.memory_space<hbm>>
    tpu.enqueue_indirect_dma source(%dma_start3A_13 : memref<10240x16xf32, #tpu.memory_space<hbm>>) target(%arg9 : memref<2000x16xf32, #tpu.memory_space<vmem>>) offsets(%dma_start3A_10 : memref<2000xi32, #tpu.memory_space<vmem>>) semaphore(%arg13 : memref<!tpu.dma_semaphore, #tpu.memory_space<semaphore_mem>>)
    %add3A_14 = arith.constant 0 : i32
    %add3A_15 = arith.addi %mul3A_2, %add3A_14 : i32
    %run_scoped3A_16 = arith.constant 1 : i32
    %run_scoped3A_17 = arith.constant 0 : i32
    "tpu.region"() ({
      %run_scoped3A_84 = tpu.sem_alloc : memref<!tpu.dma_semaphore, #tpu.memory_space<semaphore_mem>>
      %dma_start3A_85 = arith.constant 0 : i32
      %dma_start3A_86 = tpu.memref_slice %arg7[%run_scoped3A_17, %dma_start3A_85] : memref<5x2000xi32, #tpu.memory_space<vmem>> -> memref<1x2000xi32, #tpu.memory_space<vmem>>
      %dma_start3A_87 = tpu.memref_squeeze %dma_start3A_86 : memref<1x2000xi32, #tpu.memory_space<vmem>> -> memref<2000xi32, #tpu.memory_space<vmem>>
      %dma_start3A_88 = tpu.memref_slice %arg3[%run_scoped3A_16, %add3A_15] : memref<2x320000xi32, #tpu.memory_space<hbm>> -> memref<1x2000xi32, #tpu.memory_space<hbm>>
      %dma_start3A_89 = tpu.memref_squeeze %dma_start3A_88 : memref<1x2000xi32, #tpu.memory_space<hbm>> -> memref<2000xi32, #tpu.memory_space<hbm>>
      %dma_start3A_90 = arith.constant 0 : i32
      %dma_start3A_91 = tpu.memref_slice %arg7[%run_scoped3A_17, %dma_start3A_90] : memref<5x2000xi32, #tpu.memory_space<vmem>> -> memref<1x2000xi32, #tpu.memory_space<vmem>>
      %dma_start3A_92 = tpu.memref_squeeze %dma_start3A_91 : memref<1x2000xi32, #tpu.memory_space<vmem>> -> memref<2000xi32, #tpu.memory_space<vmem>>
      %dma_start3A_93 = tpu.memref_slice %arg3[%run_scoped3A_16, %add3A_15] : memref<2x320000xi32, #tpu.memory_space<hbm>> -> memref<1x2000xi32, #tpu.memory_space<hbm>>
      %dma_start3A_94 = tpu.memref_squeeze %dma_start3A_93 : memref<1x2000xi32, #tpu.memory_space<hbm>> -> memref<2000xi32, #tpu.memory_space<hbm>>
      tpu.enqueue_dma source(%dma_start3A_94 : memref<2000xi32, #tpu.memory_space<hbm>>) target(%dma_start3A_92 : memref<2000xi32, #tpu.memory_space<vmem>>) target_semaphore(%run_scoped3A_84 : memref<!tpu.dma_semaphore, #tpu.memory_space<semaphore_mem>>)
      %dma_wait3A_95 = arith.constant 0 : i32
      %dma_wait3A_96 = tpu.memref_slice %arg7[%run_scoped3A_17, %dma_wait3A_95] : memref<5x2000xi32, #tpu.memory_space<vmem>> -> memref<1x2000xi32, #tpu.memory_space<vmem>>
      %dma_wait3A_97 = tpu.memref_squeeze %dma_wait3A_96 : memref<1x2000xi32, #tpu.memory_space<vmem>> -> memref<2000xi32, #tpu.memory_space<vmem>>
      %dma_wait3A_98 = tpu.memref_slice %arg3[%run_scoped3A_16, %add3A_15] : memref<2x320000xi32, #tpu.memory_space<hbm>> -> memref<1x2000xi32, #tpu.memory_space<hbm>>
      %dma_wait3A_99 = tpu.memref_squeeze %dma_wait3A_98 : memref<1x2000xi32, #tpu.memory_space<hbm>> -> memref<2000xi32, #tpu.memory_space<hbm>>
      %dma_wait3A_100 = arith.constant 0 : i32
      %dma_wait3A_101 = tpu.memref_slice %arg7[%run_scoped3A_17, %dma_wait3A_100] : memref<5x2000xi32, #tpu.memory_space<vmem>> -> memref<1x2000xi32, #tpu.memory_space<vmem>>
      %dma_wait3A_102 = tpu.memref_squeeze %dma_wait3A_101 : memref<1x2000xi32, #tpu.memory_space<vmem>> -> memref<2000xi32, #tpu.memory_space<vmem>>
      %dma_wait3A_103 = tpu.memref_slice %arg3[%run_scoped3A_16, %add3A_15] : memref<2x320000xi32, #tpu.memory_space<hbm>> -> memref<1x2000xi32, #tpu.memory_space<hbm>>
      %dma_wait3A_104 = tpu.memref_squeeze %dma_wait3A_103 : memref<1x2000xi32, #tpu.memory_space<hbm>> -> memref<2000xi32, #tpu.memory_space<hbm>>
      tpu.wait_dma2 semaphore(%run_scoped3A_84 : memref<!tpu.dma_semaphore, #tpu.memory_space<semaphore_mem>>) src(%dma_wait3A_104 : memref<2000xi32, #tpu.memory_space<hbm>>) dst(%dma_wait3A_102 : memref<2000xi32, #tpu.memory_space<vmem>>)
      tpu.yield
    }) : () -> ()
    %add3A_18 = arith.constant 2000 : i32
    %add3A_19 = arith.addi %mul3A_2, %add3A_18 : i32
    %run_scoped3A_20 = arith.constant 1 : i32
    %run_scoped3A_21 = arith.constant 1 : i32
    "tpu.region"() ({
      %run_scoped3A_84 = tpu.sem_alloc : memref<!tpu.dma_semaphore, #tpu.memory_space<semaphore_mem>>
      %dma_start3A_85 = arith.constant 0 : i32
      %dma_start3A_86 = tpu.memref_slice %arg7[%run_scoped3A_21, %dma_start3A_85] : memref<5x2000xi32, #tpu.memory_space<vmem>> -> memref<1x2000xi32, #tpu.memory_space<vmem>>
      %dma_start3A_87 = tpu.memref_squeeze %dma_start3A_86 : memref<1x2000xi32, #tpu.memory_space<vmem>> -> memref<2000xi32, #tpu.memory_space<vmem>>
      %dma_start3A_88 = tpu.memref_slice %arg3[%run_scoped3A_20, %add3A_19] : memref<2x320000xi32, #tpu.memory_space<hbm>> -> memref<1x2000xi32, #tpu.memory_space<hbm>>
      %dma_start3A_89 = tpu.memref_squeeze %dma_start3A_88 : memref<1x2000xi32, #tpu.memory_space<hbm>> -> memref<2000xi32, #tpu.memory_space<hbm>>
      %dma_start3A_90 = arith.constant 0 : i32
      %dma_start3A_91 = tpu.memref_slice %arg7[%run_scoped3A_21, %dma_start3A_90] : memref<5x2000xi32, #tpu.memory_space<vmem>> -> memref<1x2000xi32, #tpu.memory_space<vmem>>
      %dma_start3A_92 = tpu.memref_squeeze %dma_start3A_91 : memref<1x2000xi32, #tpu.memory_space<vmem>> -> memref<2000xi32, #tpu.memory_space<vmem>>
      %dma_start3A_93 = tpu.memref_slice %arg3[%run_scoped3A_20, %add3A_19] : memref<2x320000xi32, #tpu.memory_space<hbm>> -> memref<1x2000xi32, #tpu.memory_space<hbm>>
      %dma_start3A_94 = tpu.memref_squeeze %dma_start3A_93 : memref<1x2000xi32, #tpu.memory_space<hbm>> -> memref<2000xi32, #tpu.memory_space<hbm>>
      tpu.enqueue_dma source(%dma_start3A_94 : memref<2000xi32, #tpu.memory_space<hbm>>) target(%dma_start3A_92 : memref<2000xi32, #tpu.memory_space<vmem>>) target_semaphore(%run_scoped3A_84 : memref<!tpu.dma_semaphore, #tpu.memory_space<semaphore_mem>>)
      %dma_wait3A_95 = arith.constant 0 : i32
      %dma_wait3A_96 = tpu.memref_slice %arg7[%run_scoped3A_21, %dma_wait3A_95] : memref<5x2000xi32, #tpu.memory_space<vmem>> -> memref<1x2000xi32, #tpu.memory_space<vmem>>
      %dma_wait3A_97 = tpu.memref_squeeze %dma_wait3A_96 : memref<1x2000xi32, #tpu.memory_space<vmem>> -> memref<2000xi32, #tpu.memory_space<vmem>>
      %dma_wait3A_98 = tpu.memref_slice %arg3[%run_scoped3A_20, %add3A_19] : memref<2x320000xi32, #tpu.memory_space<hbm>> -> memref<1x2000xi32, #tpu.memory_space<hbm>>
      %dma_wait3A_99 = tpu.memref_squeeze %dma_wait3A_98 : memref<1x2000xi32, #tpu.memory_space<hbm>> -> memref<2000xi32, #tpu.memory_space<hbm>>
      %dma_wait3A_100 = arith.constant 0 : i32
      %dma_wait3A_101 = tpu.memref_slice %arg7[%run_scoped3A_21, %dma_wait3A_100] : memref<5x2000xi32, #tpu.memory_space<vmem>> -> memref<1x2000xi32, #tpu.memory_space<vmem>>
      %dma_wait3A_102 = tpu.memref_squeeze %dma_wait3A_101 : memref<1x2000xi32, #tpu.memory_space<vmem>> -> memref<2000xi32, #tpu.memory_space<vmem>>
      %dma_wait3A_103 = tpu.memref_slice %arg3[%run_scoped3A_20, %add3A_19] : memref<2x320000xi32, #tpu.memory_space<hbm>> -> memref<1x2000xi32, #tpu.memory_space<hbm>>
      %dma_wait3A_104 = tpu.memref_squeeze %dma_wait3A_103 : memref<1x2000xi32, #tpu.memory_space<hbm>> -> memref<2000xi32, #tpu.memory_space<hbm>>
      tpu.wait_dma2 semaphore(%run_scoped3A_84 : memref<!tpu.dma_semaphore, #tpu.memory_space<semaphore_mem>>) src(%dma_wait3A_104 : memref<2000xi32, #tpu.memory_space<hbm>>) dst(%dma_wait3A_102 : memref<2000xi32, #tpu.memory_space<vmem>>)
      tpu.yield
    }) : () -> ()
    %add3A_22 = arith.constant 4000 : i32
    %add3A_23 = arith.addi %mul3A_2, %add3A_22 : i32
    %run_scoped3A_24 = arith.constant 1 : i32
    %run_scoped3A_25 = arith.constant 2 : i32
    "tpu.region"() ({
      %run_scoped3A_84 = tpu.sem_alloc : memref<!tpu.dma_semaphore, #tpu.memory_space<semaphore_mem>>
      %dma_start3A_85 = arith.constant 0 : i32
      %dma_start3A_86 = tpu.memref_slice %arg7[%run_scoped3A_25, %dma_start3A_85] : memref<5x2000xi32, #tpu.memory_space<vmem>> -> memref<1x2000xi32, #tpu.memory_space<vmem>>
      %dma_start3A_87 = tpu.memref_squeeze %dma_start3A_86 : memref<1x2000xi32, #tpu.memory_space<vmem>> -> memref<2000xi32, #tpu.memory_space<vmem>>
      %dma_start3A_88 = tpu.memref_slice %arg3[%run_scoped3A_24, %add3A_23] : memref<2x320000xi32, #tpu.memory_space<hbm>> -> memref<1x2000xi32, #tpu.memory_space<hbm>>
      %dma_start3A_89 = tpu.memref_squeeze %dma_start3A_88 : memref<1x2000xi32, #tpu.memory_space<hbm>> -> memref<2000xi32, #tpu.memory_space<hbm>>
      %dma_start3A_90 = arith.constant 0 : i32
      %dma_start3A_91 = tpu.memref_slice %arg7[%run_scoped3A_25, %dma_start3A_90] : memref<5x2000xi32, #tpu.memory_space<vmem>> -> memref<1x2000xi32, #tpu.memory_space<vmem>>
      %dma_start3A_92 = tpu.memref_squeeze %dma_start3A_91 : memref<1x2000xi32, #tpu.memory_space<vmem>> -> memref<2000xi32, #tpu.memory_space<vmem>>
      %dma_start3A_93 = tpu.memref_slice %arg3[%run_scoped3A_24, %add3A_23] : memref<2x320000xi32, #tpu.memory_space<hbm>> -> memref<1x2000xi32, #tpu.memory_space<hbm>>
      %dma_start3A_94 = tpu.memref_squeeze %dma_start3A_93 : memref<1x2000xi32, #tpu.memory_space<hbm>> -> memref<2000xi32, #tpu.memory_space<hbm>>
      tpu.enqueue_dma source(%dma_start3A_94 : memref<2000xi32, #tpu.memory_space<hbm>>) target(%dma_start3A_92 : memref<2000xi32, #tpu.memory_space<vmem>>) target_semaphore(%run_scoped3A_84 : memref<!tpu.dma_semaphore, #tpu.memory_space<semaphore_mem>>)
      %dma_wait3A_95 = arith.constant 0 : i32
      %dma_wait3A_96 = tpu.memref_slice %arg7[%run_scoped3A_25, %dma_wait3A_95] : memref<5x2000xi32, #tpu.memory_space<vmem>> -> memref<1x2000xi32, #tpu.memory_space<vmem>>
      %dma_wait3A_97 = tpu.memref_squeeze %dma_wait3A_96 : memref<1x2000xi32, #tpu.memory_space<vmem>> -> memref<2000xi32, #tpu.memory_space<vmem>>
      %dma_wait3A_98 = tpu.memref_slice %arg3[%run_scoped3A_24, %add3A_23] : memref<2x320000xi32, #tpu.memory_space<hbm>> -> memref<1x2000xi32, #tpu.memory_space<hbm>>
      %dma_wait3A_99 = tpu.memref_squeeze %dma_wait3A_98 : memref<1x2000xi32, #tpu.memory_space<hbm>> -> memref<2000xi32, #tpu.memory_space<hbm>>
      %dma_wait3A_100 = arith.constant 0 : i32
      %dma_wait3A_101 = tpu.memref_slice %arg7[%run_scoped3A_25, %dma_wait3A_100] : memref<5x2000xi32, #tpu.memory_space<vmem>> -> memref<1x2000xi32, #tpu.memory_space<vmem>>
      %dma_wait3A_102 = tpu.memref_squeeze %dma_wait3A_101 : memref<1x2000xi32, #tpu.memory_space<vmem>> -> memref<2000xi32, #tpu.memory_space<vmem>>
      %dma_wait3A_103 = tpu.memref_slice %arg3[%run_scoped3A_24, %add3A_23] : memref<2x320000xi32, #tpu.memory_space<hbm>> -> memref<1x2000xi32, #tpu.memory_space<hbm>>
      %dma_wait3A_104 = tpu.memref_squeeze %dma_wait3A_103 : memref<1x2000xi32, #tpu.memory_space<hbm>> -> memref<2000xi32, #tpu.memory_space<hbm>>
      tpu.wait_dma2 semaphore(%run_scoped3A_84 : memref<!tpu.dma_semaphore, #tpu.memory_space<semaphore_mem>>) src(%dma_wait3A_104 : memref<2000xi32, #tpu.memory_space<hbm>>) dst(%dma_wait3A_102 : memref<2000xi32, #tpu.memory_space<vmem>>)
      tpu.yield
    }) : () -> ()
    %add3A_26 = arith.constant 6000 : i32
    %add3A_27 = arith.addi %mul3A_2, %add3A_26 : i32
    %run_scoped3A_28 = arith.constant 1 : i32
    %run_scoped3A_29 = arith.constant 3 : i32
    "tpu.region"() ({
      %run_scoped3A_84 = tpu.sem_alloc : memref<!tpu.dma_semaphore, #tpu.memory_space<semaphore_mem>>
      %dma_start3A_85 = arith.constant 0 : i32
      %dma_start3A_86 = tpu.memref_slice %arg7[%run_scoped3A_29, %dma_start3A_85] : memref<5x2000xi32, #tpu.memory_space<vmem>> -> memref<1x2000xi32, #tpu.memory_space<vmem>>
      %dma_start3A_87 = tpu.memref_squeeze %dma_start3A_86 : memref<1x2000xi32, #tpu.memory_space<vmem>> -> memref<2000xi32, #tpu.memory_space<vmem>>
      %dma_start3A_88 = tpu.memref_slice %arg3[%run_scoped3A_28, %add3A_27] : memref<2x320000xi32, #tpu.memory_space<hbm>> -> memref<1x2000xi32, #tpu.memory_space<hbm>>
      %dma_start3A_89 = tpu.memref_squeeze %dma_start3A_88 : memref<1x2000xi32, #tpu.memory_space<hbm>> -> memref<2000xi32, #tpu.memory_space<hbm>>
      %dma_start3A_90 = arith.constant 0 : i32
      %dma_start3A_91 = tpu.memref_slice %arg7[%run_scoped3A_29, %dma_start3A_90] : memref<5x2000xi32, #tpu.memory_space<vmem>> -> memref<1x2000xi32, #tpu.memory_space<vmem>>
      %dma_start3A_92 = tpu.memref_squeeze %dma_start3A_91 : memref<1x2000xi32, #tpu.memory_space<vmem>> -> memref<2000xi32, #tpu.memory_space<vmem>>
      %dma_start3A_93 = tpu.memref_slice %arg3[%run_scoped3A_28, %add3A_27] : memref<2x320000xi32, #tpu.memory_space<hbm>> -> memref<1x2000xi32, #tpu.memory_space<hbm>>
      %dma_start3A_94 = tpu.memref_squeeze %dma_start3A_93 : memref<1x2000xi32, #tpu.memory_space<hbm>> -> memref<2000xi32, #tpu.memory_space<hbm>>
      tpu.enqueue_dma source(%dma_start3A_94 : memref<2000xi32, #tpu.memory_space<hbm>>) target(%dma_start3A_92 : memref<2000xi32, #tpu.memory_space<vmem>>) target_semaphore(%run_scoped3A_84 : memref<!tpu.dma_semaphore, #tpu.memory_space<semaphore_mem>>)
      %dma_wait3A_95 = arith.constant 0 : i32
      %dma_wait3A_96 = tpu.memref_slice %arg7[%run_scoped3A_29, %dma_wait3A_95] : memref<5x2000xi32, #tpu.memory_space<vmem>> -> memref<1x2000xi32, #tpu.memory_space<vmem>>
      %dma_wait3A_97 = tpu.memref_squeeze %dma_wait3A_96 : memref<1x2000xi32, #tpu.memory_space<vmem>> -> memref<2000xi32, #tpu.memory_space<vmem>>
      %dma_wait3A_98 = tpu.memref_slice %arg3[%run_scoped3A_28, %add3A_27] : memref<2x320000xi32, #tpu.memory_space<hbm>> -> memref<1x2000xi32, #tpu.memory_space<hbm>>
      %dma_wait3A_99 = tpu.memref_squeeze %dma_wait3A_98 : memref<1x2000xi32, #tpu.memory_space<hbm>> -> memref<2000xi32, #tpu.memory_space<hbm>>
      %dma_wait3A_100 = arith.constant 0 : i32
      %dma_wait3A_101 = tpu.memref_slice %arg7[%run_scoped3A_29, %dma_wait3A_100] : memref<5x2000xi32, #tpu.memory_space<vmem>> -> memref<1x2000xi32, #tpu.memory_space<vmem>>
      %dma_wait3A_102 = tpu.memref_squeeze %dma_wait3A_101 : memref<1x2000xi32, #tpu.memory_space<vmem>> -> memref<2000xi32, #tpu.memory_space<vmem>>
      %dma_wait3A_103 = tpu.memref_slice %arg3[%run_scoped3A_28, %add3A_27] : memref<2x320000xi32, #tpu.memory_space<hbm>> -> memref<1x2000xi32, #tpu.memory_space<hbm>>
      %dma_wait3A_104 = tpu.memref_squeeze %dma_wait3A_103 : memref<1x2000xi32, #tpu.memory_space<hbm>> -> memref<2000xi32, #tpu.memory_space<hbm>>
      tpu.wait_dma2 semaphore(%run_scoped3A_84 : memref<!tpu.dma_semaphore, #tpu.memory_space<semaphore_mem>>) src(%dma_wait3A_104 : memref<2000xi32, #tpu.memory_space<hbm>>) dst(%dma_wait3A_102 : memref<2000xi32, #tpu.memory_space<vmem>>)
      tpu.yield
    }) : () -> ()
    %add3A_30 = arith.constant 8000 : i32
    %add3A_31 = arith.addi %mul3A_2, %add3A_30 : i32
    %run_scoped3A_32 = arith.constant 1 : i32
    %run_scoped3A_33 = arith.constant 4 : i32
    "tpu.region"() ({
      %run_scoped3A_84 = tpu.sem_alloc : memref<!tpu.dma_semaphore, #tpu.memory_space<semaphore_mem>>
      %dma_start3A_85 = arith.constant 0 : i32
      %dma_start3A_86 = tpu.memref_slice %arg7[%run_scoped3A_33, %dma_start3A_85] : memref<5x2000xi32, #tpu.memory_space<vmem>> -> memref<1x2000xi32, #tpu.memory_space<vmem>>
      %dma_start3A_87 = tpu.memref_squeeze %dma_start3A_86 : memref<1x2000xi32, #tpu.memory_space<vmem>> -> memref<2000xi32, #tpu.memory_space<vmem>>
      %dma_start3A_88 = tpu.memref_slice %arg3[%run_scoped3A_32, %add3A_31] : memref<2x320000xi32, #tpu.memory_space<hbm>> -> memref<1x2000xi32, #tpu.memory_space<hbm>>
      %dma_start3A_89 = tpu.memref_squeeze %dma_start3A_88 : memref<1x2000xi32, #tpu.memory_space<hbm>> -> memref<2000xi32, #tpu.memory_space<hbm>>
      %dma_start3A_90 = arith.constant 0 : i32
      %dma_start3A_91 = tpu.memref_slice %arg7[%run_scoped3A_33, %dma_start3A_90] : memref<5x2000xi32, #tpu.memory_space<vmem>> -> memref<1x2000xi32, #tpu.memory_space<vmem>>
      %dma_start3A_92 = tpu.memref_squeeze %dma_start3A_91 : memref<1x2000xi32, #tpu.memory_space<vmem>> -> memref<2000xi32, #tpu.memory_space<vmem>>
      %dma_start3A_93 = tpu.memref_slice %arg3[%run_scoped3A_32, %add3A_31] : memref<2x320000xi32, #tpu.memory_space<hbm>> -> memref<1x2000xi32, #tpu.memory_space<hbm>>
      %dma_start3A_94 = tpu.memref_squeeze %dma_start3A_93 : memref<1x2000xi32, #tpu.memory_space<hbm>> -> memref<2000xi32, #tpu.memory_space<hbm>>
      tpu.enqueue_dma source(%dma_start3A_94 : memref<2000xi32, #tpu.memory_space<hbm>>) target(%dma_start3A_92 : memref<2000xi32, #tpu.memory_space<vmem>>) target_semaphore(%run_scoped3A_84 : memref<!tpu.dma_semaphore, #tpu.memory_space<semaphore_mem>>)
      %dma_wait3A_95 = arith.constant 0 : i32
      %dma_wait3A_96 = tpu.memref_slice %arg7[%run_scoped3A_33, %dma_wait3A_95] : memref<5x2000xi32, #tpu.memory_space<vmem>> -> memref<1x2000xi32, #tpu.memory_space<vmem>>
      %dma_wait3A_97 = tpu.memref_squeeze %dma_wait3A_96 : memref<1x2000xi32, #tpu.memory_space<vmem>> -> memref<2000xi32, #tpu.memory_space<vmem>>
      %dma_wait3A_98 = tpu.memref_slice %arg3[%run_scoped3A_32, %add3A_31] : memref<2x320000xi32, #tpu.memory_space<hbm>> -> memref<1x2000xi32, #tpu.memory_space<hbm>>
      %dma_wait3A_99 = tpu.memref_squeeze %dma_wait3A_98 : memref<1x2000xi32, #tpu.memory_space<hbm>> -> memref<2000xi32, #tpu.memory_space<hbm>>
      %dma_wait3A_100 = arith.constant 0 : i32
      %dma_wait3A_101 = tpu.memref_slice %arg7[%run_scoped3A_33, %dma_wait3A_100] : memref<5x2000xi32, #tpu.memory_space<vmem>> -> memref<1x2000xi32, #tpu.memory_space<vmem>>
      %dma_wait3A_102 = tpu.memref_squeeze %dma_wait3A_101 : memref<1x2000xi32, #tpu.memory_space<vmem>> -> memref<2000xi32, #tpu.memory_space<vmem>>
      %dma_wait3A_103 = tpu.memref_slice %arg3[%run_scoped3A_32, %add3A_31] : memref<2x320000xi32, #tpu.memory_space<hbm>> -> memref<1x2000xi32, #tpu.memory_space<hbm>>
      %dma_wait3A_104 = tpu.memref_squeeze %dma_wait3A_103 : memref<1x2000xi32, #tpu.memory_space<hbm>> -> memref<2000xi32, #tpu.memory_space<hbm>>
      tpu.wait_dma2 semaphore(%run_scoped3A_84 : memref<!tpu.dma_semaphore, #tpu.memory_space<semaphore_mem>>) src(%dma_wait3A_104 : memref<2000xi32, #tpu.memory_space<hbm>>) dst(%dma_wait3A_102 : memref<2000xi32, #tpu.memory_space<vmem>>)
      tpu.yield
    }) : () -> ()
    %dma_wait3A = arith.constant 0 : i32
    %dma_wait3A_34 = tpu.memref_slice %arg6[%dma_wait3A] : memref<10000xi32, #tpu.memory_space<vmem>> -> memref<2000xi32, #tpu.memory_space<vmem>>
    %dma_wait3A_35 = arith.constant 0 : i32
    %dma_wait3A_36 = arith.constant 0 : i32
    %dma_wait3A_37 = tpu.memref_slice %arg2[%dma_wait3A_35, %dma_wait3A_36] : memref<10240x16xf32, #tpu.memory_space<hbm>> -> memref<10240x16xf32, #tpu.memory_space<hbm>>
    tpu.wait_indirect_dma semaphore(%arg12 : memref<!tpu.dma_semaphore, #tpu.memory_space<semaphore_mem>>) src(%dma_wait3A_37 : memref<10240x16xf32, #tpu.memory_space<hbm>>) dst(%arg8 : memref<2000x16xf32, #tpu.memory_space<vmem>>)
    %run_scoped3A_38 = arith.constant 0 : i32
    "tpu.region"() ({
      %run_scoped3A_84 = tpu.sem_alloc : memref<!tpu.dma_semaphore, #tpu.memory_space<semaphore_mem>>
      %dma_start3A_85 = arith.constant 0 : i32
      %dma_start3A_86 = tpu.memref_slice %arg7[%run_scoped3A_38, %dma_start3A_85] : memref<5x2000xi32, #tpu.memory_space<vmem>> -> memref<1x2000xi32, #tpu.memory_space<vmem>>
      %dma_start3A_87 = tpu.memref_squeeze %dma_start3A_86 : memref<1x2000xi32, #tpu.memory_space<vmem>> -> memref<2000xi32, #tpu.memory_space<vmem>>
      %dma_start3A_88 = arith.constant 0 : i32
      %dma_start3A_89 = arith.constant 0 : i32
      %dma_start3A_90 = tpu.memref_slice %arg11[%dma_start3A_88, %dma_start3A_89] : memref<10240x16xf32, #tpu.memory_space<vmem_shared>> -> memref<10240x16xf32, #tpu.memory_space<vmem_shared>>
      tpu.enqueue_indirect_dma source(%arg8 : memref<2000x16xf32, #tpu.memory_space<vmem>>) target(%dma_start3A_90 : memref<10240x16xf32, #tpu.memory_space<vmem_shared>>) offsets(%dma_start3A_87 : memref<2000xi32, #tpu.memory_space<vmem>>) semaphore(%run_scoped3A_84 : memref<!tpu.dma_semaphore, #tpu.memory_space<semaphore_mem>>) {add = true}
      %dma_wait3A_91 = arith.constant 0 : i32
      %dma_wait3A_92 = tpu.memref_slice %arg7[%run_scoped3A_38, %dma_wait3A_91] : memref<5x2000xi32, #tpu.memory_space<vmem>> -> memref<1x2000xi32, #tpu.memory_space<vmem>>
      %dma_wait3A_93 = tpu.memref_squeeze %dma_wait3A_92 : memref<1x2000xi32, #tpu.memory_space<vmem>> -> memref<2000xi32, #tpu.memory_space<vmem>>
      %dma_wait3A_94 = arith.constant 0 : i32
      %dma_wait3A_95 = arith.constant 0 : i32
      %dma_wait3A_96 = tpu.memref_slice %arg11[%dma_wait3A_94, %dma_wait3A_95] : memref<10240x16xf32, #tpu.memory_space<vmem_shared>> -> memref<10240x16xf32, #tpu.memory_space<vmem_shared>>
      tpu.wait_indirect_dma semaphore(%run_scoped3A_84 : memref<!tpu.dma_semaphore, #tpu.memory_space<semaphore_mem>>) src(%arg8 : memref<2000x16xf32, #tpu.memory_space<vmem>>) dst(%dma_wait3A_96 : memref<10240x16xf32, #tpu.memory_space<vmem_shared>>)
      tpu.yield
    }) : () -> ()
    %dma_start3A_39 = arith.constant 4000 : i32
    %dma_start3A_40 = tpu.memref_slice %arg6[%dma_start3A_39] : memref<10000xi32, #tpu.memory_space<vmem>> -> memref<2000xi32, #tpu.memory_space<vmem>>
    %dma_start3A_41 = arith.constant 0 : i32
    %dma_start3A_42 = arith.constant 0 : i32
    %dma_start3A_43 = tpu.memref_slice %arg2[%dma_start3A_41, %dma_start3A_42] : memref<10240x16xf32, #tpu.memory_space<hbm>> -> memref<10240x16xf32, #tpu.memory_space<hbm>>
    tpu.enqueue_indirect_dma source(%dma_start3A_43 : memref<10240x16xf32, #tpu.memory_space<hbm>>) target(%arg8 : memref<2000x16xf32, #tpu.memory_space<vmem>>) offsets(%dma_start3A_40 : memref<2000xi32, #tpu.memory_space<vmem>>) semaphore(%arg12 : memref<!tpu.dma_semaphore, #tpu.memory_space<semaphore_mem>>)
    %dma_wait3A_44 = arith.constant 2000 : i32
    %dma_wait3A_45 = tpu.memref_slice %arg6[%dma_wait3A_44] : memref<10000xi32, #tpu.memory_space<vmem>> -> memref<2000xi32, #tpu.memory_space<vmem>>
    %dma_wait3A_46 = arith.constant 0 : i32
    %dma_wait3A_47 = arith.constant 0 : i32
    %dma_wait3A_48 = tpu.memref_slice %arg2[%dma_wait3A_46, %dma_wait3A_47] : memref<10240x16xf32, #tpu.memory_space<hbm>> -> memref<10240x16xf32, #tpu.memory_space<hbm>>
    tpu.wait_indirect_dma semaphore(%arg13 : memref<!tpu.dma_semaphore, #tpu.memory_space<semaphore_mem>>) src(%dma_wait3A_48 : memref<10240x16xf32, #tpu.memory_space<hbm>>) dst(%arg9 : memref<2000x16xf32, #tpu.memory_space<vmem>>)
    %run_scoped3A_49 = arith.constant 1 : i32
    "tpu.region"() ({
      %run_scoped3A_84 = tpu.sem_alloc : memref<!tpu.dma_semaphore, #tpu.memory_space<semaphore_mem>>
      %dma_start3A_85 = arith.constant 0 : i32
      %dma_start3A_86 = tpu.memref_slice %arg7[%run_scoped3A_49, %dma_start3A_85] : memref<5x2000xi32, #tpu.memory_space<vmem>> -> memref<1x2000xi32, #tpu.memory_space<vmem>>
      %dma_start3A_87 = tpu.memref_squeeze %dma_start3A_86 : memref<1x2000xi32, #tpu.memory_space<vmem>> -> memref<2000xi32, #tpu.memory_space<vmem>>
      %dma_start3A_88 = arith.constant 0 : i32
      %dma_start3A_89 = arith.constant 0 : i32
      %dma_start3A_90 = tpu.memref_slice %arg11[%dma_start3A_88, %dma_start3A_89] : memref<10240x16xf32, #tpu.memory_space<vmem_shared>> -> memref<10240x16xf32, #tpu.memory_space<vmem_shared>>
      tpu.enqueue_indirect_dma source(%arg9 : memref<2000x16xf32, #tpu.memory_space<vmem>>) target(%dma_start3A_90 : memref<10240x16xf32, #tpu.memory_space<vmem_shared>>) offsets(%dma_start3A_87 : memref<2000xi32, #tpu.memory_space<vmem>>) semaphore(%run_scoped3A_84 : memref<!tpu.dma_semaphore, #tpu.memory_space<semaphore_mem>>) {add = true}
      %dma_wait3A_91 = arith.constant 0 : i32
      %dma_wait3A_92 = tpu.memref_slice %arg7[%run_scoped3A_49, %dma_wait3A_91] : memref<5x2000xi32, #tpu.memory_space<vmem>> -> memref<1x2000xi32, #tpu.memory_space<vmem>>
      %dma_wait3A_93 = tpu.memref_squeeze %dma_wait3A_92 : memref<1x2000xi32, #tpu.memory_space<vmem>> -> memref<2000xi32, #tpu.memory_space<vmem>>
      %dma_wait3A_94 = arith.constant 0 : i32
      %dma_wait3A_95 = arith.constant 0 : i32
      %dma_wait3A_96 = tpu.memref_slice %arg11[%dma_wait3A_94, %dma_wait3A_95] : memref<10240x16xf32, #tpu.memory_space<vmem_shared>> -> memref<10240x16xf32, #tpu.memory_space<vmem_shared>>
      tpu.wait_indirect_dma semaphore(%run_scoped3A_84 : memref<!tpu.dma_semaphore, #tpu.memory_space<semaphore_mem>>) src(%arg9 : memref<2000x16xf32, #tpu.memory_space<vmem>>) dst(%dma_wait3A_96 : memref<10240x16xf32, #tpu.memory_space<vmem_shared>>)
      tpu.yield
    }) : () -> ()
    %dma_start3A_50 = arith.constant 6000 : i32
    %dma_start3A_51 = tpu.memref_slice %arg6[%dma_start3A_50] : memref<10000xi32, #tpu.memory_space<vmem>> -> memref<2000xi32, #tpu.memory_space<vmem>>
    %dma_start3A_52 = arith.constant 0 : i32
    %dma_start3A_53 = arith.constant 0 : i32
    %dma_start3A_54 = tpu.memref_slice %arg2[%dma_start3A_52, %dma_start3A_53] : memref<10240x16xf32, #tpu.memory_space<hbm>> -> memref<10240x16xf32, #tpu.memory_space<hbm>>
    tpu.enqueue_indirect_dma source(%dma_start3A_54 : memref<10240x16xf32, #tpu.memory_space<hbm>>) target(%arg9 : memref<2000x16xf32, #tpu.memory_space<vmem>>) offsets(%dma_start3A_51 : memref<2000xi32, #tpu.memory_space<vmem>>) semaphore(%arg13 : memref<!tpu.dma_semaphore, #tpu.memory_space<semaphore_mem>>)
    %dma_wait3A_55 = arith.constant 4000 : i32
    %dma_wait3A_56 = tpu.memref_slice %arg6[%dma_wait3A_55] : memref<10000xi32, #tpu.memory_space<vmem>> -> memref<2000xi32, #tpu.memory_space<vmem>>
    %dma_wait3A_57 = arith.constant 0 : i32
    %dma_wait3A_58 = arith.constant 0 : i32
    %dma_wait3A_59 = tpu.memref_slice %arg2[%dma_wait3A_57, %dma_wait3A_58] : memref<10240x16xf32, #tpu.memory_space<hbm>> -> memref<10240x16xf32, #tpu.memory_space<hbm>>
    tpu.wait_indirect_dma semaphore(%arg12 : memref<!tpu.dma_semaphore, #tpu.memory_space<semaphore_mem>>) src(%dma_wait3A_59 : memref<10240x16xf32, #tpu.memory_space<hbm>>) dst(%arg8 : memref<2000x16xf32, #tpu.memory_space<vmem>>)
    %run_scoped3A_60 = arith.constant 2 : i32
    "tpu.region"() ({
      %run_scoped3A_84 = tpu.sem_alloc : memref<!tpu.dma_semaphore, #tpu.memory_space<semaphore_mem>>
      %dma_start3A_85 = arith.constant 0 : i32
      %dma_start3A_86 = tpu.memref_slice %arg7[%run_scoped3A_60, %dma_start3A_85] : memref<5x2000xi32, #tpu.memory_space<vmem>> -> memref<1x2000xi32, #tpu.memory_space<vmem>>
      %dma_start3A_87 = tpu.memref_squeeze %dma_start3A_86 : memref<1x2000xi32, #tpu.memory_space<vmem>> -> memref<2000xi32, #tpu.memory_space<vmem>>
      %dma_start3A_88 = arith.constant 0 : i32
      %dma_start3A_89 = arith.constant 0 : i32
      %dma_start3A_90 = tpu.memref_slice %arg11[%dma_start3A_88, %dma_start3A_89] : memref<10240x16xf32, #tpu.memory_space<vmem_shared>> -> memref<10240x16xf32, #tpu.memory_space<vmem_shared>>
      tpu.enqueue_indirect_dma source(%arg8 : memref<2000x16xf32, #tpu.memory_space<vmem>>) target(%dma_start3A_90 : memref<10240x16xf32, #tpu.memory_space<vmem_shared>>) offsets(%dma_start3A_87 : memref<2000xi32, #tpu.memory_space<vmem>>) semaphore(%run_scoped3A_84 : memref<!tpu.dma_semaphore, #tpu.memory_space<semaphore_mem>>) {add = true}
      %dma_wait3A_91 = arith.constant 0 : i32
      %dma_wait3A_92 = tpu.memref_slice %arg7[%run_scoped3A_60, %dma_wait3A_91] : memref<5x2000xi32, #tpu.memory_space<vmem>> -> memref<1x2000xi32, #tpu.memory_space<vmem>>
      %dma_wait3A_93 = tpu.memref_squeeze %dma_wait3A_92 : memref<1x2000xi32, #tpu.memory_space<vmem>> -> memref<2000xi32, #tpu.memory_space<vmem>>
      %dma_wait3A_94 = arith.constant 0 : i32
      %dma_wait3A_95 = arith.constant 0 : i32
      %dma_wait3A_96 = tpu.memref_slice %arg11[%dma_wait3A_94, %dma_wait3A_95] : memref<10240x16xf32, #tpu.memory_space<vmem_shared>> -> memref<10240x16xf32, #tpu.memory_space<vmem_shared>>
      tpu.wait_indirect_dma semaphore(%run_scoped3A_84 : memref<!tpu.dma_semaphore, #tpu.memory_space<semaphore_mem>>) src(%arg8 : memref<2000x16xf32, #tpu.memory_space<vmem>>) dst(%dma_wait3A_96 : memref<10240x16xf32, #tpu.memory_space<vmem_shared>>)
      tpu.yield
    }) : () -> ()
    %dma_start3A_61 = arith.constant 8000 : i32
    %dma_start3A_62 = tpu.memref_slice %arg6[%dma_start3A_61] : memref<10000xi32, #tpu.memory_space<vmem>> -> memref<2000xi32, #tpu.memory_space<vmem>>
    %dma_start3A_63 = arith.constant 0 : i32
    %dma_start3A_64 = arith.constant 0 : i32
    %dma_start3A_65 = tpu.memref_slice %arg2[%dma_start3A_63, %dma_start3A_64] : memref<10240x16xf32, #tpu.memory_space<hbm>> -> memref<10240x16xf32, #tpu.memory_space<hbm>>
    tpu.enqueue_indirect_dma source(%dma_start3A_65 : memref<10240x16xf32, #tpu.memory_space<hbm>>) target(%arg8 : memref<2000x16xf32, #tpu.memory_space<vmem>>) offsets(%dma_start3A_62 : memref<2000xi32, #tpu.memory_space<vmem>>) semaphore(%arg12 : memref<!tpu.dma_semaphore, #tpu.memory_space<semaphore_mem>>)
    %dma_wait3A_66 = arith.constant 6000 : i32
    %dma_wait3A_67 = tpu.memref_slice %arg6[%dma_wait3A_66] : memref<10000xi32, #tpu.memory_space<vmem>> -> memref<2000xi32, #tpu.memory_space<vmem>>
    %dma_wait3A_68 = arith.constant 0 : i32
    %dma_wait3A_69 = arith.constant 0 : i32
    %dma_wait3A_70 = tpu.memref_slice %arg2[%dma_wait3A_68, %dma_wait3A_69] : memref<10240x16xf32, #tpu.memory_space<hbm>> -> memref<10240x16xf32, #tpu.memory_space<hbm>>
    tpu.wait_indirect_dma semaphore(%arg13 : memref<!tpu.dma_semaphore, #tpu.memory_space<semaphore_mem>>) src(%dma_wait3A_70 : memref<10240x16xf32, #tpu.memory_space<hbm>>) dst(%arg9 : memref<2000x16xf32, #tpu.memory_space<vmem>>)
    %run_scoped3A_71 = arith.constant 3 : i32
    "tpu.region"() ({
      %run_scoped3A_84 = tpu.sem_alloc : memref<!tpu.dma_semaphore, #tpu.memory_space<semaphore_mem>>
      %dma_start3A_85 = arith.constant 0 : i32
      %dma_start3A_86 = tpu.memref_slice %arg7[%run_scoped3A_71, %dma_start3A_85] : memref<5x2000xi32, #tpu.memory_space<vmem>> -> memref<1x2000xi32, #tpu.memory_space<vmem>>
      %dma_start3A_87 = tpu.memref_squeeze %dma_start3A_86 : memref<1x2000xi32, #tpu.memory_space<vmem>> -> memref<2000xi32, #tpu.memory_space<vmem>>
      %dma_start3A_88 = arith.constant 0 : i32
      %dma_start3A_89 = arith.constant 0 : i32
      %dma_start3A_90 = tpu.memref_slice %arg11[%dma_start3A_88, %dma_start3A_89] : memref<10240x16xf32, #tpu.memory_space<vmem_shared>> -> memref<10240x16xf32, #tpu.memory_space<vmem_shared>>
      tpu.enqueue_indirect_dma source(%arg9 : memref<2000x16xf32, #tpu.memory_space<vmem>>) target(%dma_start3A_90 : memref<10240x16xf32, #tpu.memory_space<vmem_shared>>) offsets(%dma_start3A_87 : memref<2000xi32, #tpu.memory_space<vmem>>) semaphore(%run_scoped3A_84 : memref<!tpu.dma_semaphore, #tpu.memory_space<semaphore_mem>>) {add = true}
      %dma_wait3A_91 = arith.constant 0 : i32
      %dma_wait3A_92 = tpu.memref_slice %arg7[%run_scoped3A_71, %dma_wait3A_91] : memref<5x2000xi32, #tpu.memory_space<vmem>> -> memref<1x2000xi32, #tpu.memory_space<vmem>>
      %dma_wait3A_93 = tpu.memref_squeeze %dma_wait3A_92 : memref<1x2000xi32, #tpu.memory_space<vmem>> -> memref<2000xi32, #tpu.memory_space<vmem>>
      %dma_wait3A_94 = arith.constant 0 : i32
      %dma_wait3A_95 = arith.constant 0 : i32
      %dma_wait3A_96 = tpu.memref_slice %arg11[%dma_wait3A_94, %dma_wait3A_95] : memref<10240x16xf32, #tpu.memory_space<vmem_shared>> -> memref<10240x16xf32, #tpu.memory_space<vmem_shared>>
      tpu.wait_indirect_dma semaphore(%run_scoped3A_84 : memref<!tpu.dma_semaphore, #tpu.memory_space<semaphore_mem>>) src(%arg9 : memref<2000x16xf32, #tpu.memory_space<vmem>>) dst(%dma_wait3A_96 : memref<10240x16xf32, #tpu.memory_space<vmem_shared>>)
      tpu.yield
    }) : () -> ()
    %dma_wait3A_72 = arith.constant 8000 : i32
    %dma_wait3A_73 = tpu.memref_slice %arg6[%dma_wait3A_72] : memref<10000xi32, #tpu.memory_space<vmem>> -> memref<2000xi32, #tpu.memory_space<vmem>>
    %dma_wait3A_74 = arith.constant 0 : i32
    %dma_wait3A_75 = arith.constant 0 : i32
    %dma_wait3A_76 = tpu.memref_slice %arg2[%dma_wait3A_74, %dma_wait3A_75] : memref<10240x16xf32, #tpu.memory_space<hbm>> -> memref<10240x16xf32, #tpu.memory_space<hbm>>
    tpu.wait_indirect_dma semaphore(%arg12 : memref<!tpu.dma_semaphore, #tpu.memory_space<semaphore_mem>>) src(%dma_wait3A_76 : memref<10240x16xf32, #tpu.memory_space<hbm>>) dst(%arg8 : memref<2000x16xf32, #tpu.memory_space<vmem>>)
    %run_scoped3A_77 = arith.constant 4 : i32
    "tpu.region"() ({
      %run_scoped3A_84 = tpu.sem_alloc : memref<!tpu.dma_semaphore, #tpu.memory_space<semaphore_mem>>
      %dma_start3A_85 = arith.constant 0 : i32
      %dma_start3A_86 = tpu.memref_slice %arg7[%run_scoped3A_77, %dma_start3A_85] : memref<5x2000xi32, #tpu.memory_space<vmem>> -> memref<1x2000xi32, #tpu.memory_space<vmem>>
      %dma_start3A_87 = tpu.memref_squeeze %dma_start3A_86 : memref<1x2000xi32, #tpu.memory_space<vmem>> -> memref<2000xi32, #tpu.memory_space<vmem>>
      %dma_start3A_88 = arith.constant 0 : i32
      %dma_start3A_89 = arith.constant 0 : i32
      %dma_start3A_90 = tpu.memref_slice %arg11[%dma_start3A_88, %dma_start3A_89] : memref<10240x16xf32, #tpu.memory_space<vmem_shared>> -> memref<10240x16xf32, #tpu.memory_space<vmem_shared>>
      tpu.enqueue_indirect_dma source(%arg8 : memref<2000x16xf32, #tpu.memory_space<vmem>>) target(%dma_start3A_90 : memref<10240x16xf32, #tpu.memory_space<vmem_shared>>) offsets(%dma_start3A_87 : memref<2000xi32, #tpu.memory_space<vmem>>) semaphore(%run_scoped3A_84 : memref<!tpu.dma_semaphore, #tpu.memory_space<semaphore_mem>>) {add = true}
      %dma_wait3A_91 = arith.constant 0 : i32
      %dma_wait3A_92 = tpu.memref_slice %arg7[%run_scoped3A_77, %dma_wait3A_91] : memref<5x2000xi32, #tpu.memory_space<vmem>> -> memref<1x2000xi32, #tpu.memory_space<vmem>>
      %dma_wait3A_93 = tpu.memref_squeeze %dma_wait3A_92 : memref<1x2000xi32, #tpu.memory_space<vmem>> -> memref<2000xi32, #tpu.memory_space<vmem>>
      %dma_wait3A_94 = arith.constant 0 : i32
      %dma_wait3A_95 = arith.constant 0 : i32
      %dma_wait3A_96 = tpu.memref_slice %arg11[%dma_wait3A_94, %dma_wait3A_95] : memref<10240x16xf32, #tpu.memory_space<vmem_shared>> -> memref<10240x16xf32, #tpu.memory_space<vmem_shared>>
      tpu.wait_indirect_dma semaphore(%run_scoped3A_84 : memref<!tpu.dma_semaphore, #tpu.memory_space<semaphore_mem>>) src(%arg8 : memref<2000x16xf32, #tpu.memory_space<vmem>>) dst(%dma_wait3A_96 : memref<10240x16xf32, #tpu.memory_space<vmem_shared>>)
      tpu.yield
    }) : () -> ()
    %barrier3A_78 = arith.constant 0 : index
    tpu.barrier barrier_id(%barrier3A_78)
    %mul3A_79 = arith.constant 640 : i32
    %mul3A_80 = arith.muli %arg1, %mul3A_79 : i32
    "tpu.region"() ({
      %run_scoped3A_84 = tpu.sem_alloc : memref<!tpu.dma_semaphore, #tpu.memory_space<semaphore_mem>>
      %dma_start3A_85 = arith.constant 0 : i32
      %dma_start3A_86 = tpu.memref_slice %arg11[%mul3A_80, %dma_start3A_85] : memref<10240x16xf32, #tpu.memory_space<vmem_shared>> -> memref<640x16xf32, #tpu.memory_space<vmem_shared>>
      %dma_start3A_87 = arith.constant 0 : i32
      %dma_start3A_88 = tpu.memref_slice %arg11[%mul3A_80, %dma_start3A_87] : memref<10240x16xf32, #tpu.memory_space<vmem_shared>> -> memref<640x16xf32, #tpu.memory_space<vmem_shared>>
      tpu.enqueue_dma source(%dma_start3A_88 : memref<640x16xf32, #tpu.memory_space<vmem_shared>>) target(%arg10 : memref<640x16xf32, #tpu.memory_space<vmem>>) target_semaphore(%run_scoped3A_84 : memref<!tpu.dma_semaphore, #tpu.memory_space<semaphore_mem>>)
      %dma_wait3A_89 = arith.constant 0 : i32
      %dma_wait3A_90 = tpu.memref_slice %arg11[%mul3A_80, %dma_wait3A_89] : memref<10240x16xf32, #tpu.memory_space<vmem_shared>> -> memref<640x16xf32, #tpu.memory_space<vmem_shared>>
      %dma_wait3A_91 = arith.constant 0 : i32
      %dma_wait3A_92 = tpu.memref_slice %arg11[%mul3A_80, %dma_wait3A_91] : memref<10240x16xf32, #tpu.memory_space<vmem_shared>> -> memref<640x16xf32, #tpu.memory_space<vmem_shared>>
      tpu.wait_dma2 semaphore(%run_scoped3A_84 : memref<!tpu.dma_semaphore, #tpu.memory_space<semaphore_mem>>) src(%dma_wait3A_92 : memref<640x16xf32, #tpu.memory_space<vmem_shared>>) dst(%arg10 : memref<640x16xf32, #tpu.memory_space<vmem>>)
      tpu.yield
    }) : () -> ()
    %mul3A_81 = arith.constant 10240 : i32
    %mul3A_82 = arith.muli %arg0, %mul3A_81 : i32
    %add3A_83 = arith.addi %mul3A_82, %mul3A_80 : i32
    "tpu.region"() ({
      %run_scoped3A_84 = tpu.sem_alloc : memref<!tpu.dma_semaphore, #tpu.memory_space<semaphore_mem>>
      %dma_start3A_85 = arith.constant 0 : i32
      %dma_start3A_86 = tpu.memref_slice %arg5[%add3A_83, %dma_start3A_85] : memref<20480x16xf32, #tpu.memory_space<hbm>> -> memref<640x16xf32, #tpu.memory_space<hbm>>
      %dma_start3A_87 = arith.constant 0 : i32
      %dma_start3A_88 = tpu.memref_slice %arg5[%add3A_83, %dma_start3A_87] : memref<20480x16xf32, #tpu.memory_space<hbm>> -> memref<640x16xf32, #tpu.memory_space<hbm>>
      tpu.enqueue_dma source(%arg10 : memref<640x16xf32, #tpu.memory_space<vmem>>) target(%dma_start3A_88 : memref<640x16xf32, #tpu.memory_space<hbm>>) target_semaphore(%run_scoped3A_84 : memref<!tpu.dma_semaphore, #tpu.memory_space<semaphore_mem>>)
      %dma_wait3A_89 = arith.constant 0 : i32
      %dma_wait3A_90 = tpu.memref_slice %arg5[%add3A_83, %dma_wait3A_89] : memref<20480x16xf32, #tpu.memory_space<hbm>> -> memref<640x16xf32, #tpu.memory_space<hbm>>
      %dma_wait3A_91 = arith.constant 0 : i32
      %dma_wait3A_92 = tpu.memref_slice %arg5[%add3A_83, %dma_wait3A_91] : memref<20480x16xf32, #tpu.memory_space<hbm>> -> memref<640x16xf32, #tpu.memory_space<hbm>>
      tpu.wait_dma2 semaphore(%run_scoped3A_84 : memref<!tpu.dma_semaphore, #tpu.memory_space<semaphore_mem>>) src(%arg10 : memref<640x16xf32, #tpu.memory_space<vmem>>) dst(%dma_wait3A_92 : memref<640x16xf32, #tpu.memory_space<hbm>>)
      tpu.yield
    }) : () -> ()
    return
  }
}

module attributes {stable_mosaic.version = 14 : i64} {
  func.func @m0a(%arg0: i32, %arg1: memref<256x1024xf32, #tpu.memory_space<vmem>>, %arg2: memref<1024x384xf32, #tpu.memory_space<vmem>>, %arg3: memref<256x128xf32, #tpu.memory_space<vmem>>, %arg4: memref<256x128xf32, #tpu.memory_space<vmem>>, %arg5: memref<256x128xf32, #tpu.memory_space<vmem>>) attributes {dimension_semantics = [#tpu.dimension_semantics<arbitrary>], iteration_bounds = array<i64: 5>, scalar_prefetch = 0 : i64, scratch_operands = 0 : i64, tpu.core_type = #tpu.core_type<tc>, window_params = [{transform_indices = @transform_0, window_bounds = array<i64: 256, 1024>}, {pipeline_mode = #tpu.pipeline_mode<synchronous>, transform_indices = @transform_1, window_bounds = array<i64: 1024, 384>}, {transform_indices = @transform_2, window_bounds = array<i64: 256, 128>}, {transform_indices = @transform_3, window_bounds = array<i64: 256, 128>}, {transform_indices = @transform_4, window_bounds = array<i64: 256, 128>}]} {
    %get3A = arith.constant 0 : index
    %get3A_0 = arith.constant 0 : index
    %get3A_1 = vector.load %arg1[%get3A, %get3A_0] : memref<256x1024xf32, #tpu.memory_space<vmem>>, vector<256x1024xf32>
    %get3A_2 = arith.constant 0 : index
    %get3A_3 = arith.constant 0 : index
    %get3A_4 = vector.load %arg2[%get3A_2, %get3A_3] : memref<1024x384xf32, #tpu.memory_space<vmem>>, vector<1024x384xf32>
    %dot_general3A = arith.constant dense<0.000000e+00> : vector<256x384xf32>
    %dot_general3A_5 = tpu.matmul %get3A_1, %get3A_4, %dot_general3A {dimension_numbers = #tpu.dot_dimension_numbers<[1], [0], [0], [1], [0, 0, 1, 1], [], []>, precision = #tpu.contract_precision<fp32>, transpose_lhs_hint = false} : vector<256x1024xf32>, vector<1024x384xf32>, vector<256x384xf32> -> vector<256x384xf32>
    %slice3A = vector.extract_strided_slice %dot_general3A_5 {offsets = [0, 0], sizes = [256, 128], strides = [1, 1]} : vector<256x384xf32> to vector<256x128xf32>
    %swap3A = arith.constant 0 : index
    %swap3A_6 = arith.constant 0 : index
    %swap3A_7 = vector.load %arg3[%swap3A, %swap3A_6] : memref<256x128xf32, #tpu.memory_space<vmem>>, vector<256x128xf32>
    tpu.vector_store %arg3[%swap3A, %swap3A_6], %slice3A {strides = array<i32>} : memref<256x128xf32, #tpu.memory_space<vmem>>, vector<256x128xf32>,
    %slice3A_8 = vector.extract_strided_slice %dot_general3A_5 {offsets = [0, 128], sizes = [256, 128], strides = [1, 1]} : vector<256x384xf32> to vector<256x128xf32>
    %swap3A_9 = arith.constant 0 : index
    %swap3A_10 = arith.constant 0 : index
    %swap3A_11 = vector.load %arg4[%swap3A_9, %swap3A_10] : memref<256x128xf32, #tpu.memory_space<vmem>>, vector<256x128xf32>
    tpu.vector_store %arg4[%swap3A_9, %swap3A_10], %slice3A_8 {strides = array<i32>} : memref<256x128xf32, #tpu.memory_space<vmem>>, vector<256x128xf32>,
    %slice3A_12 = vector.extract_strided_slice %dot_general3A_5 {offsets = [0, 256], sizes = [256, 128], strides = [1, 1]} : vector<256x384xf32> to vector<256x128xf32>
    %swap3A_13 = arith.constant 0 : index
    %swap3A_14 = arith.constant 0 : index
    %swap3A_15 = vector.load %arg5[%swap3A_13, %swap3A_14] : memref<256x128xf32, #tpu.memory_space<vmem>>, vector<256x128xf32>
    tpu.vector_store %arg5[%swap3A_13, %swap3A_14], %slice3A_12 {strides = array<i32>} : memref<256x128xf32, #tpu.memory_space<vmem>>, vector<256x128xf32>,
    return
  }
  func.func @transform_0(%arg0: i32) -> (i32, i32) {
    %c0_i32 = arith.constant 0 : i32
    %c0_i32_0 = arith.constant 0 : i32
    return %arg0, %c0_i32 : i32, i32
  }
  func.func @transform_1(%arg0: i32) -> (i32, i32) {
    %c0_i32 = arith.constant 0 : i32
    %c0_i32_0 = arith.constant 0 : i32
    %c0_i32_1 = arith.constant 0 : i32
    return %c0_i32, %c0_i32_0 : i32, i32
  }
  func.func @transform_2(%arg0: i32) -> (i32, i32) {
    %c0_i32 = arith.constant 0 : i32
    %c0_i32_0 = arith.constant 0 : i32
    return %arg0, %c0_i32 : i32, i32
  }
  func.func @transform_3(%arg0: i32) -> (i32, i32) {
    %c0_i32 = arith.constant 0 : i32
    %c0_i32_0 = arith.constant 0 : i32
    return %arg0, %c0_i32 : i32, i32
  }
  func.func @transform_4(%arg0: i32) -> (i32, i32) {
    %c0_i32 = arith.constant 0 : i32
    %c0_i32_0 = arith.constant 0 : i32
    return %arg0, %c0_i32 : i32, i32
  }
}

module attributes {stable_mosaic.version = 14 : i64} {
  func.func @m0b(%arg0: i32, %arg1: memref<256x128xf32, #tpu.memory_space<vmem>>, %arg2: memref<256x128xf32, #tpu.memory_space<vmem>>, %arg3: memref<256x128xf32, #tpu.memory_space<vmem>>, %arg4: memref<256x128xf32, #tpu.memory_space<vmem>>, %arg5: memref<256x128xf32, #tpu.memory_space<vmem>>) attributes {dimension_semantics = [#tpu.dimension_semantics<arbitrary>], iteration_bounds = array<i64: 5>, scalar_prefetch = 0 : i64, scratch_operands = 0 : i64, tpu.core_type = #tpu.core_type<tc>, window_params = [{transform_indices = @transform_0, window_bounds = array<i64: 256, 128>}, {transform_indices = @transform_1, window_bounds = array<i64: 256, 128>}, {transform_indices = @transform_2, window_bounds = array<i64: 256, 128>}, {transform_indices = @transform_3, window_bounds = array<i64: 256, 128>}, {transform_indices = @transform_4, window_bounds = array<i64: 256, 128>}]} {
    %get3A = arith.constant 0 : index
    %get3A_0 = arith.constant 0 : index
    %get3A_1 = vector.load %arg1[%get3A, %get3A_0] : memref<256x128xf32, #tpu.memory_space<vmem>>, vector<256x128xf32>
    %get3A_2 = arith.constant 0 : index
    %get3A_3 = arith.constant 0 : index
    %get3A_4 = vector.load %arg2[%get3A_2, %get3A_3] : memref<256x128xf32, #tpu.memory_space<vmem>>, vector<256x128xf32>
    %add3A = arith.addf %get3A_1, %get3A_4 : vector<256x128xf32>
    %max3A = arith.constant 1.000000e+00 : f32
    %max3A_5 = vector.broadcast %max3A : f32 to vector<256x128xf32>
    %max3A_6 = arith.maximumf %add3A, %max3A_5 : vector<256x128xf32>
    %sqrt3A = math.sqrt %max3A_6 : vector<256x128xf32>
    %div3A = arith.constant 1.000000e+00 : f32
    %div3A_7 = vector.broadcast %div3A : f32 to vector<256x128xf32>
    %div3A_8 = arith.divf %div3A_7, %sqrt3A : vector<256x128xf32>
    %get3A_9 = arith.constant 0 : index
    %get3A_10 = arith.constant 0 : index
    %get3A_11 = vector.load %arg3[%get3A_9, %get3A_10] : memref<256x128xf32, #tpu.memory_space<vmem>>, vector<256x128xf32>
    %mul3A = arith.mulf %get3A_11, %div3A_8 : vector<256x128xf32>
    %swap3A = arith.constant 0 : index
    %swap3A_12 = arith.constant 0 : index
    %swap3A_13 = vector.load %arg4[%swap3A, %swap3A_12] : memref<256x128xf32, #tpu.memory_space<vmem>>, vector<256x128xf32>
    tpu.vector_store %arg4[%swap3A, %swap3A_12], %mul3A {strides = array<i32>} : memref<256x128xf32, #tpu.memory_space<vmem>>, vector<256x128xf32>,
    %swap3A_14 = arith.constant 0 : index
    %swap3A_15 = arith.constant 0 : index
    %swap3A_16 = vector.load %arg5[%swap3A_14, %swap3A_15] : memref<256x128xf32, #tpu.memory_space<vmem>>, vector<256x128xf32>
    tpu.vector_store %arg5[%swap3A_14, %swap3A_15], %div3A_8 {strides = array<i32>} : memref<256x128xf32, #tpu.memory_space<vmem>>, vector<256x128xf32>,
    return
  }
  func.func @transform_0(%arg0: i32) -> (i32, i32) {
    %c0_i32 = arith.constant 0 : i32
    %c0_i32_0 = arith.constant 0 : i32
    return %arg0, %c0_i32 : i32, i32
  }
  func.func @transform_1(%arg0: i32) -> (i32, i32) {
    %add3A = arith.constant 5 : i32
    %add3A_0 = arith.addi %arg0, %add3A : i32
    %c0_i32 = arith.constant 0 : i32
    %c0_i32_1 = arith.constant 0 : i32
    return %add3A_0, %c0_i32 : i32, i32
  }
  func.func @transform_2(%arg0: i32) -> (i32, i32) {
    %c0_i32 = arith.constant 0 : i32
    %c0_i32_0 = arith.constant 0 : i32
    return %arg0, %c0_i32 : i32, i32
  }
  func.func @transform_3(%arg0: i32) -> (i32, i32) {
    %c0_i32 = arith.constant 0 : i32
    %c0_i32_0 = arith.constant 0 : i32
    return %arg0, %c0_i32 : i32, i32
  }
  func.func @transform_4(%arg0: i32) -> (i32, i32) {
    %c0_i32 = arith.constant 0 : i32
    %c0_i32_0 = arith.constant 0 : i32
    return %arg0, %c0_i32 : i32, i32
  }
}

module attributes {stable_mosaic.version = 14 : i64} {
  func.func @c1(%arg0: i32, %arg1: memref<256x128xf32, #tpu.memory_space<vmem>>, %arg2: memref<256x128xf32, #tpu.memory_space<vmem>>, %arg3: memref<256x128xf32, #tpu.memory_space<vmem>>, %arg4: memref<256x128xf32, #tpu.memory_space<vmem>>, %arg5: memref<256x128xf32, #tpu.memory_space<vmem>>) attributes {dimension_semantics = [#tpu.dimension_semantics<arbitrary>], iteration_bounds = array<i64: 5>, scalar_prefetch = 0 : i64, scratch_operands = 0 : i64, tpu.core_type = #tpu.core_type<tc>, window_params = [{transform_indices = @transform_0, window_bounds = array<i64: 256, 128>}, {transform_indices = @transform_1, window_bounds = array<i64: 256, 128>}, {transform_indices = @transform_2, window_bounds = array<i64: 256, 128>}, {transform_indices = @transform_3, window_bounds = array<i64: 256, 128>}, {transform_indices = @transform_4, window_bounds = array<i64: 256, 128>}]} {
    %get3A = arith.constant 0 : index
    %get3A_0 = arith.constant 0 : index
    %get3A_1 = vector.load %arg4[%get3A, %get3A_0] : memref<256x128xf32, #tpu.memory_space<vmem>>, vector<256x128xf32>
    %get3A_2 = arith.constant 0 : index
    %get3A_3 = arith.constant 0 : index
    %get3A_4 = vector.load %arg1[%get3A_2, %get3A_3] : memref<256x128xf32, #tpu.memory_space<vmem>>, vector<256x128xf32>
    %get3A_5 = arith.constant 0 : index
    %get3A_6 = arith.constant 0 : index
    %get3A_7 = vector.load %arg2[%get3A_5, %get3A_6] : memref<256x128xf32, #tpu.memory_space<vmem>>, vector<256x128xf32>
    %add3A = arith.addf %get3A_4, %get3A_7 : vector<256x128xf32>
    %get3A_8 = arith.constant 0 : index
    %get3A_9 = arith.constant 0 : index
    %get3A_10 = vector.load %arg3[%get3A_8, %get3A_9] : memref<256x128xf32, #tpu.memory_space<vmem>>, vector<256x128xf32>
    %mul3A = arith.mulf %get3A_1, %get3A_10 : vector<256x128xf32>
    %mul3A_11 = arith.mulf %get3A_1, %get3A_1 : vector<256x128xf32>
    %mul3A_12 = arith.constant 2.000000e+00 : f32
    %mul3A_13 = vector.broadcast %mul3A_12 : f32 to vector<256x128xf32>
    %mul3A_14 = arith.mulf %mul3A_13, %mul3A_11 : vector<256x128xf32>
    %mul3A_15 = arith.mulf %mul3A_14, %add3A : vector<256x128xf32>
    %sub3A = arith.subf %mul3A, %mul3A_15 : vector<256x128xf32>
    %swap3A = arith.constant 0 : index
    %swap3A_16 = arith.constant 0 : index
    %swap3A_17 = vector.load %arg5[%swap3A, %swap3A_16] : memref<256x128xf32, #tpu.memory_space<vmem>>, vector<256x128xf32>
    tpu.vector_store %arg5[%swap3A, %swap3A_16], %sub3A {strides = array<i32>} : memref<256x128xf32, #tpu.memory_space<vmem>>, vector<256x128xf32>,
    return
  }
  func.func @transform_0(%arg0: i32) -> (i32, i32) {
    %c0_i32 = arith.constant 0 : i32
    %c0_i32_0 = arith.constant 0 : i32
    return %arg0, %c0_i32 : i32, i32
  }
  func.func @transform_1(%arg0: i32) -> (i32, i32) {
    %add3A = arith.constant 5 : i32
    %add3A_0 = arith.addi %arg0, %add3A : i32
    %c0_i32 = arith.constant 0 : i32
    %c0_i32_1 = arith.constant 0 : i32
    return %add3A_0, %c0_i32 : i32, i32
  }
  func.func @transform_2(%arg0: i32) -> (i32, i32) {
    %c0_i32 = arith.constant 0 : i32
    %c0_i32_0 = arith.constant 0 : i32
    return %arg0, %c0_i32 : i32, i32
  }
  func.func @transform_3(%arg0: i32) -> (i32, i32) {
    %c0_i32 = arith.constant 0 : i32
    %c0_i32_0 = arith.constant 0 : i32
    return %arg0, %c0_i32 : i32, i32
  }
  func.func @transform_4(%arg0: i32) -> (i32, i32) {
    %c0_i32 = arith.constant 0 : i32
    %c0_i32_0 = arith.constant 0 : i32
    return %arg0, %c0_i32 : i32, i32
  }
}

module attributes {stable_mosaic.version = 14 : i64} {
  func.func @c2(%arg0: i32, %arg1: memref<256x128xf32, #tpu.memory_space<vmem>>, %arg2: memref<256x128xf32, #tpu.memory_space<vmem>>, %arg3: memref<256x128xf32, #tpu.memory_space<vmem>>, %arg4: memref<256x128xf32, #tpu.memory_space<vmem>>, %arg5: memref<1x128xf32, #tpu.memory_space<vmem>>, %arg6: memref<256x128xf32, #tpu.memory_space<vmem>>, %arg7: memref<256x128xf32, #tpu.memory_space<vmem>>) attributes {dimension_semantics = [#tpu.dimension_semantics<arbitrary>], iteration_bounds = array<i64: 5>, scalar_prefetch = 0 : i64, scratch_operands = 0 : i64, tpu.core_type = #tpu.core_type<tc>, window_params = [{transform_indices = @transform_0, window_bounds = array<i64: 256, 128>}, {transform_indices = @transform_1, window_bounds = array<i64: 256, 128>}, {transform_indices = @transform_2, window_bounds = array<i64: 256, 128>}, {transform_indices = @transform_3, window_bounds = array<i64: 256, 128>}, {pipeline_mode = #tpu.pipeline_mode<synchronous>, transform_indices = @transform_4, window_bounds = array<i64: 1, 128>}, {transform_indices = @transform_5, window_bounds = array<i64: 256, 128>}, {transform_indices = @transform_6, window_bounds = array<i64: 256, 128>}]} {
    %get3A = arith.constant 0 : index
    %get3A_0 = arith.constant 0 : index
    %get3A_1 = vector.load %arg4[%get3A, %get3A_0] : memref<256x128xf32, #tpu.memory_space<vmem>>, vector<256x128xf32>
    %neg3A = arith.constant 0.000000e+00 : f32
    %neg3A_2 = vector.broadcast %neg3A : f32 to vector<256x128xf32>
    %neg3A_3 = arith.subf %neg3A_2, %get3A_1 : vector<256x128xf32>
    %get3A_4 = arith.constant 0 : index
    %get3A_5 = arith.constant 0 : index
    %get3A_6 = vector.load %arg1[%get3A_4, %get3A_5] : memref<256x128xf32, #tpu.memory_space<vmem>>, vector<256x128xf32>
    %get3A_7 = arith.constant 0 : index
    %get3A_8 = arith.constant 0 : index
    %get3A_9 = vector.load %arg2[%get3A_7, %get3A_8] : memref<256x128xf32, #tpu.memory_space<vmem>>, vector<256x128xf32>
    %add3A = arith.addf %get3A_6, %get3A_9 : vector<256x128xf32>
    %mul3A = arith.mulf %neg3A_3, %add3A : vector<256x128xf32>
    %get3A_10 = arith.constant 0 : index
    %get3A_11 = arith.constant 0 : index
    %get3A_12 = vector.load %arg3[%get3A_10, %get3A_11] : memref<256x128xf32, #tpu.memory_space<vmem>>, vector<256x128xf32>
    %add3A_13 = arith.addf %get3A_12, %mul3A : vector<256x128xf32>
    %get3A_14 = arith.constant 0 : index
    %get3A_15 = arith.constant 0 : index
    %get3A_16 = vector.load %arg5[%get3A_14, %get3A_15] : memref<1x128xf32, #tpu.memory_space<vmem>>, vector<1x128xf32>
    %add3A_17 = vector.broadcast %get3A_16 : vector<1x128xf32> to vector<256x128xf32>
    %add3A_18 = arith.addf %add3A_13, %add3A_17 : vector<256x128xf32>
    %max3A = arith.constant 0.000000e+00 : f32
    %max3A_19 = vector.broadcast %max3A : f32 to vector<256x128xf32>
    %max3A_20 = arith.maximumf %add3A_18, %max3A_19 : vector<256x128xf32>
    %swap3A = arith.constant 0 : index
    %swap3A_21 = arith.constant 0 : index
    %swap3A_22 = vector.load %arg6[%swap3A, %swap3A_21] : memref<256x128xf32, #tpu.memory_space<vmem>>, vector<256x128xf32>
    tpu.vector_store %arg6[%swap3A, %swap3A_21], %max3A_20 {strides = array<i32>} : memref<256x128xf32, #tpu.memory_space<vmem>>, vector<256x128xf32>,
    %mul3A_23 = arith.mulf %get3A_1, %max3A_20 : vector<256x128xf32>
    %swap3A_24 = arith.constant 0 : index
    %swap3A_25 = arith.constant 0 : index
    %swap3A_26 = vector.load %arg7[%swap3A_24, %swap3A_25] : memref<256x128xf32, #tpu.memory_space<vmem>>, vector<256x128xf32>
    tpu.vector_store %arg7[%swap3A_24, %swap3A_25], %mul3A_23 {strides = array<i32>} : memref<256x128xf32, #tpu.memory_space<vmem>>, vector<256x128xf32>,
    return
  }
  func.func @transform_0(%arg0: i32) -> (i32, i32) {
    %c0_i32 = arith.constant 0 : i32
    %c0_i32_0 = arith.constant 0 : i32
    return %arg0, %c0_i32 : i32, i32
  }
  func.func @transform_1(%arg0: i32) -> (i32, i32) {
    %add3A = arith.constant 5 : i32
    %add3A_0 = arith.addi %arg0, %add3A : i32
    %c0_i32 = arith.constant 0 : i32
    %c0_i32_1 = arith.constant 0 : i32
    return %add3A_0, %c0_i32 : i32, i32
  }
  func.func @transform_2(%arg0: i32) -> (i32, i32) {
    %c0_i32 = arith.constant 0 : i32
    %c0_i32_0 = arith.constant 0 : i32
    return %arg0, %c0_i32 : i32, i32
  }
  func.func @transform_3(%arg0: i32) -> (i32, i32) {
    %c0_i32 = arith.constant 0 : i32
    %c0_i32_0 = arith.constant 0 : i32
    return %arg0, %c0_i32 : i32, i32
  }
  func.func @transform_4(%arg0: i32) -> (i32, i32) {
    %c0_i32 = arith.constant 0 : i32
    %c0_i32_0 = arith.constant 0 : i32
    %c0_i32_1 = arith.constant 0 : i32
    return %c0_i32, %c0_i32_0 : i32, i32
  }
  func.func @transform_5(%arg0: i32) -> (i32, i32) {
    %c0_i32 = arith.constant 0 : i32
    %c0_i32_0 = arith.constant 0 : i32
    return %arg0, %c0_i32 : i32, i32
  }
  func.func @transform_6(%arg0: i32) -> (i32, i32) {
    %c0_i32 = arith.constant 0 : i32
    %c0_i32_0 = arith.constant 0 : i32
    return %arg0, %c0_i32 : i32, i32
  }
}

module attributes {stable_mosaic.version = 14 : i64} {
  func.func @c3(%arg0: i32, %arg1: memref<256x128xf32, #tpu.memory_space<vmem>>, %arg2: memref<256x128xf32, #tpu.memory_space<vmem>>, %arg3: memref<256x128xf32, #tpu.memory_space<vmem>>, %arg4: memref<256x128xf32, #tpu.memory_space<vmem>>, %arg5: memref<256x128xf32, #tpu.memory_space<vmem>>) attributes {dimension_semantics = [#tpu.dimension_semantics<arbitrary>], iteration_bounds = array<i64: 5>, scalar_prefetch = 0 : i64, scratch_operands = 0 : i64, tpu.core_type = #tpu.core_type<tc>, window_params = [{transform_indices = @transform_0, window_bounds = array<i64: 256, 128>}, {transform_indices = @transform_1, window_bounds = array<i64: 256, 128>}, {transform_indices = @transform_2, window_bounds = array<i64: 256, 128>}, {transform_indices = @transform_3, window_bounds = array<i64: 256, 128>}, {transform_indices = @transform_4, window_bounds = array<i64: 256, 128>}]} {
    %get3A = arith.constant 0 : index
    %get3A_0 = arith.constant 0 : index
    %get3A_1 = vector.load %arg3[%get3A, %get3A_0] : memref<256x128xf32, #tpu.memory_space<vmem>>, vector<256x128xf32>
    %neg3A = arith.constant 0.000000e+00 : f32
    %neg3A_2 = vector.broadcast %neg3A : f32 to vector<256x128xf32>
    %neg3A_3 = arith.subf %neg3A_2, %get3A_1 : vector<256x128xf32>
    %get3A_4 = arith.constant 0 : index
    %get3A_5 = arith.constant 0 : index
    %get3A_6 = vector.load %arg1[%get3A_4, %get3A_5] : memref<256x128xf32, #tpu.memory_space<vmem>>, vector<256x128xf32>
    %get3A_7 = arith.constant 0 : index
    %get3A_8 = arith.constant 0 : index
    %get3A_9 = vector.load %arg2[%get3A_7, %get3A_8] : memref<256x128xf32, #tpu.memory_space<vmem>>, vector<256x128xf32>
    %add3A = arith.addf %get3A_6, %get3A_9 : vector<256x128xf32>
    %mul3A = arith.mulf %neg3A_3, %add3A : vector<256x128xf32>
    %swap3A = arith.constant 0 : index
    %swap3A_10 = arith.constant 0 : index
    %swap3A_11 = vector.load %arg4[%swap3A, %swap3A_10] : memref<256x128xf32, #tpu.memory_space<vmem>>, vector<256x128xf32>
    tpu.vector_store %arg4[%swap3A, %swap3A_10], %mul3A {strides = array<i32>} : memref<256x128xf32, #tpu.memory_space<vmem>>, vector<256x128xf32>,
    %mul3A_12 = arith.mulf %get3A_1, %mul3A : vector<256x128xf32>
    %swap3A_13 = arith.constant 0 : index
    %swap3A_14 = arith.constant 0 : index
    %swap3A_15 = vector.load %arg5[%swap3A_13, %swap3A_14] : memref<256x128xf32, #tpu.memory_space<vmem>>, vector<256x128xf32>
    tpu.vector_store %arg5[%swap3A_13, %swap3A_14], %mul3A_12 {strides = array<i32>} : memref<256x128xf32, #tpu.memory_space<vmem>>, vector<256x128xf32>,
    return
  }
  func.func @transform_0(%arg0: i32) -> (i32, i32) {
    %c0_i32 = arith.constant 0 : i32
    %c0_i32_0 = arith.constant 0 : i32
    return %arg0, %c0_i32 : i32, i32
  }
  func.func @transform_1(%arg0: i32) -> (i32, i32) {
    %add3A = arith.constant 5 : i32
    %add3A_0 = arith.addi %arg0, %add3A : i32
    %c0_i32 = arith.constant 0 : i32
    %c0_i32_1 = arith.constant 0 : i32
    return %add3A_0, %c0_i32 : i32, i32
  }
  func.func @transform_2(%arg0: i32) -> (i32, i32) {
    %c0_i32 = arith.constant 0 : i32
    %c0_i32_0 = arith.constant 0 : i32
    return %arg0, %c0_i32 : i32, i32
  }
  func.func @transform_3(%arg0: i32) -> (i32, i32) {
    %c0_i32 = arith.constant 0 : i32
    %c0_i32_0 = arith.constant 0 : i32
    return %arg0, %c0_i32 : i32, i32
  }
  func.func @transform_4(%arg0: i32) -> (i32, i32) {
    %c0_i32 = arith.constant 0 : i32
    %c0_i32_0 = arith.constant 0 : i32
    return %arg0, %c0_i32 : i32, i32
  }
}

module attributes {stable_mosaic.version = 14 : i64} {
  func.func @m1a(%arg0: i32, %arg1: memref<256x128xf32, #tpu.memory_space<vmem>>, %arg2: memref<256x128xf32, #tpu.memory_space<vmem>>, %arg3: memref<256x320xf32, #tpu.memory_space<vmem>>, %arg4: memref<256x320xf32, #tpu.memory_space<vmem>>) attributes {dimension_semantics = [#tpu.dimension_semantics<arbitrary>], iteration_bounds = array<i64: 5>, scalar_prefetch = 0 : i64, scratch_operands = 0 : i64, tpu.core_type = #tpu.core_type<tc>, window_params = [{transform_indices = @transform_0, window_bounds = array<i64: 256, 128>}, {transform_indices = @transform_1, window_bounds = array<i64: 256, 128>}, {pipeline_mode = #tpu.pipeline_mode<synchronous>, transform_indices = @transform_2, window_bounds = array<i64: 256, 320>}, {transform_indices = @transform_3, window_bounds = array<i64: 256, 320>}]} {
    %get3A = arith.constant 0 : index
    %get3A_0 = arith.constant 0 : index
    %get3A_1 = vector.load %arg1[%get3A, %get3A_0] : memref<256x128xf32, #tpu.memory_space<vmem>>, vector<256x128xf32>
    %get3A_2 = arith.constant 0 : index
    %get3A_3 = arith.constant 0 : index
    %get3A_4 = vector.load %arg2[%get3A_2, %get3A_3] : memref<256x128xf32, #tpu.memory_space<vmem>>, vector<256x128xf32>
    %concatenate3A = tpu.concatenate %get3A_1, %get3A_4 in 1 : vector<256x128xf32>, vector<256x128xf32> -> vector<256x256xf32>
    %get3A_5 = arith.constant 0 : index
    %get3A_6 = arith.constant 0 : index
    %get3A_7 = vector.load %arg3[%get3A_5, %get3A_6] : memref<256x320xf32, #tpu.memory_space<vmem>>, vector<256x320xf32>
    %dot_general3A = arith.constant dense<0.000000e+00> : vector<256x320xf32>
    %dot_general3A_8 = tpu.matmul %concatenate3A, %get3A_7, %dot_general3A {dimension_numbers = #tpu.dot_dimension_numbers<[1], [0], [0], [1], [0, 0, 1, 1], [], []>, precision = #tpu.contract_precision<fp32>, transpose_lhs_hint = false} : vector<256x256xf32>, vector<256x320xf32>, vector<256x320xf32> -> vector<256x320xf32>
    %swap3A = arith.constant 0 : index
    %swap3A_9 = arith.constant 0 : index
    %swap3A_10 = vector.load %arg4[%swap3A, %swap3A_9] : memref<256x320xf32, #tpu.memory_space<vmem>>, vector<256x320xf32>
    tpu.vector_store %arg4[%swap3A, %swap3A_9], %dot_general3A_8 {strides = array<i32>} : memref<256x320xf32, #tpu.memory_space<vmem>>, vector<256x320xf32>,
    return
  }
  func.func @transform_0(%arg0: i32) -> (i32, i32) {
    %c0_i32 = arith.constant 0 : i32
    %c0_i32_0 = arith.constant 0 : i32
    return %arg0, %c0_i32 : i32, i32
  }
  func.func @transform_1(%arg0: i32) -> (i32, i32) {
    %c0_i32 = arith.constant 0 : i32
    %c0_i32_0 = arith.constant 0 : i32
    return %arg0, %c0_i32 : i32, i32
  }
  func.func @transform_2(%arg0: i32) -> (i32, i32) {
    %c0_i32 = arith.constant 0 : i32
    %c0_i32_0 = arith.constant 0 : i32
    %c0_i32_1 = arith.constant 0 : i32
    return %c0_i32, %c0_i32_0 : i32, i32
  }
  func.func @transform_3(%arg0: i32) -> (i32, i32) {
    %c0_i32 = arith.constant 0 : i32
    %c0_i32_0 = arith.constant 0 : i32
    return %arg0, %c0_i32 : i32, i32
  }
}

module attributes {stable_mosaic.version = 14 : i64} {
  func.func @m1b(%arg0: i32, %arg1: memref<256x128xf32, #tpu.memory_space<vmem>>, %arg2: memref<256x128xf32, #tpu.memory_space<vmem>>, %arg3: memref<256x128xf32, #tpu.memory_space<vmem>>, %arg4: memref<256x320xf32, #tpu.memory_space<vmem>>, %arg5: memref<128x320xf32, #tpu.memory_space<vmem>>, %arg6: memref<1x320xf32, #tpu.memory_space<vmem>>, %arg7: memref<256x320xf32, #tpu.memory_space<vmem>>) attributes {dimension_semantics = [#tpu.dimension_semantics<arbitrary>], iteration_bounds = array<i64: 5>, scalar_prefetch = 0 : i64, scratch_operands = 0 : i64, tpu.core_type = #tpu.core_type<tc>, window_params = [{transform_indices = @transform_0, window_bounds = array<i64: 256, 128>}, {transform_indices = @transform_1, window_bounds = array<i64: 256, 128>}, {transform_indices = @transform_2, window_bounds = array<i64: 256, 128>}, {transform_indices = @transform_3, window_bounds = array<i64: 256, 320>}, {pipeline_mode = #tpu.pipeline_mode<synchronous>, transform_indices = @transform_4, window_bounds = array<i64: 128, 320>}, {pipeline_mode = #tpu.pipeline_mode<synchronous>, transform_indices = @transform_5, window_bounds = array<i64: 1, 320>}, {transform_indices = @transform_6, window_bounds = array<i64: 256, 320>}]} {
    %get3A = arith.constant 0 : index
    %get3A_0 = arith.constant 0 : index
    %get3A_1 = vector.load %arg3[%get3A, %get3A_0] : memref<256x128xf32, #tpu.memory_space<vmem>>, vector<256x128xf32>
    %neg3A = arith.constant 0.000000e+00 : f32
    %neg3A_2 = vector.broadcast %neg3A : f32 to vector<256x128xf32>
    %neg3A_3 = arith.subf %neg3A_2, %get3A_1 : vector<256x128xf32>
    %get3A_4 = arith.constant 0 : index
    %get3A_5 = arith.constant 0 : index
    %get3A_6 = vector.load %arg1[%get3A_4, %get3A_5] : memref<256x128xf32, #tpu.memory_space<vmem>>, vector<256x128xf32>
    %get3A_7 = arith.constant 0 : index
    %get3A_8 = arith.constant 0 : index
    %get3A_9 = vector.load %arg2[%get3A_7, %get3A_8] : memref<256x128xf32, #tpu.memory_space<vmem>>, vector<256x128xf32>
    %add3A = arith.addf %get3A_6, %get3A_9 : vector<256x128xf32>
    %mul3A = arith.mulf %neg3A_3, %add3A : vector<256x128xf32>
    %get3A_10 = arith.constant 0 : index
    %get3A_11 = arith.constant 0 : index
    %get3A_12 = vector.load %arg4[%get3A_10, %get3A_11] : memref<256x320xf32, #tpu.memory_space<vmem>>, vector<256x320xf32>
    %get3A_13 = arith.constant 0 : index
    %get3A_14 = arith.constant 0 : index
    %get3A_15 = vector.load %arg5[%get3A_13, %get3A_14] : memref<128x320xf32, #tpu.memory_space<vmem>>, vector<128x320xf32>
    %dot_general3A = arith.constant dense<0.000000e+00> : vector<256x320xf32>
    %dot_general3A_16 = tpu.matmul %mul3A, %get3A_15, %dot_general3A {dimension_numbers = #tpu.dot_dimension_numbers<[1], [0], [0], [1], [0, 0, 1, 1], [], []>, precision = #tpu.contract_precision<fp32>, transpose_lhs_hint = false} : vector<256x128xf32>, vector<128x320xf32>, vector<256x320xf32> -> vector<256x320xf32>
    %add3A_17 = arith.addf %get3A_12, %dot_general3A_16 : vector<256x320xf32>
    %get3A_18 = arith.constant 0 : index
    %get3A_19 = arith.constant 0 : index
    %get3A_20 = vector.load %arg6[%get3A_18, %get3A_19] : memref<1x320xf32, #tpu.memory_space<vmem>>, vector<1x320xf32>
    %add3A_21 = vector.broadcast %get3A_20 : vector<1x320xf32> to vector<256x320xf32>
    %add3A_22 = arith.addf %add3A_17, %add3A_21 : vector<256x320xf32>
    %max3A = arith.constant 0.000000e+00 : f32
    %max3A_23 = vector.broadcast %max3A : f32 to vector<256x320xf32>
    %max3A_24 = arith.maximumf %add3A_22, %max3A_23 : vector<256x320xf32>
    %swap3A = arith.constant 0 : index
    %swap3A_25 = arith.constant 0 : index
    %swap3A_26 = vector.load %arg7[%swap3A, %swap3A_25] : memref<256x320xf32, #tpu.memory_space<vmem>>, vector<256x320xf32>
    tpu.vector_store %arg7[%swap3A, %swap3A_25], %max3A_24 {strides = array<i32>} : memref<256x320xf32, #tpu.memory_space<vmem>>, vector<256x320xf32>,
    return
  }
  func.func @transform_0(%arg0: i32) -> (i32, i32) {
    %c0_i32 = arith.constant 0 : i32
    %c0_i32_0 = arith.constant 0 : i32
    return %arg0, %c0_i32 : i32, i32
  }
  func.func @transform_1(%arg0: i32) -> (i32, i32) {
    %add3A = arith.constant 5 : i32
    %add3A_0 = arith.addi %arg0, %add3A : i32
    %c0_i32 = arith.constant 0 : i32
    %c0_i32_1 = arith.constant 0 : i32
    return %add3A_0, %c0_i32 : i32, i32
  }
  func.func @transform_2(%arg0: i32) -> (i32, i32) {
    %c0_i32 = arith.constant 0 : i32
    %c0_i32_0 = arith.constant 0 : i32
    return %arg0, %c0_i32 : i32, i32
  }
  func.func @transform_3(%arg0: i32) -> (i32, i32) {
    %c0_i32 = arith.constant 0 : i32
    %c0_i32_0 = arith.constant 0 : i32
    return %arg0, %c0_i32 : i32, i32
  }
  func.func @transform_4(%arg0: i32) -> (i32, i32) {
    %c0_i32 = arith.constant 0 : i32
    %c0_i32_0 = arith.constant 0 : i32
    %c0_i32_1 = arith.constant 0 : i32
    return %c0_i32, %c0_i32_0 : i32, i32
  }
  func.func @transform_5(%arg0: i32) -> (i32, i32) {
    %c0_i32 = arith.constant 0 : i32
    %c0_i32_0 = arith.constant 0 : i32
    %c0_i32_1 = arith.constant 0 : i32
    return %c0_i32, %c0_i32_0 : i32, i32
  }
  func.func @transform_6(%arg0: i32) -> (i32, i32) {
    %c0_i32 = arith.constant 0 : i32
    %c0_i32_0 = arith.constant 0 : i32
    return %arg0, %c0_i32 : i32, i32
  }
}

</mosaic_0001>

<sc_bundles>
// kernel: kernel.14.cloned.1.call-start
scs
__scs_entry_jumppad:
0x0: {  	(pc) =	sbr.rel $0x88, $3  }
0x1: {  	(tag) =	ssettag $0x0;
	lr =	simm.s32 $0x1  }
0x2: {  	[smem:$0x3F9B] =	sst lr;
	_ =	strace $0xD0000000  }
0x3: {  	_ = 	snop  }
0x4: {  	_ = 	snop  }
0x5: {  	_ = 	snop  }
0x6: {  	_ = 	snop  }
0x7: {  	_ = 	snop  }
__scs_overlays_trampoline_lowered:
0x8: {  	[smem:$0x3FAA] =	sst s0  }
0x9: {  	[smem:$0x3FAB] =	sst s1  }
0xa: {  	[smem:$0x3FAC] =	sst s2  }
0xb: {  	[smem:$0x3FAD] =	sst s3  }
0xc: {  	[smem:$0x3FAE] =	sst s4  }
0xd: {  	[smem:$0x3FAF] =	sst s5  }
0xe: {  	[smem:$0x3FB0] =	sst s6  }
0xf: {  	[smem:$0x3FB1] =	sst s7  }
0x10: {  	[smem:$0x3FB2] =	sst s8  }
0x11: {  	[smem:$0x3FB3] =	sst s9;
	s0 =	simm.s32 @!p0 $0x0  }
0x12: {  	s1 =	sld [smem:$0x3F99];
	s0 =	simm.s32 @p0 $0x1  }
0x13: {  	[smem:$0x3FB4] =	sst s0;
	s0 =	simm.s32 @!p1 $0x0  }
0x14: {  	s2 =	sld [smem:$0x3F98];
	s0 =	simm.s32 @p1 $0x1  }
0x15: {  	[smem:$0x3FB5] =	sst s0;
	s0 =	simm.s32 @!p2 $0x0  }
0x16: {  	s3 =	sld [smem:$0x3FDB];
	s0 =	simm.s32 @p2 $0x1  }
0x17: {  	s4 =	simm.s32 $0x1BF5;
	[smem:$0x3FB7] =	sst s0  }
0x18: {  	s0 =	sld [smem:$0x3F9A];
	_ =	swait.ge [sflag:s4], $0x0  }
0x19: {  	s7 =	sld [smem:$0x3F9B]  }
0x1a: {  	s8 =	sadd.s32 $0xFFFFE003, lr  }
0x1b: {  	s9 =	sadd.s32 $0xFFFFFEF7, lr;
	s5 =	simm.s32 $0xFFFFFFFF;
	p2 =	slt.u32 s8, $0xFFFFF086  }
0x1c: {  	p1 =	slt.u32 s9, $0xF7A;
	s5 =	simm.s32 @!p2 $0x0  }
0x1d: {  	s5 =	simm.s32 @p1 $0x1;
	p0 =	seq.s32 s7, s2  }
0x1e: {  	s7 =	smul.u32 @!p0 $0xF7A, s2;
	p2 =	seq.s32 @!p0 s5, $0x0  }
0x1f: {  	s9 =	smul.u32 $0xF7A, s1;
	s8 =	simm.s32 @!p0 $0x1BF5;
	p2 =	por !p2, p0  }
0x20: {  	[sflag:s8] =	ssyncset.s32 @!p0 $0xFFFFF086;
	s6 =	sadd.s32 @!p0 s3, s7;
	s7 =	simm.s32 @!p0 $0x108  }
0x21: {  	s3 =	sadd.s32 s3, s9;
	s6 =	sadd.s32 @!p0 $0x88, s6;
	s7 =	simm.s32 @p2 $0x1082  }
0x22: {  	[simem:s7], [sflag:s8] =	dma.local @!p0 [hbm:s6], $0xF7A  }
0x23: {  	s9 =	sor.u32 $0xD0000000, s2;
	s6 =	simm.s32 $0x108;
	_ =	swait.ge @!p0 [sflag:s8], $0x0  }
0x24: {  	s3 =	sadd.s32 $0x88, s3;
	s6 =	simm.s32 @!p1 $0x1082;
	[sflag:s4] =	ssyncset.s32 $0xFFFFF086  }
0x25: {  	[simem:s6], [sflag:s4] =	dma.local [hbm:s3], $0xF7A  }
0x26: {  	[smem:$0x3F9B] =	sst s1;
	(tag) =	ssettag s2;
	_ =	strace s9  }
0x27: {  	s1 =	sld [smem:$0x3FAB]  }
0x28: {  	s2 =	sld [smem:$0x3FAC]  }
0x29: {  	s4 =	sld [smem:$0x3FAE]  }
0x2a: {  	p0 =	seq.s32 s5, $0x0;
	s5 =	sld [smem:$0x3FAF]  }
0x2b: {  	s6 =	sld [smem:$0x3FB0]  }
0x2c: {  	s7 =	sld [smem:$0x3FB1]  }
0x2d: {  	s3 =	simm.s32 $0x108;
	s8 =	sld [smem:$0x3FB2]  }
0x2e: {  	s3 =	simm.s32 @!p0 $0x1082;
	s9 =	sld [smem:$0x3FB3]  }
0x2f: {  	lr =	sadd.s32 s0, s3;
	s0 =	sld [smem:$0x3FAA]  }
0x30: {  	s3 =	sld [smem:$0x3FAD]  }
0x31: {  	[smem:$0x3FB6] =	sst s10  }
0x32: {  	s10 =	sld [smem:$0x3FB4];
	_ =	sdelay $0x3  }
0x33: {  	p0 =	seq.s32 s10, $0x1;
	s10 =	sld [smem:$0x3FB6];
	_ =	sdelay $0x3  }
0x34: {  	[smem:$0x3FB6] =	sst s10  }
0x35: {  	s10 =	sld [smem:$0x3FB5];
	_ =	sdelay $0x3  }
0x36: {  	p1 =	seq.s32 s10, $0x1;
	s10 =	sld [smem:$0x3FB6];
	_ =	sdelay $0x3  }
0x37: {  	[smem:$0x3FB6] =	sst s10  }
0x38: {  	s10 =	sld [smem:$0x3FB7]  }
0x39: {  	_ = 	snop;
	(pc) =	sbr.ind lr, $3  }
0x3a: {  	_ = 	snop  }
0x3b: {  	_ = 	snop  }
0x3c: {  	p2 =	seq.s32 s10, $0x1;
	s10 =	sld [smem:$0x3FB6]  }
0x3d: {  	_ =	shalt  }
0x3e: {  	_ =	shalt  }
0x3f: {  	_ =	shalt  }
0x40: {  	_ =	shalt  }
0x41: {  	_ =	shalt  }
0x42: {  	_ =	shalt  }
0x43: {  	_ =	shalt  }
0x44: {  	_ =	shalt  }
0x45: {  	_ =	shalt  }
0x46: {  	_ =	shalt  }
0x47: {  	_ =	shalt  }
0x48: {  	_ =	shalt  }
0x49: {  	_ =	shalt  }
0x4a: {  	_ =	shalt  }
0x4b: {  	_ =	shalt  }
0x4c: {  	_ =	shalt  }
0x4d: {  	_ =	shalt  }
0x4e: {  	_ =	shalt  }
0x4f: {  	_ =	shalt  }
0x50: {  	_ =	shalt  }
0x51: {  	_ =	shalt  }
0x52: {  	_ =	shalt  }
0x53: {  	_ =	shalt  }
0x54: {  	_ =	shalt  }
0x55: {  	_ =	shalt  }
0x56: {  	_ =	shalt  }
0x57: {  	_ =	shalt  }
0x58: {  	_ =	shalt  }
0x59: {  	_ =	shalt  }
0x5a: {  	_ =	shalt  }
0x5b: {  	_ =	shalt  }
0x5c: {  	_ =	shalt  }
0x5d: {  	_ =	shalt  }
0x5e: {  	_ =	shalt  }
0x5f: {  	_ =	shalt  }
0x60: {  	_ =	shalt  }
0x61: {  	_ =	shalt  }
0x62: {  	_ =	shalt  }
0x63: {  	_ =	shalt  }
0x64: {  	_ =	shalt  }
0x65: {  	_ =	shalt  }
0x66: {  	_ =	shalt  }
0x67: {  	_ =	shalt  }
0x68: {  	_ =	shalt  }
0x69: {  	_ =	shalt  }
0x6a: {  	_ =	shalt  }
0x6b: {  	_ =	shalt  }
0x6c: {  	_ =	shalt  }
0x6d: {  	_ =	shalt  }
0x6e: {  	_ =	shalt  }
0x6f: {  	_ =	shalt  }
0x70: {  	_ =	shalt  }
0x71: {  	_ =	shalt  }
0x72: {  	_ =	shalt  }
0x73: {  	_ =	shalt  }
0x74: {  	_ =	shalt  }
0x75: {  	_ =	shalt  }
0x76: {  	_ =	shalt  }
0x77: {  	_ =	shalt  }
0x78: {  	_ =	shalt  }
0x79: {  	_ =	shalt  }
0x7a: {  	_ =	shalt  }
0x7b: {  	_ =	shalt  }
0x7c: {  	_ =	shalt  }
0x7d: {  	_ =	shalt  }
0x7e: {  	_ =	shalt  }
0x7f: {  	_ =	shalt  }
0x80: {  	_ =	shalt  }
0x81: {  	_ =	shalt  }
0x82: {  	_ =	shalt  }
0x83: {  	_ =	shalt  }
0x84: {  	_ =	shalt  }
0x85: {  	_ =	shalt  }
0x86: {  	_ =	shalt  }
0x87: {  	_ =	shalt  }
.Lfunc_end0:
.L_simem_size_0:
called_computation_lowered:
.L_overlay_start_0:
0x88: {  	s2 =	sld [smem:$0x3FD9]  }
0x89: {  	s3 =	sld [smem:$0x3FFE];
	_ =	sdelay $0x1  }
0x8a: {  	s1 =	srdreg.scid  }
0x8b: {  	s0 =	sand.u32 $0x1, s1  }
0x8c: {  	s17 =	sshll.u32 s0, $0xA;
	s2 =	sadd.s32 s3, s2  }
0x8d: {  	s2 =	sadd.s32 s2, s17  }
0x8e: {  	[smem:$0x3FC2] =	sst s2  }
0x8f: {  	_ = 	snop  }
0x90: {  	s2 =	sld [smem:$0x3FD0];
	(tm) =	ssettm $0x1  }
0x91: {  	s18 =	sld [smem:$0x3FFB];
	_ =	sdelay $0x3  }
0x92: {  	_ =	strace s18  }
0x93: {  	s3 =	sld [smem:$0x3FFC];
	_ =	sdelay $0x3  }
0x94: {  	_ =	strace s3  }
0x95: {  	s3 =	sld [smem:$0x3FFD];
	_ =	sdelay $0x3  }
0x96: {  	_ =	strace s3  }
0x97: {  	_ =	strace $0x8FFFFFFF  }
0x98: {  	s19 =	sld [smem:$0x3FDB];
	_ =	sdelay $0x1  }
0x99: {  	s4 =	simm.s32 $_scs_section_size  }
0x9a: {  	s5 =	simm.s32 $_size__tile_overlayer_lowered;
	s6 =	simm.s32 $_tile_overlayer_lowered  }
0x9b: {  	s22 =	simm.s32 $0x1BFF;
	s21 =	sshll.u32 s6, $0x1;
	s3 =	sadd.s32 s4, s19  }
0x9c: {  	s7 =	simm.s32 $0x0;
	s20 =	sshll.u32 s5, $0x1;
	s5 =	sadd.s32 s21, s3  }
0x9d: {  	[timem:s7], [sflag:s22] =	dma.local [hbm:s5], s20  }
0x9e: {  	_ =	swait.ge [sflag:s22], s20  }
0x9f: {  	s4 =	ssub.s32 $0x0, s20;
	[sflag:s22] =	ssyncset.done $0x0  }
0xa0: {  	[sflag:s22] =	ssyncadd.s32 s4;
	_ =	sdelay $0x1  }
0xa1: {  	s23 =	simm.s32 $0x1B8B  }
0xa2: {  	_ =	swait.ge [sflag:s23], $0x1  }
0xa3: {  	[sflag:s23] =	ssyncset.done $0x0  }
0xa4: {  	s25 =	simm.s32 $0x1B8E;
	s24 =	sld [smem:$0x3FFE];
	[sflag:s23] =	ssyncadd.s32 $0xFFFFFFFF  }
0xa5: {  	s26 =	simm.s32 $execute0_lowered;
	[smem:$0x3FD2] =	sst s25  }
0xa6: {  	s5 =	sshll.u32 s26, $0x1;
	_ =	strace $0x80000046;
	[dreg:$0x1] =	wrdreg $0xFFFFFFFF  }
0xa7: {  	s28 =	simm.s32 $_size_execute0_lowered;
	s3 =	sadd.s32 s3, s5;
	[dreg:$0x0] =	wrdreg $0x0  }
0xa8: {  	s5 =	sshll.u32 s28, $0x1;
	[dreg:$0x2] =	wrdreg s3  }
0xa9: {  	[dreg:$0x3] =	wrdreg s5  }
0xaa: {  	[dreg:$0x4] =	wrdreg $0xC0  }
0xab: {  	_ =	task [dreg:s7], $0x5FFFF  }
0xac: {  	[dreg:$0x1] =	wrdreg $0xFFFFFFFF  }
0xad: {  	[dreg:$0x0] =	wrdreg $0x60  }
0xae: {  	[dreg:$0x2] =	wrdreg s24  }
0xaf: {  	[dreg:$0x3] =	wrdreg s2  }
0xb0: {  	[dreg:$0x4] =	wrdreg $0xCC100  }
0xb1: {  	[dreg:$0x5] =	wrdreg $0x9  }
0xb2: {  	_ =	task.clear_ibuf [dreg:s7], $0x6FFFF;
	_ =	strace $0x90000046  }
0xb3: {  	s29 =	simm.s32 $0x9;
	_ =	strace $0x80000048  }
0xb4: {  	_ =	swait.ge [sflag:s29], $0x1  }
0xb5: {  	[sflag:s29] =	ssyncadd.s32 $0xFFFFFFFF  }
0xb6: {  	_ =	strace $0x90000048  }
0xb7: {  	_ =	sfence  }
0xb8: {  	s30 =	sld [smem:$0x0];
	_ =	sdelay $0x2  }
0xb9: {  	s31 =	sshll.u32 s1, $0xD;
	s1 =	sshrl.u32 s1, $0x2  }
0xba: {  	s3 =	sand.u32 $0x4000, s31;
	s1 =	sadd.s32 s1, s30  }
0xbb: {  	s0 =	sor.u32 s3, s0;
	s1 =	sshll.u32 s1, $0x11  }
0xbc: {  	s0 =	sor.u32 s1, s0  }
0xbd: {  	s0 =	sadd.s32 $0x8F2B, s0  }
0xbe: {  	[sflag:s0] =	ssyncadd.remote.s32 $0x1  }
0xbf: {  	_ =	sfence.sel $0xFFFF  }
0xc0: {  	[dreg:$0x0] =	wrdreg $0xFFFFFFFF;
	(pc) =	sbr.abs _section_cstart, $3  }
0xc1: {  	[dreg:$0x1] =	wrdreg $0xFFFFFFFF  }
0xc2: {  	_ =	task.clear_ibuf [dreg:s7], $0x2FFFF;
	_ =	strace $0x9FFFFFFF  }
0xc3: {  	(tm) =	ssettm $0x7FFFFFFF  }
tec
execute0_lowered:
.L_overlay_start_1:
0x0: {  	(tag) =	ssettag $0x1  }
0x1: {  	s10 =	rddreg [dreg:$0x0]  }
0x2: {  	s19 =	rddreg [dreg:$0x1]  }
0x3: {  	s2 =	rddreg [dreg:$0x2]  }
0x4: {  	s0 =	rddreg [dreg:$0x3];
	s3 =	simm.s32 $0x0;
	s1 =	stileid.u32  }
0x5: {  	s6 =	simm.s32 $0xA410;
	s5 =	simm.s32 $0x1;
	[smem:$0x7FF] =	sst s3  }
0x6: {  	s4 =	sadd.s32 $0x18E00, s10;
	s7 =	smul.u32 $0xA000, s1;
	_ =	strace $0x80000047  }
0x7: {  	[tilespmem:s6], [sflag:$0x1] =	stream.linear.gather [hbm4b:s4+s3], $0x2800, $0x38;
	[tilespmem:$0xF410] =	vst v63  }
0x8: {  	_ =	swait.ge [sflag:s5], $0x2800  }
0x9: {  	s7 =	sshrl.u32 s7, $0x2;
	[sflag:s5] =	ssyncset.done $0x0  }
0xa: {  	s7 =	sadd.s32 s7, s2;
	[sflag:s5] =	ssyncadd.s32 $0xFFFFD800  }
0xb: {  	[spmem:s7] =	stream.linear.scatter [tilespmem:s6], [sflag:$0x1], $0x2800, $0x38;
	[tilespmem:$0xF410] =	vst v63  }
0xc: {  	s8 =	srdreg.scid;
	_ =	swait.ge [sflag:s5], $0x2800  }
0xd: {  	s20 =	sand.u32 $0x1, s8;
	s30 =	sshll.u32 s1, $0x1;
	[sflag:s5] =	ssyncset.done $0x0  }
0xe: {  	s9 =	simm.s32 $0x2710;
	s8 =	sor.u32 s20, s30;
	[sflag:s5] =	ssyncadd.s32 $0xFFFFD800  }
0xf: {  	s11 =	smul.u32 $0x2710, s8;
	s8 =	sadd.s32 $0x17E00, s10;
	[bflag:$0x0] =	sbarrier.arrive $0xFFFF  }
0x10: {  	[tilespmem:s9], [sflag:$0x1] =	stream.linear.gather [hbm4b:s8+s3], $0x7D00, $0x38;
	[tilespmem:$0xF410] =	vst v63  }
0x11: {  	s11 =	sshrl.u32 s11, $0x3;
	_ =	swait.ge [sflag:s5], $0x7D00  }
0x12: {  	s17 =	sadd.s32 s11, s10;
	[sflag:s5] =	ssyncset.done $0x0  }
0x13: {  	s10 =	sadd.s32 $0xE040, s17;
	[sflag:s5] =	ssyncadd.s32 $0xFFFF8300  }
0x14: {  	[tilespmem:s3], [sflag:$0x1] =	stream.linear.gather [hbm4b:s10+s3], $0x7D0, $0x38;
	[tilespmem:$0xF410] =	vst v63  }
0x15: {  	_ =	swait.ge [sflag:s5], $0x7D0  }
0x16: {  	[sflag:s5] =	ssyncset.done $0x0  }
0x17: {  	s11 =	simm.s32 $0x7D0;
	[sflag:s5] =	ssyncadd.s32 $0xFFFFF830  }
0x18: {  	[spmem:s2] =	stream.indirect.scatter.add.f32 [tilespmem:s9], [sflag:$0x1], $0x10, s3, s11, $0xb8;
	[tilespmem:$0xF410] =	vst v63  }
0x19: {  	_ =	swait.ge [sflag:s5], $0x7D00  }
0x1a: {  	[sflag:s5] =	ssyncset.done $0x0  }
0x1b: {  	s12 =	sadd.s32 $0xE13A, s17;
	[sflag:s5] =	ssyncadd.s32 $0xFFFF8300  }
0x1c: {  	[tilespmem:s11], [sflag:$0x1] =	stream.linear.gather [hbm4b:s12+s3], $0x7D0, $0x38;
	[tilespmem:$0xF410] =	vst v63  }
0x1d: {  	_ =	swait.ge [sflag:s5], $0x7D0  }
0x1e: {  	[sflag:s5] =	ssyncset.done $0x0  }
0x1f: {  	[sflag:s5] =	ssyncadd.s32 $0xFFFFF830  }
0x20: {  	[spmem:s2] =	stream.indirect.scatter.add.f32 [tilespmem:s9], [sflag:$0x1], $0x10, s11, s11, $0xb8;
	[tilespmem:$0xF410] =	vst v63  }
0x21: {  	_ =	swait.ge [sflag:s5], $0x7D00  }
0x22: {  	[sflag:s5] =	ssyncset.done $0x0  }
0x23: {  	s14 =	simm.s32 $0xFA0;
	s13 =	sadd.s32 $0xE234, s17;
	[sflag:s5] =	ssyncadd.s32 $0xFFFF8300  }
0x24: {  	[tilespmem:s14], [sflag:$0x1] =	stream.linear.gather [hbm4b:s13+s3], $0x7D0, $0x38;
	[tilespmem:$0xF410] =	vst v63  }
0x25: {  	_ =	swait.ge [sflag:s5], $0x7D0  }
0x26: {  	[sflag:s5] =	ssyncset.done $0x0  }
0x27: {  	[sflag:s5] =	ssyncadd.s32 $0xFFFFF830  }
0x28: {  	[spmem:s2] =	stream.indirect.scatter.add.f32 [tilespmem:s9], [sflag:$0x1], $0x10, s14, s11, $0xb8;
	[tilespmem:$0xF410] =	vst v63  }
0x29: {  	_ =	swait.ge [sflag:s5], $0x7D00  }
0x2a: {  	[sflag:s5] =	ssyncset.done $0x0  }
0x2b: {  	s16 =	simm.s32 $0x1770;
	s15 =	sadd.s32 $0xE32E, s17;
	[sflag:s5] =	ssyncadd.s32 $0xFFFF8300  }
0x2c: {  	[tilespmem:s16], [sflag:$0x1] =	stream.linear.gather [hbm4b:s15+s3], $0x7D0, $0x38;
	[tilespmem:$0xF410] =	vst v63  }
0x2d: {  	_ =	swait.ge [sflag:s5], $0x7D0  }
0x2e: {  	[sflag:s5] =	ssyncset.done $0x0  }
0x2f: {  	[sflag:s5] =	ssyncadd.s32 $0xFFFFF830  }
0x30: {  	[spmem:s2] =	stream.indirect.scatter.add.f32 [tilespmem:s9], [sflag:$0x1], $0x10, s16, s11, $0xb8;
	[tilespmem:$0xF410] =	vst v63  }
0x31: {  	_ =	swait.ge [sflag:s5], $0x7D00  }
0x32: {  	[sflag:s5] =	ssyncset.done $0x0  }
0x33: {  	s18 =	simm.s32 $0x1F40;
	s17 =	sadd.s32 $0xE428, s17;
	[sflag:s5] =	ssyncadd.s32 $0xFFFF8300  }
0x34: {  	[tilespmem:s18], [sflag:$0x1] =	stream.linear.gather [hbm4b:s17+s3], $0x7D0, $0x38;
	[tilespmem:$0xF410] =	vst v63  }
0x35: {  	_ =	swait.ge [sflag:s5], $0x7D0  }
0x36: {  	[sflag:s5] =	ssyncset.done $0x0  }
0x37: {  	[sflag:s5] =	ssyncadd.s32 $0xFFFFF830  }
0x38: {  	[spmem:s2] =	stream.indirect.scatter.add.f32 [tilespmem:s9], [sflag:$0x1], $0x10, s18, s11, $0xb8;
	[tilespmem:$0xF410] =	vst v63  }
0x39: {  	s22 =	ssub.s32 $0x2, s20;
	_ =	swait.ge [sflag:s5], $0x7D00  }
0x3a: {  	s23 =	sshrl.u32 s22, $0x1;
	[sflag:s5] =	ssyncset.done $0x0  }
0x3b: {  	s21 =	smul.u32 $0x500, s1;
	s22 =	ssub.s32 s22, s23;
	[sflag:s5] =	ssyncadd.s32 $0xFFFF8300  }
0x3c: {  	s20 =	smul.u32 $0x5000, s20;
	s31 =	smax.u32 s22, $0x1;
	[bflag:$0x0] =	sbarrier.arrive $0xFFFF  }
0x3d: {  	[tilespmem:s6], [sflag:$0x1] =	stream.linear.gather [spmem:s7], $0x2800, $0x38;
	[tilespmem:$0xF410] =	vst v63  }
0x3e: {  	p0 =	sne.s32 s31, $0x1;
	_ =	swait.ge [sflag:s5], $0x2800  }
.Ltmp0:
0x3f: {  	s20 =	sadd.s32 s21, s20;
	[sflag:s5] =	ssyncset.done $0x0;
	(pc) =	sbr.rel @!p0 .LBB2_2-.Ltmp0, $4  }
0x40: {  	s19 =	sadd.s32 s19, s20;
	[sflag:s5] =	ssyncadd.s32 $0xFFFFD800  }
0x41: {  	[hbm4b:s19+s3] =	stream.linear.scatter [tilespmem:s6], [sflag:$0x1], $0x2800, $0x38;
	[tilespmem:$0xF410] =	vst v63  }
0x42: {  	_ =	swait.ge [sflag:s5], $0x2800  }
0x43: {  	s20 =	sadd.s32 $0xFFFFFFFF, s31;
	[sflag:s5] =	ssyncset.done $0x0  }
.LBB2_1:
0x44: {  	p0 =	sne.s32 s20, $0x1;
	s20 =	sadd.s32 $0xFFFFFFFF, s20;
	[sflag:s5] =	ssyncadd.s32 $0xFFFFD800  }
0x45: {  	[tilespmem:s6], [sflag:$0x1] =	stream.linear.gather [hbm4b:s4+s3], $0x2800, $0x38;
	[tilespmem:$0xF410] =	vst v63  }
0x46: {  	_ =	swait.ge [sflag:s5], $0x2800  }
0x47: {  	[sflag:s5] =	ssyncset.done $0x0  }
0x48: {  	[sflag:s5] =	ssyncadd.s32 $0xFFFFD800  }
0x49: {  	[spmem:s7] =	stream.linear.scatter [tilespmem:s6], [sflag:$0x1], $0x2800, $0x38;
	[tilespmem:$0xF410] =	vst v63  }
0x4a: {  	_ =	swait.ge [sflag:s5], $0x2800  }
0x4b: {  	[sflag:s5] =	ssyncset.done $0x0  }
0x4c: {  	[sflag:s5] =	ssyncadd.s32 $0xFFFFD800  }
0x4d: {  	[bflag:$0x0] =	sbarrier.arrive $0xFFFF  }
0x4e: {  	[tilespmem:s9], [sflag:$0x1] =	stream.linear.gather [hbm4b:s8+s3], $0x7D00, $0x38;
	[tilespmem:$0xF410] =	vst v63  }
0x4f: {  	_ =	swait.ge [sflag:s5], $0x7D00  }
0x50: {  	[sflag:s5] =	ssyncset.done $0x0  }
0x51: {  	[sflag:s5] =	ssyncadd.s32 $0xFFFF8300  }
0x52: {  	[tilespmem:s3], [sflag:$0x1] =	stream.linear.gather [hbm4b:s10+s3], $0x7D0, $0x38;
	[tilespmem:$0xF410] =	vst v63  }
0x53: {  	_ =	swait.ge [sflag:s5], $0x7D0  }
0x54: {  	[sflag:s5] =	ssyncset.done $0x0  }
0x55: {  	[sflag:s5] =	ssyncadd.s32 $0xFFFFF830  }
0x56: {  	[spmem:s2] =	stream.indirect.scatter.add.f32 [tilespmem:s9], [sflag:$0x1], $0x10, s3, s11, $0xb8;
	[tilespmem:$0xF410] =	vst v63  }
0x57: {  	_ =	swait.ge [sflag:s5], $0x7D00  }
0x58: {  	[sflag:s5] =	ssyncset.done $0x0  }
0x59: {  	[sflag:s5] =	ssyncadd.s32 $0xFFFF8300  }
0x5a: {  	[tilespmem:s11], [sflag:$0x1] =	stream.linear.gather [hbm4b:s12+s3], $0x7D0, $0x38;
	[tilespmem:$0xF410] =	vst v63  }
0x5b: {  	_ =	swait.ge [sflag:s5], $0x7D0  }
0x5c: {  	[sflag:s5] =	ssyncset.done $0x0  }
0x5d: {  	[sflag:s5] =	ssyncadd.s32 $0xFFFFF830  }
0x5e: {  	[spmem:s2] =	stream.indirect.scatter.add.f32 [tilespmem:s9], [sflag:$0x1], $0x10, s11, s11, $0xb8;
	[tilespmem:$0xF410] =	vst v63  }
0x5f: {  	_ =	swait.ge [sflag:s5], $0x7D00  }
0x60: {  	[sflag:s5] =	ssyncset.done $0x0  }
0x61: {  	[sflag:s5] =	ssyncadd.s32 $0xFFFF8300  }
0x62: {  	[tilespmem:s14], [sflag:$0x1] =	stream.linear.gather [hbm4b:s13+s3], $0x7D0, $0x38;
	[tilespmem:$0xF410] =	vst v63  }
0x63: {  	_ =	swait.ge [sflag:s5], $0x7D0  }
0x64: {  	[sflag:s5] =	ssyncset.done $0x0  }
0x65: {  	[sflag:s5] =	ssyncadd.s32 $0xFFFFF830  }
0x66: {  	[spmem:s2] =	stream.indirect.scatter.add.f32 [tilespmem:s9], [sflag:$0x1], $0x10, s14, s11, $0xb8;
	[tilespmem:$0xF410] =	vst v63  }
0x67: {  	_ =	swait.ge [sflag:s5], $0x7D00  }
0x68: {  	[sflag:s5] =	ssyncset.done $0x0  }
0x69: {  	[sflag:s5] =	ssyncadd.s32 $0xFFFF8300  }
0x6a: {  	[tilespmem:s16], [sflag:$0x1] =	stream.linear.gather [hbm4b:s15+s3], $0x7D0, $0x38;
	[tilespmem:$0xF410] =	vst v63  }
0x6b: {  	_ =	swait.ge [sflag:s5], $0x7D0  }
0x6c: {  	[sflag:s5] =	ssyncset.done $0x0  }
0x6d: {  	[sflag:s5] =	ssyncadd.s32 $0xFFFFF830  }
0x6e: {  	[spmem:s2] =	stream.indirect.scatter.add.f32 [tilespmem:s9], [sflag:$0x1], $0x10, s16, s11, $0xb8;
	[tilespmem:$0xF410] =	vst v63  }
0x6f: {  	_ =	swait.ge [sflag:s5], $0x7D00  }
0x70: {  	[sflag:s5] =	ssyncset.done $0x0  }
0x71: {  	[sflag:s5] =	ssyncadd.s32 $0xFFFF8300  }
0x72: {  	[tilespmem:s18], [sflag:$0x1] =	stream.linear.gather [hbm4b:s17+s3], $0x7D0, $0x38;
	[tilespmem:$0xF410] =	vst v63  }
0x73: {  	_ =	swait.ge [sflag:s5], $0x7D0  }
0x74: {  	[sflag:s5] =	ssyncset.done $0x0  }
0x75: {  	[sflag:s5] =	ssyncadd.s32 $0xFFFFF830  }
0x76: {  	[spmem:s2] =	stream.indirect.scatter.add.f32 [tilespmem:s9], [sflag:$0x1], $0x10, s18, s11, $0xb8;
	[tilespmem:$0xF410] =	vst v63  }
0x77: {  	_ =	swait.ge [sflag:s5], $0x7D00  }
0x78: {  	[sflag:s5] =	ssyncset.done $0x0  }
0x79: {  	[sflag:s5] =	ssyncadd.s32 $0xFFFF8300  }
0x7a: {  	[bflag:$0x0] =	sbarrier.arrive $0xFFFF  }
0x7b: {  	[tilespmem:s6], [sflag:$0x1] =	stream.linear.gather [spmem:s7], $0x2800, $0x38;
	[tilespmem:$0xF410] =	vst v63  }
0x7c: {  	_ =	swait.ge [sflag:s5], $0x2800  }
.Ltmp1:
0x7d: {  	[sflag:s5] =	ssyncset.done $0x0;
	(pc) =	sbr.rel @p0 .LBB2_1-.Ltmp1, $4  }
0x7e: {  	[sflag:s5] =	ssyncadd.s32 $0xFFFFD800  }
0x7f: {  	[hbm4b:s19+s3] =	stream.linear.scatter [tilespmem:s6], [sflag:$0x1], $0x2800, $0x38;
	[tilespmem:$0xF410] =	vst v63  }
0x80: {  	_ =	swait.ge [sflag:s5], $0x2800  }
0x81: {  	[sflag:s5] =	ssyncset.done $0x0  }
.LBB2_2:
0x82: {  	[sflag:s5] =	ssyncadd.s32 $0xFFFFD800  }
0x83: {  	_ =	sfence.sel $0x180000  }
0x84: {  	[bflag:$0x0] =	sbarrier.arrive $0xFFFF  }
0x85: {  	p0 =	sne.s32 s1, $0x0;
	_ =	strace $0x90000047  }
0x86: {  	s0 =	sadd.s32 @!p0 $0x100000, s0;
	[bflag:$0x2] =	sbarrier.arrive $0xFFFF  }
0x87: {  	[sflag:s0] =	ssyncadd.tile.s32 @!p0 $0x1;
	_ =	shalt  }
.Lfunc_end2:
_tile_overlayer_lowered:
.L_overlay_start_2:
0x88: {  	(tag) =	ssettag $0x2  }
0x89: {  	s0 =	rddreg [dreg:$0x0];
	s2 =	stileid.u32  }
0x8a: {  	s1 =	rddreg [dreg:$0x1];
	p0 =	sne.s32 s2, $0x0  }
0x8b: {  	s3 =	rddreg [dreg:$0x2];
	[bflag:$0x3] =	sbarrier.arrive $0xFFFF;
	s2 =	simm.s32 @!p0 $0x1C01  }
0x8c: {  	[timem:s3], [sflag:s2] =	dma.local @!p0 [hbm:s0], s1  }
0x8d: {  	s0 =	simm.s32 @!p0 $0x1  }
0x8e: {  	_ =	swait.ge @!p0 [sflag:s0], s1  }
0x8f: {  	s1 =	ssub.s32 @!p0 $0x0, s1;
	[sflag:s0] =	ssyncset.done @!p0 $0x0  }
0x90: {  	[sflag:s0] =	ssyncadd.s32 @!p0 s1  }
0x91: {  	[bflag:$0x3] =	sbarrier.arrive $0xFFFF  }
0x92: {  	_ =	shalt  }

// kernel: kernel.17.cloned.1.call-start
scs
__scs_entry_jumppad:
0x0: {  	(pc) =	sbr.rel $0x88, $3  }
0x1: {  	(tag) =	ssettag $0x0;
	lr =	simm.s32 $0x1  }
0x2: {  	[smem:$0x3F9B] =	sst lr;
	_ =	strace $0xD0000000  }
0x3: {  	_ = 	snop  }
0x4: {  	_ = 	snop  }
0x5: {  	_ = 	snop  }
0x6: {  	_ = 	snop  }
0x7: {  	_ = 	snop  }
__scs_overlays_trampoline_lowered:
0x8: {  	[smem:$0x3FAA] =	sst s0  }
0x9: {  	[smem:$0x3FAB] =	sst s1  }
0xa: {  	[smem:$0x3FAC] =	sst s2  }
0xb: {  	[smem:$0x3FAD] =	sst s3  }
0xc: {  	[smem:$0x3FAE] =	sst s4  }
0xd: {  	[smem:$0x3FAF] =	sst s5  }
0xe: {  	[smem:$0x3FB0] =	sst s6  }
0xf: {  	[smem:$0x3FB1] =	sst s7  }
0x10: {  	[smem:$0x3FB2] =	sst s8  }
0x11: {  	[smem:$0x3FB3] =	sst s9;
	s0 =	simm.s32 @!p0 $0x0  }
0x12: {  	s1 =	sld [smem:$0x3F99];
	s0 =	simm.s32 @p0 $0x1  }
0x13: {  	[smem:$0x3FB4] =	sst s0;
	s0 =	simm.s32 @!p1 $0x0  }
0x14: {  	s2 =	sld [smem:$0x3F98];
	s0 =	simm.s32 @p1 $0x1  }
0x15: {  	[smem:$0x3FB5] =	sst s0;
	s0 =	simm.s32 @!p2 $0x0  }
0x16: {  	s3 =	sld [smem:$0x3FDB];
	s0 =	simm.s32 @p2 $0x1  }
0x17: {  	s4 =	simm.s32 $0x1BF5;
	[smem:$0x3FB7] =	sst s0  }
0x18: {  	s0 =	sld [smem:$0x3F9A];
	_ =	swait.ge [sflag:s4], $0x0  }
0x19: {  	s7 =	sld [smem:$0x3F9B]  }
0x1a: {  	s8 =	sadd.s32 $0xFFFFE003, lr  }
0x1b: {  	s9 =	sadd.s32 $0xFFFFFEF7, lr;
	s5 =	simm.s32 $0xFFFFFFFF;
	p2 =	slt.u32 s8, $0xFFFFF086  }
0x1c: {  	p1 =	slt.u32 s9, $0xF7A;
	s5 =	simm.s32 @!p2 $0x0  }
0x1d: {  	s5 =	simm.s32 @p1 $0x1;
	p0 =	seq.s32 s7, s2  }
0x1e: {  	s7 =	smul.u32 @!p0 $0xF7A, s2;
	p2 =	seq.s32 @!p0 s5, $0x0  }
0x1f: {  	s9 =	smul.u32 $0xF7A, s1;
	s8 =	simm.s32 @!p0 $0x1BF5;
	p2 =	por !p2, p0  }
0x20: {  	[sflag:s8] =	ssyncset.s32 @!p0 $0xFFFFF086;
	s6 =	sadd.s32 @!p0 s3, s7;
	s7 =	simm.s32 @!p0 $0x108  }
0x21: {  	s3 =	sadd.s32 s3, s9;
	s6 =	sadd.s32 @!p0 $0x88, s6;
	s7 =	simm.s32 @p2 $0x1082  }
0x22: {  	[simem:s7], [sflag:s8] =	dma.local @!p0 [hbm:s6], $0xF7A  }
0x23: {  	s9 =	sor.u32 $0xD0000000, s2;
	s6 =	simm.s32 $0x108;
	_ =	swait.ge @!p0 [sflag:s8], $0x0  }
0x24: {  	s3 =	sadd.s32 $0x88, s3;
	s6 =	simm.s32 @!p1 $0x1082;
	[sflag:s4] =	ssyncset.s32 $0xFFFFF086  }
0x25: {  	[simem:s6], [sflag:s4] =	dma.local [hbm:s3], $0xF7A  }
0x26: {  	[smem:$0x3F9B] =	sst s1;
	(tag) =	ssettag s2;
	_ =	strace s9  }
0x27: {  	s1 =	sld [smem:$0x3FAB]  }
0x28: {  	s2 =	sld [smem:$0x3FAC]  }
0x29: {  	s4 =	sld [smem:$0x3FAE]  }
0x2a: {  	p0 =	seq.s32 s5, $0x0;
	s5 =	sld [smem:$0x3FAF]  }
0x2b: {  	s6 =	sld [smem:$0x3FB0]  }
0x2c: {  	s7 =	sld [smem:$0x3FB1]  }
0x2d: {  	s3 =	simm.s32 $0x108;
	s8 =	sld [smem:$0x3FB2]  }
0x2e: {  	s3 =	simm.s32 @!p0 $0x1082;
	s9 =	sld [smem:$0x3FB3]  }
0x2f: {  	lr =	sadd.s32 s0, s3;
	s0 =	sld [smem:$0x3FAA]  }
0x30: {  	s3 =	sld [smem:$0x3FAD]  }
0x31: {  	[smem:$0x3FB6] =	sst s10  }
0x32: {  	s10 =	sld [smem:$0x3FB4];
	_ =	sdelay $0x3  }
0x33: {  	p0 =	seq.s32 s10, $0x1;
	s10 =	sld [smem:$0x3FB6];
	_ =	sdelay $0x3  }
0x34: {  	[smem:$0x3FB6] =	sst s10  }
0x35: {  	s10 =	sld [smem:$0x3FB5];
	_ =	sdelay $0x3  }
0x36: {  	p1 =	seq.s32 s10, $0x1;
	s10 =	sld [smem:$0x3FB6];
	_ =	sdelay $0x3  }
0x37: {  	[smem:$0x3FB6] =	sst s10  }
0x38: {  	s10 =	sld [smem:$0x3FB7]  }
0x39: {  	_ = 	snop;
	(pc) =	sbr.ind lr, $3  }
0x3a: {  	_ = 	snop  }
0x3b: {  	_ = 	snop  }
0x3c: {  	p2 =	seq.s32 s10, $0x1;
	s10 =	sld [smem:$0x3FB6]  }
0x3d: {  	_ =	shalt  }
0x3e: {  	_ =	shalt  }
0x3f: {  	_ =	shalt  }
0x40: {  	_ =	shalt  }
0x41: {  	_ =	shalt  }
0x42: {  	_ =	shalt  }
0x43: {  	_ =	shalt  }
0x44: {  	_ =	shalt  }
0x45: {  	_ =	shalt  }
0x46: {  	_ =	shalt  }
0x47: {  	_ =	shalt  }
0x48: {  	_ =	shalt  }
0x49: {  	_ =	shalt  }
0x4a: {  	_ =	shalt  }
0x4b: {  	_ =	shalt  }
0x4c: {  	_ =	shalt  }
0x4d: {  	_ =	shalt  }
0x4e: {  	_ =	shalt  }
0x4f: {  	_ =	shalt  }
0x50: {  	_ =	shalt  }
0x51: {  	_ =	shalt  }
0x52: {  	_ =	shalt  }
0x53: {  	_ =	shalt  }
0x54: {  	_ =	shalt  }
0x55: {  	_ =	shalt  }
0x56: {  	_ =	shalt  }
0x57: {  	_ =	shalt  }
0x58: {  	_ =	shalt  }
0x59: {  	_ =	shalt  }
0x5a: {  	_ =	shalt  }
0x5b: {  	_ =	shalt  }
0x5c: {  	_ =	shalt  }
0x5d: {  	_ =	shalt  }
0x5e: {  	_ =	shalt  }
0x5f: {  	_ =	shalt  }
0x60: {  	_ =	shalt  }
0x61: {  	_ =	shalt  }
0x62: {  	_ =	shalt  }
0x63: {  	_ =	shalt  }
0x64: {  	_ =	shalt  }
0x65: {  	_ =	shalt  }
0x66: {  	_ =	shalt  }
0x67: {  	_ =	shalt  }
0x68: {  	_ =	shalt  }
0x69: {  	_ =	shalt  }
0x6a: {  	_ =	shalt  }
0x6b: {  	_ =	shalt  }
0x6c: {  	_ =	shalt  }
0x6d: {  	_ =	shalt  }
0x6e: {  	_ =	shalt  }
0x6f: {  	_ =	shalt  }
0x70: {  	_ =	shalt  }
0x71: {  	_ =	shalt  }
0x72: {  	_ =	shalt  }
0x73: {  	_ =	shalt  }
0x74: {  	_ =	shalt  }
0x75: {  	_ =	shalt  }
0x76: {  	_ =	shalt  }
0x77: {  	_ =	shalt  }
0x78: {  	_ =	shalt  }
0x79: {  	_ =	shalt  }
0x7a: {  	_ =	shalt  }
0x7b: {  	_ =	shalt  }
0x7c: {  	_ =	shalt  }
0x7d: {  	_ =	shalt  }
0x7e: {  	_ =	shalt  }
0x7f: {  	_ =	shalt  }
0x80: {  	_ =	shalt  }
0x81: {  	_ =	shalt  }
0x82: {  	_ =	shalt  }
0x83: {  	_ =	shalt  }
0x84: {  	_ =	shalt  }
0x85: {  	_ =	shalt  }
0x86: {  	_ =	shalt  }
0x87: {  	_ =	shalt  }
.Lfunc_end0:
.L_simem_size_0:
called_computation.1_lowered:
.L_overlay_start_0:
0x88: {  	s2 =	sld [smem:$0x3FD9]  }
0x89: {  	s3 =	sld [smem:$0x3FFE];
	_ =	sdelay $0x1  }
0x8a: {  	s1 =	srdreg.scid  }
0x8b: {  	s0 =	sand.u32 $0x1, s1  }
0x8c: {  	s17 =	sshll.u32 s0, $0xA;
	s2 =	sadd.s32 s3, s2  }
0x8d: {  	s2 =	sadd.s32 s2, s17  }
0x8e: {  	[smem:$0x3FC2] =	sst s2  }
0x8f: {  	_ = 	snop  }
0x90: {  	s2 =	sld [smem:$0x3FD0];
	(tm) =	ssettm $0x1  }
0x91: {  	s18 =	sld [smem:$0x3FFB];
	_ =	sdelay $0x3  }
0x92: {  	_ =	strace s18  }
0x93: {  	s3 =	sld [smem:$0x3FFC];
	_ =	sdelay $0x3  }
0x94: {  	_ =	strace s3  }
0x95: {  	s3 =	sld [smem:$0x3FFD];
	_ =	sdelay $0x3  }
0x96: {  	_ =	strace s3  }
0x97: {  	_ =	strace $0x8FFFFFFF  }
0x98: {  	s19 =	sld [smem:$0x3FDB];
	_ =	sdelay $0x1  }
0x99: {  	s4 =	simm.s32 $_scs_section_size  }
0x9a: {  	s5 =	simm.s32 $_size__tile_overlayer_lowered;
	s6 =	simm.s32 $_tile_overlayer_lowered  }
0x9b: {  	s22 =	simm.s32 $0x1BFF;
	s21 =	sshll.u32 s6, $0x1;
	s3 =	sadd.s32 s4, s19  }
0x9c: {  	s7 =	simm.s32 $0x0;
	s20 =	sshll.u32 s5, $0x1;
	s5 =	sadd.s32 s21, s3  }
0x9d: {  	[timem:s7], [sflag:s22] =	dma.local [hbm:s5], s20  }
0x9e: {  	_ =	swait.ge [sflag:s22], s20  }
0x9f: {  	s4 =	ssub.s32 $0x0, s20;
	[sflag:s22] =	ssyncset.done $0x0  }
0xa0: {  	[sflag:s22] =	ssyncadd.s32 s4;
	_ =	sdelay $0x1  }
0xa1: {  	s23 =	simm.s32 $0x1B8B  }
0xa2: {  	_ =	swait.ge [sflag:s23], $0x1  }
0xa3: {  	[sflag:s23] =	ssyncset.done $0x0  }
0xa4: {  	s25 =	simm.s32 $0x1B8E;
	s24 =	sld [smem:$0x3FFE];
	[sflag:s23] =	ssyncadd.s32 $0xFFFFFFFF  }
0xa5: {  	s26 =	simm.s32 $execute0_lowered;
	[smem:$0x3FD2] =	sst s25  }
0xa6: {  	s5 =	sshll.u32 s26, $0x1;
	_ =	strace $0x80000049;
	[dreg:$0x1] =	wrdreg $0xFFFFFFFF  }
0xa7: {  	s28 =	simm.s32 $_size_execute0_lowered;
	s3 =	sadd.s32 s3, s5;
	[dreg:$0x0] =	wrdreg $0x0  }
0xa8: {  	s5 =	sshll.u32 s28, $0x1;
	[dreg:$0x2] =	wrdreg s3  }
0xa9: {  	[dreg:$0x3] =	wrdreg s5  }
0xaa: {  	[dreg:$0x4] =	wrdreg $0xC0  }
0xab: {  	_ =	task [dreg:s7], $0x5FFFF  }
0xac: {  	[dreg:$0x1] =	wrdreg $0xFFFFFFFF  }
0xad: {  	[dreg:$0x0] =	wrdreg $0x60  }
0xae: {  	[dreg:$0x2] =	wrdreg s24  }
0xaf: {  	[dreg:$0x3] =	wrdreg s2  }
0xb0: {  	[dreg:$0x4] =	wrdreg $0x170200  }
0xb1: {  	[dreg:$0x5] =	wrdreg $0x9  }
0xb2: {  	_ =	task.clear_ibuf [dreg:s7], $0x6FFFF;
	_ =	strace $0x90000049  }
0xb3: {  	s29 =	simm.s32 $0x9;
	_ =	strace $0x8000004B  }
0xb4: {  	_ =	swait.ge [sflag:s29], $0x1  }
0xb5: {  	[sflag:s29] =	ssyncadd.s32 $0xFFFFFFFF  }
0xb6: {  	_ =	strace $0x9000004B  }
0xb7: {  	_ =	sfence  }
0xb8: {  	s30 =	sld [smem:$0x0];
	_ =	sdelay $0x2  }
0xb9: {  	s31 =	sshll.u32 s1, $0xD;
	s1 =	sshrl.u32 s1, $0x2  }
0xba: {  	s3 =	sand.u32 $0x4000, s31;
	s1 =	sadd.s32 s1, s30  }
0xbb: {  	s0 =	sor.u32 s3, s0;
	s1 =	sshll.u32 s1, $0x11  }
0xbc: {  	s0 =	sor.u32 s1, s0  }
0xbd: {  	s0 =	sadd.s32 $0x8F2B, s0  }
0xbe: {  	[sflag:s0] =	ssyncadd.remote.s32 $0x1  }
0xbf: {  	_ =	sfence.sel $0xFFFF  }
0xc0: {  	[dreg:$0x0] =	wrdreg $0xFFFFFFFF;
	(pc) =	sbr.abs _section_cstart, $3  }
0xc1: {  	[dreg:$0x1] =	wrdreg $0xFFFFFFFF  }
0xc2: {  	_ =	task.clear_ibuf [dreg:s7], $0x2FFFF;
	_ =	strace $0x9FFFFFFF  }
0xc3: {  	(tm) =	ssettm $0x7FFFFFFF  }
tec
execute0_lowered:
.L_overlay_start_1:
0x0: {  	(tag) =	ssettag $0x1  }
0x1: {  	s9 =	rddreg [dreg:$0x0]  }
0x2: {  	s1 =	rddreg [dreg:$0x2]  }
0x3: {  	s3 =	simm.s32 $0x0;
	s7 =	srdreg.scid;
	s2 =	stileid.u32  }
0x4: {  	s6 =	simm.s32 $0x4E20;
	s5 =	simm.s32 $0x3;
	[smem:$0x7FF] =	sst s3  }
0x5: {  	s4 =	sadd.s32 $0x18E00, s9;
	s8 =	smul.u32 $0xA000, s2;
	_ =	strace $0x8000004A  }
0x6: {  	[tilespmem:s6], [sflag:$0x3] =	stream.linear.gather [hbm4b:s4+s3], $0x2800, $0x38;
	[tilespmem:$0x19820] =	vst v63  }
0x7: {  	s30 =	sand.u32 $0x1, s7;
	s25 =	sshll.u32 s2, $0x1;
	_ =	swait.ge [sflag:s5], $0x2800  }
0x8: {  	s7 =	sor.u32 s30, s25;
	s8 =	sshrl.u32 s8, $0x2;
	[sflag:s5] =	ssyncset.done $0x0  }
0x9: {  	s10 =	smul.u32 $0x2710, s7;
	s7 =	sadd.s32 s8, s1;
	[sflag:s5] =	ssyncadd.s32 $0xFFFFD800  }
0xa: {  	[spmem:s7] =	stream.linear.scatter [tilespmem:s6], [sflag:$0x3], $0x2800, $0x38;
	[tilespmem:$0x19820] =	vst v63  }
0xb: {  	_ =	swait.ge [sflag:s5], $0x2800  }
0xc: {  	s26 =	sshrl.u32 s10, $0x3;
	[sflag:s5] =	ssyncset.done $0x0  }
0xd: {  	s20 =	sadd.s32 s26, s9;
	[sflag:s5] =	ssyncadd.s32 $0xFFFFD800  }
0xe: {  	s8 =	sadd.s32 $0x4400, s20;
	[bflag:$0x0] =	sbarrier.arrive $0xFFFF  }
0xf: {  	[tilespmem:s3], [sflag:$0x3] =	stream.linear.gather [hbm4b:s8+s3], $0x2710, $0x38;
	[tilespmem:$0x19820] =	vst v63  }
0x10: {  	_ =	swait.ge [sflag:s5], $0x2710  }
0x11: {  	[sflag:s5] =	ssyncset.done $0x0  }
0x12: {  	s10 =	simm.s32 $0x7D0;
	s9 =	sadd.s32 $0x19400, s9;
	[sflag:s5] =	ssyncadd.s32 $0xFFFFD8F0  }
0x13: {  	[tilespmem:s6], [sflag:$0x1] =	stream.indirect.gather [hbm4b:s9+s10], $0x10, s3, s10, $0xb8;
	[tilespmem:$0x19820] =	vst v63  }
0x14: {  	s11 =	simm.s32 $0xCB20  }
0x15: {  	[tilespmem:s11], [sflag:$0x2] =	stream.indirect.gather [hbm4b:s9+s10], $0x10, s10, s10, $0xb8;
	[tilespmem:$0x19820] =	vst v63  }
0x16: {  	s13 =	simm.s32 $0x2710;
	s12 =	sadd.s32 $0xE040, s20  }
0x17: {  	[tilespmem:s13], [sflag:$0x3] =	stream.linear.gather [hbm4b:s12+s3], $0x7D0, $0x38;
	[tilespmem:$0x19820] =	vst v63  }
0x18: {  	_ =	swait.ge [sflag:s5], $0x7D0  }
0x19: {  	[sflag:s5] =	ssyncset.done $0x0  }
0x1a: {  	s15 =	simm.s32 $0x2EE0;
	s14 =	sadd.s32 $0xE13A, s20;
	[sflag:s5] =	ssyncadd.s32 $0xFFFFF830  }
0x1b: {  	[tilespmem:s15], [sflag:$0x3] =	stream.linear.gather [hbm4b:s14+s3], $0x7D0, $0x38;
	[tilespmem:$0x19820] =	vst v63  }
0x1c: {  	_ =	swait.ge [sflag:s5], $0x7D0  }
0x1d: {  	[sflag:s5] =	ssyncset.done $0x0  }
0x1e: {  	s17 =	simm.s32 $0x36B0;
	s16 =	sadd.s32 $0xE234, s20;
	[sflag:s5] =	ssyncadd.s32 $0xFFFFF830  }
0x1f: {  	[tilespmem:s17], [sflag:$0x3] =	stream.linear.gather [hbm4b:s16+s3], $0x7D0, $0x38;
	[tilespmem:$0x19820] =	vst v63  }
0x20: {  	_ =	swait.ge [sflag:s5], $0x7D0  }
0x21: {  	[sflag:s5] =	ssyncset.done $0x0  }
0x22: {  	s19 =	simm.s32 $0x3E80;
	s18 =	sadd.s32 $0xE32E, s20;
	[sflag:s5] =	ssyncadd.s32 $0xFFFFF830  }
0x23: {  	[tilespmem:s19], [sflag:$0x3] =	stream.linear.gather [hbm4b:s18+s3], $0x7D0, $0x38;
	[tilespmem:$0x19820] =	vst v63  }
0x24: {  	_ =	swait.ge [sflag:s5], $0x7D0  }
0x25: {  	[sflag:s5] =	ssyncset.done $0x0  }
0x26: {  	s21 =	simm.s32 $0x4650;
	s20 =	sadd.s32 $0xE428, s20;
	[sflag:s5] =	ssyncadd.s32 $0xFFFFF830  }
0x27: {  	[tilespmem:s21], [sflag:$0x3] =	stream.linear.gather [hbm4b:s20+s3], $0x7D0, $0x38;
	[tilespmem:$0x19820] =	vst v63  }
0x28: {  	_ =	swait.ge [sflag:s5], $0x7D0  }
0x29: {  	[sflag:s5] =	ssyncset.done $0x0  }
0x2a: {  	s22 =	simm.s32 $0x1;
	[sflag:s5] =	ssyncadd.s32 $0xFFFFF830  }
0x2b: {  	_ =	swait.ge [sflag:s22], $0x7D00  }
0x2c: {  	[sflag:s22] =	ssyncset.done $0x0  }
0x2d: {  	[sflag:s22] =	ssyncadd.s32 $0xFFFF8300  }
0x2e: {  	[spmem:s1] =	stream.indirect.scatter.add.f32 [tilespmem:s6], [sflag:$0x3], $0x10, s13, s10, $0xb8;
	[tilespmem:$0x19820] =	vst v63  }
0x2f: {  	_ =	swait.ge [sflag:s5], $0x7D00  }
0x30: {  	[sflag:s5] =	ssyncset.done $0x0  }
0x31: {  	s23 =	simm.s32 $0xFA0;
	s24 =	simm.s32 $0x2;
	[sflag:s5] =	ssyncadd.s32 $0xFFFF8300  }
0x32: {  	[tilespmem:s6], [sflag:$0x1] =	stream.indirect.gather [hbm4b:s9+s10], $0x10, s23, s10, $0xb8;
	[tilespmem:$0x19820] =	vst v63  }
0x33: {  	_ =	swait.ge [sflag:s24], $0x7D00  }
0x34: {  	[sflag:s24] =	ssyncset.done $0x0  }
0x35: {  	[sflag:s24] =	ssyncadd.s32 $0xFFFF8300  }
0x36: {  	[spmem:s1] =	stream.indirect.scatter.add.f32 [tilespmem:s11], [sflag:$0x3], $0x10, s15, s10, $0xb8;
	[tilespmem:$0x19820] =	vst v63  }
0x37: {  	_ =	swait.ge [sflag:s5], $0x7D00  }
0x38: {  	[sflag:s5] =	ssyncset.done $0x0  }
0x39: {  	s25 =	simm.s32 $0x1770;
	[sflag:s5] =	ssyncadd.s32 $0xFFFF8300  }
0x3a: {  	[tilespmem:s11], [sflag:$0x2] =	stream.indirect.gather [hbm4b:s9+s10], $0x10, s25, s10, $0xb8;
	[tilespmem:$0x19820] =	vst v63  }
0x3b: {  	_ =	swait.ge [sflag:s22], $0x7D00  }
0x3c: {  	[sflag:s22] =	ssyncset.done $0x0  }
0x3d: {  	[sflag:s22] =	ssyncadd.s32 $0xFFFF8300  }
0x3e: {  	[spmem:s1] =	stream.indirect.scatter.add.f32 [tilespmem:s6], [sflag:$0x3], $0x10, s17, s10, $0xb8;
	[tilespmem:$0x19820] =	vst v63  }
0x3f: {  	_ =	swait.ge [sflag:s5], $0x7D00  }
0x40: {  	[sflag:s5] =	ssyncset.done $0x0  }
0x41: {  	s26 =	simm.s32 $0x1F40;
	[sflag:s5] =	ssyncadd.s32 $0xFFFF8300  }
0x42: {  	[tilespmem:s6], [sflag:$0x1] =	stream.indirect.gather [hbm4b:s9+s10], $0x10, s26, s10, $0xb8;
	[tilespmem:$0x19820] =	vst v63  }
0x43: {  	_ =	swait.ge [sflag:s24], $0x7D00  }
0x44: {  	[sflag:s24] =	ssyncset.done $0x0  }
0x45: {  	[sflag:s24] =	ssyncadd.s32 $0xFFFF8300  }
0x46: {  	[spmem:s1] =	stream.indirect.scatter.add.f32 [tilespmem:s11], [sflag:$0x3], $0x10, s19, s10, $0xb8;
	[tilespmem:$0x19820] =	vst v63  }
0x47: {  	_ =	swait.ge [sflag:s5], $0x7D00  }
0x48: {  	[sflag:s5] =	ssyncset.done $0x0  }
0x49: {  	[sflag:s5] =	ssyncadd.s32 $0xFFFF8300  }
0x4a: {  	_ =	swait.ge [sflag:s22], $0x7D00  }
0x4b: {  	[sflag:s22] =	ssyncset.done $0x0  }
0x4c: {  	[sflag:s22] =	ssyncadd.s32 $0xFFFF8300  }
0x4d: {  	[spmem:s1] =	stream.indirect.scatter.add.f32 [tilespmem:s6], [sflag:$0x3], $0x10, s21, s10, $0xb8;
	[tilespmem:$0x19820] =	vst v63  }
0x4e: {  	_ =	swait.ge [sflag:s5], $0x7D00  }
0x4f: {  	s31 =	smul.u32 $0x5000, s30;
	s30 =	ssub.s32 $0x2, s30;
	[sflag:s5] =	ssyncset.done $0x0  }
0x50: {  	s28 =	simm.s32 $0x14820;
	s29 =	sshrl.u32 s30, $0x1;
	[sflag:s5] =	ssyncadd.s32 $0xFFFF8300  }
0x51: {  	s0 =	smul.u32 $0x500, s2;
	s30 =	ssub.s32 s30, s29;
	[bflag:$0x0] =	sbarrier.arrive $0xFFFF  }
0x52: {  	[tilespmem:s28], [sflag:$0x3] =	stream.linear.gather [spmem:s7], $0x2800, $0x38;
	[tilespmem:$0x19820] =	vst v63  }
0x53: {  	s0 =	sadd.s32 s0, s31;
	s31 =	smax.u32 s30, $0x1;
	_ =	swait.ge [sflag:s5], $0x2800  }
0x54: {  	p0 =	sne.s32 s31, $0x1;
	[sflag:s5] =	ssyncset.done $0x0  }
.Ltmp0:
0x55: {  	s29 =	rddreg [dreg:$0x1];
	(pc) =	sbr.rel @!p0 .LBB2_2-.Ltmp0, $4  }
0x56: {  	[sflag:s5] =	ssyncadd.s32 $0xFFFFD800;
	s29 =	sadd.s32 s29, s0  }
0x57: {  	[hbm4b:s29+s3] =	stream.linear.scatter [tilespmem:s28], [sflag:$0x3], $0x2800, $0x38;
	[tilespmem:$0x19820] =	vst v63  }
0x58: {  	_ =	swait.ge [sflag:s5], $0x2800  }
0x59: {  	s30 =	sadd.s32 $0xFFFFFFFF, s31;
	[sflag:s5] =	ssyncset.done $0x0  }
.LBB2_1:
0x5a: {  	p0 =	sne.s32 s30, $0x1;
	s30 =	sadd.s32 $0xFFFFFFFF, s30;
	[sflag:s5] =	ssyncadd.s32 $0xFFFFD800  }
0x5b: {  	[tilespmem:s6], [sflag:$0x3] =	stream.linear.gather [hbm4b:s4+s3], $0x2800, $0x38;
	[tilespmem:$0x19820] =	vst v63  }
0x5c: {  	_ =	swait.ge [sflag:s5], $0x2800  }
0x5d: {  	[sflag:s5] =	ssyncset.done $0x0  }
0x5e: {  	[sflag:s5] =	ssyncadd.s32 $0xFFFFD800  }
0x5f: {  	[spmem:s7] =	stream.linear.scatter [tilespmem:s6], [sflag:$0x3], $0x2800, $0x38;
	[tilespmem:$0x19820] =	vst v63  }
0x60: {  	_ =	swait.ge [sflag:s5], $0x2800  }
0x61: {  	[sflag:s5] =	ssyncset.done $0x0  }
0x62: {  	[sflag:s5] =	ssyncadd.s32 $0xFFFFD800  }
0x63: {  	[bflag:$0x0] =	sbarrier.arrive $0xFFFF  }
0x64: {  	[tilespmem:s3], [sflag:$0x3] =	stream.linear.gather [hbm4b:s8+s3], $0x2710, $0x38;
	[tilespmem:$0x19820] =	vst v63  }
0x65: {  	_ =	swait.ge [sflag:s5], $0x2710  }
0x66: {  	[sflag:s5] =	ssyncset.done $0x0  }
0x67: {  	[sflag:s5] =	ssyncadd.s32 $0xFFFFD8F0  }
0x68: {  	[tilespmem:s6], [sflag:$0x1] =	stream.indirect.gather [hbm4b:s9+s10], $0x10, s3, s10, $0xb8;
	[tilespmem:$0x19820] =	vst v63  }
0x69: {  	_ = 	snop  }
0x6a: {  	[tilespmem:s11], [sflag:$0x2] =	stream.indirect.gather [hbm4b:s9+s10], $0x10, s10, s10, $0xb8;
	[tilespmem:$0x19820] =	vst v63  }
0x6b: {  	_ = 	snop  }
0x6c: {  	[tilespmem:s13], [sflag:$0x3] =	stream.linear.gather [hbm4b:s12+s3], $0x7D0, $0x38;
	[tilespmem:$0x19820] =	vst v63  }
0x6d: {  	_ =	swait.ge [sflag:s5], $0x7D0  }
0x6e: {  	[sflag:s5] =	ssyncset.done $0x0  }
0x6f: {  	[sflag:s5] =	ssyncadd.s32 $0xFFFFF830  }
0x70: {  	[tilespmem:s15], [sflag:$0x3] =	stream.linear.gather [hbm4b:s14+s3], $0x7D0, $0x38;
	[tilespmem:$0x19820] =	vst v63  }
0x71: {  	_ =	swait.ge [sflag:s5], $0x7D0  }
0x72: {  	[sflag:s5] =	ssyncset.done $0x0  }
0x73: {  	[sflag:s5] =	ssyncadd.s32 $0xFFFFF830  }
0x74: {  	[tilespmem:s17], [sflag:$0x3] =	stream.linear.gather [hbm4b:s16+s3], $0x7D0, $0x38;
	[tilespmem:$0x19820] =	vst v63  }
0x75: {  	_ =	swait.ge [sflag:s5], $0x7D0  }
0x76: {  	[sflag:s5] =	ssyncset.done $0x0  }
0x77: {  	[sflag:s5] =	ssyncadd.s32 $0xFFFFF830  }
0x78: {  	[tilespmem:s19], [sflag:$0x3] =	stream.linear.gather [hbm4b:s18+s3], $0x7D0, $0x38;
	[tilespmem:$0x19820] =	vst v63  }
0x79: {  	_ =	swait.ge [sflag:s5], $0x7D0  }
0x7a: {  	[sflag:s5] =	ssyncset.done $0x0  }
0x7b: {  	[sflag:s5] =	ssyncadd.s32 $0xFFFFF830  }
0x7c: {  	[tilespmem:s21], [sflag:$0x3] =	stream.linear.gather [hbm4b:s20+s3], $0x7D0, $0x38;
	[tilespmem:$0x19820] =	vst v63  }
0x7d: {  	_ =	swait.ge [sflag:s5], $0x7D0  }
0x7e: {  	[sflag:s5] =	ssyncset.done $0x0  }
0x7f: {  	[sflag:s5] =	ssyncadd.s32 $0xFFFFF830  }
0x80: {  	_ =	swait.ge [sflag:s22], $0x7D00  }
0x81: {  	[sflag:s22] =	ssyncset.done $0x0  }
0x82: {  	[sflag:s22] =	ssyncadd.s32 $0xFFFF8300  }
0x83: {  	[spmem:s1] =	stream.indirect.scatter.add.f32 [tilespmem:s6], [sflag:$0x3], $0x10, s13, s10, $0xb8;
	[tilespmem:$0x19820] =	vst v63  }
0x84: {  	_ =	swait.ge [sflag:s5], $0x7D00  }
0x85: {  	[sflag:s5] =	ssyncset.done $0x0  }
0x86: {  	[sflag:s5] =	ssyncadd.s32 $0xFFFF8300  }
0x87: {  	[tilespmem:s6], [sflag:$0x1] =	stream.indirect.gather [hbm4b:s9+s10], $0x10, s23, s10, $0xb8;
	[tilespmem:$0x19820] =	vst v63  }
0x88: {  	_ =	swait.ge [sflag:s24], $0x7D00  }
0x89: {  	[sflag:s24] =	ssyncset.done $0x0  }
0x8a: {  	[sflag:s24] =	ssyncadd.s32 $0xFFFF8300  }
0x8b: {  	[spmem:s1] =	stream.indirect.scatter.add.f32 [tilespmem:s11], [sflag:$0x3], $0x10, s15, s10, $0xb8;
	[tilespmem:$0x19820] =	vst v63  }
0x8c: {  	_ =	swait.ge [sflag:s5], $0x7D00  }
0x8d: {  	[sflag:s5] =	ssyncset.done $0x0  }
0x8e: {  	[sflag:s5] =	ssyncadd.s32 $0xFFFF8300  }
0x8f: {  	[tilespmem:s11], [sflag:$0x2] =	stream.indirect.gather [hbm4b:s9+s10], $0x10, s25, s10, $0xb8;
	[tilespmem:$0x19820] =	vst v63  }
0x90: {  	_ =	swait.ge [sflag:s22], $0x7D00  }
0x91: {  	[sflag:s22] =	ssyncset.done $0x0  }
0x92: {  	[sflag:s22] =	ssyncadd.s32 $0xFFFF8300  }
0x93: {  	[spmem:s1] =	stream.indirect.scatter.add.f32 [tilespmem:s6], [sflag:$0x3], $0x10, s17, s10, $0xb8;
	[tilespmem:$0x19820] =	vst v63  }
0x94: {  	_ =	swait.ge [sflag:s5], $0x7D00  }
0x95: {  	[sflag:s5] =	ssyncset.done $0x0  }
0x96: {  	[sflag:s5] =	ssyncadd.s32 $0xFFFF8300  }
0x97: {  	[tilespmem:s6], [sflag:$0x1] =	stream.indirect.gather [hbm4b:s9+s10], $0x10, s26, s10, $0xb8;
	[tilespmem:$0x19820] =	vst v63  }
0x98: {  	_ =	swait.ge [sflag:s24], $0x7D00  }
0x99: {  	[sflag:s24] =	ssyncset.done $0x0  }
0x9a: {  	[sflag:s24] =	ssyncadd.s32 $0xFFFF8300  }
0x9b: {  	[spmem:s1] =	stream.indirect.scatter.add.f32 [tilespmem:s11], [sflag:$0x3], $0x10, s19, s10, $0xb8;
	[tilespmem:$0x19820] =	vst v63  }
0x9c: {  	_ =	swait.ge [sflag:s5], $0x7D00  }
0x9d: {  	[sflag:s5] =	ssyncset.done $0x0  }
0x9e: {  	[sflag:s5] =	ssyncadd.s32 $0xFFFF8300  }
0x9f: {  	_ =	swait.ge [sflag:s22], $0x7D00  }
0xa0: {  	[sflag:s22] =	ssyncset.done $0x0  }
0xa1: {  	[sflag:s22] =	ssyncadd.s32 $0xFFFF8300  }
0xa2: {  	[spmem:s1] =	stream.indirect.scatter.add.f32 [tilespmem:s6], [sflag:$0x3], $0x10, s21, s10, $0xb8;
	[tilespmem:$0x19820] =	vst v63  }
0xa3: {  	_ =	swait.ge [sflag:s5], $0x7D00  }
0xa4: {  	[sflag:s5] =	ssyncset.done $0x0  }
0xa5: {  	[sflag:s5] =	ssyncadd.s32 $0xFFFF8300  }
0xa6: {  	[bflag:$0x0] =	sbarrier.arrive $0xFFFF  }
0xa7: {  	[tilespmem:s28], [sflag:$0x3] =	stream.linear.gather [spmem:s7], $0x2800, $0x38;
	[tilespmem:$0x19820] =	vst v63  }
0xa8: {  	_ =	swait.ge [sflag:s5], $0x2800  }
.Ltmp1:
0xa9: {  	[sflag:s5] =	ssyncset.done $0x0;
	(pc) =	sbr.rel @p0 .LBB2_1-.Ltmp1, $4  }
0xaa: {  	[sflag:s5] =	ssyncadd.s32 $0xFFFFD800  }
0xab: {  	[hbm4b:s29+s3] =	stream.linear.scatter [tilespmem:s28], [sflag:$0x3], $0x2800, $0x38;
	[tilespmem:$0x19820] =	vst v63  }
0xac: {  	_ =	swait.ge [sflag:s5], $0x2800  }
0xad: {  	[sflag:s5] =	ssyncset.done $0x0  }
.LBB2_2:
0xae: {  	[sflag:s5] =	ssyncadd.s32 $0xFFFFD800  }
0xaf: {  	_ =	sfence.sel $0x180000  }
0xb0: {  	[bflag:$0x0] =	sbarrier.arrive $0xFFFF  }
0xb1: {  	_ =	strace $0x9000004A  }
0xb2: {  	[bflag:$0x2] =	sbarrier.arrive $0xFFFF  }
0xb3: {  	p0 =	sne.s32 s2, $0x0;
	s0 =	rddreg [dreg:$0x3]  }
0xb4: {  	s0 =	sadd.s32 @!p0 $0x100000, s0  }
0xb5: {  	[sflag:s0] =	ssyncadd.tile.s32 @!p0 $0x1;
	_ =	shalt  }
.Lfunc_end2:
_tile_overlayer_lowered:
.L_overlay_start_2:
0xb6: {  	(tag) =	ssettag $0x2  }
0xb7: {  	s0 =	rddreg [dreg:$0x0];
	s2 =	stileid.u32  }
0xb8: {  	s1 =	rddreg [dreg:$0x1];
	p0 =	sne.s32 s2, $0x0  }
0xb9: {  	s3 =	rddreg [dreg:$0x2];
	[bflag:$0x3] =	sbarrier.arrive $0xFFFF;
	s2 =	simm.s32 @!p0 $0x1C03  }
0xba: {  	[timem:s3], [sflag:s2] =	dma.local @!p0 [hbm:s0], s1  }
0xbb: {  	s0 =	simm.s32 @!p0 $0x3  }
0xbc: {  	_ =	swait.ge @!p0 [sflag:s0], s1  }
0xbd: {  	s1 =	ssub.s32 @!p0 $0x0, s1;
	[sflag:s0] =	ssyncset.done @!p0 $0x0  }
0xbe: {  	[sflag:s0] =	ssyncadd.s32 @!p0 s1  }
0xbf: {  	[bflag:$0x3] =	sbarrier.arrive $0xFFFF  }
0xc0: {  	_ =	shalt  }

// kernel: kernel.20.cloned.1.call-start
scs
__scs_entry_jumppad:
0x0: {  	(pc) =	sbr.rel $0x88, $3  }
0x1: {  	(tag) =	ssettag $0x0;
	lr =	simm.s32 $0x1  }
0x2: {  	[smem:$0x3F9B] =	sst lr;
	_ =	strace $0xD0000000  }
0x3: {  	_ = 	snop  }
0x4: {  	_ = 	snop  }
0x5: {  	_ = 	snop  }
0x6: {  	_ = 	snop  }
0x7: {  	_ = 	snop  }
__scs_overlays_trampoline_lowered:
0x8: {  	[smem:$0x3FAA] =	sst s0  }
0x9: {  	[smem:$0x3FAB] =	sst s1  }
0xa: {  	[smem:$0x3FAC] =	sst s2  }
0xb: {  	[smem:$0x3FAD] =	sst s3  }
0xc: {  	[smem:$0x3FAE] =	sst s4  }
0xd: {  	[smem:$0x3FAF] =	sst s5  }
0xe: {  	[smem:$0x3FB0] =	sst s6  }
0xf: {  	[smem:$0x3FB1] =	sst s7  }
0x10: {  	[smem:$0x3FB2] =	sst s8  }
0x11: {  	[smem:$0x3FB3] =	sst s9;
	s0 =	simm.s32 @!p0 $0x0  }
0x12: {  	s1 =	sld [smem:$0x3F99];
	s0 =	simm.s32 @p0 $0x1  }
0x13: {  	[smem:$0x3FB4] =	sst s0;
	s0 =	simm.s32 @!p1 $0x0  }
0x14: {  	s2 =	sld [smem:$0x3F98];
	s0 =	simm.s32 @p1 $0x1  }
0x15: {  	[smem:$0x3FB5] =	sst s0;
	s0 =	simm.s32 @!p2 $0x0  }
0x16: {  	s3 =	sld [smem:$0x3FDB];
	s0 =	simm.s32 @p2 $0x1  }
0x17: {  	s4 =	simm.s32 $0x1BF5;
	[smem:$0x3FB7] =	sst s0  }
0x18: {  	s0 =	sld [smem:$0x3F9A];
	_ =	swait.ge [sflag:s4], $0x0  }
0x19: {  	s7 =	sld [smem:$0x3F9B]  }
0x1a: {  	s8 =	sadd.s32 $0xFFFFE003, lr  }
0x1b: {  	s9 =	sadd.s32 $0xFFFFFEF7, lr;
	s5 =	simm.s32 $0xFFFFFFFF;
	p2 =	slt.u32 s8, $0xFFFFF086  }
0x1c: {  	p1 =	slt.u32 s9, $0xF7A;
	s5 =	simm.s32 @!p2 $0x0  }
0x1d: {  	s5 =	simm.s32 @p1 $0x1;
	p0 =	seq.s32 s7, s2  }
0x1e: {  	s7 =	smul.u32 @!p0 $0xF7A, s2;
	p2 =	seq.s32 @!p0 s5, $0x0  }
0x1f: {  	s9 =	smul.u32 $0xF7A, s1;
	s8 =	simm.s32 @!p0 $0x1BF5;
	p2 =	por !p2, p0  }
0x20: {  	[sflag:s8] =	ssyncset.s32 @!p0 $0xFFFFF086;
	s6 =	sadd.s32 @!p0 s3, s7;
	s7 =	simm.s32 @!p0 $0x108  }
0x21: {  	s3 =	sadd.s32 s3, s9;
	s6 =	sadd.s32 @!p0 $0x88, s6;
	s7 =	simm.s32 @p2 $0x1082  }
0x22: {  	[simem:s7], [sflag:s8] =	dma.local @!p0 [hbm:s6], $0xF7A  }
0x23: {  	s9 =	sor.u32 $0xD0000000, s2;
	s6 =	simm.s32 $0x108;
	_ =	swait.ge @!p0 [sflag:s8], $0x0  }
0x24: {  	s3 =	sadd.s32 $0x88, s3;
	s6 =	simm.s32 @!p1 $0x1082;
	[sflag:s4] =	ssyncset.s32 $0xFFFFF086  }
0x25: {  	[simem:s6], [sflag:s4] =	dma.local [hbm:s3], $0xF7A  }
0x26: {  	[smem:$0x3F9B] =	sst s1;
	(tag) =	ssettag s2;
	_ =	strace s9  }
0x27: {  	s1 =	sld [smem:$0x3FAB]  }
0x28: {  	s2 =	sld [smem:$0x3FAC]  }
0x29: {  	s4 =	sld [smem:$0x3FAE]  }
0x2a: {  	p0 =	seq.s32 s5, $0x0;
	s5 =	sld [smem:$0x3FAF]  }
0x2b: {  	s6 =	sld [smem:$0x3FB0]  }
0x2c: {  	s7 =	sld [smem:$0x3FB1]  }
0x2d: {  	s3 =	simm.s32 $0x108;
	s8 =	sld [smem:$0x3FB2]  }
0x2e: {  	s3 =	simm.s32 @!p0 $0x1082;
	s9 =	sld [smem:$0x3FB3]  }
0x2f: {  	lr =	sadd.s32 s0, s3;
	s0 =	sld [smem:$0x3FAA]  }
0x30: {  	s3 =	sld [smem:$0x3FAD]  }
0x31: {  	[smem:$0x3FB6] =	sst s10  }
0x32: {  	s10 =	sld [smem:$0x3FB4];
	_ =	sdelay $0x3  }
0x33: {  	p0 =	seq.s32 s10, $0x1;
	s10 =	sld [smem:$0x3FB6];
	_ =	sdelay $0x3  }
0x34: {  	[smem:$0x3FB6] =	sst s10  }
0x35: {  	s10 =	sld [smem:$0x3FB5];
	_ =	sdelay $0x3  }
0x36: {  	p1 =	seq.s32 s10, $0x1;
	s10 =	sld [smem:$0x3FB6];
	_ =	sdelay $0x3  }
0x37: {  	[smem:$0x3FB6] =	sst s10  }
0x38: {  	s10 =	sld [smem:$0x3FB7]  }
0x39: {  	_ = 	snop;
	(pc) =	sbr.ind lr, $3  }
0x3a: {  	_ = 	snop  }
0x3b: {  	_ = 	snop  }
0x3c: {  	p2 =	seq.s32 s10, $0x1;
	s10 =	sld [smem:$0x3FB6]  }
0x3d: {  	_ =	shalt  }
0x3e: {  	_ =	shalt  }
0x3f: {  	_ =	shalt  }
0x40: {  	_ =	shalt  }
0x41: {  	_ =	shalt  }
0x42: {  	_ =	shalt  }
0x43: {  	_ =	shalt  }
0x44: {  	_ =	shalt  }
0x45: {  	_ =	shalt  }
0x46: {  	_ =	shalt  }
0x47: {  	_ =	shalt  }
0x48: {  	_ =	shalt  }
0x49: {  	_ =	shalt  }
0x4a: {  	_ =	shalt  }
0x4b: {  	_ =	shalt  }
0x4c: {  	_ =	shalt  }
0x4d: {  	_ =	shalt  }
0x4e: {  	_ =	shalt  }
0x4f: {  	_ =	shalt  }
0x50: {  	_ =	shalt  }
0x51: {  	_ =	shalt  }
0x52: {  	_ =	shalt  }
0x53: {  	_ =	shalt  }
0x54: {  	_ =	shalt  }
0x55: {  	_ =	shalt  }
0x56: {  	_ =	shalt  }
0x57: {  	_ =	shalt  }
0x58: {  	_ =	shalt  }
0x59: {  	_ =	shalt  }
0x5a: {  	_ =	shalt  }
0x5b: {  	_ =	shalt  }
0x5c: {  	_ =	shalt  }
0x5d: {  	_ =	shalt  }
0x5e: {  	_ =	shalt  }
0x5f: {  	_ =	shalt  }
0x60: {  	_ =	shalt  }
0x61: {  	_ =	shalt  }
0x62: {  	_ =	shalt  }
0x63: {  	_ =	shalt  }
0x64: {  	_ =	shalt  }
0x65: {  	_ =	shalt  }
0x66: {  	_ =	shalt  }
0x67: {  	_ =	shalt  }
0x68: {  	_ =	shalt  }
0x69: {  	_ =	shalt  }
0x6a: {  	_ =	shalt  }
0x6b: {  	_ =	shalt  }
0x6c: {  	_ =	shalt  }
0x6d: {  	_ =	shalt  }
0x6e: {  	_ =	shalt  }
0x6f: {  	_ =	shalt  }
0x70: {  	_ =	shalt  }
0x71: {  	_ =	shalt  }
0x72: {  	_ =	shalt  }
0x73: {  	_ =	shalt  }
0x74: {  	_ =	shalt  }
0x75: {  	_ =	shalt  }
0x76: {  	_ =	shalt  }
0x77: {  	_ =	shalt  }
0x78: {  	_ =	shalt  }
0x79: {  	_ =	shalt  }
0x7a: {  	_ =	shalt  }
0x7b: {  	_ =	shalt  }
0x7c: {  	_ =	shalt  }
0x7d: {  	_ =	shalt  }
0x7e: {  	_ =	shalt  }
0x7f: {  	_ =	shalt  }
0x80: {  	_ =	shalt  }
0x81: {  	_ =	shalt  }
0x82: {  	_ =	shalt  }
0x83: {  	_ =	shalt  }
0x84: {  	_ =	shalt  }
0x85: {  	_ =	shalt  }
0x86: {  	_ =	shalt  }
0x87: {  	_ =	shalt  }
.Lfunc_end0:
.L_simem_size_0:
called_computation.2_lowered:
.L_overlay_start_0:
0x88: {  	s2 =	sld [smem:$0x3FD9]  }
0x89: {  	s3 =	sld [smem:$0x3FFE];
	_ =	sdelay $0x1  }
0x8a: {  	s1 =	srdreg.scid  }
0x8b: {  	s0 =	sand.u32 $0x1, s1  }
0x8c: {  	s17 =	sshll.u32 s0, $0xA;
	s2 =	sadd.s32 s3, s2  }
0x8d: {  	s2 =	sadd.s32 s2, s17  }
0x8e: {  	[smem:$0x3FC2] =	sst s2  }
0x8f: {  	_ = 	snop  }
0x90: {  	s2 =	sld [smem:$0x3FD0];
	(tm) =	ssettm $0x1  }
0x91: {  	s18 =	sld [smem:$0x3FFB];
	_ =	sdelay $0x3  }
0x92: {  	_ =	strace s18  }
0x93: {  	s3 =	sld [smem:$0x3FFC];
	_ =	sdelay $0x3  }
0x94: {  	_ =	strace s3  }
0x95: {  	s3 =	sld [smem:$0x3FFD];
	_ =	sdelay $0x3  }
0x96: {  	_ =	strace s3  }
0x97: {  	_ =	strace $0x8FFFFFFF  }
0x98: {  	s19 =	sld [smem:$0x3FDB];
	_ =	sdelay $0x1  }
0x99: {  	s4 =	simm.s32 $_scs_section_size  }
0x9a: {  	s5 =	simm.s32 $_size__tile_overlayer_lowered;
	s6 =	simm.s32 $_tile_overlayer_lowered  }
0x9b: {  	s22 =	simm.s32 $0x1BFF;
	s21 =	sshll.u32 s6, $0x1;
	s3 =	sadd.s32 s4, s19  }
0x9c: {  	s7 =	simm.s32 $0x0;
	s20 =	sshll.u32 s5, $0x1;
	s5 =	sadd.s32 s21, s3  }
0x9d: {  	[timem:s7], [sflag:s22] =	dma.local [hbm:s5], s20  }
0x9e: {  	_ =	swait.ge [sflag:s22], s20  }
0x9f: {  	s4 =	ssub.s32 $0x0, s20;
	[sflag:s22] =	ssyncset.done $0x0  }
0xa0: {  	[sflag:s22] =	ssyncadd.s32 s4;
	_ =	sdelay $0x1  }
0xa1: {  	s23 =	simm.s32 $0x1B8B  }
0xa2: {  	_ =	swait.ge [sflag:s23], $0x1  }
0xa3: {  	[sflag:s23] =	ssyncset.done $0x0  }
0xa4: {  	s25 =	simm.s32 $0x1B8E;
	s24 =	sld [smem:$0x3FFE];
	[sflag:s23] =	ssyncadd.s32 $0xFFFFFFFF  }
0xa5: {  	s26 =	simm.s32 $execute0_lowered;
	[smem:$0x3FD2] =	sst s25  }
0xa6: {  	s5 =	sshll.u32 s26, $0x1;
	_ =	strace $0x8000004C;
	[dreg:$0x1] =	wrdreg $0xFFFFFFFF  }
0xa7: {  	s28 =	simm.s32 $_size_execute0_lowered;
	s3 =	sadd.s32 s3, s5;
	[dreg:$0x0] =	wrdreg $0x0  }
0xa8: {  	s5 =	sshll.u32 s28, $0x1;
	[dreg:$0x2] =	wrdreg s3  }
0xa9: {  	[dreg:$0x3] =	wrdreg s5  }
0xaa: {  	[dreg:$0x4] =	wrdreg $0xC0  }
0xab: {  	_ =	task [dreg:s7], $0x5FFFF  }
0xac: {  	[dreg:$0x1] =	wrdreg $0xFFFFFFFF  }
0xad: {  	[dreg:$0x0] =	wrdreg $0x60  }
0xae: {  	[dreg:$0x2] =	wrdreg s24  }
0xaf: {  	[dreg:$0x3] =	wrdreg s2  }
0xb0: {  	[dreg:$0x4] =	wrdreg $0x170200  }
0xb1: {  	[dreg:$0x5] =	wrdreg $0x9  }
0xb2: {  	_ =	task.clear_ibuf [dreg:s7], $0x6FFFF;
	_ =	strace $0x9000004C  }
0xb3: {  	s29 =	simm.s32 $0x9;
	_ =	strace $0x8000004E  }
0xb4: {  	_ =	swait.ge [sflag:s29], $0x1  }
0xb5: {  	[sflag:s29] =	ssyncadd.s32 $0xFFFFFFFF  }
0xb6: {  	_ =	strace $0x9000004E  }
0xb7: {  	_ =	sfence  }
0xb8: {  	s30 =	sld [smem:$0x0];
	_ =	sdelay $0x2  }
0xb9: {  	s31 =	sshll.u32 s1, $0xD;
	s1 =	sshrl.u32 s1, $0x2  }
0xba: {  	s3 =	sand.u32 $0x4000, s31;
	s1 =	sadd.s32 s1, s30  }
0xbb: {  	s0 =	sor.u32 s3, s0;
	s1 =	sshll.u32 s1, $0x11  }
0xbc: {  	s0 =	sor.u32 s1, s0  }
0xbd: {  	s0 =	sadd.s32 $0x8F2B, s0  }
0xbe: {  	[sflag:s0] =	ssyncadd.remote.s32 $0x1  }
0xbf: {  	_ =	sfence.sel $0xFFFF  }
0xc0: {  	[dreg:$0x0] =	wrdreg $0xFFFFFFFF;
	(pc) =	sbr.abs _section_cstart, $3  }
0xc1: {  	[dreg:$0x1] =	wrdreg $0xFFFFFFFF  }
0xc2: {  	_ =	task.clear_ibuf [dreg:s7], $0x2FFFF;
	_ =	strace $0x9FFFFFFF  }
0xc3: {  	(tm) =	ssettm $0x7FFFFFFF  }
tec
execute0_lowered:
.L_overlay_start_1:
0x0: {  	(tag) =	ssettag $0x1  }
0x1: {  	s9 =	rddreg [dreg:$0x0]  }
0x2: {  	s1 =	rddreg [dreg:$0x2]  }
0x3: {  	s3 =	simm.s32 $0x0;
	s7 =	srdreg.scid;
	s2 =	stileid.u32  }
0x4: {  	s6 =	simm.s32 $0x4E20;
	s5 =	simm.s32 $0x3;
	[smem:$0x7FF] =	sst s3  }
0x5: {  	s4 =	sadd.s32 $0x18E00, s9;
	s8 =	smul.u32 $0xA000, s2;
	_ =	strace $0x8000004D  }
0x6: {  	[tilespmem:s6], [sflag:$0x3] =	stream.linear.gather [hbm4b:s4+s3], $0x2800, $0x38;
	[tilespmem:$0x19820] =	vst v63  }
0x7: {  	s30 =	sand.u32 $0x1, s7;
	s25 =	sshll.u32 s2, $0x1;
	_ =	swait.ge [sflag:s5], $0x2800  }
0x8: {  	s7 =	sor.u32 s30, s25;
	s8 =	sshrl.u32 s8, $0x2;
	[sflag:s5] =	ssyncset.done $0x0  }
0x9: {  	s10 =	smul.u32 $0x2710, s7;
	s7 =	sadd.s32 s8, s1;
	[sflag:s5] =	ssyncadd.s32 $0xFFFFD800  }
0xa: {  	[spmem:s7] =	stream.linear.scatter [tilespmem:s6], [sflag:$0x3], $0x2800, $0x38;
	[tilespmem:$0x19820] =	vst v63  }
0xb: {  	_ =	swait.ge [sflag:s5], $0x2800  }
0xc: {  	s26 =	sshrl.u32 s10, $0x3;
	[sflag:s5] =	ssyncset.done $0x0  }
0xd: {  	s20 =	sadd.s32 s26, s9;
	[sflag:s5] =	ssyncadd.s32 $0xFFFFD800  }
0xe: {  	s8 =	sadd.s32 $0x4400, s20;
	[bflag:$0x0] =	sbarrier.arrive $0xFFFF  }
0xf: {  	[tilespmem:s3], [sflag:$0x3] =	stream.linear.gather [hbm4b:s8+s3], $0x2710, $0x38;
	[tilespmem:$0x19820] =	vst v63  }
0x10: {  	_ =	swait.ge [sflag:s5], $0x2710  }
0x11: {  	[sflag:s5] =	ssyncset.done $0x0  }
0x12: {  	s10 =	simm.s32 $0x7D0;
	s9 =	sadd.s32 $0x19400, s9;
	[sflag:s5] =	ssyncadd.s32 $0xFFFFD8F0  }
0x13: {  	[tilespmem:s6], [sflag:$0x1] =	stream.indirect.gather [hbm4b:s9+s10], $0x10, s3, s10, $0xb8;
	[tilespmem:$0x19820] =	vst v63  }
0x14: {  	s11 =	simm.s32 $0xCB20  }
0x15: {  	[tilespmem:s11], [sflag:$0x2] =	stream.indirect.gather [hbm4b:s9+s10], $0x10, s10, s10, $0xb8;
	[tilespmem:$0x19820] =	vst v63  }
0x16: {  	s13 =	simm.s32 $0x2710;
	s12 =	sadd.s32 $0xE040, s20  }
0x17: {  	[tilespmem:s13], [sflag:$0x3] =	stream.linear.gather [hbm4b:s12+s3], $0x7D0, $0x38;
	[tilespmem:$0x19820] =	vst v63  }
0x18: {  	_ =	swait.ge [sflag:s5], $0x7D0  }
0x19: {  	[sflag:s5] =	ssyncset.done $0x0  }
0x1a: {  	s15 =	simm.s32 $0x2EE0;
	s14 =	sadd.s32 $0xE13A, s20;
	[sflag:s5] =	ssyncadd.s32 $0xFFFFF830  }
0x1b: {  	[tilespmem:s15], [sflag:$0x3] =	stream.linear.gather [hbm4b:s14+s3], $0x7D0, $0x38;
	[tilespmem:$0x19820] =	vst v63  }
0x1c: {  	_ =	swait.ge [sflag:s5], $0x7D0  }
0x1d: {  	[sflag:s5] =	ssyncset.done $0x0  }
0x1e: {  	s17 =	simm.s32 $0x36B0;
	s16 =	sadd.s32 $0xE234, s20;
	[sflag:s5] =	ssyncadd.s32 $0xFFFFF830  }
0x1f: {  	[tilespmem:s17], [sflag:$0x3] =	stream.linear.gather [hbm4b:s16+s3], $0x7D0, $0x38;
	[tilespmem:$0x19820] =	vst v63  }
0x20: {  	_ =	swait.ge [sflag:s5], $0x7D0  }
0x21: {  	[sflag:s5] =	ssyncset.done $0x0  }
0x22: {  	s19 =	simm.s32 $0x3E80;
	s18 =	sadd.s32 $0xE32E, s20;
	[sflag:s5] =	ssyncadd.s32 $0xFFFFF830  }
0x23: {  	[tilespmem:s19], [sflag:$0x3] =	stream.linear.gather [hbm4b:s18+s3], $0x7D0, $0x38;
	[tilespmem:$0x19820] =	vst v63  }
0x24: {  	_ =	swait.ge [sflag:s5], $0x7D0  }
0x25: {  	[sflag:s5] =	ssyncset.done $0x0  }
0x26: {  	s21 =	simm.s32 $0x4650;
	s20 =	sadd.s32 $0xE428, s20;
	[sflag:s5] =	ssyncadd.s32 $0xFFFFF830  }
0x27: {  	[tilespmem:s21], [sflag:$0x3] =	stream.linear.gather [hbm4b:s20+s3], $0x7D0, $0x38;
	[tilespmem:$0x19820] =	vst v63  }
0x28: {  	_ =	swait.ge [sflag:s5], $0x7D0  }
0x29: {  	[sflag:s5] =	ssyncset.done $0x0  }
0x2a: {  	s22 =	simm.s32 $0x1;
	[sflag:s5] =	ssyncadd.s32 $0xFFFFF830  }
0x2b: {  	_ =	swait.ge [sflag:s22], $0x7D00  }
0x2c: {  	[sflag:s22] =	ssyncset.done $0x0  }
0x2d: {  	[sflag:s22] =	ssyncadd.s32 $0xFFFF8300  }
0x2e: {  	[spmem:s1] =	stream.indirect.scatter.add.f32 [tilespmem:s6], [sflag:$0x3], $0x10, s13, s10, $0xb8;
	[tilespmem:$0x19820] =	vst v63  }
0x2f: {  	_ =	swait.ge [sflag:s5], $0x7D00  }
0x30: {  	[sflag:s5] =	ssyncset.done $0x0  }
0x31: {  	s23 =	simm.s32 $0xFA0;
	s24 =	simm.s32 $0x2;
	[sflag:s5] =	ssyncadd.s32 $0xFFFF8300  }
0x32: {  	[tilespmem:s6], [sflag:$0x1] =	stream.indirect.gather [hbm4b:s9+s10], $0x10, s23, s10, $0xb8;
	[tilespmem:$0x19820] =	vst v63  }
0x33: {  	_ =	swait.ge [sflag:s24], $0x7D00  }
0x34: {  	[sflag:s24] =	ssyncset.done $0x0  }
0x35: {  	[sflag:s24] =	ssyncadd.s32 $0xFFFF8300  }
0x36: {  	[spmem:s1] =	stream.indirect.scatter.add.f32 [tilespmem:s11], [sflag:$0x3], $0x10, s15, s10, $0xb8;
	[tilespmem:$0x19820] =	vst v63  }
0x37: {  	_ =	swait.ge [sflag:s5], $0x7D00  }
0x38: {  	[sflag:s5] =	ssyncset.done $0x0  }
0x39: {  	s25 =	simm.s32 $0x1770;
	[sflag:s5] =	ssyncadd.s32 $0xFFFF8300  }
0x3a: {  	[tilespmem:s11], [sflag:$0x2] =	stream.indirect.gather [hbm4b:s9+s10], $0x10, s25, s10, $0xb8;
	[tilespmem:$0x19820] =	vst v63  }
0x3b: {  	_ =	swait.ge [sflag:s22], $0x7D00  }
0x3c: {  	[sflag:s22] =	ssyncset.done $0x0  }
0x3d: {  	[sflag:s22] =	ssyncadd.s32 $0xFFFF8300  }
0x3e: {  	[spmem:s1] =	stream.indirect.scatter.add.f32 [tilespmem:s6], [sflag:$0x3], $0x10, s17, s10, $0xb8;
	[tilespmem:$0x19820] =	vst v63  }
0x3f: {  	_ =	swait.ge [sflag:s5], $0x7D00  }
0x40: {  	[sflag:s5] =	ssyncset.done $0x0  }
0x41: {  	s26 =	simm.s32 $0x1F40;
	[sflag:s5] =	ssyncadd.s32 $0xFFFF8300  }
0x42: {  	[tilespmem:s6], [sflag:$0x1] =	stream.indirect.gather [hbm4b:s9+s10], $0x10, s26, s10, $0xb8;
	[tilespmem:$0x19820] =	vst v63  }
0x43: {  	_ =	swait.ge [sflag:s24], $0x7D00  }
0x44: {  	[sflag:s24] =	ssyncset.done $0x0  }
0x45: {  	[sflag:s24] =	ssyncadd.s32 $0xFFFF8300  }
0x46: {  	[spmem:s1] =	stream.indirect.scatter.add.f32 [tilespmem:s11], [sflag:$0x3], $0x10, s19, s10, $0xb8;
	[tilespmem:$0x19820] =	vst v63  }
0x47: {  	_ =	swait.ge [sflag:s5], $0x7D00  }
0x48: {  	[sflag:s5] =	ssyncset.done $0x0  }
0x49: {  	[sflag:s5] =	ssyncadd.s32 $0xFFFF8300  }
0x4a: {  	_ =	swait.ge [sflag:s22], $0x7D00  }
0x4b: {  	[sflag:s22] =	ssyncset.done $0x0  }
0x4c: {  	[sflag:s22] =	ssyncadd.s32 $0xFFFF8300  }
0x4d: {  	[spmem:s1] =	stream.indirect.scatter.add.f32 [tilespmem:s6], [sflag:$0x3], $0x10, s21, s10, $0xb8;
	[tilespmem:$0x19820] =	vst v63  }
0x4e: {  	_ =	swait.ge [sflag:s5], $0x7D00  }
0x4f: {  	s31 =	smul.u32 $0x5000, s30;
	s30 =	ssub.s32 $0x2, s30;
	[sflag:s5] =	ssyncset.done $0x0  }
0x50: {  	s28 =	simm.s32 $0x14820;
	s29 =	sshrl.u32 s30, $0x1;
	[sflag:s5] =	ssyncadd.s32 $0xFFFF8300  }
0x51: {  	s0 =	smul.u32 $0x500, s2;
	s30 =	ssub.s32 s30, s29;
	[bflag:$0x0] =	sbarrier.arrive $0xFFFF  }
0x52: {  	[tilespmem:s28], [sflag:$0x3] =	stream.linear.gather [spmem:s7], $0x2800, $0x38;
	[tilespmem:$0x19820] =	vst v63  }
0x53: {  	s0 =	sadd.s32 s0, s31;
	s31 =	smax.u32 s30, $0x1;
	_ =	swait.ge [sflag:s5], $0x2800  }
0x54: {  	p0 =	sne.s32 s31, $0x1;
	[sflag:s5] =	ssyncset.done $0x0  }
.Ltmp0:
0x55: {  	s29 =	rddreg [dreg:$0x1];
	(pc) =	sbr.rel @!p0 .LBB2_2-.Ltmp0, $4  }
0x56: {  	[sflag:s5] =	ssyncadd.s32 $0xFFFFD800;
	s29 =	sadd.s32 s29, s0  }
0x57: {  	[hbm4b:s29+s3] =	stream.linear.scatter [tilespmem:s28], [sflag:$0x3], $0x2800, $0x38;
	[tilespmem:$0x19820] =	vst v63  }
0x58: {  	_ =	swait.ge [sflag:s5], $0x2800  }
0x59: {  	s30 =	sadd.s32 $0xFFFFFFFF, s31;
	[sflag:s5] =	ssyncset.done $0x0  }
.LBB2_1:
0x5a: {  	p0 =	sne.s32 s30, $0x1;
	s30 =	sadd.s32 $0xFFFFFFFF, s30;
	[sflag:s5] =	ssyncadd.s32 $0xFFFFD800  }
0x5b: {  	[tilespmem:s6], [sflag:$0x3] =	stream.linear.gather [hbm4b:s4+s3], $0x2800, $0x38;
	[tilespmem:$0x19820] =	vst v63  }
0x5c: {  	_ =	swait.ge [sflag:s5], $0x2800  }
0x5d: {  	[sflag:s5] =	ssyncset.done $0x0  }
0x5e: {  	[sflag:s5] =	ssyncadd.s32 $0xFFFFD800  }
0x5f: {  	[spmem:s7] =	stream.linear.scatter [tilespmem:s6], [sflag:$0x3], $0x2800, $0x38;
	[tilespmem:$0x19820] =	vst v63  }
0x60: {  	_ =	swait.ge [sflag:s5], $0x2800  }
0x61: {  	[sflag:s5] =	ssyncset.done $0x0  }
0x62: {  	[sflag:s5] =	ssyncadd.s32 $0xFFFFD800  }
0x63: {  	[bflag:$0x0] =	sbarrier.arrive $0xFFFF  }
0x64: {  	[tilespmem:s3], [sflag:$0x3] =	stream.linear.gather [hbm4b:s8+s3], $0x2710, $0x38;
	[tilespmem:$0x19820] =	vst v63  }
0x65: {  	_ =	swait.ge [sflag:s5], $0x2710  }
0x66: {  	[sflag:s5] =	ssyncset.done $0x0  }
0x67: {  	[sflag:s5] =	ssyncadd.s32 $0xFFFFD8F0  }
0x68: {  	[tilespmem:s6], [sflag:$0x1] =	stream.indirect.gather [hbm4b:s9+s10], $0x10, s3, s10, $0xb8;
	[tilespmem:$0x19820] =	vst v63  }
0x69: {  	_ = 	snop  }
0x6a: {  	[tilespmem:s11], [sflag:$0x2] =	stream.indirect.gather [hbm4b:s9+s10], $0x10, s10, s10, $0xb8;
	[tilespmem:$0x19820] =	vst v63  }
0x6b: {  	_ = 	snop  }
0x6c: {  	[tilespmem:s13], [sflag:$0x3] =	stream.linear.gather [hbm4b:s12+s3], $0x7D0, $0x38;
	[tilespmem:$0x19820] =	vst v63  }
0x6d: {  	_ =	swait.ge [sflag:s5], $0x7D0  }
0x6e: {  	[sflag:s5] =	ssyncset.done $0x0  }
0x6f: {  	[sflag:s5] =	ssyncadd.s32 $0xFFFFF830  }
0x70: {  	[tilespmem:s15], [sflag:$0x3] =	stream.linear.gather [hbm4b:s14+s3], $0x7D0, $0x38;
	[tilespmem:$0x19820] =	vst v63  }
0x71: {  	_ =	swait.ge [sflag:s5], $0x7D0  }
0x72: {  	[sflag:s5] =	ssyncset.done $0x0  }
0x73: {  	[sflag:s5] =	ssyncadd.s32 $0xFFFFF830  }
0x74: {  	[tilespmem:s17], [sflag:$0x3] =	stream.linear.gather [hbm4b:s16+s3], $0x7D0, $0x38;
	[tilespmem:$0x19820] =	vst v63  }
0x75: {  	_ =	swait.ge [sflag:s5], $0x7D0  }
0x76: {  	[sflag:s5] =	ssyncset.done $0x0  }
0x77: {  	[sflag:s5] =	ssyncadd.s32 $0xFFFFF830  }
0x78: {  	[tilespmem:s19], [sflag:$0x3] =	stream.linear.gather [hbm4b:s18+s3], $0x7D0, $0x38;
	[tilespmem:$0x19820] =	vst v63  }
0x79: {  	_ =	swait.ge [sflag:s5], $0x7D0  }
0x7a: {  	[sflag:s5] =	ssyncset.done $0x0  }
0x7b: {  	[sflag:s5] =	ssyncadd.s32 $0xFFFFF830  }
0x7c: {  	[tilespmem:s21], [sflag:$0x3] =	stream.linear.gather [hbm4b:s20+s3], $0x7D0, $0x38;
	[tilespmem:$0x19820] =	vst v63  }
0x7d: {  	_ =	swait.ge [sflag:s5], $0x7D0  }
0x7e: {  	[sflag:s5] =	ssyncset.done $0x0  }
0x7f: {  	[sflag:s5] =	ssyncadd.s32 $0xFFFFF830  }
0x80: {  	_ =	swait.ge [sflag:s22], $0x7D00  }
0x81: {  	[sflag:s22] =	ssyncset.done $0x0  }
0x82: {  	[sflag:s22] =	ssyncadd.s32 $0xFFFF8300  }
0x83: {  	[spmem:s1] =	stream.indirect.scatter.add.f32 [tilespmem:s6], [sflag:$0x3], $0x10, s13, s10, $0xb8;
	[tilespmem:$0x19820] =	vst v63  }
0x84: {  	_ =	swait.ge [sflag:s5], $0x7D00  }
0x85: {  	[sflag:s5] =	ssyncset.done $0x0  }
0x86: {  	[sflag:s5] =	ssyncadd.s32 $0xFFFF8300  }
0x87: {  	[tilespmem:s6], [sflag:$0x1] =	stream.indirect.gather [hbm4b:s9+s10], $0x10, s23, s10, $0xb8;
	[tilespmem:$0x19820] =	vst v63  }
0x88: {  	_ =	swait.ge [sflag:s24], $0x7D00  }
0x89: {  	[sflag:s24] =	ssyncset.done $0x0  }
0x8a: {  	[sflag:s24] =	ssyncadd.s32 $0xFFFF8300  }
0x8b: {  	[spmem:s1] =	stream.indirect.scatter.add.f32 [tilespmem:s11], [sflag:$0x3], $0x10, s15, s10, $0xb8;
	[tilespmem:$0x19820] =	vst v63  }
0x8c: {  	_ =	swait.ge [sflag:s5], $0x7D00  }
0x8d: {  	[sflag:s5] =	ssyncset.done $0x0  }
0x8e: {  	[sflag:s5] =	ssyncadd.s32 $0xFFFF8300  }
0x8f: {  	[tilespmem:s11], [sflag:$0x2] =	stream.indirect.gather [hbm4b:s9+s10], $0x10, s25, s10, $0xb8;
	[tilespmem:$0x19820] =	vst v63  }
0x90: {  	_ =	swait.ge [sflag:s22], $0x7D00  }
0x91: {  	[sflag:s22] =	ssyncset.done $0x0  }
0x92: {  	[sflag:s22] =	ssyncadd.s32 $0xFFFF8300  }
0x93: {  	[spmem:s1] =	stream.indirect.scatter.add.f32 [tilespmem:s6], [sflag:$0x3], $0x10, s17, s10, $0xb8;
	[tilespmem:$0x19820] =	vst v63  }
0x94: {  	_ =	swait.ge [sflag:s5], $0x7D00  }
0x95: {  	[sflag:s5] =	ssyncset.done $0x0  }
0x96: {  	[sflag:s5] =	ssyncadd.s32 $0xFFFF8300  }
0x97: {  	[tilespmem:s6], [sflag:$0x1] =	stream.indirect.gather [hbm4b:s9+s10], $0x10, s26, s10, $0xb8;
	[tilespmem:$0x19820] =	vst v63  }
0x98: {  	_ =	swait.ge [sflag:s24], $0x7D00  }
0x99: {  	[sflag:s24] =	ssyncset.done $0x0  }
0x9a: {  	[sflag:s24] =	ssyncadd.s32 $0xFFFF8300  }
0x9b: {  	[spmem:s1] =	stream.indirect.scatter.add.f32 [tilespmem:s11], [sflag:$0x3], $0x10, s19, s10, $0xb8;
	[tilespmem:$0x19820] =	vst v63  }
0x9c: {  	_ =	swait.ge [sflag:s5], $0x7D00  }
0x9d: {  	[sflag:s5] =	ssyncset.done $0x0  }
0x9e: {  	[sflag:s5] =	ssyncadd.s32 $0xFFFF8300  }
0x9f: {  	_ =	swait.ge [sflag:s22], $0x7D00  }
0xa0: {  	[sflag:s22] =	ssyncset.done $0x0  }
0xa1: {  	[sflag:s22] =	ssyncadd.s32 $0xFFFF8300  }
0xa2: {  	[spmem:s1] =	stream.indirect.scatter.add.f32 [tilespmem:s6], [sflag:$0x3], $0x10, s21, s10, $0xb8;
	[tilespmem:$0x19820] =	vst v63  }
0xa3: {  	_ =	swait.ge [sflag:s5], $0x7D00  }
0xa4: {  	[sflag:s5] =	ssyncset.done $0x0  }
0xa5: {  	[sflag:s5] =	ssyncadd.s32 $0xFFFF8300  }
0xa6: {  	[bflag:$0x0] =	sbarrier.arrive $0xFFFF  }
0xa7: {  	[tilespmem:s28], [sflag:$0x3] =	stream.linear.gather [spmem:s7], $0x2800, $0x38;
	[tilespmem:$0x19820] =	vst v63  }
0xa8: {  	_ =	swait.ge [sflag:s5], $0x2800  }
.Ltmp1:
0xa9: {  	[sflag:s5] =	ssyncset.done $0x0;
	(pc) =	sbr.rel @p0 .LBB2_1-.Ltmp1, $4  }
0xaa: {  	[sflag:s5] =	ssyncadd.s32 $0xFFFFD800  }
0xab: {  	[hbm4b:s29+s3] =	stream.linear.scatter [tilespmem:s28], [sflag:$0x3], $0x2800, $0x38;
	[tilespmem:$0x19820] =	vst v63  }
0xac: {  	_ =	swait.ge [sflag:s5], $0x2800  }
0xad: {  	[sflag:s5] =	ssyncset.done $0x0  }
.LBB2_2:
0xae: {  	[sflag:s5] =	ssyncadd.s32 $0xFFFFD800  }
0xaf: {  	_ =	sfence.sel $0x180000  }
0xb0: {  	[bflag:$0x0] =	sbarrier.arrive $0xFFFF  }
0xb1: {  	_ =	strace $0x9000004D  }
0xb2: {  	[bflag:$0x2] =	sbarrier.arrive $0xFFFF  }
0xb3: {  	p0 =	sne.s32 s2, $0x0;
	s0 =	rddreg [dreg:$0x3]  }
0xb4: {  	s0 =	sadd.s32 @!p0 $0x100000, s0  }
0xb5: {  	[sflag:s0] =	ssyncadd.tile.s32 @!p0 $0x1;
	_ =	shalt  }
.Lfunc_end2:
_tile_overlayer_lowered:
.L_overlay_start_2:
0xb6: {  	(tag) =	ssettag $0x2  }
0xb7: {  	s0 =	rddreg [dreg:$0x0];
	s2 =	stileid.u32  }
0xb8: {  	s1 =	rddreg [dreg:$0x1];
	p0 =	sne.s32 s2, $0x0  }
0xb9: {  	s3 =	rddreg [dreg:$0x2];
	[bflag:$0x3] =	sbarrier.arrive $0xFFFF;
	s2 =	simm.s32 @!p0 $0x1C03  }
0xba: {  	[timem:s3], [sflag:s2] =	dma.local @!p0 [hbm:s0], s1  }
0xbb: {  	s0 =	simm.s32 @!p0 $0x3  }
0xbc: {  	_ =	swait.ge @!p0 [sflag:s0], s1  }
0xbd: {  	s1 =	ssub.s32 @!p0 $0x0, s1;
	[sflag:s0] =	ssyncset.done @!p0 $0x0  }
0xbe: {  	[sflag:s0] =	ssyncadd.s32 @!p0 s1  }
0xbf: {  	[bflag:$0x3] =	sbarrier.arrive $0xFFFF  }
0xc0: {  	_ =	shalt  }

// kernel: kernel.23.cloned.1.call-start
scs
__scs_entry_jumppad:
0x0: {  	(pc) =	sbr.rel $0x88, $3  }
0x1: {  	(tag) =	ssettag $0x0;
	lr =	simm.s32 $0x1  }
0x2: {  	[smem:$0x3F9B] =	sst lr;
	_ =	strace $0xD0000000  }
0x3: {  	_ = 	snop  }
0x4: {  	_ = 	snop  }
0x5: {  	_ = 	snop  }
0x6: {  	_ = 	snop  }
0x7: {  	_ = 	snop  }
__scs_overlays_trampoline_lowered:
0x8: {  	[smem:$0x3FAA] =	sst s0  }
0x9: {  	[smem:$0x3FAB] =	sst s1  }
0xa: {  	[smem:$0x3FAC] =	sst s2  }
0xb: {  	[smem:$0x3FAD] =	sst s3  }
0xc: {  	[smem:$0x3FAE] =	sst s4  }
0xd: {  	[smem:$0x3FAF] =	sst s5  }
0xe: {  	[smem:$0x3FB0] =	sst s6  }
0xf: {  	[smem:$0x3FB1] =	sst s7  }
0x10: {  	[smem:$0x3FB2] =	sst s8  }
0x11: {  	[smem:$0x3FB3] =	sst s9;
	s0 =	simm.s32 @!p0 $0x0  }
0x12: {  	s1 =	sld [smem:$0x3F99];
	s0 =	simm.s32 @p0 $0x1  }
0x13: {  	[smem:$0x3FB4] =	sst s0;
	s0 =	simm.s32 @!p1 $0x0  }
0x14: {  	s2 =	sld [smem:$0x3F98];
	s0 =	simm.s32 @p1 $0x1  }
0x15: {  	[smem:$0x3FB5] =	sst s0;
	s0 =	simm.s32 @!p2 $0x0  }
0x16: {  	s3 =	sld [smem:$0x3FDB];
	s0 =	simm.s32 @p2 $0x1  }
0x17: {  	s4 =	simm.s32 $0x1BF5;
	[smem:$0x3FB7] =	sst s0  }
0x18: {  	s0 =	sld [smem:$0x3F9A];
	_ =	swait.ge [sflag:s4], $0x0  }
0x19: {  	s7 =	sld [smem:$0x3F9B]  }
0x1a: {  	s8 =	sadd.s32 $0xFFFFE003, lr  }
0x1b: {  	s9 =	sadd.s32 $0xFFFFFEF7, lr;
	s5 =	simm.s32 $0xFFFFFFFF;
	p2 =	slt.u32 s8, $0xFFFFF086  }
0x1c: {  	p1 =	slt.u32 s9, $0xF7A;
	s5 =	simm.s32 @!p2 $0x0  }
0x1d: {  	s5 =	simm.s32 @p1 $0x1;
	p0 =	seq.s32 s7, s2  }
0x1e: {  	s7 =	smul.u32 @!p0 $0xF7A, s2;
	p2 =	seq.s32 @!p0 s5, $0x0  }
0x1f: {  	s9 =	smul.u32 $0xF7A, s1;
	s8 =	simm.s32 @!p0 $0x1BF5;
	p2 =	por !p2, p0  }
0x20: {  	[sflag:s8] =	ssyncset.s32 @!p0 $0xFFFFF086;
	s6 =	sadd.s32 @!p0 s3, s7;
	s7 =	simm.s32 @!p0 $0x108  }
0x21: {  	s3 =	sadd.s32 s3, s9;
	s6 =	sadd.s32 @!p0 $0x88, s6;
	s7 =	simm.s32 @p2 $0x1082  }
0x22: {  	[simem:s7], [sflag:s8] =	dma.local @!p0 [hbm:s6], $0xF7A  }
0x23: {  	s9 =	sor.u32 $0xD0000000, s2;
	s6 =	simm.s32 $0x108;
	_ =	swait.ge @!p0 [sflag:s8], $0x0  }
0x24: {  	s3 =	sadd.s32 $0x88, s3;
	s6 =	simm.s32 @!p1 $0x1082;
	[sflag:s4] =	ssyncset.s32 $0xFFFFF086  }
0x25: {  	[simem:s6], [sflag:s4] =	dma.local [hbm:s3], $0xF7A  }
0x26: {  	[smem:$0x3F9B] =	sst s1;
	(tag) =	ssettag s2;
	_ =	strace s9  }
0x27: {  	s1 =	sld [smem:$0x3FAB]  }
0x28: {  	s2 =	sld [smem:$0x3FAC]  }
0x29: {  	s4 =	sld [smem:$0x3FAE]  }
0x2a: {  	p0 =	seq.s32 s5, $0x0;
	s5 =	sld [smem:$0x3FAF]  }
0x2b: {  	s6 =	sld [smem:$0x3FB0]  }
0x2c: {  	s7 =	sld [smem:$0x3FB1]  }
0x2d: {  	s3 =	simm.s32 $0x108;
	s8 =	sld [smem:$0x3FB2]  }
0x2e: {  	s3 =	simm.s32 @!p0 $0x1082;
	s9 =	sld [smem:$0x3FB3]  }
0x2f: {  	lr =	sadd.s32 s0, s3;
	s0 =	sld [smem:$0x3FAA]  }
0x30: {  	s3 =	sld [smem:$0x3FAD]  }
0x31: {  	[smem:$0x3FB6] =	sst s10  }
0x32: {  	s10 =	sld [smem:$0x3FB4];
	_ =	sdelay $0x3  }
0x33: {  	p0 =	seq.s32 s10, $0x1;
	s10 =	sld [smem:$0x3FB6];
	_ =	sdelay $0x3  }
0x34: {  	[smem:$0x3FB6] =	sst s10  }
0x35: {  	s10 =	sld [smem:$0x3FB5];
	_ =	sdelay $0x3  }
0x36: {  	p1 =	seq.s32 s10, $0x1;
	s10 =	sld [smem:$0x3FB6];
	_ =	sdelay $0x3  }
0x37: {  	[smem:$0x3FB6] =	sst s10  }
0x38: {  	s10 =	sld [smem:$0x3FB7]  }
0x39: {  	_ = 	snop;
	(pc) =	sbr.ind lr, $3  }
0x3a: {  	_ = 	snop  }
0x3b: {  	_ = 	snop  }
0x3c: {  	p2 =	seq.s32 s10, $0x1;
	s10 =	sld [smem:$0x3FB6]  }
0x3d: {  	_ =	shalt  }
0x3e: {  	_ =	shalt  }
0x3f: {  	_ =	shalt  }
0x40: {  	_ =	shalt  }
0x41: {  	_ =	shalt  }
0x42: {  	_ =	shalt  }
0x43: {  	_ =	shalt  }
0x44: {  	_ =	shalt  }
0x45: {  	_ =	shalt  }
0x46: {  	_ =	shalt  }
0x47: {  	_ =	shalt  }
0x48: {  	_ =	shalt  }
0x49: {  	_ =	shalt  }
0x4a: {  	_ =	shalt  }
0x4b: {  	_ =	shalt  }
0x4c: {  	_ =	shalt  }
0x4d: {  	_ =	shalt  }
0x4e: {  	_ =	shalt  }
0x4f: {  	_ =	shalt  }
0x50: {  	_ =	shalt  }
0x51: {  	_ =	shalt  }
0x52: {  	_ =	shalt  }
0x53: {  	_ =	shalt  }
0x54: {  	_ =	shalt  }
0x55: {  	_ =	shalt  }
0x56: {  	_ =	shalt  }
0x57: {  	_ =	shalt  }
0x58: {  	_ =	shalt  }
0x59: {  	_ =	shalt  }
0x5a: {  	_ =	shalt  }
0x5b: {  	_ =	shalt  }
0x5c: {  	_ =	shalt  }
0x5d: {  	_ =	shalt  }
0x5e: {  	_ =	shalt  }
0x5f: {  	_ =	shalt  }
0x60: {  	_ =	shalt  }
0x61: {  	_ =	shalt  }
0x62: {  	_ =	shalt  }
0x63: {  	_ =	shalt  }
0x64: {  	_ =	shalt  }
0x65: {  	_ =	shalt  }
0x66: {  	_ =	shalt  }
0x67: {  	_ =	shalt  }
0x68: {  	_ =	shalt  }
0x69: {  	_ =	shalt  }
0x6a: {  	_ =	shalt  }
0x6b: {  	_ =	shalt  }
0x6c: {  	_ =	shalt  }
0x6d: {  	_ =	shalt  }
0x6e: {  	_ =	shalt  }
0x6f: {  	_ =	shalt  }
0x70: {  	_ =	shalt  }
0x71: {  	_ =	shalt  }
0x72: {  	_ =	shalt  }
0x73: {  	_ =	shalt  }
0x74: {  	_ =	shalt  }
0x75: {  	_ =	shalt  }
0x76: {  	_ =	shalt  }
0x77: {  	_ =	shalt  }
0x78: {  	_ =	shalt  }
0x79: {  	_ =	shalt  }
0x7a: {  	_ =	shalt  }
0x7b: {  	_ =	shalt  }
0x7c: {  	_ =	shalt  }
0x7d: {  	_ =	shalt  }
0x7e: {  	_ =	shalt  }
0x7f: {  	_ =	shalt  }
0x80: {  	_ =	shalt  }
0x81: {  	_ =	shalt  }
0x82: {  	_ =	shalt  }
0x83: {  	_ =	shalt  }
0x84: {  	_ =	shalt  }
0x85: {  	_ =	shalt  }
0x86: {  	_ =	shalt  }
0x87: {  	_ =	shalt  }
.Lfunc_end0:
.L_simem_size_0:
called_computation.3_lowered:
.L_overlay_start_0:
0x88: {  	s2 =	sld [smem:$0x3FD9]  }
0x89: {  	s3 =	sld [smem:$0x3FFE];
	_ =	sdelay $0x1  }
0x8a: {  	s1 =	srdreg.scid  }
0x8b: {  	s0 =	sand.u32 $0x1, s1  }
0x8c: {  	s17 =	sshll.u32 s0, $0xA;
	s2 =	sadd.s32 s3, s2  }
0x8d: {  	s2 =	sadd.s32 s2, s17  }
0x8e: {  	[smem:$0x3FC2] =	sst s2  }
0x8f: {  	_ = 	snop  }
0x90: {  	s2 =	sld [smem:$0x3FD0];
	(tm) =	ssettm $0x1  }
0x91: {  	s18 =	sld [smem:$0x3FFB];
	_ =	sdelay $0x3  }
0x92: {  	_ =	strace s18  }
0x93: {  	s3 =	sld [smem:$0x3FFC];
	_ =	sdelay $0x3  }
0x94: {  	_ =	strace s3  }
0x95: {  	s3 =	sld [smem:$0x3FFD];
	_ =	sdelay $0x3  }
0x96: {  	_ =	strace s3  }
0x97: {  	_ =	strace $0x8FFFFFFF  }
0x98: {  	s19 =	sld [smem:$0x3FDB];
	_ =	sdelay $0x1  }
0x99: {  	s4 =	simm.s32 $_scs_section_size  }
0x9a: {  	s5 =	simm.s32 $_size__tile_overlayer_lowered;
	s6 =	simm.s32 $_tile_overlayer_lowered  }
0x9b: {  	s22 =	simm.s32 $0x1BFF;
	s21 =	sshll.u32 s6, $0x1;
	s3 =	sadd.s32 s4, s19  }
0x9c: {  	s7 =	simm.s32 $0x0;
	s20 =	sshll.u32 s5, $0x1;
	s5 =	sadd.s32 s21, s3  }
0x9d: {  	[timem:s7], [sflag:s22] =	dma.local [hbm:s5], s20  }
0x9e: {  	_ =	swait.ge [sflag:s22], s20  }
0x9f: {  	s4 =	ssub.s32 $0x0, s20;
	[sflag:s22] =	ssyncset.done $0x0  }
0xa0: {  	[sflag:s22] =	ssyncadd.s32 s4;
	_ =	sdelay $0x1  }
0xa1: {  	s23 =	simm.s32 $0x1B8B  }
0xa2: {  	_ =	swait.ge [sflag:s23], $0x1  }
0xa3: {  	[sflag:s23] =	ssyncset.done $0x0  }
0xa4: {  	s25 =	simm.s32 $0x1B8E;
	s24 =	sld [smem:$0x3FFE];
	[sflag:s23] =	ssyncadd.s32 $0xFFFFFFFF  }
0xa5: {  	s26 =	simm.s32 $execute0_lowered;
	[smem:$0x3FD2] =	sst s25  }
0xa6: {  	s5 =	sshll.u32 s26, $0x1;
	_ =	strace $0x8000004F;
	[dreg:$0x1] =	wrdreg $0xFFFFFFFF  }
0xa7: {  	s28 =	simm.s32 $_size_execute0_lowered;
	s3 =	sadd.s32 s3, s5;
	[dreg:$0x0] =	wrdreg $0x0  }
0xa8: {  	s5 =	sshll.u32 s28, $0x1;
	[dreg:$0x2] =	wrdreg s3  }
0xa9: {  	[dreg:$0x3] =	wrdreg s5  }
0xaa: {  	[dreg:$0x4] =	wrdreg $0xC0  }
0xab: {  	_ =	task [dreg:s7], $0x5FFFF  }
0xac: {  	[dreg:$0x1] =	wrdreg $0xFFFFFFFF  }
0xad: {  	[dreg:$0x0] =	wrdreg $0x60  }
0xae: {  	[dreg:$0x2] =	wrdreg s24  }
0xaf: {  	[dreg:$0x3] =	wrdreg s2  }
0xb0: {  	[dreg:$0x4] =	wrdreg $0x170200  }
0xb1: {  	[dreg:$0x5] =	wrdreg $0x9  }
0xb2: {  	_ =	task.clear_ibuf [dreg:s7], $0x6FFFF;
	_ =	strace $0x9000004F  }
0xb3: {  	s29 =	simm.s32 $0x9;
	_ =	strace $0x80000051  }
0xb4: {  	_ =	swait.ge [sflag:s29], $0x1  }
0xb5: {  	[sflag:s29] =	ssyncadd.s32 $0xFFFFFFFF  }
0xb6: {  	_ =	strace $0x90000051  }
0xb7: {  	_ =	sfence  }
0xb8: {  	s30 =	sld [smem:$0x0];
	_ =	sdelay $0x2  }
0xb9: {  	s31 =	sshll.u32 s1, $0xD;
	s1 =	sshrl.u32 s1, $0x2  }
0xba: {  	s3 =	sand.u32 $0x4000, s31;
	s1 =	sadd.s32 s1, s30  }
0xbb: {  	s0 =	sor.u32 s3, s0;
	s1 =	sshll.u32 s1, $0x11  }
0xbc: {  	s0 =	sor.u32 s1, s0  }
0xbd: {  	s0 =	sadd.s32 $0x8F2B, s0  }
0xbe: {  	[sflag:s0] =	ssyncadd.remote.s32 $0x1  }
0xbf: {  	_ =	sfence.sel $0xFFFF  }
0xc0: {  	[dreg:$0x0] =	wrdreg $0xFFFFFFFF;
	(pc) =	sbr.abs _section_cstart, $3  }
0xc1: {  	[dreg:$0x1] =	wrdreg $0xFFFFFFFF  }
0xc2: {  	_ =	task.clear_ibuf [dreg:s7], $0x2FFFF;
	_ =	strace $0x9FFFFFFF  }
0xc3: {  	(tm) =	ssettm $0x7FFFFFFF  }
tec
execute0_lowered:
.L_overlay_start_1:
0x0: {  	(tag) =	ssettag $0x1  }
0x1: {  	s9 =	rddreg [dreg:$0x0]  }
0x2: {  	s1 =	rddreg [dreg:$0x2]  }
0x3: {  	s3 =	simm.s32 $0x0;
	s7 =	srdreg.scid;
	s2 =	stileid.u32  }
0x4: {  	s6 =	simm.s32 $0x4E20;
	s5 =	simm.s32 $0x3;
	[smem:$0x7FF] =	sst s3  }
0x5: {  	s4 =	sadd.s32 $0x18E00, s9;
	s8 =	smul.u32 $0xA000, s2;
	_ =	strace $0x80000050  }
0x6: {  	[tilespmem:s6], [sflag:$0x3] =	stream.linear.gather [hbm4b:s4+s3], $0x2800, $0x38;
	[tilespmem:$0x19820] =	vst v63  }
0x7: {  	s30 =	sand.u32 $0x1, s7;
	s25 =	sshll.u32 s2, $0x1;
	_ =	swait.ge [sflag:s5], $0x2800  }
0x8: {  	s7 =	sor.u32 s30, s25;
	s8 =	sshrl.u32 s8, $0x2;
	[sflag:s5] =	ssyncset.done $0x0  }
0x9: {  	s10 =	smul.u32 $0x2710, s7;
	s7 =	sadd.s32 s8, s1;
	[sflag:s5] =	ssyncadd.s32 $0xFFFFD800  }
0xa: {  	[spmem:s7] =	stream.linear.scatter [tilespmem:s6], [sflag:$0x3], $0x2800, $0x38;
	[tilespmem:$0x19820] =	vst v63  }
0xb: {  	_ =	swait.ge [sflag:s5], $0x2800  }
0xc: {  	s26 =	sshrl.u32 s10, $0x3;
	[sflag:s5] =	ssyncset.done $0x0  }
0xd: {  	s20 =	sadd.s32 s26, s9;
	[sflag:s5] =	ssyncadd.s32 $0xFFFFD800  }
0xe: {  	s8 =	sadd.s32 $0x4400, s20;
	[bflag:$0x0] =	sbarrier.arrive $0xFFFF  }
0xf: {  	[tilespmem:s3], [sflag:$0x3] =	stream.linear.gather [hbm4b:s8+s3], $0x2710, $0x38;
	[tilespmem:$0x19820] =	vst v63  }
0x10: {  	_ =	swait.ge [sflag:s5], $0x2710  }
0x11: {  	[sflag:s5] =	ssyncset.done $0x0  }
0x12: {  	s10 =	simm.s32 $0x7D0;
	s9 =	sadd.s32 $0x19400, s9;
	[sflag:s5] =	ssyncadd.s32 $0xFFFFD8F0  }
0x13: {  	[tilespmem:s6], [sflag:$0x1] =	stream.indirect.gather [hbm4b:s9+s10], $0x10, s3, s10, $0xb8;
	[tilespmem:$0x19820] =	vst v63  }
0x14: {  	s11 =	simm.s32 $0xCB20  }
0x15: {  	[tilespmem:s11], [sflag:$0x2] =	stream.indirect.gather [hbm4b:s9+s10], $0x10, s10, s10, $0xb8;
	[tilespmem:$0x19820] =	vst v63  }
0x16: {  	s13 =	simm.s32 $0x2710;
	s12 =	sadd.s32 $0xE040, s20  }
0x17: {  	[tilespmem:s13], [sflag:$0x3] =	stream.linear.gather [hbm4b:s12+s3], $0x7D0, $0x38;
	[tilespmem:$0x19820] =	vst v63  }
0x18: {  	_ =	swait.ge [sflag:s5], $0x7D0  }
0x19: {  	[sflag:s5] =	ssyncset.done $0x0  }
0x1a: {  	s15 =	simm.s32 $0x2EE0;
	s14 =	sadd.s32 $0xE13A, s20;
	[sflag:s5] =	ssyncadd.s32 $0xFFFFF830  }
0x1b: {  	[tilespmem:s15], [sflag:$0x3] =	stream.linear.gather [hbm4b:s14+s3], $0x7D0, $0x38;
	[tilespmem:$0x19820] =	vst v63  }
0x1c: {  	_ =	swait.ge [sflag:s5], $0x7D0  }
0x1d: {  	[sflag:s5] =	ssyncset.done $0x0  }
0x1e: {  	s17 =	simm.s32 $0x36B0;
	s16 =	sadd.s32 $0xE234, s20;
	[sflag:s5] =	ssyncadd.s32 $0xFFFFF830  }
0x1f: {  	[tilespmem:s17], [sflag:$0x3] =	stream.linear.gather [hbm4b:s16+s3], $0x7D0, $0x38;
	[tilespmem:$0x19820] =	vst v63  }
0x20: {  	_ =	swait.ge [sflag:s5], $0x7D0  }
0x21: {  	[sflag:s5] =	ssyncset.done $0x0  }
0x22: {  	s19 =	simm.s32 $0x3E80;
	s18 =	sadd.s32 $0xE32E, s20;
	[sflag:s5] =	ssyncadd.s32 $0xFFFFF830  }
0x23: {  	[tilespmem:s19], [sflag:$0x3] =	stream.linear.gather [hbm4b:s18+s3], $0x7D0, $0x38;
	[tilespmem:$0x19820] =	vst v63  }
0x24: {  	_ =	swait.ge [sflag:s5], $0x7D0  }
0x25: {  	[sflag:s5] =	ssyncset.done $0x0  }
0x26: {  	s21 =	simm.s32 $0x4650;
	s20 =	sadd.s32 $0xE428, s20;
	[sflag:s5] =	ssyncadd.s32 $0xFFFFF830  }
0x27: {  	[tilespmem:s21], [sflag:$0x3] =	stream.linear.gather [hbm4b:s20+s3], $0x7D0, $0x38;
	[tilespmem:$0x19820] =	vst v63  }
0x28: {  	_ =	swait.ge [sflag:s5], $0x7D0  }
0x29: {  	[sflag:s5] =	ssyncset.done $0x0  }
0x2a: {  	s22 =	simm.s32 $0x1;
	[sflag:s5] =	ssyncadd.s32 $0xFFFFF830  }
0x2b: {  	_ =	swait.ge [sflag:s22], $0x7D00  }
0x2c: {  	[sflag:s22] =	ssyncset.done $0x0  }
0x2d: {  	[sflag:s22] =	ssyncadd.s32 $0xFFFF8300  }
0x2e: {  	[spmem:s1] =	stream.indirect.scatter.add.f32 [tilespmem:s6], [sflag:$0x3], $0x10, s13, s10, $0xb8;
	[tilespmem:$0x19820] =	vst v63  }
0x2f: {  	_ =	swait.ge [sflag:s5], $0x7D00  }
0x30: {  	[sflag:s5] =	ssyncset.done $0x0  }
0x31: {  	s23 =	simm.s32 $0xFA0;
	s24 =	simm.s32 $0x2;
	[sflag:s5] =	ssyncadd.s32 $0xFFFF8300  }
0x32: {  	[tilespmem:s6], [sflag:$0x1] =	stream.indirect.gather [hbm4b:s9+s10], $0x10, s23, s10, $0xb8;
	[tilespmem:$0x19820] =	vst v63  }
0x33: {  	_ =	swait.ge [sflag:s24], $0x7D00  }
0x34: {  	[sflag:s24] =	ssyncset.done $0x0  }
0x35: {  	[sflag:s24] =	ssyncadd.s32 $0xFFFF8300  }
0x36: {  	[spmem:s1] =	stream.indirect.scatter.add.f32 [tilespmem:s11], [sflag:$0x3], $0x10, s15, s10, $0xb8;
	[tilespmem:$0x19820] =	vst v63  }
0x37: {  	_ =	swait.ge [sflag:s5], $0x7D00  }
0x38: {  	[sflag:s5] =	ssyncset.done $0x0  }
0x39: {  	s25 =	simm.s32 $0x1770;
	[sflag:s5] =	ssyncadd.s32 $0xFFFF8300  }
0x3a: {  	[tilespmem:s11], [sflag:$0x2] =	stream.indirect.gather [hbm4b:s9+s10], $0x10, s25, s10, $0xb8;
	[tilespmem:$0x19820] =	vst v63  }
0x3b: {  	_ =	swait.ge [sflag:s22], $0x7D00  }
0x3c: {  	[sflag:s22] =	ssyncset.done $0x0  }
0x3d: {  	[sflag:s22] =	ssyncadd.s32 $0xFFFF8300  }
0x3e: {  	[spmem:s1] =	stream.indirect.scatter.add.f32 [tilespmem:s6], [sflag:$0x3], $0x10, s17, s10, $0xb8;
	[tilespmem:$0x19820] =	vst v63  }
0x3f: {  	_ =	swait.ge [sflag:s5], $0x7D00  }
0x40: {  	[sflag:s5] =	ssyncset.done $0x0  }
0x41: {  	s26 =	simm.s32 $0x1F40;
	[sflag:s5] =	ssyncadd.s32 $0xFFFF8300  }
0x42: {  	[tilespmem:s6], [sflag:$0x1] =	stream.indirect.gather [hbm4b:s9+s10], $0x10, s26, s10, $0xb8;
	[tilespmem:$0x19820] =	vst v63  }
0x43: {  	_ =	swait.ge [sflag:s24], $0x7D00  }
0x44: {  	[sflag:s24] =	ssyncset.done $0x0  }
0x45: {  	[sflag:s24] =	ssyncadd.s32 $0xFFFF8300  }
0x46: {  	[spmem:s1] =	stream.indirect.scatter.add.f32 [tilespmem:s11], [sflag:$0x3], $0x10, s19, s10, $0xb8;
	[tilespmem:$0x19820] =	vst v63  }
0x47: {  	_ =	swait.ge [sflag:s5], $0x7D00  }
0x48: {  	[sflag:s5] =	ssyncset.done $0x0  }
0x49: {  	[sflag:s5] =	ssyncadd.s32 $0xFFFF8300  }
0x4a: {  	_ =	swait.ge [sflag:s22], $0x7D00  }
0x4b: {  	[sflag:s22] =	ssyncset.done $0x0  }
0x4c: {  	[sflag:s22] =	ssyncadd.s32 $0xFFFF8300  }
0x4d: {  	[spmem:s1] =	stream.indirect.scatter.add.f32 [tilespmem:s6], [sflag:$0x3], $0x10, s21, s10, $0xb8;
	[tilespmem:$0x19820] =	vst v63  }
0x4e: {  	_ =	swait.ge [sflag:s5], $0x7D00  }
0x4f: {  	s31 =	smul.u32 $0x5000, s30;
	s30 =	ssub.s32 $0x2, s30;
	[sflag:s5] =	ssyncset.done $0x0  }
0x50: {  	s28 =	simm.s32 $0x14820;
	s29 =	sshrl.u32 s30, $0x1;
	[sflag:s5] =	ssyncadd.s32 $0xFFFF8300  }
0x51: {  	s0 =	smul.u32 $0x500, s2;
	s30 =	ssub.s32 s30, s29;
	[bflag:$0x0] =	sbarrier.arrive $0xFFFF  }
0x52: {  	[tilespmem:s28], [sflag:$0x3] =	stream.linear.gather [spmem:s7], $0x2800, $0x38;
	[tilespmem:$0x19820] =	vst v63  }
0x53: {  	s0 =	sadd.s32 s0, s31;
	s31 =	smax.u32 s30, $0x1;
	_ =	swait.ge [sflag:s5], $0x2800  }
0x54: {  	p0 =	sne.s32 s31, $0x1;
	[sflag:s5] =	ssyncset.done $0x0  }
.Ltmp0:
0x55: {  	s29 =	rddreg [dreg:$0x1];
	(pc) =	sbr.rel @!p0 .LBB2_2-.Ltmp0, $4  }
0x56: {  	[sflag:s5] =	ssyncadd.s32 $0xFFFFD800;
	s29 =	sadd.s32 s29, s0  }
0x57: {  	[hbm4b:s29+s3] =	stream.linear.scatter [tilespmem:s28], [sflag:$0x3], $0x2800, $0x38;
	[tilespmem:$0x19820] =	vst v63  }
0x58: {  	_ =	swait.ge [sflag:s5], $0x2800  }
0x59: {  	s30 =	sadd.s32 $0xFFFFFFFF, s31;
	[sflag:s5] =	ssyncset.done $0x0  }
.LBB2_1:
0x5a: {  	p0 =	sne.s32 s30, $0x1;
	s30 =	sadd.s32 $0xFFFFFFFF, s30;
	[sflag:s5] =	ssyncadd.s32 $0xFFFFD800  }
0x5b: {  	[tilespmem:s6], [sflag:$0x3] =	stream.linear.gather [hbm4b:s4+s3], $0x2800, $0x38;
	[tilespmem:$0x19820] =	vst v63  }
0x5c: {  	_ =	swait.ge [sflag:s5], $0x2800  }
0x5d: {  	[sflag:s5] =	ssyncset.done $0x0  }
0x5e: {  	[sflag:s5] =	ssyncadd.s32 $0xFFFFD800  }
0x5f: {  	[spmem:s7] =	stream.linear.scatter [tilespmem:s6], [sflag:$0x3], $0x2800, $0x38;
	[tilespmem:$0x19820] =	vst v63  }
0x60: {  	_ =	swait.ge [sflag:s5], $0x2800  }
0x61: {  	[sflag:s5] =	ssyncset.done $0x0  }
0x62: {  	[sflag:s5] =	ssyncadd.s32 $0xFFFFD800  }
0x63: {  	[bflag:$0x0] =	sbarrier.arrive $0xFFFF  }
0x64: {  	[tilespmem:s3], [sflag:$0x3] =	stream.linear.gather [hbm4b:s8+s3], $0x2710, $0x38;
	[tilespmem:$0x19820] =	vst v63  }
0x65: {  	_ =	swait.ge [sflag:s5], $0x2710  }
0x66: {  	[sflag:s5] =	ssyncset.done $0x0  }
0x67: {  	[sflag:s5] =	ssyncadd.s32 $0xFFFFD8F0  }
0x68: {  	[tilespmem:s6], [sflag:$0x1] =	stream.indirect.gather [hbm4b:s9+s10], $0x10, s3, s10, $0xb8;
	[tilespmem:$0x19820] =	vst v63  }
0x69: {  	_ = 	snop  }
0x6a: {  	[tilespmem:s11], [sflag:$0x2] =	stream.indirect.gather [hbm4b:s9+s10], $0x10, s10, s10, $0xb8;
	[tilespmem:$0x19820] =	vst v63  }
0x6b: {  	_ = 	snop  }
0x6c: {  	[tilespmem:s13], [sflag:$0x3] =	stream.linear.gather [hbm4b:s12+s3], $0x7D0, $0x38;
	[tilespmem:$0x19820] =	vst v63  }
0x6d: {  	_ =	swait.ge [sflag:s5], $0x7D0  }
0x6e: {  	[sflag:s5] =	ssyncset.done $0x0  }
0x6f: {  	[sflag:s5] =	ssyncadd.s32 $0xFFFFF830  }
0x70: {  	[tilespmem:s15], [sflag:$0x3] =	stream.linear.gather [hbm4b:s14+s3], $0x7D0, $0x38;
	[tilespmem:$0x19820] =	vst v63  }
0x71: {  	_ =	swait.ge [sflag:s5], $0x7D0  }
0x72: {  	[sflag:s5] =	ssyncset.done $0x0  }
0x73: {  	[sflag:s5] =	ssyncadd.s32 $0xFFFFF830  }
0x74: {  	[tilespmem:s17], [sflag:$0x3] =	stream.linear.gather [hbm4b:s16+s3], $0x7D0, $0x38;
	[tilespmem:$0x19820] =	vst v63  }
0x75: {  	_ =	swait.ge [sflag:s5], $0x7D0  }
0x76: {  	[sflag:s5] =	ssyncset.done $0x0  }
0x77: {  	[sflag:s5] =	ssyncadd.s32 $0xFFFFF830  }
0x78: {  	[tilespmem:s19], [sflag:$0x3] =	stream.linear.gather [hbm4b:s18+s3], $0x7D0, $0x38;
	[tilespmem:$0x19820] =	vst v63  }
0x79: {  	_ =	swait.ge [sflag:s5], $0x7D0  }
0x7a: {  	[sflag:s5] =	ssyncset.done $0x0  }
0x7b: {  	[sflag:s5] =	ssyncadd.s32 $0xFFFFF830  }
0x7c: {  	[tilespmem:s21], [sflag:$0x3] =	stream.linear.gather [hbm4b:s20+s3], $0x7D0, $0x38;
	[tilespmem:$0x19820] =	vst v63  }
0x7d: {  	_ =	swait.ge [sflag:s5], $0x7D0  }
0x7e: {  	[sflag:s5] =	ssyncset.done $0x0  }
0x7f: {  	[sflag:s5] =	ssyncadd.s32 $0xFFFFF830  }
0x80: {  	_ =	swait.ge [sflag:s22], $0x7D00  }
0x81: {  	[sflag:s22] =	ssyncset.done $0x0  }
0x82: {  	[sflag:s22] =	ssyncadd.s32 $0xFFFF8300  }
0x83: {  	[spmem:s1] =	stream.indirect.scatter.add.f32 [tilespmem:s6], [sflag:$0x3], $0x10, s13, s10, $0xb8;
	[tilespmem:$0x19820] =	vst v63  }
0x84: {  	_ =	swait.ge [sflag:s5], $0x7D00  }
0x85: {  	[sflag:s5] =	ssyncset.done $0x0  }
0x86: {  	[sflag:s5] =	ssyncadd.s32 $0xFFFF8300  }
0x87: {  	[tilespmem:s6], [sflag:$0x1] =	stream.indirect.gather [hbm4b:s9+s10], $0x10, s23, s10, $0xb8;
	[tilespmem:$0x19820] =	vst v63  }
0x88: {  	_ =	swait.ge [sflag:s24], $0x7D00  }
0x89: {  	[sflag:s24] =	ssyncset.done $0x0  }
0x8a: {  	[sflag:s24] =	ssyncadd.s32 $0xFFFF8300  }
0x8b: {  	[spmem:s1] =	stream.indirect.scatter.add.f32 [tilespmem:s11], [sflag:$0x3], $0x10, s15, s10, $0xb8;
	[tilespmem:$0x19820] =	vst v63  }
0x8c: {  	_ =	swait.ge [sflag:s5], $0x7D00  }
0x8d: {  	[sflag:s5] =	ssyncset.done $0x0  }
0x8e: {  	[sflag:s5] =	ssyncadd.s32 $0xFFFF8300  }
0x8f: {  	[tilespmem:s11], [sflag:$0x2] =	stream.indirect.gather [hbm4b:s9+s10], $0x10, s25, s10, $0xb8;
	[tilespmem:$0x19820] =	vst v63  }
0x90: {  	_ =	swait.ge [sflag:s22], $0x7D00  }
0x91: {  	[sflag:s22] =	ssyncset.done $0x0  }
0x92: {  	[sflag:s22] =	ssyncadd.s32 $0xFFFF8300  }
0x93: {  	[spmem:s1] =	stream.indirect.scatter.add.f32 [tilespmem:s6], [sflag:$0x3], $0x10, s17, s10, $0xb8;
	[tilespmem:$0x19820] =	vst v63  }
0x94: {  	_ =	swait.ge [sflag:s5], $0x7D00  }
0x95: {  	[sflag:s5] =	ssyncset.done $0x0  }
0x96: {  	[sflag:s5] =	ssyncadd.s32 $0xFFFF8300  }
0x97: {  	[tilespmem:s6], [sflag:$0x1] =	stream.indirect.gather [hbm4b:s9+s10], $0x10, s26, s10, $0xb8;
	[tilespmem:$0x19820] =	vst v63  }
0x98: {  	_ =	swait.ge [sflag:s24], $0x7D00  }
0x99: {  	[sflag:s24] =	ssyncset.done $0x0  }
0x9a: {  	[sflag:s24] =	ssyncadd.s32 $0xFFFF8300  }
0x9b: {  	[spmem:s1] =	stream.indirect.scatter.add.f32 [tilespmem:s11], [sflag:$0x3], $0x10, s19, s10, $0xb8;
	[tilespmem:$0x19820] =	vst v63  }
0x9c: {  	_ =	swait.ge [sflag:s5], $0x7D00  }
0x9d: {  	[sflag:s5] =	ssyncset.done $0x0  }
0x9e: {  	[sflag:s5] =	ssyncadd.s32 $0xFFFF8300  }
0x9f: {  	_ =	swait.ge [sflag:s22], $0x7D00  }
0xa0: {  	[sflag:s22] =	ssyncset.done $0x0  }
0xa1: {  	[sflag:s22] =	ssyncadd.s32 $0xFFFF8300  }
0xa2: {  	[spmem:s1] =	stream.indirect.scatter.add.f32 [tilespmem:s6], [sflag:$0x3], $0x10, s21, s10, $0xb8;
	[tilespmem:$0x19820] =	vst v63  }
0xa3: {  	_ =	swait.ge [sflag:s5], $0x7D00  }
0xa4: {  	[sflag:s5] =	ssyncset.done $0x0  }
0xa5: {  	[sflag:s5] =	ssyncadd.s32 $0xFFFF8300  }
0xa6: {  	[bflag:$0x0] =	sbarrier.arrive $0xFFFF  }
0xa7: {  	[tilespmem:s28], [sflag:$0x3] =	stream.linear.gather [spmem:s7], $0x2800, $0x38;
	[tilespmem:$0x19820] =	vst v63  }
0xa8: {  	_ =	swait.ge [sflag:s5], $0x2800  }
.Ltmp1:
0xa9: {  	[sflag:s5] =	ssyncset.done $0x0;
	(pc) =	sbr.rel @p0 .LBB2_1-.Ltmp1, $4  }
0xaa: {  	[sflag:s5] =	ssyncadd.s32 $0xFFFFD800  }
0xab: {  	[hbm4b:s29+s3] =	stream.linear.scatter [tilespmem:s28], [sflag:$0x3], $0x2800, $0x38;
	[tilespmem:$0x19820] =	vst v63  }
0xac: {  	_ =	swait.ge [sflag:s5], $0x2800  }
0xad: {  	[sflag:s5] =	ssyncset.done $0x0  }
.LBB2_2:
0xae: {  	[sflag:s5] =	ssyncadd.s32 $0xFFFFD800  }
0xaf: {  	_ =	sfence.sel $0x180000  }
0xb0: {  	[bflag:$0x0] =	sbarrier.arrive $0xFFFF  }
0xb1: {  	_ =	strace $0x90000050  }
0xb2: {  	[bflag:$0x2] =	sbarrier.arrive $0xFFFF  }
0xb3: {  	p0 =	sne.s32 s2, $0x0;
	s0 =	rddreg [dreg:$0x3]  }
0xb4: {  	s0 =	sadd.s32 @!p0 $0x100000, s0  }
0xb5: {  	[sflag:s0] =	ssyncadd.tile.s32 @!p0 $0x1;
	_ =	shalt  }
.Lfunc_end2:
_tile_overlayer_lowered:
.L_overlay_start_2:
0xb6: {  	(tag) =	ssettag $0x2  }
0xb7: {  	s0 =	rddreg [dreg:$0x0];
	s2 =	stileid.u32  }
0xb8: {  	s1 =	rddreg [dreg:$0x1];
	p0 =	sne.s32 s2, $0x0  }
0xb9: {  	s3 =	rddreg [dreg:$0x2];
	[bflag:$0x3] =	sbarrier.arrive $0xFFFF;
	s2 =	simm.s32 @!p0 $0x1C03  }
0xba: {  	[timem:s3], [sflag:s2] =	dma.local @!p0 [hbm:s0], s1  }
0xbb: {  	s0 =	simm.s32 @!p0 $0x3  }
0xbc: {  	_ =	swait.ge @!p0 [sflag:s0], s1  }
0xbd: {  	s1 =	ssub.s32 @!p0 $0x0, s1;
	[sflag:s0] =	ssyncset.done @!p0 $0x0  }
0xbe: {  	[sflag:s0] =	ssyncadd.s32 @!p0 s1  }
0xbf: {  	[bflag:$0x3] =	sbarrier.arrive $0xFFFF  }
0xc0: {  	_ =	shalt  }

// kernel: kernel.26.cloned.1.call-start
scs
__scs_entry_jumppad:
0x0: {  	(pc) =	sbr.rel $0x88, $3  }
0x1: {  	(tag) =	ssettag $0x0;
	lr =	simm.s32 $0x1  }
0x2: {  	[smem:$0x3F9B] =	sst lr;
	_ =	strace $0xD0000000  }
0x3: {  	_ = 	snop  }
0x4: {  	_ = 	snop  }
0x5: {  	_ = 	snop  }
0x6: {  	_ = 	snop  }
0x7: {  	_ = 	snop  }
__scs_overlays_trampoline_lowered:
0x8: {  	[smem:$0x3FAA] =	sst s0  }
0x9: {  	[smem:$0x3FAB] =	sst s1  }
0xa: {  	[smem:$0x3FAC] =	sst s2  }
0xb: {  	[smem:$0x3FAD] =	sst s3  }
0xc: {  	[smem:$0x3FAE] =	sst s4  }
0xd: {  	[smem:$0x3FAF] =	sst s5  }
0xe: {  	[smem:$0x3FB0] =	sst s6  }
0xf: {  	[smem:$0x3FB1] =	sst s7  }
0x10: {  	[smem:$0x3FB2] =	sst s8  }
0x11: {  	[smem:$0x3FB3] =	sst s9;
	s0 =	simm.s32 @!p0 $0x0  }
0x12: {  	s1 =	sld [smem:$0x3F99];
	s0 =	simm.s32 @p0 $0x1  }
0x13: {  	[smem:$0x3FB4] =	sst s0;
	s0 =	simm.s32 @!p1 $0x0  }
0x14: {  	s2 =	sld [smem:$0x3F98];
	s0 =	simm.s32 @p1 $0x1  }
0x15: {  	[smem:$0x3FB5] =	sst s0;
	s0 =	simm.s32 @!p2 $0x0  }
0x16: {  	s3 =	sld [smem:$0x3FDB];
	s0 =	simm.s32 @p2 $0x1  }
0x17: {  	s4 =	simm.s32 $0x1BF5;
	[smem:$0x3FB7] =	sst s0  }
0x18: {  	s0 =	sld [smem:$0x3F9A];
	_ =	swait.ge [sflag:s4], $0x0  }
0x19: {  	s7 =	sld [smem:$0x3F9B]  }
0x1a: {  	s8 =	sadd.s32 $0xFFFFE003, lr  }
0x1b: {  	s9 =	sadd.s32 $0xFFFFFEF7, lr;
	s5 =	simm.s32 $0xFFFFFFFF;
	p2 =	slt.u32 s8, $0xFFFFF086  }
0x1c: {  	p1 =	slt.u32 s9, $0xF7A;
	s5 =	simm.s32 @!p2 $0x0  }
0x1d: {  	s5 =	simm.s32 @p1 $0x1;
	p0 =	seq.s32 s7, s2  }
0x1e: {  	s7 =	smul.u32 @!p0 $0xF7A, s2;
	p2 =	seq.s32 @!p0 s5, $0x0  }
0x1f: {  	s9 =	smul.u32 $0xF7A, s1;
	s8 =	simm.s32 @!p0 $0x1BF5;
	p2 =	por !p2, p0  }
0x20: {  	[sflag:s8] =	ssyncset.s32 @!p0 $0xFFFFF086;
	s6 =	sadd.s32 @!p0 s3, s7;
	s7 =	simm.s32 @!p0 $0x108  }
0x21: {  	s3 =	sadd.s32 s3, s9;
	s6 =	sadd.s32 @!p0 $0x88, s6;
	s7 =	simm.s32 @p2 $0x1082  }
0x22: {  	[simem:s7], [sflag:s8] =	dma.local @!p0 [hbm:s6], $0xF7A  }
0x23: {  	s9 =	sor.u32 $0xD0000000, s2;
	s6 =	simm.s32 $0x108;
	_ =	swait.ge @!p0 [sflag:s8], $0x0  }
0x24: {  	s3 =	sadd.s32 $0x88, s3;
	s6 =	simm.s32 @!p1 $0x1082;
	[sflag:s4] =	ssyncset.s32 $0xFFFFF086  }
0x25: {  	[simem:s6], [sflag:s4] =	dma.local [hbm:s3], $0xF7A  }
0x26: {  	[smem:$0x3F9B] =	sst s1;
	(tag) =	ssettag s2;
	_ =	strace s9  }
0x27: {  	s1 =	sld [smem:$0x3FAB]  }
0x28: {  	s2 =	sld [smem:$0x3FAC]  }
0x29: {  	s4 =	sld [smem:$0x3FAE]  }
0x2a: {  	p0 =	seq.s32 s5, $0x0;
	s5 =	sld [smem:$0x3FAF]  }
0x2b: {  	s6 =	sld [smem:$0x3FB0]  }
0x2c: {  	s7 =	sld [smem:$0x3FB1]  }
0x2d: {  	s3 =	simm.s32 $0x108;
	s8 =	sld [smem:$0x3FB2]  }
0x2e: {  	s3 =	simm.s32 @!p0 $0x1082;
	s9 =	sld [smem:$0x3FB3]  }
0x2f: {  	lr =	sadd.s32 s0, s3;
	s0 =	sld [smem:$0x3FAA]  }
0x30: {  	s3 =	sld [smem:$0x3FAD]  }
0x31: {  	[smem:$0x3FB6] =	sst s10  }
0x32: {  	s10 =	sld [smem:$0x3FB4];
	_ =	sdelay $0x3  }
0x33: {  	p0 =	seq.s32 s10, $0x1;
	s10 =	sld [smem:$0x3FB6];
	_ =	sdelay $0x3  }
0x34: {  	[smem:$0x3FB6] =	sst s10  }
0x35: {  	s10 =	sld [smem:$0x3FB5];
	_ =	sdelay $0x3  }
0x36: {  	p1 =	seq.s32 s10, $0x1;
	s10 =	sld [smem:$0x3FB6];
	_ =	sdelay $0x3  }
0x37: {  	[smem:$0x3FB6] =	sst s10  }
0x38: {  	s10 =	sld [smem:$0x3FB7]  }
0x39: {  	_ = 	snop;
	(pc) =	sbr.ind lr, $3  }
0x3a: {  	_ = 	snop  }
0x3b: {  	_ = 	snop  }
0x3c: {  	p2 =	seq.s32 s10, $0x1;
	s10 =	sld [smem:$0x3FB6]  }
0x3d: {  	_ =	shalt  }
0x3e: {  	_ =	shalt  }
0x3f: {  	_ =	shalt  }
0x40: {  	_ =	shalt  }
0x41: {  	_ =	shalt  }
0x42: {  	_ =	shalt  }
0x43: {  	_ =	shalt  }
0x44: {  	_ =	shalt  }
0x45: {  	_ =	shalt  }
0x46: {  	_ =	shalt  }
0x47: {  	_ =	shalt  }
0x48: {  	_ =	shalt  }
0x49: {  	_ =	shalt  }
0x4a: {  	_ =	shalt  }
0x4b: {  	_ =	shalt  }
0x4c: {  	_ =	shalt  }
0x4d: {  	_ =	shalt  }
0x4e: {  	_ =	shalt  }
0x4f: {  	_ =	shalt  }
0x50: {  	_ =	shalt  }
0x51: {  	_ =	shalt  }
0x52: {  	_ =	shalt  }
0x53: {  	_ =	shalt  }
0x54: {  	_ =	shalt  }
0x55: {  	_ =	shalt  }
0x56: {  	_ =	shalt  }
0x57: {  	_ =	shalt  }
0x58: {  	_ =	shalt  }
0x59: {  	_ =	shalt  }
0x5a: {  	_ =	shalt  }
0x5b: {  	_ =	shalt  }
0x5c: {  	_ =	shalt  }
0x5d: {  	_ =	shalt  }
0x5e: {  	_ =	shalt  }
0x5f: {  	_ =	shalt  }
0x60: {  	_ =	shalt  }
0x61: {  	_ =	shalt  }
0x62: {  	_ =	shalt  }
0x63: {  	_ =	shalt  }
0x64: {  	_ =	shalt  }
0x65: {  	_ =	shalt  }
0x66: {  	_ =	shalt  }
0x67: {  	_ =	shalt  }
0x68: {  	_ =	shalt  }
0x69: {  	_ =	shalt  }
0x6a: {  	_ =	shalt  }
0x6b: {  	_ =	shalt  }
0x6c: {  	_ =	shalt  }
0x6d: {  	_ =	shalt  }
0x6e: {  	_ =	shalt  }
0x6f: {  	_ =	shalt  }
0x70: {  	_ =	shalt  }
0x71: {  	_ =	shalt  }
0x72: {  	_ =	shalt  }
0x73: {  	_ =	shalt  }
0x74: {  	_ =	shalt  }
0x75: {  	_ =	shalt  }
0x76: {  	_ =	shalt  }
0x77: {  	_ =	shalt  }
0x78: {  	_ =	shalt  }
0x79: {  	_ =	shalt  }
0x7a: {  	_ =	shalt  }
0x7b: {  	_ =	shalt  }
0x7c: {  	_ =	shalt  }
0x7d: {  	_ =	shalt  }
0x7e: {  	_ =	shalt  }
0x7f: {  	_ =	shalt  }
0x80: {  	_ =	shalt  }
0x81: {  	_ =	shalt  }
0x82: {  	_ =	shalt  }
0x83: {  	_ =	shalt  }
0x84: {  	_ =	shalt  }
0x85: {  	_ =	shalt  }
0x86: {  	_ =	shalt  }
0x87: {  	_ =	shalt  }
.Lfunc_end0:
.L_simem_size_0:
called_computation.4_lowered:
.L_overlay_start_0:
0x88: {  	s2 =	sld [smem:$0x3FD9]  }
0x89: {  	s3 =	sld [smem:$0x3FFE];
	_ =	sdelay $0x1  }
0x8a: {  	s1 =	srdreg.scid  }
0x8b: {  	s0 =	sand.u32 $0x1, s1  }
0x8c: {  	s17 =	sshll.u32 s0, $0xA;
	s2 =	sadd.s32 s3, s2  }
0x8d: {  	s2 =	sadd.s32 s2, s17  }
0x8e: {  	[smem:$0x3FC2] =	sst s2  }
0x8f: {  	_ = 	snop  }
0x90: {  	s2 =	sld [smem:$0x3FD0];
	(tm) =	ssettm $0x1  }
0x91: {  	s18 =	sld [smem:$0x3FFB];
	_ =	sdelay $0x3  }
0x92: {  	_ =	strace s18  }
0x93: {  	s3 =	sld [smem:$0x3FFC];
	_ =	sdelay $0x3  }
0x94: {  	_ =	strace s3  }
0x95: {  	s3 =	sld [smem:$0x3FFD];
	_ =	sdelay $0x3  }
0x96: {  	_ =	strace s3  }
0x97: {  	_ =	strace $0x8FFFFFFF  }
0x98: {  	s19 =	sld [smem:$0x3FDB];
	_ =	sdelay $0x1  }
0x99: {  	s4 =	simm.s32 $_scs_section_size  }
0x9a: {  	s5 =	simm.s32 $_size__tile_overlayer_lowered;
	s6 =	simm.s32 $_tile_overlayer_lowered  }
0x9b: {  	s22 =	simm.s32 $0x1BFF;
	s21 =	sshll.u32 s6, $0x1;
	s3 =	sadd.s32 s4, s19  }
0x9c: {  	s7 =	simm.s32 $0x0;
	s20 =	sshll.u32 s5, $0x1;
	s5 =	sadd.s32 s21, s3  }
0x9d: {  	[timem:s7], [sflag:s22] =	dma.local [hbm:s5], s20  }
0x9e: {  	_ =	swait.ge [sflag:s22], s20  }
0x9f: {  	s4 =	ssub.s32 $0x0, s20;
	[sflag:s22] =	ssyncset.done $0x0  }
0xa0: {  	[sflag:s22] =	ssyncadd.s32 s4;
	_ =	sdelay $0x1  }
0xa1: {  	s23 =	simm.s32 $0x1B8B  }
0xa2: {  	_ =	swait.ge [sflag:s23], $0x1  }
0xa3: {  	[sflag:s23] =	ssyncset.done $0x0  }
0xa4: {  	s25 =	simm.s32 $0x1B8E;
	s24 =	sld [smem:$0x3FFE];
	[sflag:s23] =	ssyncadd.s32 $0xFFFFFFFF  }
0xa5: {  	s26 =	simm.s32 $execute0_lowered;
	[smem:$0x3FD2] =	sst s25  }
0xa6: {  	s5 =	sshll.u32 s26, $0x1;
	_ =	strace $0x80000052;
	[dreg:$0x1] =	wrdreg $0xFFFFFFFF  }
0xa7: {  	s28 =	simm.s32 $_size_execute0_lowered;
	s3 =	sadd.s32 s3, s5;
	[dreg:$0x0] =	wrdreg $0x0  }
0xa8: {  	s5 =	sshll.u32 s28, $0x1;
	[dreg:$0x2] =	wrdreg s3  }
0xa9: {  	[dreg:$0x3] =	wrdreg s5  }
0xaa: {  	[dreg:$0x4] =	wrdreg $0xC0  }
0xab: {  	_ =	task [dreg:s7], $0x5FFFF  }
0xac: {  	[dreg:$0x1] =	wrdreg $0xFFFFFFFF  }
0xad: {  	[dreg:$0x0] =	wrdreg $0x60  }
0xae: {  	[dreg:$0x2] =	wrdreg s24  }
0xaf: {  	[dreg:$0x3] =	wrdreg s2  }
0xb0: {  	[dreg:$0x4] =	wrdreg $0x170200  }
0xb1: {  	[dreg:$0x5] =	wrdreg $0x9  }
0xb2: {  	_ =	task.clear_ibuf [dreg:s7], $0x6FFFF;
	_ =	strace $0x90000052  }
0xb3: {  	s29 =	simm.s32 $0x9;
	_ =	strace $0x80000054  }
0xb4: {  	_ =	swait.ge [sflag:s29], $0x1  }
0xb5: {  	[sflag:s29] =	ssyncadd.s32 $0xFFFFFFFF  }
0xb6: {  	_ =	strace $0x90000054  }
0xb7: {  	_ =	sfence  }
0xb8: {  	s30 =	sld [smem:$0x0];
	_ =	sdelay $0x2  }
0xb9: {  	s31 =	sshll.u32 s1, $0xD;
	s1 =	sshrl.u32 s1, $0x2  }
0xba: {  	s3 =	sand.u32 $0x4000, s31;
	s1 =	sadd.s32 s1, s30  }
0xbb: {  	s0 =	sor.u32 s3, s0;
	s1 =	sshll.u32 s1, $0x11  }
0xbc: {  	s0 =	sor.u32 s1, s0  }
0xbd: {  	s0 =	sadd.s32 $0x8F2B, s0  }
0xbe: {  	[sflag:s0] =	ssyncadd.remote.s32 $0x1  }
0xbf: {  	_ =	sfence.sel $0xFFFF  }
0xc0: {  	[dreg:$0x0] =	wrdreg $0xFFFFFFFF;
	(pc) =	sbr.abs _section_cstart, $3  }
0xc1: {  	[dreg:$0x1] =	wrdreg $0xFFFFFFFF  }
0xc2: {  	_ =	task.clear_ibuf [dreg:s7], $0x2FFFF;
	_ =	strace $0x9FFFFFFF  }
0xc3: {  	(tm) =	ssettm $0x7FFFFFFF  }
tec
execute0_lowered:
.L_overlay_start_1:
0x0: {  	(tag) =	ssettag $0x1  }
0x1: {  	s9 =	rddreg [dreg:$0x0]  }
0x2: {  	s1 =	rddreg [dreg:$0x2]  }
0x3: {  	s3 =	simm.s32 $0x0;
	s7 =	srdreg.scid;
	s2 =	stileid.u32  }
0x4: {  	s6 =	simm.s32 $0x4E20;
	s5 =	simm.s32 $0x3;
	[smem:$0x7FF] =	sst s3  }
0x5: {  	s4 =	sadd.s32 $0x18E00, s9;
	s8 =	smul.u32 $0xA000, s2;
	_ =	strace $0x80000053  }
0x6: {  	[tilespmem:s6], [sflag:$0x3] =	stream.linear.gather [hbm4b:s4+s3], $0x2800, $0x38;
	[tilespmem:$0x19820] =	vst v63  }
0x7: {  	s30 =	sand.u32 $0x1, s7;
	s25 =	sshll.u32 s2, $0x1;
	_ =	swait.ge [sflag:s5], $0x2800  }
0x8: {  	s7 =	sor.u32 s30, s25;
	s8 =	sshrl.u32 s8, $0x2;
	[sflag:s5] =	ssyncset.done $0x0  }
0x9: {  	s10 =	smul.u32 $0x2710, s7;
	s7 =	sadd.s32 s8, s1;
	[sflag:s5] =	ssyncadd.s32 $0xFFFFD800  }
0xa: {  	[spmem:s7] =	stream.linear.scatter [tilespmem:s6], [sflag:$0x3], $0x2800, $0x38;
	[tilespmem:$0x19820] =	vst v63  }
0xb: {  	_ =	swait.ge [sflag:s5], $0x2800  }
0xc: {  	s26 =	sshrl.u32 s10, $0x3;
	[sflag:s5] =	ssyncset.done $0x0  }
0xd: {  	s20 =	sadd.s32 s26, s9;
	[sflag:s5] =	ssyncadd.s32 $0xFFFFD800  }
0xe: {  	s8 =	sadd.s32 $0x4400, s20;
	[bflag:$0x0] =	sbarrier.arrive $0xFFFF  }
0xf: {  	[tilespmem:s3], [sflag:$0x3] =	stream.linear.gather [hbm4b:s8+s3], $0x2710, $0x38;
	[tilespmem:$0x19820] =	vst v63  }
0x10: {  	_ =	swait.ge [sflag:s5], $0x2710  }
0x11: {  	[sflag:s5] =	ssyncset.done $0x0  }
0x12: {  	s10 =	simm.s32 $0x7D0;
	s9 =	sadd.s32 $0x19400, s9;
	[sflag:s5] =	ssyncadd.s32 $0xFFFFD8F0  }
0x13: {  	[tilespmem:s6], [sflag:$0x1] =	stream.indirect.gather [hbm4b:s9+s10], $0x10, s3, s10, $0xb8;
	[tilespmem:$0x19820] =	vst v63  }
0x14: {  	s11 =	simm.s32 $0xCB20  }
0x15: {  	[tilespmem:s11], [sflag:$0x2] =	stream.indirect.gather [hbm4b:s9+s10], $0x10, s10, s10, $0xb8;
	[tilespmem:$0x19820] =	vst v63  }
0x16: {  	s13 =	simm.s32 $0x2710;
	s12 =	sadd.s32 $0xE040, s20  }
0x17: {  	[tilespmem:s13], [sflag:$0x3] =	stream.linear.gather [hbm4b:s12+s3], $0x7D0, $0x38;
	[tilespmem:$0x19820] =	vst v63  }
0x18: {  	_ =	swait.ge [sflag:s5], $0x7D0  }
0x19: {  	[sflag:s5] =	ssyncset.done $0x0  }
0x1a: {  	s15 =	simm.s32 $0x2EE0;
	s14 =	sadd.s32 $0xE13A, s20;
	[sflag:s5] =	ssyncadd.s32 $0xFFFFF830  }
0x1b: {  	[tilespmem:s15], [sflag:$0x3] =	stream.linear.gather [hbm4b:s14+s3], $0x7D0, $0x38;
	[tilespmem:$0x19820] =	vst v63  }
0x1c: {  	_ =	swait.ge [sflag:s5], $0x7D0  }
0x1d: {  	[sflag:s5] =	ssyncset.done $0x0  }
0x1e: {  	s17 =	simm.s32 $0x36B0;
	s16 =	sadd.s32 $0xE234, s20;
	[sflag:s5] =	ssyncadd.s32 $0xFFFFF830  }
0x1f: {  	[tilespmem:s17], [sflag:$0x3] =	stream.linear.gather [hbm4b:s16+s3], $0x7D0, $0x38;
	[tilespmem:$0x19820] =	vst v63  }
0x20: {  	_ =	swait.ge [sflag:s5], $0x7D0  }
0x21: {  	[sflag:s5] =	ssyncset.done $0x0  }
0x22: {  	s19 =	simm.s32 $0x3E80;
	s18 =	sadd.s32 $0xE32E, s20;
	[sflag:s5] =	ssyncadd.s32 $0xFFFFF830  }
0x23: {  	[tilespmem:s19], [sflag:$0x3] =	stream.linear.gather [hbm4b:s18+s3], $0x7D0, $0x38;
	[tilespmem:$0x19820] =	vst v63  }
0x24: {  	_ =	swait.ge [sflag:s5], $0x7D0  }
0x25: {  	[sflag:s5] =	ssyncset.done $0x0  }
0x26: {  	s21 =	simm.s32 $0x4650;
	s20 =	sadd.s32 $0xE428, s20;
	[sflag:s5] =	ssyncadd.s32 $0xFFFFF830  }
0x27: {  	[tilespmem:s21], [sflag:$0x3] =	stream.linear.gather [hbm4b:s20+s3], $0x7D0, $0x38;
	[tilespmem:$0x19820] =	vst v63  }
0x28: {  	_ =	swait.ge [sflag:s5], $0x7D0  }
0x29: {  	[sflag:s5] =	ssyncset.done $0x0  }
0x2a: {  	s22 =	simm.s32 $0x1;
	[sflag:s5] =	ssyncadd.s32 $0xFFFFF830  }
0x2b: {  	_ =	swait.ge [sflag:s22], $0x7D00  }
0x2c: {  	[sflag:s22] =	ssyncset.done $0x0  }
0x2d: {  	[sflag:s22] =	ssyncadd.s32 $0xFFFF8300  }
0x2e: {  	[spmem:s1] =	stream.indirect.scatter.add.f32 [tilespmem:s6], [sflag:$0x3], $0x10, s13, s10, $0xb8;
	[tilespmem:$0x19820] =	vst v63  }
0x2f: {  	_ =	swait.ge [sflag:s5], $0x7D00  }
0x30: {  	[sflag:s5] =	ssyncset.done $0x0  }
0x31: {  	s23 =	simm.s32 $0xFA0;
	s24 =	simm.s32 $0x2;
	[sflag:s5] =	ssyncadd.s32 $0xFFFF8300  }
0x32: {  	[tilespmem:s6], [sflag:$0x1] =	stream.indirect.gather [hbm4b:s9+s10], $0x10, s23, s10, $0xb8;
	[tilespmem:$0x19820] =	vst v63  }
0x33: {  	_ =	swait.ge [sflag:s24], $0x7D00  }
0x34: {  	[sflag:s24] =	ssyncset.done $0x0  }
0x35: {  	[sflag:s24] =	ssyncadd.s32 $0xFFFF8300  }
0x36: {  	[spmem:s1] =	stream.indirect.scatter.add.f32 [tilespmem:s11], [sflag:$0x3], $0x10, s15, s10, $0xb8;
	[tilespmem:$0x19820] =	vst v63  }
0x37: {  	_ =	swait.ge [sflag:s5], $0x7D00  }
0x38: {  	[sflag:s5] =	ssyncset.done $0x0  }
0x39: {  	s25 =	simm.s32 $0x1770;
	[sflag:s5] =	ssyncadd.s32 $0xFFFF8300  }
0x3a: {  	[tilespmem:s11], [sflag:$0x2] =	stream.indirect.gather [hbm4b:s9+s10], $0x10, s25, s10, $0xb8;
	[tilespmem:$0x19820] =	vst v63  }
0x3b: {  	_ =	swait.ge [sflag:s22], $0x7D00  }
0x3c: {  	[sflag:s22] =	ssyncset.done $0x0  }
0x3d: {  	[sflag:s22] =	ssyncadd.s32 $0xFFFF8300  }
0x3e: {  	[spmem:s1] =	stream.indirect.scatter.add.f32 [tilespmem:s6], [sflag:$0x3], $0x10, s17, s10, $0xb8;
	[tilespmem:$0x19820] =	vst v63  }
0x3f: {  	_ =	swait.ge [sflag:s5], $0x7D00  }
0x40: {  	[sflag:s5] =	ssyncset.done $0x0  }
0x41: {  	s26 =	simm.s32 $0x1F40;
	[sflag:s5] =	ssyncadd.s32 $0xFFFF8300  }
0x42: {  	[tilespmem:s6], [sflag:$0x1] =	stream.indirect.gather [hbm4b:s9+s10], $0x10, s26, s10, $0xb8;
	[tilespmem:$0x19820] =	vst v63  }
0x43: {  	_ =	swait.ge [sflag:s24], $0x7D00  }
0x44: {  	[sflag:s24] =	ssyncset.done $0x0  }
0x45: {  	[sflag:s24] =	ssyncadd.s32 $0xFFFF8300  }
0x46: {  	[spmem:s1] =	stream.indirect.scatter.add.f32 [tilespmem:s11], [sflag:$0x3], $0x10, s19, s10, $0xb8;
	[tilespmem:$0x19820] =	vst v63  }
0x47: {  	_ =	swait.ge [sflag:s5], $0x7D00  }
0x48: {  	[sflag:s5] =	ssyncset.done $0x0  }
0x49: {  	[sflag:s5] =	ssyncadd.s32 $0xFFFF8300  }
0x4a: {  	_ =	swait.ge [sflag:s22], $0x7D00  }
0x4b: {  	[sflag:s22] =	ssyncset.done $0x0  }
0x4c: {  	[sflag:s22] =	ssyncadd.s32 $0xFFFF8300  }
0x4d: {  	[spmem:s1] =	stream.indirect.scatter.add.f32 [tilespmem:s6], [sflag:$0x3], $0x10, s21, s10, $0xb8;
	[tilespmem:$0x19820] =	vst v63  }
0x4e: {  	_ =	swait.ge [sflag:s5], $0x7D00  }
0x4f: {  	s31 =	smul.u32 $0x5000, s30;
	s30 =	ssub.s32 $0x2, s30;
	[sflag:s5] =	ssyncset.done $0x0  }
0x50: {  	s28 =	simm.s32 $0x14820;
	s29 =	sshrl.u32 s30, $0x1;
	[sflag:s5] =	ssyncadd.s32 $0xFFFF8300  }
0x51: {  	s0 =	smul.u32 $0x500, s2;
	s30 =	ssub.s32 s30, s29;
	[bflag:$0x0] =	sbarrier.arrive $0xFFFF  }
0x52: {  	[tilespmem:s28], [sflag:$0x3] =	stream.linear.gather [spmem:s7], $0x2800, $0x38;
	[tilespmem:$0x19820] =	vst v63  }
0x53: {  	s0 =	sadd.s32 s0, s31;
	s31 =	smax.u32 s30, $0x1;
	_ =	swait.ge [sflag:s5], $0x2800  }
0x54: {  	p0 =	sne.s32 s31, $0x1;
	[sflag:s5] =	ssyncset.done $0x0  }
.Ltmp0:
0x55: {  	s29 =	rddreg [dreg:$0x1];
	(pc) =	sbr.rel @!p0 .LBB2_2-.Ltmp0, $4  }
0x56: {  	[sflag:s5] =	ssyncadd.s32 $0xFFFFD800;
	s29 =	sadd.s32 s29, s0  }
0x57: {  	[hbm4b:s29+s3] =	stream.linear.scatter [tilespmem:s28], [sflag:$0x3], $0x2800, $0x38;
	[tilespmem:$0x19820] =	vst v63  }
0x58: {  	_ =	swait.ge [sflag:s5], $0x2800  }
0x59: {  	s30 =	sadd.s32 $0xFFFFFFFF, s31;
	[sflag:s5] =	ssyncset.done $0x0  }
.LBB2_1:
0x5a: {  	p0 =	sne.s32 s30, $0x1;
	s30 =	sadd.s32 $0xFFFFFFFF, s30;
	[sflag:s5] =	ssyncadd.s32 $0xFFFFD800  }
0x5b: {  	[tilespmem:s6], [sflag:$0x3] =	stream.linear.gather [hbm4b:s4+s3], $0x2800, $0x38;
	[tilespmem:$0x19820] =	vst v63  }
0x5c: {  	_ =	swait.ge [sflag:s5], $0x2800  }
0x5d: {  	[sflag:s5] =	ssyncset.done $0x0  }
0x5e: {  	[sflag:s5] =	ssyncadd.s32 $0xFFFFD800  }
0x5f: {  	[spmem:s7] =	stream.linear.scatter [tilespmem:s6], [sflag:$0x3], $0x2800, $0x38;
	[tilespmem:$0x19820] =	vst v63  }
0x60: {  	_ =	swait.ge [sflag:s5], $0x2800  }
0x61: {  	[sflag:s5] =	ssyncset.done $0x0  }
0x62: {  	[sflag:s5] =	ssyncadd.s32 $0xFFFFD800  }
0x63: {  	[bflag:$0x0] =	sbarrier.arrive $0xFFFF  }
0x64: {  	[tilespmem:s3], [sflag:$0x3] =	stream.linear.gather [hbm4b:s8+s3], $0x2710, $0x38;
	[tilespmem:$0x19820] =	vst v63  }
0x65: {  	_ =	swait.ge [sflag:s5], $0x2710  }
0x66: {  	[sflag:s5] =	ssyncset.done $0x0  }
0x67: {  	[sflag:s5] =	ssyncadd.s32 $0xFFFFD8F0  }
0x68: {  	[tilespmem:s6], [sflag:$0x1] =	stream.indirect.gather [hbm4b:s9+s10], $0x10, s3, s10, $0xb8;
	[tilespmem:$0x19820] =	vst v63  }
0x69: {  	_ = 	snop  }
0x6a: {  	[tilespmem:s11], [sflag:$0x2] =	stream.indirect.gather [hbm4b:s9+s10], $0x10, s10, s10, $0xb8;
	[tilespmem:$0x19820] =	vst v63  }
0x6b: {  	_ = 	snop  }
0x6c: {  	[tilespmem:s13], [sflag:$0x3] =	stream.linear.gather [hbm4b:s12+s3], $0x7D0, $0x38;
	[tilespmem:$0x19820] =	vst v63  }
0x6d: {  	_ =	swait.ge [sflag:s5], $0x7D0  }
0x6e: {  	[sflag:s5] =	ssyncset.done $0x0  }
0x6f: {  	[sflag:s5] =	ssyncadd.s32 $0xFFFFF830  }
0x70: {  	[tilespmem:s15], [sflag:$0x3] =	stream.linear.gather [hbm4b:s14+s3], $0x7D0, $0x38;
	[tilespmem:$0x19820] =	vst v63  }
0x71: {  	_ =	swait.ge [sflag:s5], $0x7D0  }
0x72: {  	[sflag:s5] =	ssyncset.done $0x0  }
0x73: {  	[sflag:s5] =	ssyncadd.s32 $0xFFFFF830  }
0x74: {  	[tilespmem:s17], [sflag:$0x3] =	stream.linear.gather [hbm4b:s16+s3], $0x7D0, $0x38;
	[tilespmem:$0x19820] =	vst v63  }
0x75: {  	_ =	swait.ge [sflag:s5], $0x7D0  }
0x76: {  	[sflag:s5] =	ssyncset.done $0x0  }
0x77: {  	[sflag:s5] =	ssyncadd.s32 $0xFFFFF830  }
0x78: {  	[tilespmem:s19], [sflag:$0x3] =	stream.linear.gather [hbm4b:s18+s3], $0x7D0, $0x38;
	[tilespmem:$0x19820] =	vst v63  }
0x79: {  	_ =	swait.ge [sflag:s5], $0x7D0  }
0x7a: {  	[sflag:s5] =	ssyncset.done $0x0  }
0x7b: {  	[sflag:s5] =	ssyncadd.s32 $0xFFFFF830  }
0x7c: {  	[tilespmem:s21], [sflag:$0x3] =	stream.linear.gather [hbm4b:s20+s3], $0x7D0, $0x38;
	[tilespmem:$0x19820] =	vst v63  }
0x7d: {  	_ =	swait.ge [sflag:s5], $0x7D0  }
0x7e: {  	[sflag:s5] =	ssyncset.done $0x0  }
0x7f: {  	[sflag:s5] =	ssyncadd.s32 $0xFFFFF830  }
0x80: {  	_ =	swait.ge [sflag:s22], $0x7D00  }
0x81: {  	[sflag:s22] =	ssyncset.done $0x0  }
0x82: {  	[sflag:s22] =	ssyncadd.s32 $0xFFFF8300  }
0x83: {  	[spmem:s1] =	stream.indirect.scatter.add.f32 [tilespmem:s6], [sflag:$0x3], $0x10, s13, s10, $0xb8;
	[tilespmem:$0x19820] =	vst v63  }
0x84: {  	_ =	swait.ge [sflag:s5], $0x7D00  }
0x85: {  	[sflag:s5] =	ssyncset.done $0x0  }
0x86: {  	[sflag:s5] =	ssyncadd.s32 $0xFFFF8300  }
0x87: {  	[tilespmem:s6], [sflag:$0x1] =	stream.indirect.gather [hbm4b:s9+s10], $0x10, s23, s10, $0xb8;
	[tilespmem:$0x19820] =	vst v63  }
0x88: {  	_ =	swait.ge [sflag:s24], $0x7D00  }
0x89: {  	[sflag:s24] =	ssyncset.done $0x0  }
0x8a: {  	[sflag:s24] =	ssyncadd.s32 $0xFFFF8300  }
0x8b: {  	[spmem:s1] =	stream.indirect.scatter.add.f32 [tilespmem:s11], [sflag:$0x3], $0x10, s15, s10, $0xb8;
	[tilespmem:$0x19820] =	vst v63  }
0x8c: {  	_ =	swait.ge [sflag:s5], $0x7D00  }
0x8d: {  	[sflag:s5] =	ssyncset.done $0x0  }
0x8e: {  	[sflag:s5] =	ssyncadd.s32 $0xFFFF8300  }
0x8f: {  	[tilespmem:s11], [sflag:$0x2] =	stream.indirect.gather [hbm4b:s9+s10], $0x10, s25, s10, $0xb8;
	[tilespmem:$0x19820] =	vst v63  }
0x90: {  	_ =	swait.ge [sflag:s22], $0x7D00  }
0x91: {  	[sflag:s22] =	ssyncset.done $0x0  }
0x92: {  	[sflag:s22] =	ssyncadd.s32 $0xFFFF8300  }
0x93: {  	[spmem:s1] =	stream.indirect.scatter.add.f32 [tilespmem:s6], [sflag:$0x3], $0x10, s17, s10, $0xb8;
	[tilespmem:$0x19820] =	vst v63  }
0x94: {  	_ =	swait.ge [sflag:s5], $0x7D00  }
0x95: {  	[sflag:s5] =	ssyncset.done $0x0  }
0x96: {  	[sflag:s5] =	ssyncadd.s32 $0xFFFF8300  }
0x97: {  	[tilespmem:s6], [sflag:$0x1] =	stream.indirect.gather [hbm4b:s9+s10], $0x10, s26, s10, $0xb8;
	[tilespmem:$0x19820] =	vst v63  }
0x98: {  	_ =	swait.ge [sflag:s24], $0x7D00  }
0x99: {  	[sflag:s24] =	ssyncset.done $0x0  }
0x9a: {  	[sflag:s24] =	ssyncadd.s32 $0xFFFF8300  }
0x9b: {  	[spmem:s1] =	stream.indirect.scatter.add.f32 [tilespmem:s11], [sflag:$0x3], $0x10, s19, s10, $0xb8;
	[tilespmem:$0x19820] =	vst v63  }
0x9c: {  	_ =	swait.ge [sflag:s5], $0x7D00  }
0x9d: {  	[sflag:s5] =	ssyncset.done $0x0  }
0x9e: {  	[sflag:s5] =	ssyncadd.s32 $0xFFFF8300  }
0x9f: {  	_ =	swait.ge [sflag:s22], $0x7D00  }
0xa0: {  	[sflag:s22] =	ssyncset.done $0x0  }
0xa1: {  	[sflag:s22] =	ssyncadd.s32 $0xFFFF8300  }
0xa2: {  	[spmem:s1] =	stream.indirect.scatter.add.f32 [tilespmem:s6], [sflag:$0x3], $0x10, s21, s10, $0xb8;
	[tilespmem:$0x19820] =	vst v63  }
0xa3: {  	_ =	swait.ge [sflag:s5], $0x7D00  }
0xa4: {  	[sflag:s5] =	ssyncset.done $0x0  }
0xa5: {  	[sflag:s5] =	ssyncadd.s32 $0xFFFF8300  }
0xa6: {  	[bflag:$0x0] =	sbarrier.arrive $0xFFFF  }
0xa7: {  	[tilespmem:s28], [sflag:$0x3] =	stream.linear.gather [spmem:s7], $0x2800, $0x38;
	[tilespmem:$0x19820] =	vst v63  }
0xa8: {  	_ =	swait.ge [sflag:s5], $0x2800  }
.Ltmp1:
0xa9: {  	[sflag:s5] =	ssyncset.done $0x0;
	(pc) =	sbr.rel @p0 .LBB2_1-.Ltmp1, $4  }
0xaa: {  	[sflag:s5] =	ssyncadd.s32 $0xFFFFD800  }
0xab: {  	[hbm4b:s29+s3] =	stream.linear.scatter [tilespmem:s28], [sflag:$0x3], $0x2800, $0x38;
	[tilespmem:$0x19820] =	vst v63  }
0xac: {  	_ =	swait.ge [sflag:s5], $0x2800  }
0xad: {  	[sflag:s5] =	ssyncset.done $0x0  }
.LBB2_2:
0xae: {  	[sflag:s5] =	ssyncadd.s32 $0xFFFFD800  }
0xaf: {  	_ =	sfence.sel $0x180000  }
0xb0: {  	[bflag:$0x0] =	sbarrier.arrive $0xFFFF  }
0xb1: {  	_ =	strace $0x90000053  }
0xb2: {  	[bflag:$0x2] =	sbarrier.arrive $0xFFFF  }
0xb3: {  	p0 =	sne.s32 s2, $0x0;
	s0 =	rddreg [dreg:$0x3]  }
0xb4: {  	s0 =	sadd.s32 @!p0 $0x100000, s0  }
0xb5: {  	[sflag:s0] =	ssyncadd.tile.s32 @!p0 $0x1;
	_ =	shalt  }
.Lfunc_end2:
_tile_overlayer_lowered:
.L_overlay_start_2:
0xb6: {  	(tag) =	ssettag $0x2  }
0xb7: {  	s0 =	rddreg [dreg:$0x0];
	s2 =	stileid.u32  }
0xb8: {  	s1 =	rddreg [dreg:$0x1];
	p0 =	sne.s32 s2, $0x0  }
0xb9: {  	s3 =	rddreg [dreg:$0x2];
	[bflag:$0x3] =	sbarrier.arrive $0xFFFF;
	s2 =	simm.s32 @!p0 $0x1C03  }
0xba: {  	[timem:s3], [sflag:s2] =	dma.local @!p0 [hbm:s0], s1  }
0xbb: {  	s0 =	simm.s32 @!p0 $0x3  }
0xbc: {  	_ =	swait.ge @!p0 [sflag:s0], s1  }
0xbd: {  	s1 =	ssub.s32 @!p0 $0x0, s1;
	[sflag:s0] =	ssyncset.done @!p0 $0x0  }
0xbe: {  	[sflag:s0] =	ssyncadd.s32 @!p0 s1  }
0xbf: {  	[bflag:$0x3] =	sbarrier.arrive $0xFFFF  }
0xc0: {  	_ =	shalt  }

</sc_bundles>
